<compile_context>
chip_gen: v7x
topology: tpu7x:2x2x1
jax: 0.10.2.dev20260603
libtpu: 0.0.44.dev20260713+nightly
codegen_flags: <defaults>
</compile_context>

<pallas_src>
import jax
import jax.numpy as jnp
from jax import lax
from jax.experimental import pallas as pl
from jax.experimental.pallas import tpu as pltpu
from jax.experimental.pallas import tpu_sc as plsc

N_ATOMS = 10000
N_EDGES = 320000
D = 128
N_RBF = 50

NC = 2
NS = 16
NW = NC * NS
E_PER_W = N_EDGES // 2 // NW
CHUNK = 96
N_FULL = E_PER_W // CHUNK
TAIL = E_PER_W - N_FULL * CHUNK
ACC_ROWS = 10112
ROWS_PER_TILE = ACC_ROWS // NS
ZROWS = CHUNK

_LOG2 = 0.6931471805599453


_LOG2E = 1.4426950408889634


def _ssp(v):
    t = jnp.minimum(v * _LOG2E, 127.0)
    return (jnp.log2(jnp.exp2(t) + 1.0) - 1.0) * _LOG2


def _h_body(x_ref, w_ref, o_ref):
    o_ref[...] = jnp.dot(x_ref[...], w_ref[...],
                         preferred_element_type=jnp.float32)


def _compute_h(x, W_in2f):
    blk = 2000
    grid = N_ATOMS // blk
    return pl.pallas_call(
        _h_body,
        grid=(grid,),
        in_specs=[
            pl.BlockSpec((blk, D), lambda i: (i, 0)),
            pl.BlockSpec((D, D), lambda i: (0, 0)),
        ],
        out_specs=pl.BlockSpec((blk, D), lambda i: (i, 0)),
        out_shape=jax.ShapeDtypeStruct((N_ATOMS, D), jnp.float32),
    )(x, W_in2f)


def _wij_body(ft_ref, rc_ref, w1_ref, b1_ref, w2_ref, b2_ref, o_ref):
    t = lax.dot_general(ft_ref[...], w1_ref[...],
                        (((0,), (0,)), ((), ())),
                        preferred_element_type=jnp.float32)
    t = _ssp(t + b1_ref[...])
    w = jnp.dot(t, w2_ref[...], preferred_element_type=jnp.float32) + b2_ref[...]
    o_ref[...] = w * rc_ref[0, 0, :][:, None]


E_HALF = N_EDGES // 2


def _compute_wij(f_t, rcut2, W_f1, b_f1, W_f2, b_f2, half):
    blk = 16000
    grid = E_HALF // blk
    off = half * grid
    return pl.pallas_call(
        _wij_body,
        grid=(grid,),
        in_specs=[
            pl.BlockSpec((N_RBF, blk), lambda i: (0, i + off)),
            pl.BlockSpec((1, 1, blk), lambda i: (i + off, 0, 0)),
            pl.BlockSpec((N_RBF, D), lambda i: (0, 0)),
            pl.BlockSpec((D,), lambda i: (0,)),
            pl.BlockSpec((D, D), lambda i: (0, 0)),
            pl.BlockSpec((D,), lambda i: (0,)),
        ],
        out_specs=pl.BlockSpec((blk, D), lambda i: (i, 0)),
        out_shape=jax.ShapeDtypeStruct((E_HALF, D), jnp.float32),
    )(f_t, rcut2, W_f1, b_f1, W_f2, b_f2)


def _sc_body(h_hbm, wij_hbm, idxi_hbm, idxj_hbm, out_hbm,
             acc, xj0, xj1, w0, w1, idxj0, idxi0, idxj1, idxi1,
             idxj_t, idxi_t,
             semg0, semg1, semij0, semij1, semii0, semii1,
             semw0, semw1, semsc0, semsc1):
    c = lax.axis_index("c")
    s = lax.axis_index("s")
    wid = c * NS + s
    base = wid * E_PER_W
    xj = (xj0, xj1)
    w_v = (w0, w1)
    idxj = (idxj0, idxj1)
    idxi = (idxi0, idxi1)
    semg = (semg0, semg1)
    semij = (semij0, semij1)
    semii = (semii0, semii1)
    semw = (semw0, semw1)
    semsc = (semsc0, semsc1)
    last = N_FULL - 1

    def issue_idxj(k, p):
        off = base + k * CHUNK
        pltpu.async_copy(idxj_hbm.at[pl.ds(off, CHUNK)], idxj[p], semij[p])

    def wait_idxj(p):
        pltpu.make_async_copy(idxj_hbm.at[pl.ds(base, CHUNK)], idxj[p], semij[p]).wait()

    def issue_idxi(k, p):
        off = base + k * CHUNK
        pltpu.async_copy(idxi_hbm.at[pl.ds(off, CHUNK)], idxi[p], semii[p])

    def wait_idxi(p):
        pltpu.make_async_copy(idxi_hbm.at[pl.ds(base, CHUNK)], idxi[p], semii[p]).wait()

    def issue_wij(k, p):
        off = base + k * CHUNK
        pltpu.async_copy(wij_hbm.at[pl.ds(off, CHUNK)], w_v[p], semw[p])

    def wait_wij(p):
        pltpu.make_async_copy(wij_hbm.at[pl.ds(base, CHUNK)], w_v[p], semw[p]).wait()

    def issue_gather(p):
        pltpu.async_copy(h_hbm.at[idxj[p]], xj[p], semg[p])

    def wait_gather(p):
        pltpu.make_async_copy(h_hbm.at[idxj[p]], xj[p], semg[p]).wait()

    def issue_scatter(p):
        pltpu.async_copy(xj[p], acc.at[idxi[p]], semsc[p], add=True)

    def wait_scatter(p):
        pltpu.make_async_copy(xj[p], acc.at[idxi[p]], semsc[p]).wait()

    def mul(buf, wbuf, n):
        def body(e2, _):
            for j in range(2):
                e = e2 * 2 + j
                for l in range(D // 16):
                    sl = pl.ds(l * 16, 16)
                    buf[e, sl] = buf[e, sl] * wbuf[e, sl]
            return 0
        lax.fori_loop(0, n // 2, body, 0)

    issue_idxj(0, 0)
    issue_idxj(1, 1)
    issue_idxi(0, 0)
    issue_wij(0, 0)
    issue_wij(1, 1)

    def _zfill(e, _):
        for l in range(D // 16):
            xj0[e, pl.ds(l * 16, 16)] = jnp.zeros((16,), jnp.float32)
        return 0
    row0 = s * ROWS_PER_TILE
    nfull_z = ROWS_PER_TILE // ZROWS
    zrem = ROWS_PER_TILE - nfull_z * ZROWS
    lax.fori_loop(0, ZROWS, _zfill, 0)
    for kk in range(nfull_z):
        pltpu.async_copy(xj0, acc.at[pl.ds(row0 + kk * ZROWS, ZROWS)], semsc0)
    if zrem:
        pltpu.async_copy(xj0.at[pl.ds(0, zrem)],
                         acc.at[pl.ds(row0 + nfull_z * ZROWS, zrem)], semsc0)
    for kk in range(nfull_z):
        pltpu.make_async_copy(xj0, acc.at[pl.ds(row0 + kk * ZROWS, ZROWS)],
                              semsc0).wait()
    if zrem:
        pltpu.make_async_copy(xj0.at[pl.ds(0, zrem)],
                              acc.at[pl.ds(row0 + nfull_z * ZROWS, zrem)],
                              semsc0).wait()
    plsc.subcore_barrier()

    wait_idxj(0)
    issue_gather(0)

    def half(i, k, p, guarded):
        q = 1 - p
        wait_gather(p)
        issue_idxj(jnp.minimum(k + 2, last), p)

        def _free_q():
            wait_scatter(q)
        if guarded:
            pl.when(i > 0)(_free_q)
        else:
            _free_q()
        issue_idxi(jnp.minimum(k + 1, last), q)
        wait_idxj(q)
        issue_gather(q)
        wait_wij(p)
        mul(xj[p], w_v[p], CHUNK)
        issue_wij(jnp.minimum(k + 2, last), p)
        wait_idxi(p)
        issue_scatter(p)

    def body(i, _):
        half(i, 2 * i, 0, True)
        half(i, 2 * i + 1, 1, False)
        return 0
    lax.fori_loop(0, N_FULL // 2, body, 0)

    wait_gather(0)
    wait_idxj(1)
    wait_idxi(0)
    wait_wij(0)
    wait_wij(1)
    wait_scatter(1)

    off = base + N_FULL * CHUNK
    pltpu.sync_copy(idxj_hbm.at[pl.ds(off, TAIL)], idxj_t)
    pltpu.sync_copy(idxi_hbm.at[pl.ds(off, TAIL)], idxi_t)
    pltpu.async_copy(h_hbm.at[idxj_t], xj0.at[pl.ds(0, TAIL)], semg0).wait()
    pltpu.sync_copy(wij_hbm.at[pl.ds(off, TAIL)], w0.at[pl.ds(0, TAIL)])
    mul(xj0, w0, TAIL)
    pltpu.sync_copy(xj0.at[pl.ds(0, TAIL)], acc.at[idxi_t], add=True)

    plsc.subcore_barrier()
    pltpu.sync_copy(acc.at[pl.ds(row0, ROWS_PER_TILE)],
                    out_hbm.at[c, pl.ds(row0, ROWS_PER_TILE)])


def _sc_aggregate(h, wij, idx_i, idx_j):
    mesh = plsc.VectorSubcoreMesh(core_axis_name="c", subcore_axis_name="s")
    f = pl.kernel(
        _sc_body,
        out_type=jax.ShapeDtypeStruct((NC, ACC_ROWS, D), jnp.float32),
        mesh=mesh,
        scratch_types=[
            pltpu.VMEM_SHARED((ACC_ROWS, D), jnp.float32),
            pltpu.VMEM((CHUNK, D), jnp.float32),
            pltpu.VMEM((CHUNK, D), jnp.float32),
            pltpu.VMEM((CHUNK, D), jnp.float32),
            pltpu.VMEM((CHUNK, D), jnp.float32),
            pltpu.VMEM((CHUNK,), jnp.int32),
            pltpu.VMEM((CHUNK,), jnp.int32),
            pltpu.VMEM((CHUNK,), jnp.int32),
            pltpu.VMEM((CHUNK,), jnp.int32),
            pltpu.VMEM((TAIL,), jnp.int32),
            pltpu.VMEM((TAIL,), jnp.int32),
            pltpu.SemaphoreType.DMA,
            pltpu.SemaphoreType.DMA,
            pltpu.SemaphoreType.DMA,
            pltpu.SemaphoreType.DMA,
            pltpu.SemaphoreType.DMA,
            pltpu.SemaphoreType.DMA,
            pltpu.SemaphoreType.DMA,
            pltpu.SemaphoreType.DMA,
            pltpu.SemaphoreType.DMA,
            pltpu.SemaphoreType.DMA,
        ],
    )
    return f(h, wij, idx_i, idx_j)


def _out_body(p0_ref, p1_ref, p2_ref, p3_ref, w1_ref, b1_ref, w2_ref, b2_ref, o_ref):
    agg = (p0_ref[0] + p1_ref[0]) + (p2_ref[0] + p3_ref[0])
    t = _ssp(jnp.dot(agg, w1_ref[...],
                     preferred_element_type=jnp.float32) + b1_ref[...])
    o_ref[...] = jnp.dot(t, w2_ref[...],
                         preferred_element_type=jnp.float32) + b2_ref[...]


def _compute_out(pA, pB, W_o1, b_o1, W_o2, b_o2):
    blk = 2000
    grid = N_ATOMS // blk
    return pl.pallas_call(
        _out_body,
        grid=(grid,),
        in_specs=[
            pl.BlockSpec((1, blk, D), lambda i: (0, i, 0)),
            pl.BlockSpec((1, blk, D), lambda i: (1, i, 0)),
            pl.BlockSpec((1, blk, D), lambda i: (0, i, 0)),
            pl.BlockSpec((1, blk, D), lambda i: (1, i, 0)),
            pl.BlockSpec((D, D), lambda i: (0, 0)),
            pl.BlockSpec((D,), lambda i: (0,)),
            pl.BlockSpec((D, D), lambda i: (0, 0)),
            pl.BlockSpec((D,), lambda i: (0,)),
        ],
        out_specs=pl.BlockSpec((blk, D), lambda i: (i, 0)),
        out_shape=jax.ShapeDtypeStruct((N_ATOMS, D), jnp.float32),
    )(pA, pA, pB, pB, W_o1, b_o1, W_o2, b_o2)


def kernel(x, f_ij, idx_i, idx_j, rcut_ij,
           W_in2f, W_f1, b_f1, W_f2, b_f2, W_o1, b_o1, W_o2, b_o2):
    idx_i = idx_i.astype(jnp.int32)
    idx_j = idx_j.astype(jnp.int32)
    f_t = f_ij.T
    rcut2 = rcut_ij.reshape(N_EDGES // 16000, 1, 16000)
    h = _compute_h(x, W_in2f)
    wij_a = _compute_wij(f_t, rcut2, W_f1, b_f1, W_f2, b_f2, 0)
    pA = _sc_aggregate(h, wij_a, idx_i[:E_HALF], idx_j[:E_HALF])
    wij_b = _compute_wij(f_t, rcut2, W_f1, b_f1, W_f2, b_f2, 1)
    pB = _sc_aggregate(h, wij_b, idx_i[E_HALF:], idx_j[E_HALF:])
    return _compute_out(pA, pB, W_o1, b_o1, W_o2, b_o2)

# --- scband reference (transcript-rebuilt; emitter-appended) ---
"""Pipeline reference for scband-pbgnninteraction-16758962389035 (READ-ONLY COPY).

The authoritative reference and input builder live on the scoring server;
editing this copy changes nothing except your own understanding.
"""

import jax, jax.numpy as jnp
import numpy as np

N_ATOMS = 10000
N_EDGES = 320000
N_ATOM_BASIS = 128
N_RBF = 50
N_FILTERS = 128


def shifted_softplus(x):
    # log(0.5*exp(x) + 0.5) = softplus(x) - log(2)
    return jax.nn.softplus(x) - jnp.log(2.0)


def setup_inputs(seed: int = 0) -> dict:
    key = jax.random.key(seed)
    ks = jax.random.split(key, 16)
    x = jax.random.normal(ks[0], (N_ATOMS, N_ATOM_BASIS), dtype=jnp.float32)
    f_ij = jax.random.uniform(ks[1], (N_EDGES, N_RBF), dtype=jnp.float32)
    idx_i = jax.random.randint(ks[2], (N_EDGES,), 0, N_ATOMS, dtype=jnp.int64 if jax.config.jax_enable_x64 else jnp.int32)
    idx_j = jax.random.randint(ks[3], (N_EDGES,), 0, N_ATOMS, dtype=jnp.int64 if jax.config.jax_enable_x64 else jnp.int32)
    rcut_ij = jax.random.uniform(ks[4], (N_EDGES,), dtype=jnp.float32)
    s = 0.05
    W_in2f = jax.random.normal(ks[5], (N_ATOM_BASIS, N_FILTERS), dtype=jnp.float32) * s
    W_f1 = jax.random.normal(ks[6], (N_RBF, N_FILTERS), dtype=jnp.float32) * s
    b_f1 = jnp.zeros((N_FILTERS,), dtype=jnp.float32)
    W_f2 = jax.random.normal(ks[7], (N_FILTERS, N_FILTERS), dtype=jnp.float32) * s
    b_f2 = jnp.zeros((N_FILTERS,), dtype=jnp.float32)
    W_o1 = jax.random.normal(ks[8], (N_FILTERS, N_ATOM_BASIS), dtype=jnp.float32) * s
    b_o1 = jnp.zeros((N_ATOM_BASIS,), dtype=jnp.float32)
    W_o2 = jax.random.normal(ks[9], (N_ATOM_BASIS, N_ATOM_BASIS), dtype=jnp.float32) * s
    b_o2 = jnp.zeros((N_ATOM_BASIS,), dtype=jnp.float32)
    return {
        'x': x, 'f_ij': f_ij, 'idx_i': idx_i, 'idx_j': idx_j, 'rcut_ij': rcut_ij,
        'W_in2f': W_in2f,
        'W_f1': W_f1, 'b_f1': b_f1, 'W_f2': W_f2, 'b_f2': b_f2,
        'W_o1': W_o1, 'b_o1': b_o1, 'W_o2': W_o2, 'b_o2': b_o2,
    }


def reference(x, f_ij, idx_i, idx_j, rcut_ij,
              W_in2f, W_f1, b_f1, W_f2, b_f2, W_o1, b_o1, W_o2, b_o2):
    n_atoms = x.shape[0]
    # in2f: Dense without bias, no activation
    h = x @ W_in2f
    # filter network: Dense(n_rbf -> n_filters, ssp) -> Dense(n_filters -> n_filters)
    Wij = shifted_softplus(f_ij @ W_f1 + b_f1) @ W_f2 + b_f2
    Wij = Wij * rcut_ij[:, None]
    # gather neighbor features (SparseCore gather)
    x_j = jnp.take(h, idx_j, axis=0)
    x_ij = x_j * Wij
    # scatter-add to center atoms (SparseCore scatter-add)
    agg = jax.ops.segment_sum(x_ij, idx_i, num_segments=n_atoms)
    # f2out: Dense(ssp) -> Dense(identity)
    out = shifted_softplus(agg @ W_o1 + b_o1) @ W_o2 + b_o2
    return out

if __name__ == "__main__":
    import jax
    _d = setup_inputs()
    print(jax.jit(kernel)(*tuple(_d.values())))

</pallas_src>

<mosaic_0001>
#map = affine_map<(d0, d1) -> (0, 0)>
#map1 = affine_map<(d0, d1) -> (0)>
#map2 = affine_map<(d0, d1) -> (0, 0, 0)>
module attributes {stable_mosaic.version = 14 : i64} {
  func.func @_sc_body(%arg0: i32, %arg1: i32, %arg2: memref<10000x128xf32, #tpu.memory_space<hbm>>, %arg3: memref<160000x128xf32, #tpu.memory_space<hbm>>, %arg4: memref<160000xi32, #tpu.memory_space<hbm>>, %arg5: memref<160000xi32, #tpu.memory_space<hbm>>, %arg6: memref<2x10112x128xf32, #tpu.memory_space<hbm>>, %arg7: memref<10112x128xf32, #tpu.memory_space<vmem_shared>>, %arg8: memref<96x128xf32, #tpu.memory_space<vmem>>, %arg9: memref<96x128xf32, #tpu.memory_space<vmem>>, %arg10: memref<96x128xf32, #tpu.memory_space<vmem>>, %arg11: memref<96x128xf32, #tpu.memory_space<vmem>>, %arg12: memref<96xi32, #tpu.memory_space<vmem>>, %arg13: memref<96xi32, #tpu.memory_space<vmem>>, %arg14: memref<96xi32, #tpu.memory_space<vmem>>, %arg15: memref<96xi32, #tpu.memory_space<vmem>>, %arg16: memref<8xi32, #tpu.memory_space<vmem>>, %arg17: memref<8xi32, #tpu.memory_space<vmem>>, %arg18: memref<!tpu.dma_semaphore, #tpu.memory_space<semaphore_mem>>, %arg19: memref<!tpu.dma_semaphore, #tpu.memory_space<semaphore_mem>>, %arg20: memref<!tpu.dma_semaphore, #tpu.memory_space<semaphore_mem>>, %arg21: memref<!tpu.dma_semaphore, #tpu.memory_space<semaphore_mem>>, %arg22: memref<!tpu.dma_semaphore, #tpu.memory_space<semaphore_mem>>, %arg23: memref<!tpu.dma_semaphore, #tpu.memory_space<semaphore_mem>>, %arg24: memref<!tpu.dma_semaphore, #tpu.memory_space<semaphore_mem>>, %arg25: memref<!tpu.dma_semaphore, #tpu.memory_space<semaphore_mem>>, %arg26: memref<!tpu.dma_semaphore, #tpu.memory_space<semaphore_mem>>, %arg27: memref<!tpu.dma_semaphore, #tpu.memory_space<semaphore_mem>>) attributes {dimension_semantics = [#tpu.dimension_semantics<core_parallel>, #tpu.dimension_semantics<subcore_parallel>], iteration_bounds = array<i64: 2, 16>, scalar_prefetch = 0 : i64, scratch_operands = 21 : i64, tpu.core_type = #tpu.core_type<sc_vector_subcore>, window_params = [{transform_indices = #map}, {transform_indices = #map}, {transform_indices = #map1}, {transform_indices = #map1}, {transform_indices = #map2}]} {
    %mul3A = arith.constant 16 : i32
    %mul3A_0 = arith.muli %arg0, %mul3A : i32
    %add3A = arith.addi %mul3A_0, %arg1 : i32
    %mul3A_1 = arith.constant 5000 : i32
    %mul3A_2 = arith.muli %add3A, %mul3A_1 : i32
    %add3A_3 = arith.constant 0 : i32
    %add3A_4 = arith.addi %mul3A_2, %add3A_3 : i32
    %dma_start3A = tpu.memref_slice %arg5[%add3A_4] : memref<160000xi32, #tpu.memory_space<hbm>> -> memref<96xi32, #tpu.memory_space<hbm>>
    %dma_start3A_5 = tpu.memref_slice %arg5[%add3A_4] : memref<160000xi32, #tpu.memory_space<hbm>> -> memref<96xi32, #tpu.memory_space<hbm>>
    tpu.enqueue_dma source(%dma_start3A_5 : memref<96xi32, #tpu.memory_space<hbm>>) target(%arg12 : memref<96xi32, #tpu.memory_space<vmem>>) target_semaphore(%arg20 : memref<!tpu.dma_semaphore, #tpu.memory_space<semaphore_mem>>)
    %add3A_6 = arith.constant 96 : i32
    %add3A_7 = arith.addi %mul3A_2, %add3A_6 : i32
    %dma_start3A_8 = tpu.memref_slice %arg5[%add3A_7] : memref<160000xi32, #tpu.memory_space<hbm>> -> memref<96xi32, #tpu.memory_space<hbm>>
    %dma_start3A_9 = tpu.memref_slice %arg5[%add3A_7] : memref<160000xi32, #tpu.memory_space<hbm>> -> memref<96xi32, #tpu.memory_space<hbm>>
    tpu.enqueue_dma source(%dma_start3A_9 : memref<96xi32, #tpu.memory_space<hbm>>) target(%arg14 : memref<96xi32, #tpu.memory_space<vmem>>) target_semaphore(%arg21 : memref<!tpu.dma_semaphore, #tpu.memory_space<semaphore_mem>>)
    %add3A_10 = arith.constant 0 : i32
    %add3A_11 = arith.addi %mul3A_2, %add3A_10 : i32
    %dma_start3A_12 = tpu.memref_slice %arg4[%add3A_11] : memref<160000xi32, #tpu.memory_space<hbm>> -> memref<96xi32, #tpu.memory_space<hbm>>
    %dma_start3A_13 = tpu.memref_slice %arg4[%add3A_11] : memref<160000xi32, #tpu.memory_space<hbm>> -> memref<96xi32, #tpu.memory_space<hbm>>
    tpu.enqueue_dma source(%dma_start3A_13 : memref<96xi32, #tpu.memory_space<hbm>>) target(%arg13 : memref<96xi32, #tpu.memory_space<vmem>>) target_semaphore(%arg22 : memref<!tpu.dma_semaphore, #tpu.memory_space<semaphore_mem>>)
    %add3A_14 = arith.constant 0 : i32
    %add3A_15 = arith.addi %mul3A_2, %add3A_14 : i32
    %dma_start3A_16 = arith.constant 0 : i32
    %dma_start3A_17 = tpu.memref_slice %arg3[%add3A_15, %dma_start3A_16] : memref<160000x128xf32, #tpu.memory_space<hbm>> -> memref<96x128xf32, #tpu.memory_space<hbm>>
    %dma_start3A_18 = arith.constant 0 : i32
    %dma_start3A_19 = tpu.memref_slice %arg3[%add3A_15, %dma_start3A_18] : memref<160000x128xf32, #tpu.memory_space<hbm>> -> memref<96x128xf32, #tpu.memory_space<hbm>>
    tpu.enqueue_dma source(%dma_start3A_19 : memref<96x128xf32, #tpu.memory_space<hbm>>) target(%arg10 : memref<96x128xf32, #tpu.memory_space<vmem>>) target_semaphore(%arg24 : memref<!tpu.dma_semaphore, #tpu.memory_space<semaphore_mem>>)
    %add3A_20 = arith.constant 96 : i32
    %add3A_21 = arith.addi %mul3A_2, %add3A_20 : i32
    %dma_start3A_22 = arith.constant 0 : i32
    %dma_start3A_23 = tpu.memref_slice %arg3[%add3A_21, %dma_start3A_22] : memref<160000x128xf32, #tpu.memory_space<hbm>> -> memref<96x128xf32, #tpu.memory_space<hbm>>
    %dma_start3A_24 = arith.constant 0 : i32
    %dma_start3A_25 = tpu.memref_slice %arg3[%add3A_21, %dma_start3A_24] : memref<160000x128xf32, #tpu.memory_space<hbm>> -> memref<96x128xf32, #tpu.memory_space<hbm>>
    tpu.enqueue_dma source(%dma_start3A_25 : memref<96x128xf32, #tpu.memory_space<hbm>>) target(%arg11 : memref<96x128xf32, #tpu.memory_space<vmem>>) target_semaphore(%arg25 : memref<!tpu.dma_semaphore, #tpu.memory_space<semaphore_mem>>)
    %mul3A_26 = arith.constant 632 : i32
    %mul3A_27 = arith.muli %arg1, %mul3A_26 : i32
    %scan3A = arith.constant 0 : i32
    %scan3A_28 = arith.constant 0 : i32
    %scan3A_29 = arith.constant 96 : i32
    %scan3A_30 = arith.addi %scan3A_28, %scan3A_29 : i32
    %scan3A_31 = arith.constant 1 : i32
    %scan3A_32 = scf.for %scan3A_181 = %scan3A_28 to %scan3A_30 step %scan3A_31 iter_args(%scan3A_182 = %scan3A) -> (i32)  : i32 {
      %broadcast_in_dim3A = arith.constant 0.000000e+00 : f32
      %broadcast_in_dim3A_183 = vector.broadcast %broadcast_in_dim3A : f32 to vector<16xf32>
      %swap3A = arith.index_cast %scan3A_181 : i32 to index
      %swap3A_184 = arith.constant 0 : index
      %swap3A_185 = tpu.vector_load %arg8[%swap3A, %swap3A_184] {strides = array<i32>} : memref<96x128xf32, #tpu.memory_space<vmem>>, vector<1x16xf32>,
      %swap3A_186 = vector.shape_cast %swap3A_185 : vector<1x16xf32> to vector<16xf32>
      %swap3A_187 = vector.shape_cast %broadcast_in_dim3A_183 : vector<16xf32> to vector<1x16xf32>
      tpu.vector_store %arg8[%swap3A, %swap3A_184], %swap3A_187 {strides = array<i32>} : memref<96x128xf32, #tpu.memory_space<vmem>>, vector<1x16xf32>,
      %broadcast_in_dim3A_188 = arith.constant 0.000000e+00 : f32
      %broadcast_in_dim3A_189 = vector.broadcast %broadcast_in_dim3A_188 : f32 to vector<16xf32>
      %swap3A_190 = arith.index_cast %scan3A_181 : i32 to index
      %swap3A_191 = arith.constant 16 : index
      %swap3A_192 = tpu.vector_load %arg8[%swap3A_190, %swap3A_191] {strides = array<i32>} : memref<96x128xf32, #tpu.memory_space<vmem>>, vector<1x16xf32>,
      %swap3A_193 = vector.shape_cast %swap3A_192 : vector<1x16xf32> to vector<16xf32>
      %swap3A_194 = vector.shape_cast %broadcast_in_dim3A_189 : vector<16xf32> to vector<1x16xf32>
      tpu.vector_store %arg8[%swap3A_190, %swap3A_191], %swap3A_194 {strides = array<i32>} : memref<96x128xf32, #tpu.memory_space<vmem>>, vector<1x16xf32>,
      %broadcast_in_dim3A_195 = arith.constant 0.000000e+00 : f32
      %broadcast_in_dim3A_196 = vector.broadcast %broadcast_in_dim3A_195 : f32 to vector<16xf32>
      %swap3A_197 = arith.index_cast %scan3A_181 : i32 to index
      %swap3A_198 = arith.constant 32 : index
      %swap3A_199 = tpu.vector_load %arg8[%swap3A_197, %swap3A_198] {strides = array<i32>} : memref<96x128xf32, #tpu.memory_space<vmem>>, vector<1x16xf32>,
      %swap3A_200 = vector.shape_cast %swap3A_199 : vector<1x16xf32> to vector<16xf32>
      %swap3A_201 = vector.shape_cast %broadcast_in_dim3A_196 : vector<16xf32> to vector<1x16xf32>
      tpu.vector_store %arg8[%swap3A_197, %swap3A_198], %swap3A_201 {strides = array<i32>} : memref<96x128xf32, #tpu.memory_space<vmem>>, vector<1x16xf32>,
      %broadcast_in_dim3A_202 = arith.constant 0.000000e+00 : f32
      %broadcast_in_dim3A_203 = vector.broadcast %broadcast_in_dim3A_202 : f32 to vector<16xf32>
      %swap3A_204 = arith.index_cast %scan3A_181 : i32 to index
      %swap3A_205 = arith.constant 48 : index
      %swap3A_206 = tpu.vector_load %arg8[%swap3A_204, %swap3A_205] {strides = array<i32>} : memref<96x128xf32, #tpu.memory_space<vmem>>, vector<1x16xf32>,
      %swap3A_207 = vector.shape_cast %swap3A_206 : vector<1x16xf32> to vector<16xf32>
      %swap3A_208 = vector.shape_cast %broadcast_in_dim3A_203 : vector<16xf32> to vector<1x16xf32>
      tpu.vector_store %arg8[%swap3A_204, %swap3A_205], %swap3A_208 {strides = array<i32>} : memref<96x128xf32, #tpu.memory_space<vmem>>, vector<1x16xf32>,
      %broadcast_in_dim3A_209 = arith.constant 0.000000e+00 : f32
      %broadcast_in_dim3A_210 = vector.broadcast %broadcast_in_dim3A_209 : f32 to vector<16xf32>
      %swap3A_211 = arith.index_cast %scan3A_181 : i32 to index
      %swap3A_212 = arith.constant 64 : index
      %swap3A_213 = tpu.vector_load %arg8[%swap3A_211, %swap3A_212] {strides = array<i32>} : memref<96x128xf32, #tpu.memory_space<vmem>>, vector<1x16xf32>,
      %swap3A_214 = vector.shape_cast %swap3A_213 : vector<1x16xf32> to vector<16xf32>
      %swap3A_215 = vector.shape_cast %broadcast_in_dim3A_210 : vector<16xf32> to vector<1x16xf32>
      tpu.vector_store %arg8[%swap3A_211, %swap3A_212], %swap3A_215 {strides = array<i32>} : memref<96x128xf32, #tpu.memory_space<vmem>>, vector<1x16xf32>,
      %broadcast_in_dim3A_216 = arith.constant 0.000000e+00 : f32
      %broadcast_in_dim3A_217 = vector.broadcast %broadcast_in_dim3A_216 : f32 to vector<16xf32>
      %swap3A_218 = arith.index_cast %scan3A_181 : i32 to index
      %swap3A_219 = arith.constant 80 : index
      %swap3A_220 = tpu.vector_load %arg8[%swap3A_218, %swap3A_219] {strides = array<i32>} : memref<96x128xf32, #tpu.memory_space<vmem>>, vector<1x16xf32>,
      %swap3A_221 = vector.shape_cast %swap3A_220 : vector<1x16xf32> to vector<16xf32>
      %swap3A_222 = vector.shape_cast %broadcast_in_dim3A_217 : vector<16xf32> to vector<1x16xf32>
      tpu.vector_store %arg8[%swap3A_218, %swap3A_219], %swap3A_222 {strides = array<i32>} : memref<96x128xf32, #tpu.memory_space<vmem>>, vector<1x16xf32>,
      %broadcast_in_dim3A_223 = arith.constant 0.000000e+00 : f32
      %broadcast_in_dim3A_224 = vector.broadcast %broadcast_in_dim3A_223 : f32 to vector<16xf32>
      %swap3A_225 = arith.index_cast %scan3A_181 : i32 to index
      %swap3A_226 = arith.constant 96 : index
      %swap3A_227 = tpu.vector_load %arg8[%swap3A_225, %swap3A_226] {strides = array<i32>} : memref<96x128xf32, #tpu.memory_space<vmem>>, vector<1x16xf32>,
      %swap3A_228 = vector.shape_cast %swap3A_227 : vector<1x16xf32> to vector<16xf32>
      %swap3A_229 = vector.shape_cast %broadcast_in_dim3A_224 : vector<16xf32> to vector<1x16xf32>
      tpu.vector_store %arg8[%swap3A_225, %swap3A_226], %swap3A_229 {strides = array<i32>} : memref<96x128xf32, #tpu.memory_space<vmem>>, vector<1x16xf32>,
      %broadcast_in_dim3A_230 = arith.constant 0.000000e+00 : f32
      %broadcast_in_dim3A_231 = vector.broadcast %broadcast_in_dim3A_230 : f32 to vector<16xf32>
      %swap3A_232 = arith.index_cast %scan3A_181 : i32 to index
      %swap3A_233 = arith.constant 112 : index
      %swap3A_234 = tpu.vector_load %arg8[%swap3A_232, %swap3A_233] {strides = array<i32>} : memref<96x128xf32, #tpu.memory_space<vmem>>, vector<1x16xf32>,
      %swap3A_235 = vector.shape_cast %swap3A_234 : vector<1x16xf32> to vector<16xf32>
      %swap3A_236 = vector.shape_cast %broadcast_in_dim3A_231 : vector<16xf32> to vector<1x16xf32>
      tpu.vector_store %arg8[%swap3A_232, %swap3A_233], %swap3A_236 {strides = array<i32>} : memref<96x128xf32, #tpu.memory_space<vmem>>, vector<1x16xf32>,
      %scan3A_237 = arith.constant 0 : i32
      scf.yield %scan3A_237 : i32
    }
    %scan3A_33 = arith.constant 96 : i32
    %add3A_34 = arith.constant 0 : i32
    %add3A_35 = arith.addi %mul3A_27, %add3A_34 : i32
    %dma_start3A_36 = arith.constant 0 : i32
    %dma_start3A_37 = tpu.memref_slice %arg7[%add3A_35, %dma_start3A_36] : memref<10112x128xf32, #tpu.memory_space<vmem_shared>> -> memref<96x128xf32, #tpu.memory_space<vmem_shared>>
    %dma_start3A_38 = arith.constant 0 : i32
    %dma_start3A_39 = tpu.memref_slice %arg7[%add3A_35, %dma_start3A_38] : memref<10112x128xf32, #tpu.memory_space<vmem_shared>> -> memref<96x128xf32, #tpu.memory_space<vmem_shared>>
    tpu.enqueue_dma source(%arg8 : memref<96x128xf32, #tpu.memory_space<vmem>>) target(%dma_start3A_39 : memref<96x128xf32, #tpu.memory_space<vmem_shared>>) target_semaphore(%arg26 : memref<!tpu.dma_semaphore, #tpu.memory_space<semaphore_mem>>)
    %add3A_40 = arith.constant 96 : i32
    %add3A_41 = arith.addi %mul3A_27, %add3A_40 : i32
    %dma_start3A_42 = arith.constant 0 : i32
    %dma_start3A_43 = tpu.memref_slice %arg7[%add3A_41, %dma_start3A_42] : memref<10112x128xf32, #tpu.memory_space<vmem_shared>> -> memref<96x128xf32, #tpu.memory_space<vmem_shared>>
    %dma_start3A_44 = arith.constant 0 : i32
    %dma_start3A_45 = tpu.memref_slice %arg7[%add3A_41, %dma_start3A_44] : memref<10112x128xf32, #tpu.memory_space<vmem_shared>> -> memref<96x128xf32, #tpu.memory_space<vmem_shared>>
    tpu.enqueue_dma source(%arg8 : memref<96x128xf32, #tpu.memory_space<vmem>>) target(%dma_start3A_45 : memref<96x128xf32, #tpu.memory_space<vmem_shared>>) target_semaphore(%arg26 : memref<!tpu.dma_semaphore, #tpu.memory_space<semaphore_mem>>)
    %add3A_46 = arith.constant 192 : i32
    %add3A_47 = arith.addi %mul3A_27, %add3A_46 : i32
    %dma_start3A_48 = arith.constant 0 : i32
    %dma_start3A_49 = tpu.memref_slice %arg7[%add3A_47, %dma_start3A_48] : memref<10112x128xf32, #tpu.memory_space<vmem_shared>> -> memref<96x128xf32, #tpu.memory_space<vmem_shared>>
    %dma_start3A_50 = arith.constant 0 : i32
    %dma_start3A_51 = tpu.memref_slice %arg7[%add3A_47, %dma_start3A_50] : memref<10112x128xf32, #tpu.memory_space<vmem_shared>> -> memref<96x128xf32, #tpu.memory_space<vmem_shared>>
    tpu.enqueue_dma source(%arg8 : memref<96x128xf32, #tpu.memory_space<vmem>>) target(%dma_start3A_51 : memref<96x128xf32, #tpu.memory_space<vmem_shared>>) target_semaphore(%arg26 : memref<!tpu.dma_semaphore, #tpu.memory_space<semaphore_mem>>)
    %add3A_52 = arith.constant 288 : i32
    %add3A_53 = arith.addi %mul3A_27, %add3A_52 : i32
    %dma_start3A_54 = arith.constant 0 : i32
    %dma_start3A_55 = tpu.memref_slice %arg7[%add3A_53, %dma_start3A_54] : memref<10112x128xf32, #tpu.memory_space<vmem_shared>> -> memref<96x128xf32, #tpu.memory_space<vmem_shared>>
    %dma_start3A_56 = arith.constant 0 : i32
    %dma_start3A_57 = tpu.memref_slice %arg7[%add3A_53, %dma_start3A_56] : memref<10112x128xf32, #tpu.memory_space<vmem_shared>> -> memref<96x128xf32, #tpu.memory_space<vmem_shared>>
    tpu.enqueue_dma source(%arg8 : memref<96x128xf32, #tpu.memory_space<vmem>>) target(%dma_start3A_57 : memref<96x128xf32, #tpu.memory_space<vmem_shared>>) target_semaphore(%arg26 : memref<!tpu.dma_semaphore, #tpu.memory_space<semaphore_mem>>)
    %add3A_58 = arith.constant 384 : i32
    %add3A_59 = arith.addi %mul3A_27, %add3A_58 : i32
    %dma_start3A_60 = arith.constant 0 : i32
    %dma_start3A_61 = tpu.memref_slice %arg7[%add3A_59, %dma_start3A_60] : memref<10112x128xf32, #tpu.memory_space<vmem_shared>> -> memref<96x128xf32, #tpu.memory_space<vmem_shared>>
    %dma_start3A_62 = arith.constant 0 : i32
    %dma_start3A_63 = tpu.memref_slice %arg7[%add3A_59, %dma_start3A_62] : memref<10112x128xf32, #tpu.memory_space<vmem_shared>> -> memref<96x128xf32, #tpu.memory_space<vmem_shared>>
    tpu.enqueue_dma source(%arg8 : memref<96x128xf32, #tpu.memory_space<vmem>>) target(%dma_start3A_63 : memref<96x128xf32, #tpu.memory_space<vmem_shared>>) target_semaphore(%arg26 : memref<!tpu.dma_semaphore, #tpu.memory_space<semaphore_mem>>)
    %add3A_64 = arith.constant 480 : i32
    %add3A_65 = arith.addi %mul3A_27, %add3A_64 : i32
    %dma_start3A_66 = arith.constant 0 : i32
    %dma_start3A_67 = tpu.memref_slice %arg7[%add3A_65, %dma_start3A_66] : memref<10112x128xf32, #tpu.memory_space<vmem_shared>> -> memref<96x128xf32, #tpu.memory_space<vmem_shared>>
    %dma_start3A_68 = arith.constant 0 : i32
    %dma_start3A_69 = tpu.memref_slice %arg7[%add3A_65, %dma_start3A_68] : memref<10112x128xf32, #tpu.memory_space<vmem_shared>> -> memref<96x128xf32, #tpu.memory_space<vmem_shared>>
    tpu.enqueue_dma source(%arg8 : memref<96x128xf32, #tpu.memory_space<vmem>>) target(%dma_start3A_69 : memref<96x128xf32, #tpu.memory_space<vmem_shared>>) target_semaphore(%arg26 : memref<!tpu.dma_semaphore, #tpu.memory_space<semaphore_mem>>)
    %add3A_70 = arith.constant 576 : i32
    %add3A_71 = arith.addi %mul3A_27, %add3A_70 : i32
    %dma_start3A_72 = arith.constant 0 : i32
    %dma_start3A_73 = arith.constant 0 : i32
    %dma_start3A_74 = tpu.memref_slice %arg8[%dma_start3A_72, %dma_start3A_73] : memref<96x128xf32, #tpu.memory_space<vmem>> -> memref<56x128xf32, #tpu.memory_space<vmem>>
    %dma_start3A_75 = arith.constant 0 : i32
    %dma_start3A_76 = tpu.memref_slice %arg7[%add3A_71, %dma_start3A_75] : memref<10112x128xf32, #tpu.memory_space<vmem_shared>> -> memref<56x128xf32, #tpu.memory_space<vmem_shared>>
    %dma_start3A_77 = arith.constant 0 : i32
    %dma_start3A_78 = tpu.memref_slice %arg7[%add3A_71, %dma_start3A_77] : memref<10112x128xf32, #tpu.memory_space<vmem_shared>> -> memref<56x128xf32, #tpu.memory_space<vmem_shared>>
    %dma_start3A_79 = arith.constant 0 : i32
    %dma_start3A_80 = arith.constant 0 : i32
    %dma_start3A_81 = tpu.memref_slice %arg8[%dma_start3A_79, %dma_start3A_80] : memref<96x128xf32, #tpu.memory_space<vmem>> -> memref<56x128xf32, #tpu.memory_space<vmem>>
    tpu.enqueue_dma source(%dma_start3A_81 : memref<56x128xf32, #tpu.memory_space<vmem>>) target(%dma_start3A_78 : memref<56x128xf32, #tpu.memory_space<vmem_shared>>) target_semaphore(%arg26 : memref<!tpu.dma_semaphore, #tpu.memory_space<semaphore_mem>>)
    %add3A_82 = arith.constant 0 : i32
    %add3A_83 = arith.addi %mul3A_27, %add3A_82 : i32
    %dma_wait3A = arith.constant 0 : i32
    %dma_wait3A_84 = tpu.memref_slice %arg7[%add3A_83, %dma_wait3A] : memref<10112x128xf32, #tpu.memory_space<vmem_shared>> -> memref<96x128xf32, #tpu.memory_space<vmem_shared>>
    %dma_wait3A_85 = arith.constant 0 : i32
    %dma_wait3A_86 = tpu.memref_slice %arg7[%add3A_83, %dma_wait3A_85] : memref<10112x128xf32, #tpu.memory_space<vmem_shared>> -> memref<96x128xf32, #tpu.memory_space<vmem_shared>>
    tpu.wait_dma2 semaphore(%arg26 : memref<!tpu.dma_semaphore, #tpu.memory_space<semaphore_mem>>) src(%arg8 : memref<96x128xf32, #tpu.memory_space<vmem>>) dst(%dma_wait3A_86 : memref<96x128xf32, #tpu.memory_space<vmem_shared>>)
    %add3A_87 = arith.constant 96 : i32
    %add3A_88 = arith.addi %mul3A_27, %add3A_87 : i32
    %dma_wait3A_89 = arith.constant 0 : i32
    %dma_wait3A_90 = tpu.memref_slice %arg7[%add3A_88, %dma_wait3A_89] : memref<10112x128xf32, #tpu.memory_space<vmem_shared>> -> memref<96x128xf32, #tpu.memory_space<vmem_shared>>
    %dma_wait3A_91 = arith.constant 0 : i32
    %dma_wait3A_92 = tpu.memref_slice %arg7[%add3A_88, %dma_wait3A_91] : memref<10112x128xf32, #tpu.memory_space<vmem_shared>> -> memref<96x128xf32, #tpu.memory_space<vmem_shared>>
    tpu.wait_dma2 semaphore(%arg26 : memref<!tpu.dma_semaphore, #tpu.memory_space<semaphore_mem>>) src(%arg8 : memref<96x128xf32, #tpu.memory_space<vmem>>) dst(%dma_wait3A_92 : memref<96x128xf32, #tpu.memory_space<vmem_shared>>)
    %add3A_93 = arith.constant 192 : i32
    %add3A_94 = arith.addi %mul3A_27, %add3A_93 : i32
    %dma_wait3A_95 = arith.constant 0 : i32
    %dma_wait3A_96 = tpu.memref_slice %arg7[%add3A_94, %dma_wait3A_95] : memref<10112x128xf32, #tpu.memory_space<vmem_shared>> -> memref<96x128xf32, #tpu.memory_space<vmem_shared>>
    %dma_wait3A_97 = arith.constant 0 : i32
    %dma_wait3A_98 = tpu.memref_slice %arg7[%add3A_94, %dma_wait3A_97] : memref<10112x128xf32, #tpu.memory_space<vmem_shared>> -> memref<96x128xf32, #tpu.memory_space<vmem_shared>>
    tpu.wait_dma2 semaphore(%arg26 : memref<!tpu.dma_semaphore, #tpu.memory_space<semaphore_mem>>) src(%arg8 : memref<96x128xf32, #tpu.memory_space<vmem>>) dst(%dma_wait3A_98 : memref<96x128xf32, #tpu.memory_space<vmem_shared>>)
    %add3A_99 = arith.constant 288 : i32
    %add3A_100 = arith.addi %mul3A_27, %add3A_99 : i32
    %dma_wait3A_101 = arith.constant 0 : i32
    %dma_wait3A_102 = tpu.memref_slice %arg7[%add3A_100, %dma_wait3A_101] : memref<10112x128xf32, #tpu.memory_space<vmem_shared>> -> memref<96x128xf32, #tpu.memory_space<vmem_shared>>
    %dma_wait3A_103 = arith.constant 0 : i32
    %dma_wait3A_104 = tpu.memref_slice %arg7[%add3A_100, %dma_wait3A_103] : memref<10112x128xf32, #tpu.memory_space<vmem_shared>> -> memref<96x128xf32, #tpu.memory_space<vmem_shared>>
    tpu.wait_dma2 semaphore(%arg26 : memref<!tpu.dma_semaphore, #tpu.memory_space<semaphore_mem>>) src(%arg8 : memref<96x128xf32, #tpu.memory_space<vmem>>) dst(%dma_wait3A_104 : memref<96x128xf32, #tpu.memory_space<vmem_shared>>)
    %add3A_105 = arith.constant 384 : i32
    %add3A_106 = arith.addi %mul3A_27, %add3A_105 : i32
    %dma_wait3A_107 = arith.constant 0 : i32
    %dma_wait3A_108 = tpu.memref_slice %arg7[%add3A_106, %dma_wait3A_107] : memref<10112x128xf32, #tpu.memory_space<vmem_shared>> -> memref<96x128xf32, #tpu.memory_space<vmem_shared>>
    %dma_wait3A_109 = arith.constant 0 : i32
    %dma_wait3A_110 = tpu.memref_slice %arg7[%add3A_106, %dma_wait3A_109] : memref<10112x128xf32, #tpu.memory_space<vmem_shared>> -> memref<96x128xf32, #tpu.memory_space<vmem_shared>>
    tpu.wait_dma2 semaphore(%arg26 : memref<!tpu.dma_semaphore, #tpu.memory_space<semaphore_mem>>) src(%arg8 : memref<96x128xf32, #tpu.memory_space<vmem>>) dst(%dma_wait3A_110 : memref<96x128xf32, #tpu.memory_space<vmem_shared>>)
    %add3A_111 = arith.constant 480 : i32
    %add3A_112 = arith.addi %mul3A_27, %add3A_111 : i32
    %dma_wait3A_113 = arith.constant 0 : i32
    %dma_wait3A_114 = tpu.memref_slice %arg7[%add3A_112, %dma_wait3A_113] : memref<10112x128xf32, #tpu.memory_space<vmem_shared>> -> memref<96x128xf32, #tpu.memory_space<vmem_shared>>
    %dma_wait3A_115 = arith.constant 0 : i32
    %dma_wait3A_116 = tpu.memref_slice %arg7[%add3A_112, %dma_wait3A_115] : memref<10112x128xf32, #tpu.memory_space<vmem_shared>> -> memref<96x128xf32, #tpu.memory_space<vmem_shared>>
    tpu.wait_dma2 semaphore(%arg26 : memref<!tpu.dma_semaphore, #tpu.memory_space<semaphore_mem>>) src(%arg8 : memref<96x128xf32, #tpu.memory_space<vmem>>) dst(%dma_wait3A_116 : memref<96x128xf32, #tpu.memory_space<vmem_shared>>)
    %add3A_117 = arith.constant 576 : i32
    %add3A_118 = arith.addi %mul3A_27, %add3A_117 : i32
    %dma_wait3A_119 = arith.constant 0 : i32
    %dma_wait3A_120 = arith.constant 0 : i32
    %dma_wait3A_121 = tpu.memref_slice %arg8[%dma_wait3A_119, %dma_wait3A_120] : memref<96x128xf32, #tpu.memory_space<vmem>> -> memref<56x128xf32, #tpu.memory_space<vmem>>
    %dma_wait3A_122 = arith.constant 0 : i32
    %dma_wait3A_123 = tpu.memref_slice %arg7[%add3A_118, %dma_wait3A_122] : memref<10112x128xf32, #tpu.memory_space<vmem_shared>> -> memref<56x128xf32, #tpu.memory_space<vmem_shared>>
    %dma_wait3A_124 = arith.constant 0 : i32
    %dma_wait3A_125 = tpu.memref_slice %arg7[%add3A_118, %dma_wait3A_124] : memref<10112x128xf32, #tpu.memory_space<vmem_shared>> -> memref<56x128xf32, #tpu.memory_space<vmem_shared>>
    %dma_wait3A_126 = arith.constant 0 : i32
    %dma_wait3A_127 = arith.constant 0 : i32
    %dma_wait3A_128 = tpu.memref_slice %arg8[%dma_wait3A_126, %dma_wait3A_127] : memref<96x128xf32, #tpu.memory_space<vmem>> -> memref<56x128xf32, #tpu.memory_space<vmem>>
    tpu.wait_dma2 semaphore(%arg26 : memref<!tpu.dma_semaphore, #tpu.memory_space<semaphore_mem>>) src(%dma_wait3A_128 : memref<56x128xf32, #tpu.memory_space<vmem>>) dst(%dma_wait3A_125 : memref<56x128xf32, #tpu.memory_space<vmem_shared>>)
    %barrier3A = arith.constant 0 : index
    tpu.barrier barrier_id(%barrier3A)
    %dma_wait3A_129 = tpu.memref_slice %arg5[%mul3A_2] : memref<160000xi32, #tpu.memory_space<hbm>> -> memref<96xi32, #tpu.memory_space<hbm>>
    %dma_wait3A_130 = tpu.memref_slice %arg5[%mul3A_2] : memref<160000xi32, #tpu.memory_space<hbm>> -> memref<96xi32, #tpu.memory_space<hbm>>
    tpu.wait_dma2 semaphore(%arg20 : memref<!tpu.dma_semaphore, #tpu.memory_space<semaphore_mem>>) src(%dma_wait3A_130 : memref<96xi32, #tpu.memory_space<hbm>>) dst(%arg12 : memref<96xi32, #tpu.memory_space<vmem>>)
    %dma_start3A_131 = arith.constant 0 : i32
    %dma_start3A_132 = arith.constant 0 : i32
    %dma_start3A_133 = tpu.memref_slice %arg2[%dma_start3A_131, %dma_start3A_132] : memref<10000x128xf32, #tpu.memory_space<hbm>> -> memref<10000x128xf32, #tpu.memory_space<hbm>>
    tpu.enqueue_indirect_dma source(%dma_start3A_133 : memref<10000x128xf32, #tpu.memory_space<hbm>>) target(%arg8 : memref<96x128xf32, #tpu.memory_space<vmem>>) offsets(%arg12 : memref<96xi32, #tpu.memory_space<vmem>>) semaphore(%arg18 : memref<!tpu.dma_semaphore, #tpu.memory_space<semaphore_mem>>)
    %scan3A_134 = arith.constant 0 : i32
    %scan3A_135 = arith.constant 0 : i32
    %scan3A_136 = arith.constant 26 : i32
    %scan3A_137 = arith.addi %scan3A_135, %scan3A_136 : i32
    %scan3A_138 = arith.constant 1 : i32
    %scan3A_139 = scf.for %scan3A_181 = %scan3A_135 to %scan3A_137 step %scan3A_138 iter_args(%scan3A_182 = %scan3A_134) -> (i32)  : i32 {
      %mul3A_183 = arith.constant 2 : i32
      %mul3A_184 = arith.muli %mul3A_183, %scan3A_181 : i32
      %dma_wait3A_185 = arith.constant 0 : i32
      %dma_wait3A_186 = arith.constant 0 : i32
      %dma_wait3A_187 = tpu.memref_slice %arg2[%dma_wait3A_185, %dma_wait3A_186] : memref<10000x128xf32, #tpu.memory_space<hbm>> -> memref<10000x128xf32, #tpu.memory_space<hbm>>
      tpu.wait_indirect_dma semaphore(%arg18 : memref<!tpu.dma_semaphore, #tpu.memory_space<semaphore_mem>>) src(%dma_wait3A_187 : memref<10000x128xf32, #tpu.memory_space<hbm>>) dst(%arg8 : memref<96x128xf32, #tpu.memory_space<vmem>>)
      %add3A_188 = arith.constant 2 : i32
      %add3A_189 = arith.addi %mul3A_184, %add3A_188 : i32
      %min3A = arith.constant 51 : i32
      %min3A_190 = arith.minsi %add3A_189, %min3A : i32
      %mul3A_191 = arith.constant 96 : i32
      %mul3A_192 = arith.muli %min3A_190, %mul3A_191 : i32
      %add3A_193 = arith.addi %mul3A_2, %mul3A_192 : i32
      %dma_start3A_194 = tpu.memref_slice %arg5[%add3A_193] : memref<160000xi32, #tpu.memory_space<hbm>> -> memref<96xi32, #tpu.memory_space<hbm>>
      %dma_start3A_195 = tpu.memref_slice %arg5[%add3A_193] : memref<160000xi32, #tpu.memory_space<hbm>> -> memref<96xi32, #tpu.memory_space<hbm>>
      tpu.enqueue_dma source(%dma_start3A_195 : memref<96xi32, #tpu.memory_space<hbm>>) target(%arg12 : memref<96xi32, #tpu.memory_space<vmem>>) target_semaphore(%arg20 : memref<!tpu.dma_semaphore, #tpu.memory_space<semaphore_mem>>)
      %gt3A = arith.constant 0 : i32
      %gt3A_196 = arith.cmpi sgt, %scan3A_181, %gt3A : i32
      %convert_element_type3A = arith.extui %gt3A_196 : i1 to i32
      %cond3A = arith.constant 0 : i32
      %cond3A_197 = arith.cmpi ne, %convert_element_type3A, %cond3A : i32
      scf.if %cond3A_197 {
        %dma_wait3A_300 = arith.constant 0 : i32
        %dma_wait3A_301 = arith.constant 0 : i32
        %dma_wait3A_302 = tpu.memref_slice %arg7[%dma_wait3A_300, %dma_wait3A_301] : memref<10112x128xf32, #tpu.memory_space<vmem_shared>> -> memref<10112x128xf32, #tpu.memory_space<vmem_shared>>
        tpu.wait_indirect_dma semaphore(%arg27 : memref<!tpu.dma_semaphore, #tpu.memory_space<semaphore_mem>>) src(%arg9 : memref<96x128xf32, #tpu.memory_space<vmem>>) dst(%dma_wait3A_302 : memref<10112x128xf32, #tpu.memory_space<vmem_shared>>)
      } else {
      }
      %add3A_198 = arith.constant 1 : i32
      %add3A_199 = arith.addi %mul3A_184, %add3A_198 : i32
      %min3A_200 = arith.constant 51 : i32
      %min3A_201 = arith.minsi %add3A_199, %min3A_200 : i32
      %mul3A_202 = arith.constant 96 : i32
      %mul3A_203 = arith.muli %min3A_201, %mul3A_202 : i32
      %add3A_204 = arith.addi %mul3A_2, %mul3A_203 : i32
      %dma_start3A_205 = tpu.memref_slice %arg4[%add3A_204] : memref<160000xi32, #tpu.memory_space<hbm>> -> memref<96xi32, #tpu.memory_space<hbm>>
      %dma_start3A_206 = tpu.memref_slice %arg4[%add3A_204] : memref<160000xi32, #tpu.memory_space<hbm>> -> memref<96xi32, #tpu.memory_space<hbm>>
      tpu.enqueue_dma source(%dma_start3A_206 : memref<96xi32, #tpu.memory_space<hbm>>) target(%arg15 : memref<96xi32, #tpu.memory_space<vmem>>) target_semaphore(%arg23 : memref<!tpu.dma_semaphore, #tpu.memory_space<semaphore_mem>>)
      %dma_wait3A_207 = tpu.memref_slice %arg5[%mul3A_2] : memref<160000xi32, #tpu.memory_space<hbm>> -> memref<96xi32, #tpu.memory_space<hbm>>
      %dma_wait3A_208 = tpu.memref_slice %arg5[%mul3A_2] : memref<160000xi32, #tpu.memory_space<hbm>> -> memref<96xi32, #tpu.memory_space<hbm>>
      tpu.wait_dma2 semaphore(%arg21 : memref<!tpu.dma_semaphore, #tpu.memory_space<semaphore_mem>>) src(%dma_wait3A_208 : memref<96xi32, #tpu.memory_space<hbm>>) dst(%arg14 : memref<96xi32, #tpu.memory_space<vmem>>)
      %dma_start3A_209 = arith.constant 0 : i32
      %dma_start3A_210 = arith.constant 0 : i32
      %dma_start3A_211 = tpu.memref_slice %arg2[%dma_start3A_209, %dma_start3A_210] : memref<10000x128xf32, #tpu.memory_space<hbm>> -> memref<10000x128xf32, #tpu.memory_space<hbm>>
      tpu.enqueue_indirect_dma source(%dma_start3A_211 : memref<10000x128xf32, #tpu.memory_space<hbm>>) target(%arg9 : memref<96x128xf32, #tpu.memory_space<vmem>>) offsets(%arg14 : memref<96xi32, #tpu.memory_space<vmem>>) semaphore(%arg19 : memref<!tpu.dma_semaphore, #tpu.memory_space<semaphore_mem>>)
      %dma_wait3A_212 = arith.constant 0 : i32
      %dma_wait3A_213 = tpu.memref_slice %arg3[%mul3A_2, %dma_wait3A_212] : memref<160000x128xf32, #tpu.memory_space<hbm>> -> memref<96x128xf32, #tpu.memory_space<hbm>>
      %dma_wait3A_214 = arith.constant 0 : i32
      %dma_wait3A_215 = tpu.memref_slice %arg3[%mul3A_2, %dma_wait3A_214] : memref<160000x128xf32, #tpu.memory_space<hbm>> -> memref<96x128xf32, #tpu.memory_space<hbm>>
      tpu.wait_dma2 semaphore(%arg24 : memref<!tpu.dma_semaphore, #tpu.memory_space<semaphore_mem>>) src(%dma_wait3A_215 : memref<96x128xf32, #tpu.memory_space<hbm>>) dst(%arg10 : memref<96x128xf32, #tpu.memory_space<vmem>>)
      %scan3A_216 = arith.constant 0 : i32
      %scan3A_217 = arith.constant 0 : i32
      %scan3A_218 = arith.constant 48 : i32
      %scan3A_219 = arith.addi %scan3A_217, %scan3A_218 : i32
      %scan3A_220 = arith.constant 1 : i32
      %scan3A_221 = scf.for %scan3A_300 = %scan3A_217 to %scan3A_219 step %scan3A_220 iter_args(%scan3A_301 = %scan3A_216) -> (i32)  : i32 {
        %mul3A_302 = arith.constant 2 : i32
        %mul3A_303 = arith.muli %scan3A_300, %mul3A_302 : i32
        %add3A_304 = arith.constant 0 : i32
        %add3A_305 = arith.addi %mul3A_303, %add3A_304 : i32
        %get3A = arith.index_cast %add3A_305 : i32 to index
        %get3A_306 = arith.constant 0 : index
        %get3A_307 = tpu.vector_load %arg8[%get3A, %get3A_306] {strides = array<i32>} : memref<96x128xf32, #tpu.memory_space<vmem>>, vector<1x16xf32>,
        %get3A_308 = vector.shape_cast %get3A_307 : vector<1x16xf32> to vector<16xf32>
        %get3A_309 = arith.index_cast %add3A_305 : i32 to index
        %get3A_310 = arith.constant 0 : index
        %get3A_311 = tpu.vector_load %arg10[%get3A_309, %get3A_310] {strides = array<i32>} : memref<96x128xf32, #tpu.memory_space<vmem>>, vector<1x16xf32>,
        %get3A_312 = vector.shape_cast %get3A_311 : vector<1x16xf32> to vector<16xf32>
        %mul3A_313 = arith.mulf %get3A_308, %get3A_312 : vector<16xf32>
        %swap3A = arith.index_cast %add3A_305 : i32 to index
        %swap3A_314 = arith.constant 0 : index
        %swap3A_315 = tpu.vector_load %arg8[%swap3A, %swap3A_314] {strides = array<i32>} : memref<96x128xf32, #tpu.memory_space<vmem>>, vector<1x16xf32>,
        %swap3A_316 = vector.shape_cast %swap3A_315 : vector<1x16xf32> to vector<16xf32>
        %swap3A_317 = vector.shape_cast %mul3A_313 : vector<16xf32> to vector<1x16xf32>
        tpu.vector_store %arg8[%swap3A, %swap3A_314], %swap3A_317 {strides = array<i32>} : memref<96x128xf32, #tpu.memory_space<vmem>>, vector<1x16xf32>,
        %get3A_318 = arith.index_cast %add3A_305 : i32 to index
        %get3A_319 = arith.constant 16 : index
        %get3A_320 = tpu.vector_load %arg8[%get3A_318, %get3A_319] {strides = array<i32>} : memref<96x128xf32, #tpu.memory_space<vmem>>, vector<1x16xf32>,
        %get3A_321 = vector.shape_cast %get3A_320 : vector<1x16xf32> to vector<16xf32>
        %get3A_322 = arith.index_cast %add3A_305 : i32 to index
        %get3A_323 = arith.constant 16 : index
        %get3A_324 = tpu.vector_load %arg10[%get3A_322, %get3A_323] {strides = array<i32>} : memref<96x128xf32, #tpu.memory_space<vmem>>, vector<1x16xf32>,
        %get3A_325 = vector.shape_cast %get3A_324 : vector<1x16xf32> to vector<16xf32>
        %mul3A_326 = arith.mulf %get3A_321, %get3A_325 : vector<16xf32>
        %swap3A_327 = arith.index_cast %add3A_305 : i32 to index
        %swap3A_328 = arith.constant 16 : index
        %swap3A_329 = tpu.vector_load %arg8[%swap3A_327, %swap3A_328] {strides = array<i32>} : memref<96x128xf32, #tpu.memory_space<vmem>>, vector<1x16xf32>,
        %swap3A_330 = vector.shape_cast %swap3A_329 : vector<1x16xf32> to vector<16xf32>
        %swap3A_331 = vector.shape_cast %mul3A_326 : vector<16xf32> to vector<1x16xf32>
        tpu.vector_store %arg8[%swap3A_327, %swap3A_328], %swap3A_331 {strides = array<i32>} : memref<96x128xf32, #tpu.memory_space<vmem>>, vector<1x16xf32>,
        %get3A_332 = arith.index_cast %add3A_305 : i32 to index
        %get3A_333 = arith.constant 32 : index
        %get3A_334 = tpu.vector_load %arg8[%get3A_332, %get3A_333] {strides = array<i32>} : memref<96x128xf32, #tpu.memory_space<vmem>>, vector<1x16xf32>,
        %get3A_335 = vector.shape_cast %get3A_334 : vector<1x16xf32> to vector<16xf32>
        %get3A_336 = arith.index_cast %add3A_305 : i32 to index
        %get3A_337 = arith.constant 32 : index
        %get3A_338 = tpu.vector_load %arg10[%get3A_336, %get3A_337] {strides = array<i32>} : memref<96x128xf32, #tpu.memory_space<vmem>>, vector<1x16xf32>,
        %get3A_339 = vector.shape_cast %get3A_338 : vector<1x16xf32> to vector<16xf32>
        %mul3A_340 = arith.mulf %get3A_335, %get3A_339 : vector<16xf32>
        %swap3A_341 = arith.index_cast %add3A_305 : i32 to index
        %swap3A_342 = arith.constant 32 : index
        %swap3A_343 = tpu.vector_load %arg8[%swap3A_341, %swap3A_342] {strides = array<i32>} : memref<96x128xf32, #tpu.memory_space<vmem>>, vector<1x16xf32>,
        %swap3A_344 = vector.shape_cast %swap3A_343 : vector<1x16xf32> to vector<16xf32>
        %swap3A_345 = vector.shape_cast %mul3A_340 : vector<16xf32> to vector<1x16xf32>
        tpu.vector_store %arg8[%swap3A_341, %swap3A_342], %swap3A_345 {strides = array<i32>} : memref<96x128xf32, #tpu.memory_space<vmem>>, vector<1x16xf32>,
        %get3A_346 = arith.index_cast %add3A_305 : i32 to index
        %get3A_347 = arith.constant 48 : index
        %get3A_348 = tpu.vector_load %arg8[%get3A_346, %get3A_347] {strides = array<i32>} : memref<96x128xf32, #tpu.memory_space<vmem>>, vector<1x16xf32>,
        %get3A_349 = vector.shape_cast %get3A_348 : vector<1x16xf32> to vector<16xf32>
        %get3A_350 = arith.index_cast %add3A_305 : i32 to index
        %get3A_351 = arith.constant 48 : index
        %get3A_352 = tpu.vector_load %arg10[%get3A_350, %get3A_351] {strides = array<i32>} : memref<96x128xf32, #tpu.memory_space<vmem>>, vector<1x16xf32>,
        %get3A_353 = vector.shape_cast %get3A_352 : vector<1x16xf32> to vector<16xf32>
        %mul3A_354 = arith.mulf %get3A_349, %get3A_353 : vector<16xf32>
        %swap3A_355 = arith.index_cast %add3A_305 : i32 to index
        %swap3A_356 = arith.constant 48 : index
        %swap3A_357 = tpu.vector_load %arg8[%swap3A_355, %swap3A_356] {strides = array<i32>} : memref<96x128xf32, #tpu.memory_space<vmem>>, vector<1x16xf32>,
        %swap3A_358 = vector.shape_cast %swap3A_357 : vector<1x16xf32> to vector<16xf32>
        %swap3A_359 = vector.shape_cast %mul3A_354 : vector<16xf32> to vector<1x16xf32>
        tpu.vector_store %arg8[%swap3A_355, %swap3A_356], %swap3A_359 {strides = array<i32>} : memref<96x128xf32, #tpu.memory_space<vmem>>, vector<1x16xf32>,
        %get3A_360 = arith.index_cast %add3A_305 : i32 to index
        %get3A_361 = arith.constant 64 : index
        %get3A_362 = tpu.vector_load %arg8[%get3A_360, %get3A_361] {strides = array<i32>} : memref<96x128xf32, #tpu.memory_space<vmem>>, vector<1x16xf32>,
        %get3A_363 = vector.shape_cast %get3A_362 : vector<1x16xf32> to vector<16xf32>
        %get3A_364 = arith.index_cast %add3A_305 : i32 to index
        %get3A_365 = arith.constant 64 : index
        %get3A_366 = tpu.vector_load %arg10[%get3A_364, %get3A_365] {strides = array<i32>} : memref<96x128xf32, #tpu.memory_space<vmem>>, vector<1x16xf32>,
        %get3A_367 = vector.shape_cast %get3A_366 : vector<1x16xf32> to vector<16xf32>
        %mul3A_368 = arith.mulf %get3A_363, %get3A_367 : vector<16xf32>
        %swap3A_369 = arith.index_cast %add3A_305 : i32 to index
        %swap3A_370 = arith.constant 64 : index
        %swap3A_371 = tpu.vector_load %arg8[%swap3A_369, %swap3A_370] {strides = array<i32>} : memref<96x128xf32, #tpu.memory_space<vmem>>, vector<1x16xf32>,
        %swap3A_372 = vector.shape_cast %swap3A_371 : vector<1x16xf32> to vector<16xf32>
        %swap3A_373 = vector.shape_cast %mul3A_368 : vector<16xf32> to vector<1x16xf32>
        tpu.vector_store %arg8[%swap3A_369, %swap3A_370], %swap3A_373 {strides = array<i32>} : memref<96x128xf32, #tpu.memory_space<vmem>>, vector<1x16xf32>,
        %get3A_374 = arith.index_cast %add3A_305 : i32 to index
        %get3A_375 = arith.constant 80 : index
        %get3A_376 = tpu.vector_load %arg8[%get3A_374, %get3A_375] {strides = array<i32>} : memref<96x128xf32, #tpu.memory_space<vmem>>, vector<1x16xf32>,
        %get3A_377 = vector.shape_cast %get3A_376 : vector<1x16xf32> to vector<16xf32>
        %get3A_378 = arith.index_cast %add3A_305 : i32 to index
        %get3A_379 = arith.constant 80 : index
        %get3A_380 = tpu.vector_load %arg10[%get3A_378, %get3A_379] {strides = array<i32>} : memref<96x128xf32, #tpu.memory_space<vmem>>, vector<1x16xf32>,
        %get3A_381 = vector.shape_cast %get3A_380 : vector<1x16xf32> to vector<16xf32>
        %mul3A_382 = arith.mulf %get3A_377, %get3A_381 : vector<16xf32>
        %swap3A_383 = arith.index_cast %add3A_305 : i32 to index
        %swap3A_384 = arith.constant 80 : index
        %swap3A_385 = tpu.vector_load %arg8[%swap3A_383, %swap3A_384] {strides = array<i32>} : memref<96x128xf32, #tpu.memory_space<vmem>>, vector<1x16xf32>,
        %swap3A_386 = vector.shape_cast %swap3A_385 : vector<1x16xf32> to vector<16xf32>
        %swap3A_387 = vector.shape_cast %mul3A_382 : vector<16xf32> to vector<1x16xf32>
        tpu.vector_store %arg8[%swap3A_383, %swap3A_384], %swap3A_387 {strides = array<i32>} : memref<96x128xf32, #tpu.memory_space<vmem>>, vector<1x16xf32>,
        %get3A_388 = arith.index_cast %add3A_305 : i32 to index
        %get3A_389 = arith.constant 96 : index
        %get3A_390 = tpu.vector_load %arg8[%get3A_388, %get3A_389] {strides = array<i32>} : memref<96x128xf32, #tpu.memory_space<vmem>>, vector<1x16xf32>,
        %get3A_391 = vector.shape_cast %get3A_390 : vector<1x16xf32> to vector<16xf32>
        %get3A_392 = arith.index_cast %add3A_305 : i32 to index
        %get3A_393 = arith.constant 96 : index
        %get3A_394 = tpu.vector_load %arg10[%get3A_392, %get3A_393] {strides = array<i32>} : memref<96x128xf32, #tpu.memory_space<vmem>>, vector<1x16xf32>,
        %get3A_395 = vector.shape_cast %get3A_394 : vector<1x16xf32> to vector<16xf32>
        %mul3A_396 = arith.mulf %get3A_391, %get3A_395 : vector<16xf32>
        %swap3A_397 = arith.index_cast %add3A_305 : i32 to index
        %swap3A_398 = arith.constant 96 : index
        %swap3A_399 = tpu.vector_load %arg8[%swap3A_397, %swap3A_398] {strides = array<i32>} : memref<96x128xf32, #tpu.memory_space<vmem>>, vector<1x16xf32>,
        %swap3A_400 = vector.shape_cast %swap3A_399 : vector<1x16xf32> to vector<16xf32>
        %swap3A_401 = vector.shape_cast %mul3A_396 : vector<16xf32> to vector<1x16xf32>
        tpu.vector_store %arg8[%swap3A_397, %swap3A_398], %swap3A_401 {strides = array<i32>} : memref<96x128xf32, #tpu.memory_space<vmem>>, vector<1x16xf32>,
        %get3A_402 = arith.index_cast %add3A_305 : i32 to index
        %get3A_403 = arith.constant 112 : index
        %get3A_404 = tpu.vector_load %arg8[%get3A_402, %get3A_403] {strides = array<i32>} : memref<96x128xf32, #tpu.memory_space<vmem>>, vector<1x16xf32>,
        %get3A_405 = vector.shape_cast %get3A_404 : vector<1x16xf32> to vector<16xf32>
        %get3A_406 = arith.index_cast %add3A_305 : i32 to index
        %get3A_407 = arith.constant 112 : index
        %get3A_408 = tpu.vector_load %arg10[%get3A_406, %get3A_407] {strides = array<i32>} : memref<96x128xf32, #tpu.memory_space<vmem>>, vector<1x16xf32>,
        %get3A_409 = vector.shape_cast %get3A_408 : vector<1x16xf32> to vector<16xf32>
        %mul3A_410 = arith.mulf %get3A_405, %get3A_409 : vector<16xf32>
        %swap3A_411 = arith.index_cast %add3A_305 : i32 to index
        %swap3A_412 = arith.constant 112 : index
        %swap3A_413 = tpu.vector_load %arg8[%swap3A_411, %swap3A_412] {strides = array<i32>} : memref<96x128xf32, #tpu.memory_space<vmem>>, vector<1x16xf32>,
        %swap3A_414 = vector.shape_cast %swap3A_413 : vector<1x16xf32> to vector<16xf32>
        %swap3A_415 = vector.shape_cast %mul3A_410 : vector<16xf32> to vector<1x16xf32>
        tpu.vector_store %arg8[%swap3A_411, %swap3A_412], %swap3A_415 {strides = array<i32>} : memref<96x128xf32, #tpu.memory_space<vmem>>, vector<1x16xf32>,
        %mul3A_416 = arith.constant 2 : i32
        %mul3A_417 = arith.muli %scan3A_300, %mul3A_416 : i32
        %add3A_418 = arith.constant 1 : i32
        %add3A_419 = arith.addi %mul3A_417, %add3A_418 : i32
        %get3A_420 = arith.index_cast %add3A_419 : i32 to index
        %get3A_421 = arith.constant 0 : index
        %get3A_422 = tpu.vector_load %arg8[%get3A_420, %get3A_421] {strides = array<i32>} : memref<96x128xf32, #tpu.memory_space<vmem>>, vector<1x16xf32>,
        %get3A_423 = vector.shape_cast %get3A_422 : vector<1x16xf32> to vector<16xf32>
        %get3A_424 = arith.index_cast %add3A_419 : i32 to index
        %get3A_425 = arith.constant 0 : index
        %get3A_426 = tpu.vector_load %arg10[%get3A_424, %get3A_425] {strides = array<i32>} : memref<96x128xf32, #tpu.memory_space<vmem>>, vector<1x16xf32>,
        %get3A_427 = vector.shape_cast %get3A_426 : vector<1x16xf32> to vector<16xf32>
        %mul3A_428 = arith.mulf %get3A_423, %get3A_427 : vector<16xf32>
        %swap3A_429 = arith.index_cast %add3A_419 : i32 to index
        %swap3A_430 = arith.constant 0 : index
        %swap3A_431 = tpu.vector_load %arg8[%swap3A_429, %swap3A_430] {strides = array<i32>} : memref<96x128xf32, #tpu.memory_space<vmem>>, vector<1x16xf32>,
        %swap3A_432 = vector.shape_cast %swap3A_431 : vector<1x16xf32> to vector<16xf32>
        %swap3A_433 = vector.shape_cast %mul3A_428 : vector<16xf32> to vector<1x16xf32>
        tpu.vector_store %arg8[%swap3A_429, %swap3A_430], %swap3A_433 {strides = array<i32>} : memref<96x128xf32, #tpu.memory_space<vmem>>, vector<1x16xf32>,
        %get3A_434 = arith.index_cast %add3A_419 : i32 to index
        %get3A_435 = arith.constant 16 : index
        %get3A_436 = tpu.vector_load %arg8[%get3A_434, %get3A_435] {strides = array<i32>} : memref<96x128xf32, #tpu.memory_space<vmem>>, vector<1x16xf32>,
        %get3A_437 = vector.shape_cast %get3A_436 : vector<1x16xf32> to vector<16xf32>
        %get3A_438 = arith.index_cast %add3A_419 : i32 to index
        %get3A_439 = arith.constant 16 : index
        %get3A_440 = tpu.vector_load %arg10[%get3A_438, %get3A_439] {strides = array<i32>} : memref<96x128xf32, #tpu.memory_space<vmem>>, vector<1x16xf32>,
        %get3A_441 = vector.shape_cast %get3A_440 : vector<1x16xf32> to vector<16xf32>
        %mul3A_442 = arith.mulf %get3A_437, %get3A_441 : vector<16xf32>
        %swap3A_443 = arith.index_cast %add3A_419 : i32 to index
        %swap3A_444 = arith.constant 16 : index
        %swap3A_445 = tpu.vector_load %arg8[%swap3A_443, %swap3A_444] {strides = array<i32>} : memref<96x128xf32, #tpu.memory_space<vmem>>, vector<1x16xf32>,
        %swap3A_446 = vector.shape_cast %swap3A_445 : vector<1x16xf32> to vector<16xf32>
        %swap3A_447 = vector.shape_cast %mul3A_442 : vector<16xf32> to vector<1x16xf32>
        tpu.vector_store %arg8[%swap3A_443, %swap3A_444], %swap3A_447 {strides = array<i32>} : memref<96x128xf32, #tpu.memory_space<vmem>>, vector<1x16xf32>,
        %get3A_448 = arith.index_cast %add3A_419 : i32 to index
        %get3A_449 = arith.constant 32 : index
        %get3A_450 = tpu.vector_load %arg8[%get3A_448, %get3A_449] {strides = array<i32>} : memref<96x128xf32, #tpu.memory_space<vmem>>, vector<1x16xf32>,
        %get3A_451 = vector.shape_cast %get3A_450 : vector<1x16xf32> to vector<16xf32>
        %get3A_452 = arith.index_cast %add3A_419 : i32 to index
        %get3A_453 = arith.constant 32 : index
        %get3A_454 = tpu.vector_load %arg10[%get3A_452, %get3A_453] {strides = array<i32>} : memref<96x128xf32, #tpu.memory_space<vmem>>, vector<1x16xf32>,
        %get3A_455 = vector.shape_cast %get3A_454 : vector<1x16xf32> to vector<16xf32>
        %mul3A_456 = arith.mulf %get3A_451, %get3A_455 : vector<16xf32>
        %swap3A_457 = arith.index_cast %add3A_419 : i32 to index
        %swap3A_458 = arith.constant 32 : index
        %swap3A_459 = tpu.vector_load %arg8[%swap3A_457, %swap3A_458] {strides = array<i32>} : memref<96x128xf32, #tpu.memory_space<vmem>>, vector<1x16xf32>,
        %swap3A_460 = vector.shape_cast %swap3A_459 : vector<1x16xf32> to vector<16xf32>
        %swap3A_461 = vector.shape_cast %mul3A_456 : vector<16xf32> to vector<1x16xf32>
        tpu.vector_store %arg8[%swap3A_457, %swap3A_458], %swap3A_461 {strides = array<i32>} : memref<96x128xf32, #tpu.memory_space<vmem>>, vector<1x16xf32>,
        %get3A_462 = arith.index_cast %add3A_419 : i32 to index
        %get3A_463 = arith.constant 48 : index
        %get3A_464 = tpu.vector_load %arg8[%get3A_462, %get3A_463] {strides = array<i32>} : memref<96x128xf32, #tpu.memory_space<vmem>>, vector<1x16xf32>,
        %get3A_465 = vector.shape_cast %get3A_464 : vector<1x16xf32> to vector<16xf32>
        %get3A_466 = arith.index_cast %add3A_419 : i32 to index
        %get3A_467 = arith.constant 48 : index
        %get3A_468 = tpu.vector_load %arg10[%get3A_466, %get3A_467] {strides = array<i32>} : memref<96x128xf32, #tpu.memory_space<vmem>>, vector<1x16xf32>,
        %get3A_469 = vector.shape_cast %get3A_468 : vector<1x16xf32> to vector<16xf32>
        %mul3A_470 = arith.mulf %get3A_465, %get3A_469 : vector<16xf32>
        %swap3A_471 = arith.index_cast %add3A_419 : i32 to index
        %swap3A_472 = arith.constant 48 : index
        %swap3A_473 = tpu.vector_load %arg8[%swap3A_471, %swap3A_472] {strides = array<i32>} : memref<96x128xf32, #tpu.memory_space<vmem>>, vector<1x16xf32>,
        %swap3A_474 = vector.shape_cast %swap3A_473 : vector<1x16xf32> to vector<16xf32>
        %swap3A_475 = vector.shape_cast %mul3A_470 : vector<16xf32> to vector<1x16xf32>
        tpu.vector_store %arg8[%swap3A_471, %swap3A_472], %swap3A_475 {strides = array<i32>} : memref<96x128xf32, #tpu.memory_space<vmem>>, vector<1x16xf32>,
        %get3A_476 = arith.index_cast %add3A_419 : i32 to index
        %get3A_477 = arith.constant 64 : index
        %get3A_478 = tpu.vector_load %arg8[%get3A_476, %get3A_477] {strides = array<i32>} : memref<96x128xf32, #tpu.memory_space<vmem>>, vector<1x16xf32>,
        %get3A_479 = vector.shape_cast %get3A_478 : vector<1x16xf32> to vector<16xf32>
        %get3A_480 = arith.index_cast %add3A_419 : i32 to index
        %get3A_481 = arith.constant 64 : index
        %get3A_482 = tpu.vector_load %arg10[%get3A_480, %get3A_481] {strides = array<i32>} : memref<96x128xf32, #tpu.memory_space<vmem>>, vector<1x16xf32>,
        %get3A_483 = vector.shape_cast %get3A_482 : vector<1x16xf32> to vector<16xf32>
        %mul3A_484 = arith.mulf %get3A_479, %get3A_483 : vector<16xf32>
        %swap3A_485 = arith.index_cast %add3A_419 : i32 to index
        %swap3A_486 = arith.constant 64 : index
        %swap3A_487 = tpu.vector_load %arg8[%swap3A_485, %swap3A_486] {strides = array<i32>} : memref<96x128xf32, #tpu.memory_space<vmem>>, vector<1x16xf32>,
        %swap3A_488 = vector.shape_cast %swap3A_487 : vector<1x16xf32> to vector<16xf32>
        %swap3A_489 = vector.shape_cast %mul3A_484 : vector<16xf32> to vector<1x16xf32>
        tpu.vector_store %arg8[%swap3A_485, %swap3A_486], %swap3A_489 {strides = array<i32>} : memref<96x128xf32, #tpu.memory_space<vmem>>, vector<1x16xf32>,
        %get3A_490 = arith.index_cast %add3A_419 : i32 to index
        %get3A_491 = arith.constant 80 : index
        %get3A_492 = tpu.vector_load %arg8[%get3A_490, %get3A_491] {strides = array<i32>} : memref<96x128xf32, #tpu.memory_space<vmem>>, vector<1x16xf32>,
        %get3A_493 = vector.shape_cast %get3A_492 : vector<1x16xf32> to vector<16xf32>
        %get3A_494 = arith.index_cast %add3A_419 : i32 to index
        %get3A_495 = arith.constant 80 : index
        %get3A_496 = tpu.vector_load %arg10[%get3A_494, %get3A_495] {strides = array<i32>} : memref<96x128xf32, #tpu.memory_space<vmem>>, vector<1x16xf32>,
        %get3A_497 = vector.shape_cast %get3A_496 : vector<1x16xf32> to vector<16xf32>
        %mul3A_498 = arith.mulf %get3A_493, %get3A_497 : vector<16xf32>
        %swap3A_499 = arith.index_cast %add3A_419 : i32 to index
        %swap3A_500 = arith.constant 80 : index
        %swap3A_501 = tpu.vector_load %arg8[%swap3A_499, %swap3A_500] {strides = array<i32>} : memref<96x128xf32, #tpu.memory_space<vmem>>, vector<1x16xf32>,
        %swap3A_502 = vector.shape_cast %swap3A_501 : vector<1x16xf32> to vector<16xf32>
        %swap3A_503 = vector.shape_cast %mul3A_498 : vector<16xf32> to vector<1x16xf32>
        tpu.vector_store %arg8[%swap3A_499, %swap3A_500], %swap3A_503 {strides = array<i32>} : memref<96x128xf32, #tpu.memory_space<vmem>>, vector<1x16xf32>,
        %get3A_504 = arith.index_cast %add3A_419 : i32 to index
        %get3A_505 = arith.constant 96 : index
        %get3A_506 = tpu.vector_load %arg8[%get3A_504, %get3A_505] {strides = array<i32>} : memref<96x128xf32, #tpu.memory_space<vmem>>, vector<1x16xf32>,
        %get3A_507 = vector.shape_cast %get3A_506 : vector<1x16xf32> to vector<16xf32>
        %get3A_508 = arith.index_cast %add3A_419 : i32 to index
        %get3A_509 = arith.constant 96 : index
        %get3A_510 = tpu.vector_load %arg10[%get3A_508, %get3A_509] {strides = array<i32>} : memref<96x128xf32, #tpu.memory_space<vmem>>, vector<1x16xf32>,
        %get3A_511 = vector.shape_cast %get3A_510 : vector<1x16xf32> to vector<16xf32>
        %mul3A_512 = arith.mulf %get3A_507, %get3A_511 : vector<16xf32>
        %swap3A_513 = arith.index_cast %add3A_419 : i32 to index
        %swap3A_514 = arith.constant 96 : index
        %swap3A_515 = tpu.vector_load %arg8[%swap3A_513, %swap3A_514] {strides = array<i32>} : memref<96x128xf32, #tpu.memory_space<vmem>>, vector<1x16xf32>,
        %swap3A_516 = vector.shape_cast %swap3A_515 : vector<1x16xf32> to vector<16xf32>
        %swap3A_517 = vector.shape_cast %mul3A_512 : vector<16xf32> to vector<1x16xf32>
        tpu.vector_store %arg8[%swap3A_513, %swap3A_514], %swap3A_517 {strides = array<i32>} : memref<96x128xf32, #tpu.memory_space<vmem>>, vector<1x16xf32>,
        %get3A_518 = arith.index_cast %add3A_419 : i32 to index
        %get3A_519 = arith.constant 112 : index
        %get3A_520 = tpu.vector_load %arg8[%get3A_518, %get3A_519] {strides = array<i32>} : memref<96x128xf32, #tpu.memory_space<vmem>>, vector<1x16xf32>,
        %get3A_521 = vector.shape_cast %get3A_520 : vector<1x16xf32> to vector<16xf32>
        %get3A_522 = arith.index_cast %add3A_419 : i32 to index
        %get3A_523 = arith.constant 112 : index
        %get3A_524 = tpu.vector_load %arg10[%get3A_522, %get3A_523] {strides = array<i32>} : memref<96x128xf32, #tpu.memory_space<vmem>>, vector<1x16xf32>,
        %get3A_525 = vector.shape_cast %get3A_524 : vector<1x16xf32> to vector<16xf32>
        %mul3A_526 = arith.mulf %get3A_521, %get3A_525 : vector<16xf32>
        %swap3A_527 = arith.index_cast %add3A_419 : i32 to index
        %swap3A_528 = arith.constant 112 : index
        %swap3A_529 = tpu.vector_load %arg8[%swap3A_527, %swap3A_528] {strides = array<i32>} : memref<96x128xf32, #tpu.memory_space<vmem>>, vector<1x16xf32>,
        %swap3A_530 = vector.shape_cast %swap3A_529 : vector<1x16xf32> to vector<16xf32>
        %swap3A_531 = vector.shape_cast %mul3A_526 : vector<16xf32> to vector<1x16xf32>
        tpu.vector_store %arg8[%swap3A_527, %swap3A_528], %swap3A_531 {strides = array<i32>} : memref<96x128xf32, #tpu.memory_space<vmem>>, vector<1x16xf32>,
        %scan3A_532 = arith.constant 0 : i32
        scf.yield %scan3A_532 : i32
      }
      %scan3A_222 = arith.constant 48 : i32
      %add3A_223 = arith.constant 2 : i32
      %add3A_224 = arith.addi %mul3A_184, %add3A_223 : i32
      %min3A_225 = arith.constant 51 : i32
      %min3A_226 = arith.minsi %add3A_224, %min3A_225 : i32
      %mul3A_227 = arith.constant 96 : i32
      %mul3A_228 = arith.muli %min3A_226, %mul3A_227 : i32
      %add3A_229 = arith.addi %mul3A_2, %mul3A_228 : i32
      %dma_start3A_230 = arith.constant 0 : i32
      %dma_start3A_231 = tpu.memref_slice %arg3[%add3A_229, %dma_start3A_230] : memref<160000x128xf32, #tpu.memory_space<hbm>> -> memref<96x128xf32, #tpu.memory_space<hbm>>
      %dma_start3A_232 = arith.constant 0 : i32
      %dma_start3A_233 = tpu.memref_slice %arg3[%add3A_229, %dma_start3A_232] : memref<160000x128xf32, #tpu.memory_space<hbm>> -> memref<96x128xf32, #tpu.memory_space<hbm>>
      tpu.enqueue_dma source(%dma_start3A_233 : memref<96x128xf32, #tpu.memory_space<hbm>>) target(%arg10 : memref<96x128xf32, #tpu.memory_space<vmem>>) target_semaphore(%arg24 : memref<!tpu.dma_semaphore, #tpu.memory_space<semaphore_mem>>)
      %dma_wait3A_234 = tpu.memref_slice %arg4[%mul3A_2] : memref<160000xi32, #tpu.memory_space<hbm>> -> memref<96xi32, #tpu.memory_space<hbm>>
      %dma_wait3A_235 = tpu.memref_slice %arg4[%mul3A_2] : memref<160000xi32, #tpu.memory_space<hbm>> -> memref<96xi32, #tpu.memory_space<hbm>>
      tpu.wait_dma2 semaphore(%arg22 : memref<!tpu.dma_semaphore, #tpu.memory_space<semaphore_mem>>) src(%dma_wait3A_235 : memref<96xi32, #tpu.memory_space<hbm>>) dst(%arg13 : memref<96xi32, #tpu.memory_space<vmem>>)
      %dma_start3A_236 = arith.constant 0 : i32
      %dma_start3A_237 = arith.constant 0 : i32
      %dma_start3A_238 = tpu.memref_slice %arg7[%dma_start3A_236, %dma_start3A_237] : memref<10112x128xf32, #tpu.memory_space<vmem_shared>> -> memref<10112x128xf32, #tpu.memory_space<vmem_shared>>
      tpu.enqueue_indirect_dma source(%arg8 : memref<96x128xf32, #tpu.memory_space<vmem>>) target(%dma_start3A_238 : memref<10112x128xf32, #tpu.memory_space<vmem_shared>>) offsets(%arg13 : memref<96xi32, #tpu.memory_space<vmem>>) semaphore(%arg26 : memref<!tpu.dma_semaphore, #tpu.memory_space<semaphore_mem>>) {add = true}
      %mul3A_239 = arith.constant 2 : i32
      %mul3A_240 = arith.muli %mul3A_239, %scan3A_181 : i32
      %add3A_241 = arith.constant 1 : i32
      %add3A_242 = arith.addi %mul3A_240, %add3A_241 : i32
      %dma_wait3A_243 = arith.constant 0 : i32
      %dma_wait3A_244 = arith.constant 0 : i32
      %dma_wait3A_245 = tpu.memref_slice %arg2[%dma_wait3A_243, %dma_wait3A_244] : memref<10000x128xf32, #tpu.memory_space<hbm>> -> memref<10000x128xf32, #tpu.memory_space<hbm>>
      tpu.wait_indirect_dma semaphore(%arg19 : memref<!tpu.dma_semaphore, #tpu.memory_space<semaphore_mem>>) src(%dma_wait3A_245 : memref<10000x128xf32, #tpu.memory_space<hbm>>) dst(%arg9 : memref<96x128xf32, #tpu.memory_space<vmem>>)
      %add3A_246 = arith.constant 2 : i32
      %add3A_247 = arith.addi %add3A_242, %add3A_246 : i32
      %min3A_248 = arith.constant 51 : i32
      %min3A_249 = arith.minsi %add3A_247, %min3A_248 : i32
      %mul3A_250 = arith.constant 96 : i32
      %mul3A_251 = arith.muli %min3A_249, %mul3A_250 : i32
      %add3A_252 = arith.addi %mul3A_2, %mul3A_251 : i32
      %dma_start3A_253 = tpu.memref_slice %arg5[%add3A_252] : memref<160000xi32, #tpu.memory_space<hbm>> -> memref<96xi32, #tpu.memory_space<hbm>>
      %dma_start3A_254 = tpu.memref_slice %arg5[%add3A_252] : memref<160000xi32, #tpu.memory_space<hbm>> -> memref<96xi32, #tpu.memory_space<hbm>>
      tpu.enqueue_dma source(%dma_start3A_254 : memref<96xi32, #tpu.memory_space<hbm>>) target(%arg14 : memref<96xi32, #tpu.memory_space<vmem>>) target_semaphore(%arg21 : memref<!tpu.dma_semaphore, #tpu.memory_space<semaphore_mem>>)
      %dma_wait3A_255 = arith.constant 0 : i32
      %dma_wait3A_256 = arith.constant 0 : i32
      %dma_wait3A_257 = tpu.memref_slice %arg7[%dma_wait3A_255, %dma_wait3A_256] : memref<10112x128xf32, #tpu.memory_space<vmem_shared>> -> memref<10112x128xf32, #tpu.memory_space<vmem_shared>>
      tpu.wait_indirect_dma semaphore(%arg26 : memref<!tpu.dma_semaphore, #tpu.memory_space<semaphore_mem>>) src(%arg8 : memref<96x128xf32, #tpu.memory_space<vmem>>) dst(%dma_wait3A_257 : memref<10112x128xf32, #tpu.memory_space<vmem_shared>>)
      %add3A_258 = arith.constant 1 : i32
      %add3A_259 = arith.addi %add3A_242, %add3A_258 : i32
      %min3A_260 = arith.constant 51 : i32
      %min3A_261 = arith.minsi %add3A_259, %min3A_260 : i32
      %mul3A_262 = arith.constant 96 : i32
      %mul3A_263 = arith.muli %min3A_261, %mul3A_262 : i32
      %add3A_264 = arith.addi %mul3A_2, %mul3A_263 : i32
      %dma_start3A_265 = tpu.memref_slice %arg4[%add3A_264] : memref<160000xi32, #tpu.memory_space<hbm>> -> memref<96xi32, #tpu.memory_space<hbm>>
      %dma_start3A_266 = tpu.memref_slice %arg4[%add3A_264] : memref<160000xi32, #tpu.memory_space<hbm>> -> memref<96xi32, #tpu.memory_space<hbm>>
      tpu.enqueue_dma source(%dma_start3A_266 : memref<96xi32, #tpu.memory_space<hbm>>) target(%arg13 : memref<96xi32, #tpu.memory_space<vmem>>) target_semaphore(%arg22 : memref<!tpu.dma_semaphore, #tpu.memory_space<semaphore_mem>>)
      %dma_wait3A_267 = tpu.memref_slice %arg5[%mul3A_2] : memref<160000xi32, #tpu.memory_space<hbm>> -> memref<96xi32, #tpu.memory_space<hbm>>
      %dma_wait3A_268 = tpu.memref_slice %arg5[%mul3A_2] : memref<160000xi32, #tpu.memory_space<hbm>> -> memref<96xi32, #tpu.memory_space<hbm>>
      tpu.wait_dma2 semaphore(%arg20 : memref<!tpu.dma_semaphore, #tpu.memory_space<semaphore_mem>>) src(%dma_wait3A_268 : memref<96xi32, #tpu.memory_space<hbm>>) dst(%arg12 : memref<96xi32, #tpu.memory_space<vmem>>)
      %dma_start3A_269 = arith.constant 0 : i32
      %dma_start3A_270 = arith.constant 0 : i32
      %dma_start3A_271 = tpu.memref_slice %arg2[%dma_start3A_269, %dma_start3A_270] : memref<10000x128xf32, #tpu.memory_space<hbm>> -> memref<10000x128xf32, #tpu.memory_space<hbm>>
      tpu.enqueue_indirect_dma source(%dma_start3A_271 : memref<10000x128xf32, #tpu.memory_space<hbm>>) target(%arg8 : memref<96x128xf32, #tpu.memory_space<vmem>>) offsets(%arg12 : memref<96xi32, #tpu.memory_space<vmem>>) semaphore(%arg18 : memref<!tpu.dma_semaphore, #tpu.memory_space<semaphore_mem>>)
      %dma_wait3A_272 = arith.constant 0 : i32
      %dma_wait3A_273 = tpu.memref_slice %arg3[%mul3A_2, %dma_wait3A_272] : memref<160000x128xf32, #tpu.memory_space<hbm>> -> memref<96x128xf32, #tpu.memory_space<hbm>>
      %dma_wait3A_274 = arith.constant 0 : i32
      %dma_wait3A_275 = tpu.memref_slice %arg3[%mul3A_2, %dma_wait3A_274] : memref<160000x128xf32, #tpu.memory_space<hbm>> -> memref<96x128xf32, #tpu.memory_space<hbm>>
      tpu.wait_dma2 semaphore(%arg25 : memref<!tpu.dma_semaphore, #tpu.memory_space<semaphore_mem>>) src(%dma_wait3A_275 : memref<96x128xf32, #tpu.memory_space<hbm>>) dst(%arg11 : memref<96x128xf32, #tpu.memory_space<vmem>>)
      %scan3A_276 = arith.constant 0 : i32
      %scan3A_277 = arith.constant 0 : i32
      %scan3A_278 = arith.constant 48 : i32
      %scan3A_279 = arith.addi %scan3A_277, %scan3A_278 : i32
      %scan3A_280 = arith.constant 1 : i32
      %scan3A_281 = scf.for %scan3A_300 = %scan3A_277 to %scan3A_279 step %scan3A_280 iter_args(%scan3A_301 = %scan3A_276) -> (i32)  : i32 {
        %mul3A_302 = arith.constant 2 : i32
        %mul3A_303 = arith.muli %scan3A_300, %mul3A_302 : i32
        %add3A_304 = arith.constant 0 : i32
        %add3A_305 = arith.addi %mul3A_303, %add3A_304 : i32
        %get3A = arith.index_cast %add3A_305 : i32 to index
        %get3A_306 = arith.constant 0 : index
        %get3A_307 = tpu.vector_load %arg9[%get3A, %get3A_306] {strides = array<i32>} : memref<96x128xf32, #tpu.memory_space<vmem>>, vector<1x16xf32>,
        %get3A_308 = vector.shape_cast %get3A_307 : vector<1x16xf32> to vector<16xf32>
        %get3A_309 = arith.index_cast %add3A_305 : i32 to index
        %get3A_310 = arith.constant 0 : index
        %get3A_311 = tpu.vector_load %arg11[%get3A_309, %get3A_310] {strides = array<i32>} : memref<96x128xf32, #tpu.memory_space<vmem>>, vector<1x16xf32>,
        %get3A_312 = vector.shape_cast %get3A_311 : vector<1x16xf32> to vector<16xf32>
        %mul3A_313 = arith.mulf %get3A_308, %get3A_312 : vector<16xf32>
        %swap3A = arith.index_cast %add3A_305 : i32 to index
        %swap3A_314 = arith.constant 0 : index
        %swap3A_315 = tpu.vector_load %arg9[%swap3A, %swap3A_314] {strides = array<i32>} : memref<96x128xf32, #tpu.memory_space<vmem>>, vector<1x16xf32>,
        %swap3A_316 = vector.shape_cast %swap3A_315 : vector<1x16xf32> to vector<16xf32>
        %swap3A_317 = vector.shape_cast %mul3A_313 : vector<16xf32> to vector<1x16xf32>
        tpu.vector_store %arg9[%swap3A, %swap3A_314], %swap3A_317 {strides = array<i32>} : memref<96x128xf32, #tpu.memory_space<vmem>>, vector<1x16xf32>,
        %get3A_318 = arith.index_cast %add3A_305 : i32 to index
        %get3A_319 = arith.constant 16 : index
        %get3A_320 = tpu.vector_load %arg9[%get3A_318, %get3A_319] {strides = array<i32>} : memref<96x128xf32, #tpu.memory_space<vmem>>, vector<1x16xf32>,
        %get3A_321 = vector.shape_cast %get3A_320 : vector<1x16xf32> to vector<16xf32>
        %get3A_322 = arith.index_cast %add3A_305 : i32 to index
        %get3A_323 = arith.constant 16 : index
        %get3A_324 = tpu.vector_load %arg11[%get3A_322, %get3A_323] {strides = array<i32>} : memref<96x128xf32, #tpu.memory_space<vmem>>, vector<1x16xf32>,
        %get3A_325 = vector.shape_cast %get3A_324 : vector<1x16xf32> to vector<16xf32>
        %mul3A_326 = arith.mulf %get3A_321, %get3A_325 : vector<16xf32>
        %swap3A_327 = arith.index_cast %add3A_305 : i32 to index
        %swap3A_328 = arith.constant 16 : index
        %swap3A_329 = tpu.vector_load %arg9[%swap3A_327, %swap3A_328] {strides = array<i32>} : memref<96x128xf32, #tpu.memory_space<vmem>>, vector<1x16xf32>,
        %swap3A_330 = vector.shape_cast %swap3A_329 : vector<1x16xf32> to vector<16xf32>
        %swap3A_331 = vector.shape_cast %mul3A_326 : vector<16xf32> to vector<1x16xf32>
        tpu.vector_store %arg9[%swap3A_327, %swap3A_328], %swap3A_331 {strides = array<i32>} : memref<96x128xf32, #tpu.memory_space<vmem>>, vector<1x16xf32>,
        %get3A_332 = arith.index_cast %add3A_305 : i32 to index
        %get3A_333 = arith.constant 32 : index
        %get3A_334 = tpu.vector_load %arg9[%get3A_332, %get3A_333] {strides = array<i32>} : memref<96x128xf32, #tpu.memory_space<vmem>>, vector<1x16xf32>,
        %get3A_335 = vector.shape_cast %get3A_334 : vector<1x16xf32> to vector<16xf32>
        %get3A_336 = arith.index_cast %add3A_305 : i32 to index
        %get3A_337 = arith.constant 32 : index
        %get3A_338 = tpu.vector_load %arg11[%get3A_336, %get3A_337] {strides = array<i32>} : memref<96x128xf32, #tpu.memory_space<vmem>>, vector<1x16xf32>,
        %get3A_339 = vector.shape_cast %get3A_338 : vector<1x16xf32> to vector<16xf32>
        %mul3A_340 = arith.mulf %get3A_335, %get3A_339 : vector<16xf32>
        %swap3A_341 = arith.index_cast %add3A_305 : i32 to index
        %swap3A_342 = arith.constant 32 : index
        %swap3A_343 = tpu.vector_load %arg9[%swap3A_341, %swap3A_342] {strides = array<i32>} : memref<96x128xf32, #tpu.memory_space<vmem>>, vector<1x16xf32>,
        %swap3A_344 = vector.shape_cast %swap3A_343 : vector<1x16xf32> to vector<16xf32>
        %swap3A_345 = vector.shape_cast %mul3A_340 : vector<16xf32> to vector<1x16xf32>
        tpu.vector_store %arg9[%swap3A_341, %swap3A_342], %swap3A_345 {strides = array<i32>} : memref<96x128xf32, #tpu.memory_space<vmem>>, vector<1x16xf32>,
        %get3A_346 = arith.index_cast %add3A_305 : i32 to index
        %get3A_347 = arith.constant 48 : index
        %get3A_348 = tpu.vector_load %arg9[%get3A_346, %get3A_347] {strides = array<i32>} : memref<96x128xf32, #tpu.memory_space<vmem>>, vector<1x16xf32>,
        %get3A_349 = vector.shape_cast %get3A_348 : vector<1x16xf32> to vector<16xf32>
        %get3A_350 = arith.index_cast %add3A_305 : i32 to index
        %get3A_351 = arith.constant 48 : index
        %get3A_352 = tpu.vector_load %arg11[%get3A_350, %get3A_351] {strides = array<i32>} : memref<96x128xf32, #tpu.memory_space<vmem>>, vector<1x16xf32>,
        %get3A_353 = vector.shape_cast %get3A_352 : vector<1x16xf32> to vector<16xf32>
        %mul3A_354 = arith.mulf %get3A_349, %get3A_353 : vector<16xf32>
        %swap3A_355 = arith.index_cast %add3A_305 : i32 to index
        %swap3A_356 = arith.constant 48 : index
        %swap3A_357 = tpu.vector_load %arg9[%swap3A_355, %swap3A_356] {strides = array<i32>} : memref<96x128xf32, #tpu.memory_space<vmem>>, vector<1x16xf32>,
        %swap3A_358 = vector.shape_cast %swap3A_357 : vector<1x16xf32> to vector<16xf32>
        %swap3A_359 = vector.shape_cast %mul3A_354 : vector<16xf32> to vector<1x16xf32>
        tpu.vector_store %arg9[%swap3A_355, %swap3A_356], %swap3A_359 {strides = array<i32>} : memref<96x128xf32, #tpu.memory_space<vmem>>, vector<1x16xf32>,
        %get3A_360 = arith.index_cast %add3A_305 : i32 to index
        %get3A_361 = arith.constant 64 : index
        %get3A_362 = tpu.vector_load %arg9[%get3A_360, %get3A_361] {strides = array<i32>} : memref<96x128xf32, #tpu.memory_space<vmem>>, vector<1x16xf32>,
        %get3A_363 = vector.shape_cast %get3A_362 : vector<1x16xf32> to vector<16xf32>
        %get3A_364 = arith.index_cast %add3A_305 : i32 to index
        %get3A_365 = arith.constant 64 : index
        %get3A_366 = tpu.vector_load %arg11[%get3A_364, %get3A_365] {strides = array<i32>} : memref<96x128xf32, #tpu.memory_space<vmem>>, vector<1x16xf32>,
        %get3A_367 = vector.shape_cast %get3A_366 : vector<1x16xf32> to vector<16xf32>
        %mul3A_368 = arith.mulf %get3A_363, %get3A_367 : vector<16xf32>
        %swap3A_369 = arith.index_cast %add3A_305 : i32 to index
        %swap3A_370 = arith.constant 64 : index
        %swap3A_371 = tpu.vector_load %arg9[%swap3A_369, %swap3A_370] {strides = array<i32>} : memref<96x128xf32, #tpu.memory_space<vmem>>, vector<1x16xf32>,
        %swap3A_372 = vector.shape_cast %swap3A_371 : vector<1x16xf32> to vector<16xf32>
        %swap3A_373 = vector.shape_cast %mul3A_368 : vector<16xf32> to vector<1x16xf32>
        tpu.vector_store %arg9[%swap3A_369, %swap3A_370], %swap3A_373 {strides = array<i32>} : memref<96x128xf32, #tpu.memory_space<vmem>>, vector<1x16xf32>,
        %get3A_374 = arith.index_cast %add3A_305 : i32 to index
        %get3A_375 = arith.constant 80 : index
        %get3A_376 = tpu.vector_load %arg9[%get3A_374, %get3A_375] {strides = array<i32>} : memref<96x128xf32, #tpu.memory_space<vmem>>, vector<1x16xf32>,
        %get3A_377 = vector.shape_cast %get3A_376 : vector<1x16xf32> to vector<16xf32>
        %get3A_378 = arith.index_cast %add3A_305 : i32 to index
        %get3A_379 = arith.constant 80 : index
        %get3A_380 = tpu.vector_load %arg11[%get3A_378, %get3A_379] {strides = array<i32>} : memref<96x128xf32, #tpu.memory_space<vmem>>, vector<1x16xf32>,
        %get3A_381 = vector.shape_cast %get3A_380 : vector<1x16xf32> to vector<16xf32>
        %mul3A_382 = arith.mulf %get3A_377, %get3A_381 : vector<16xf32>
        %swap3A_383 = arith.index_cast %add3A_305 : i32 to index
        %swap3A_384 = arith.constant 80 : index
        %swap3A_385 = tpu.vector_load %arg9[%swap3A_383, %swap3A_384] {strides = array<i32>} : memref<96x128xf32, #tpu.memory_space<vmem>>, vector<1x16xf32>,
        %swap3A_386 = vector.shape_cast %swap3A_385 : vector<1x16xf32> to vector<16xf32>
        %swap3A_387 = vector.shape_cast %mul3A_382 : vector<16xf32> to vector<1x16xf32>
        tpu.vector_store %arg9[%swap3A_383, %swap3A_384], %swap3A_387 {strides = array<i32>} : memref<96x128xf32, #tpu.memory_space<vmem>>, vector<1x16xf32>,
        %get3A_388 = arith.index_cast %add3A_305 : i32 to index
        %get3A_389 = arith.constant 96 : index
        %get3A_390 = tpu.vector_load %arg9[%get3A_388, %get3A_389] {strides = array<i32>} : memref<96x128xf32, #tpu.memory_space<vmem>>, vector<1x16xf32>,
        %get3A_391 = vector.shape_cast %get3A_390 : vector<1x16xf32> to vector<16xf32>
        %get3A_392 = arith.index_cast %add3A_305 : i32 to index
        %get3A_393 = arith.constant 96 : index
        %get3A_394 = tpu.vector_load %arg11[%get3A_392, %get3A_393] {strides = array<i32>} : memref<96x128xf32, #tpu.memory_space<vmem>>, vector<1x16xf32>,
        %get3A_395 = vector.shape_cast %get3A_394 : vector<1x16xf32> to vector<16xf32>
        %mul3A_396 = arith.mulf %get3A_391, %get3A_395 : vector<16xf32>
        %swap3A_397 = arith.index_cast %add3A_305 : i32 to index
        %swap3A_398 = arith.constant 96 : index
        %swap3A_399 = tpu.vector_load %arg9[%swap3A_397, %swap3A_398] {strides = array<i32>} : memref<96x128xf32, #tpu.memory_space<vmem>>, vector<1x16xf32>,
        %swap3A_400 = vector.shape_cast %swap3A_399 : vector<1x16xf32> to vector<16xf32>
        %swap3A_401 = vector.shape_cast %mul3A_396 : vector<16xf32> to vector<1x16xf32>
        tpu.vector_store %arg9[%swap3A_397, %swap3A_398], %swap3A_401 {strides = array<i32>} : memref<96x128xf32, #tpu.memory_space<vmem>>, vector<1x16xf32>,
        %get3A_402 = arith.index_cast %add3A_305 : i32 to index
        %get3A_403 = arith.constant 112 : index
        %get3A_404 = tpu.vector_load %arg9[%get3A_402, %get3A_403] {strides = array<i32>} : memref<96x128xf32, #tpu.memory_space<vmem>>, vector<1x16xf32>,
        %get3A_405 = vector.shape_cast %get3A_404 : vector<1x16xf32> to vector<16xf32>
        %get3A_406 = arith.index_cast %add3A_305 : i32 to index
        %get3A_407 = arith.constant 112 : index
        %get3A_408 = tpu.vector_load %arg11[%get3A_406, %get3A_407] {strides = array<i32>} : memref<96x128xf32, #tpu.memory_space<vmem>>, vector<1x16xf32>,
        %get3A_409 = vector.shape_cast %get3A_408 : vector<1x16xf32> to vector<16xf32>
        %mul3A_410 = arith.mulf %get3A_405, %get3A_409 : vector<16xf32>
        %swap3A_411 = arith.index_cast %add3A_305 : i32 to index
        %swap3A_412 = arith.constant 112 : index
        %swap3A_413 = tpu.vector_load %arg9[%swap3A_411, %swap3A_412] {strides = array<i32>} : memref<96x128xf32, #tpu.memory_space<vmem>>, vector<1x16xf32>,
        %swap3A_414 = vector.shape_cast %swap3A_413 : vector<1x16xf32> to vector<16xf32>
        %swap3A_415 = vector.shape_cast %mul3A_410 : vector<16xf32> to vector<1x16xf32>
        tpu.vector_store %arg9[%swap3A_411, %swap3A_412], %swap3A_415 {strides = array<i32>} : memref<96x128xf32, #tpu.memory_space<vmem>>, vector<1x16xf32>,
        %mul3A_416 = arith.constant 2 : i32
        %mul3A_417 = arith.muli %scan3A_300, %mul3A_416 : i32
        %add3A_418 = arith.constant 1 : i32
        %add3A_419 = arith.addi %mul3A_417, %add3A_418 : i32
        %get3A_420 = arith.index_cast %add3A_419 : i32 to index
        %get3A_421 = arith.constant 0 : index
        %get3A_422 = tpu.vector_load %arg9[%get3A_420, %get3A_421] {strides = array<i32>} : memref<96x128xf32, #tpu.memory_space<vmem>>, vector<1x16xf32>,
        %get3A_423 = vector.shape_cast %get3A_422 : vector<1x16xf32> to vector<16xf32>
        %get3A_424 = arith.index_cast %add3A_419 : i32 to index
        %get3A_425 = arith.constant 0 : index
        %get3A_426 = tpu.vector_load %arg11[%get3A_424, %get3A_425] {strides = array<i32>} : memref<96x128xf32, #tpu.memory_space<vmem>>, vector<1x16xf32>,
        %get3A_427 = vector.shape_cast %get3A_426 : vector<1x16xf32> to vector<16xf32>
        %mul3A_428 = arith.mulf %get3A_423, %get3A_427 : vector<16xf32>
        %swap3A_429 = arith.index_cast %add3A_419 : i32 to index
        %swap3A_430 = arith.constant 0 : index
        %swap3A_431 = tpu.vector_load %arg9[%swap3A_429, %swap3A_430] {strides = array<i32>} : memref<96x128xf32, #tpu.memory_space<vmem>>, vector<1x16xf32>,
        %swap3A_432 = vector.shape_cast %swap3A_431 : vector<1x16xf32> to vector<16xf32>
        %swap3A_433 = vector.shape_cast %mul3A_428 : vector<16xf32> to vector<1x16xf32>
        tpu.vector_store %arg9[%swap3A_429, %swap3A_430], %swap3A_433 {strides = array<i32>} : memref<96x128xf32, #tpu.memory_space<vmem>>, vector<1x16xf32>,
        %get3A_434 = arith.index_cast %add3A_419 : i32 to index
        %get3A_435 = arith.constant 16 : index
        %get3A_436 = tpu.vector_load %arg9[%get3A_434, %get3A_435] {strides = array<i32>} : memref<96x128xf32, #tpu.memory_space<vmem>>, vector<1x16xf32>,
        %get3A_437 = vector.shape_cast %get3A_436 : vector<1x16xf32> to vector<16xf32>
        %get3A_438 = arith.index_cast %add3A_419 : i32 to index
        %get3A_439 = arith.constant 16 : index
        %get3A_440 = tpu.vector_load %arg11[%get3A_438, %get3A_439] {strides = array<i32>} : memref<96x128xf32, #tpu.memory_space<vmem>>, vector<1x16xf32>,
        %get3A_441 = vector.shape_cast %get3A_440 : vector<1x16xf32> to vector<16xf32>
        %mul3A_442 = arith.mulf %get3A_437, %get3A_441 : vector<16xf32>
        %swap3A_443 = arith.index_cast %add3A_419 : i32 to index
        %swap3A_444 = arith.constant 16 : index
        %swap3A_445 = tpu.vector_load %arg9[%swap3A_443, %swap3A_444] {strides = array<i32>} : memref<96x128xf32, #tpu.memory_space<vmem>>, vector<1x16xf32>,
        %swap3A_446 = vector.shape_cast %swap3A_445 : vector<1x16xf32> to vector<16xf32>
        %swap3A_447 = vector.shape_cast %mul3A_442 : vector<16xf32> to vector<1x16xf32>
        tpu.vector_store %arg9[%swap3A_443, %swap3A_444], %swap3A_447 {strides = array<i32>} : memref<96x128xf32, #tpu.memory_space<vmem>>, vector<1x16xf32>,
        %get3A_448 = arith.index_cast %add3A_419 : i32 to index
        %get3A_449 = arith.constant 32 : index
        %get3A_450 = tpu.vector_load %arg9[%get3A_448, %get3A_449] {strides = array<i32>} : memref<96x128xf32, #tpu.memory_space<vmem>>, vector<1x16xf32>,
        %get3A_451 = vector.shape_cast %get3A_450 : vector<1x16xf32> to vector<16xf32>
        %get3A_452 = arith.index_cast %add3A_419 : i32 to index
        %get3A_453 = arith.constant 32 : index
        %get3A_454 = tpu.vector_load %arg11[%get3A_452, %get3A_453] {strides = array<i32>} : memref<96x128xf32, #tpu.memory_space<vmem>>, vector<1x16xf32>,
        %get3A_455 = vector.shape_cast %get3A_454 : vector<1x16xf32> to vector<16xf32>
        %mul3A_456 = arith.mulf %get3A_451, %get3A_455 : vector<16xf32>
        %swap3A_457 = arith.index_cast %add3A_419 : i32 to index
        %swap3A_458 = arith.constant 32 : index
        %swap3A_459 = tpu.vector_load %arg9[%swap3A_457, %swap3A_458] {strides = array<i32>} : memref<96x128xf32, #tpu.memory_space<vmem>>, vector<1x16xf32>,
        %swap3A_460 = vector.shape_cast %swap3A_459 : vector<1x16xf32> to vector<16xf32>
        %swap3A_461 = vector.shape_cast %mul3A_456 : vector<16xf32> to vector<1x16xf32>
        tpu.vector_store %arg9[%swap3A_457, %swap3A_458], %swap3A_461 {strides = array<i32>} : memref<96x128xf32, #tpu.memory_space<vmem>>, vector<1x16xf32>,
        %get3A_462 = arith.index_cast %add3A_419 : i32 to index
        %get3A_463 = arith.constant 48 : index
        %get3A_464 = tpu.vector_load %arg9[%get3A_462, %get3A_463] {strides = array<i32>} : memref<96x128xf32, #tpu.memory_space<vmem>>, vector<1x16xf32>,
        %get3A_465 = vector.shape_cast %get3A_464 : vector<1x16xf32> to vector<16xf32>
        %get3A_466 = arith.index_cast %add3A_419 : i32 to index
        %get3A_467 = arith.constant 48 : index
        %get3A_468 = tpu.vector_load %arg11[%get3A_466, %get3A_467] {strides = array<i32>} : memref<96x128xf32, #tpu.memory_space<vmem>>, vector<1x16xf32>,
        %get3A_469 = vector.shape_cast %get3A_468 : vector<1x16xf32> to vector<16xf32>
        %mul3A_470 = arith.mulf %get3A_465, %get3A_469 : vector<16xf32>
        %swap3A_471 = arith.index_cast %add3A_419 : i32 to index
        %swap3A_472 = arith.constant 48 : index
        %swap3A_473 = tpu.vector_load %arg9[%swap3A_471, %swap3A_472] {strides = array<i32>} : memref<96x128xf32, #tpu.memory_space<vmem>>, vector<1x16xf32>,
        %swap3A_474 = vector.shape_cast %swap3A_473 : vector<1x16xf32> to vector<16xf32>
        %swap3A_475 = vector.shape_cast %mul3A_470 : vector<16xf32> to vector<1x16xf32>
        tpu.vector_store %arg9[%swap3A_471, %swap3A_472], %swap3A_475 {strides = array<i32>} : memref<96x128xf32, #tpu.memory_space<vmem>>, vector<1x16xf32>,
        %get3A_476 = arith.index_cast %add3A_419 : i32 to index
        %get3A_477 = arith.constant 64 : index
        %get3A_478 = tpu.vector_load %arg9[%get3A_476, %get3A_477] {strides = array<i32>} : memref<96x128xf32, #tpu.memory_space<vmem>>, vector<1x16xf32>,
        %get3A_479 = vector.shape_cast %get3A_478 : vector<1x16xf32> to vector<16xf32>
        %get3A_480 = arith.index_cast %add3A_419 : i32 to index
        %get3A_481 = arith.constant 64 : index
        %get3A_482 = tpu.vector_load %arg11[%get3A_480, %get3A_481] {strides = array<i32>} : memref<96x128xf32, #tpu.memory_space<vmem>>, vector<1x16xf32>,
        %get3A_483 = vector.shape_cast %get3A_482 : vector<1x16xf32> to vector<16xf32>
        %mul3A_484 = arith.mulf %get3A_479, %get3A_483 : vector<16xf32>
        %swap3A_485 = arith.index_cast %add3A_419 : i32 to index
        %swap3A_486 = arith.constant 64 : index
        %swap3A_487 = tpu.vector_load %arg9[%swap3A_485, %swap3A_486] {strides = array<i32>} : memref<96x128xf32, #tpu.memory_space<vmem>>, vector<1x16xf32>,
        %swap3A_488 = vector.shape_cast %swap3A_487 : vector<1x16xf32> to vector<16xf32>
        %swap3A_489 = vector.shape_cast %mul3A_484 : vector<16xf32> to vector<1x16xf32>
        tpu.vector_store %arg9[%swap3A_485, %swap3A_486], %swap3A_489 {strides = array<i32>} : memref<96x128xf32, #tpu.memory_space<vmem>>, vector<1x16xf32>,
        %get3A_490 = arith.index_cast %add3A_419 : i32 to index
        %get3A_491 = arith.constant 80 : index
        %get3A_492 = tpu.vector_load %arg9[%get3A_490, %get3A_491] {strides = array<i32>} : memref<96x128xf32, #tpu.memory_space<vmem>>, vector<1x16xf32>,
        %get3A_493 = vector.shape_cast %get3A_492 : vector<1x16xf32> to vector<16xf32>
        %get3A_494 = arith.index_cast %add3A_419 : i32 to index
        %get3A_495 = arith.constant 80 : index
        %get3A_496 = tpu.vector_load %arg11[%get3A_494, %get3A_495] {strides = array<i32>} : memref<96x128xf32, #tpu.memory_space<vmem>>, vector<1x16xf32>,
        %get3A_497 = vector.shape_cast %get3A_496 : vector<1x16xf32> to vector<16xf32>
        %mul3A_498 = arith.mulf %get3A_493, %get3A_497 : vector<16xf32>
        %swap3A_499 = arith.index_cast %add3A_419 : i32 to index
        %swap3A_500 = arith.constant 80 : index
        %swap3A_501 = tpu.vector_load %arg9[%swap3A_499, %swap3A_500] {strides = array<i32>} : memref<96x128xf32, #tpu.memory_space<vmem>>, vector<1x16xf32>,
        %swap3A_502 = vector.shape_cast %swap3A_501 : vector<1x16xf32> to vector<16xf32>
        %swap3A_503 = vector.shape_cast %mul3A_498 : vector<16xf32> to vector<1x16xf32>
        tpu.vector_store %arg9[%swap3A_499, %swap3A_500], %swap3A_503 {strides = array<i32>} : memref<96x128xf32, #tpu.memory_space<vmem>>, vector<1x16xf32>,
        %get3A_504 = arith.index_cast %add3A_419 : i32 to index
        %get3A_505 = arith.constant 96 : index
        %get3A_506 = tpu.vector_load %arg9[%get3A_504, %get3A_505] {strides = array<i32>} : memref<96x128xf32, #tpu.memory_space<vmem>>, vector<1x16xf32>,
        %get3A_507 = vector.shape_cast %get3A_506 : vector<1x16xf32> to vector<16xf32>
        %get3A_508 = arith.index_cast %add3A_419 : i32 to index
        %get3A_509 = arith.constant 96 : index
        %get3A_510 = tpu.vector_load %arg11[%get3A_508, %get3A_509] {strides = array<i32>} : memref<96x128xf32, #tpu.memory_space<vmem>>, vector<1x16xf32>,
        %get3A_511 = vector.shape_cast %get3A_510 : vector<1x16xf32> to vector<16xf32>
        %mul3A_512 = arith.mulf %get3A_507, %get3A_511 : vector<16xf32>
        %swap3A_513 = arith.index_cast %add3A_419 : i32 to index
        %swap3A_514 = arith.constant 96 : index
        %swap3A_515 = tpu.vector_load %arg9[%swap3A_513, %swap3A_514] {strides = array<i32>} : memref<96x128xf32, #tpu.memory_space<vmem>>, vector<1x16xf32>,
        %swap3A_516 = vector.shape_cast %swap3A_515 : vector<1x16xf32> to vector<16xf32>
        %swap3A_517 = vector.shape_cast %mul3A_512 : vector<16xf32> to vector<1x16xf32>
        tpu.vector_store %arg9[%swap3A_513, %swap3A_514], %swap3A_517 {strides = array<i32>} : memref<96x128xf32, #tpu.memory_space<vmem>>, vector<1x16xf32>,
        %get3A_518 = arith.index_cast %add3A_419 : i32 to index
        %get3A_519 = arith.constant 112 : index
        %get3A_520 = tpu.vector_load %arg9[%get3A_518, %get3A_519] {strides = array<i32>} : memref<96x128xf32, #tpu.memory_space<vmem>>, vector<1x16xf32>,
        %get3A_521 = vector.shape_cast %get3A_520 : vector<1x16xf32> to vector<16xf32>
        %get3A_522 = arith.index_cast %add3A_419 : i32 to index
        %get3A_523 = arith.constant 112 : index
        %get3A_524 = tpu.vector_load %arg11[%get3A_522, %get3A_523] {strides = array<i32>} : memref<96x128xf32, #tpu.memory_space<vmem>>, vector<1x16xf32>,
        %get3A_525 = vector.shape_cast %get3A_524 : vector<1x16xf32> to vector<16xf32>
        %mul3A_526 = arith.mulf %get3A_521, %get3A_525 : vector<16xf32>
        %swap3A_527 = arith.index_cast %add3A_419 : i32 to index
        %swap3A_528 = arith.constant 112 : index
        %swap3A_529 = tpu.vector_load %arg9[%swap3A_527, %swap3A_528] {strides = array<i32>} : memref<96x128xf32, #tpu.memory_space<vmem>>, vector<1x16xf32>,
        %swap3A_530 = vector.shape_cast %swap3A_529 : vector<1x16xf32> to vector<16xf32>
        %swap3A_531 = vector.shape_cast %mul3A_526 : vector<16xf32> to vector<1x16xf32>
        tpu.vector_store %arg9[%swap3A_527, %swap3A_528], %swap3A_531 {strides = array<i32>} : memref<96x128xf32, #tpu.memory_space<vmem>>, vector<1x16xf32>,
        %scan3A_532 = arith.constant 0 : i32
        scf.yield %scan3A_532 : i32
      }
      %scan3A_282 = arith.constant 48 : i32
      %add3A_283 = arith.constant 2 : i32
      %add3A_284 = arith.addi %add3A_242, %add3A_283 : i32
      %min3A_285 = arith.constant 51 : i32
      %min3A_286 = arith.minsi %add3A_284, %min3A_285 : i32
      %mul3A_287 = arith.constant 96 : i32
      %mul3A_288 = arith.muli %min3A_286, %mul3A_287 : i32
      %add3A_289 = arith.addi %mul3A_2, %mul3A_288 : i32
      %dma_start3A_290 = arith.constant 0 : i32
      %dma_start3A_291 = tpu.memref_slice %arg3[%add3A_289, %dma_start3A_290] : memref<160000x128xf32, #tpu.memory_space<hbm>> -> memref<96x128xf32, #tpu.memory_space<hbm>>
      %dma_start3A_292 = arith.constant 0 : i32
      %dma_start3A_293 = tpu.memref_slice %arg3[%add3A_289, %dma_start3A_292] : memref<160000x128xf32, #tpu.memory_space<hbm>> -> memref<96x128xf32, #tpu.memory_space<hbm>>
      tpu.enqueue_dma source(%dma_start3A_293 : memref<96x128xf32, #tpu.memory_space<hbm>>) target(%arg11 : memref<96x128xf32, #tpu.memory_space<vmem>>) target_semaphore(%arg25 : memref<!tpu.dma_semaphore, #tpu.memory_space<semaphore_mem>>)
      %dma_wait3A_294 = tpu.memref_slice %arg4[%mul3A_2] : memref<160000xi32, #tpu.memory_space<hbm>> -> memref<96xi32, #tpu.memory_space<hbm>>
      %dma_wait3A_295 = tpu.memref_slice %arg4[%mul3A_2] : memref<160000xi32, #tpu.memory_space<hbm>> -> memref<96xi32, #tpu.memory_space<hbm>>
      tpu.wait_dma2 semaphore(%arg23 : memref<!tpu.dma_semaphore, #tpu.memory_space<semaphore_mem>>) src(%dma_wait3A_295 : memref<96xi32, #tpu.memory_space<hbm>>) dst(%arg15 : memref<96xi32, #tpu.memory_space<vmem>>)
      %dma_start3A_296 = arith.constant 0 : i32
      %dma_start3A_297 = arith.constant 0 : i32
      %dma_start3A_298 = tpu.memref_slice %arg7[%dma_start3A_296, %dma_start3A_297] : memref<10112x128xf32, #tpu.memory_space<vmem_shared>> -> memref<10112x128xf32, #tpu.memory_space<vmem_shared>>
      tpu.enqueue_indirect_dma source(%arg9 : memref<96x128xf32, #tpu.memory_space<vmem>>) target(%dma_start3A_298 : memref<10112x128xf32, #tpu.memory_space<vmem_shared>>) offsets(%arg15 : memref<96xi32, #tpu.memory_space<vmem>>) semaphore(%arg27 : memref<!tpu.dma_semaphore, #tpu.memory_space<semaphore_mem>>) {add = true}
      %scan3A_299 = arith.constant 0 : i32
      scf.yield %scan3A_299 : i32
    }
    %scan3A_140 = arith.constant 26 : i32
    %dma_wait3A_141 = arith.constant 0 : i32
    %dma_wait3A_142 = arith.constant 0 : i32
    %dma_wait3A_143 = tpu.memref_slice %arg2[%dma_wait3A_141, %dma_wait3A_142] : memref<10000x128xf32, #tpu.memory_space<hbm>> -> memref<10000x128xf32, #tpu.memory_space<hbm>>
    tpu.wait_indirect_dma semaphore(%arg18 : memref<!tpu.dma_semaphore, #tpu.memory_space<semaphore_mem>>) src(%dma_wait3A_143 : memref<10000x128xf32, #tpu.memory_space<hbm>>) dst(%arg8 : memref<96x128xf32, #tpu.memory_space<vmem>>)
    %dma_wait3A_144 = tpu.memref_slice %arg5[%mul3A_2] : memref<160000xi32, #tpu.memory_space<hbm>> -> memref<96xi32, #tpu.memory_space<hbm>>
    %dma_wait3A_145 = tpu.memref_slice %arg5[%mul3A_2] : memref<160000xi32, #tpu.memory_space<hbm>> -> memref<96xi32, #tpu.memory_space<hbm>>
    tpu.wait_dma2 semaphore(%arg21 : memref<!tpu.dma_semaphore, #tpu.memory_space<semaphore_mem>>) src(%dma_wait3A_145 : memref<96xi32, #tpu.memory_space<hbm>>) dst(%arg14 : memref<96xi32, #tpu.memory_space<vmem>>)
    %dma_wait3A_146 = tpu.memref_slice %arg4[%mul3A_2] : memref<160000xi32, #tpu.memory_space<hbm>> -> memref<96xi32, #tpu.memory_space<hbm>>
    %dma_wait3A_147 = tpu.memref_slice %arg4[%mul3A_2] : memref<160000xi32, #tpu.memory_space<hbm>> -> memref<96xi32, #tpu.memory_space<hbm>>
    tpu.wait_dma2 semaphore(%arg22 : memref<!tpu.dma_semaphore, #tpu.memory_space<semaphore_mem>>) src(%dma_wait3A_147 : memref<96xi32, #tpu.memory_space<hbm>>) dst(%arg13 : memref<96xi32, #tpu.memory_space<vmem>>)
    %dma_wait3A_148 = arith.constant 0 : i32
    %dma_wait3A_149 = tpu.memref_slice %arg3[%mul3A_2, %dma_wait3A_148] : memref<160000x128xf32, #tpu.memory_space<hbm>> -> memref<96x128xf32, #tpu.memory_space<hbm>>
    %dma_wait3A_150 = arith.constant 0 : i32
    %dma_wait3A_151 = tpu.memref_slice %arg3[%mul3A_2, %dma_wait3A_150] : memref<160000x128xf32, #tpu.memory_space<hbm>> -> memref<96x128xf32, #tpu.memory_space<hbm>>
    tpu.wait_dma2 semaphore(%arg24 : memref<!tpu.dma_semaphore, #tpu.memory_space<semaphore_mem>>) src(%dma_wait3A_151 : memref<96x128xf32, #tpu.memory_space<hbm>>) dst(%arg10 : memref<96x128xf32, #tpu.memory_space<vmem>>)
    %dma_wait3A_152 = arith.constant 0 : i32
    %dma_wait3A_153 = tpu.memref_slice %arg3[%mul3A_2, %dma_wait3A_152] : memref<160000x128xf32, #tpu.memory_space<hbm>> -> memref<96x128xf32, #tpu.memory_space<hbm>>
    %dma_wait3A_154 = arith.constant 0 : i32
    %dma_wait3A_155 = tpu.memref_slice %arg3[%mul3A_2, %dma_wait3A_154] : memref<160000x128xf32, #tpu.memory_space<hbm>> -> memref<96x128xf32, #tpu.memory_space<hbm>>
    tpu.wait_dma2 semaphore(%arg25 : memref<!tpu.dma_semaphore, #tpu.memory_space<semaphore_mem>>) src(%dma_wait3A_155 : memref<96x128xf32, #tpu.memory_space<hbm>>) dst(%arg11 : memref<96x128xf32, #tpu.memory_space<vmem>>)
    %dma_wait3A_156 = arith.constant 0 : i32
    %dma_wait3A_157 = arith.constant 0 : i32
    %dma_wait3A_158 = tpu.memref_slice %arg7[%dma_wait3A_156, %dma_wait3A_157] : memref<10112x128xf32, #tpu.memory_space<vmem_shared>> -> memref<10112x128xf32, #tpu.memory_space<vmem_shared>>
    tpu.wait_indirect_dma semaphore(%arg27 : memref<!tpu.dma_semaphore, #tpu.memory_space<semaphore_mem>>) src(%arg9 : memref<96x128xf32, #tpu.memory_space<vmem>>) dst(%dma_wait3A_158 : memref<10112x128xf32, #tpu.memory_space<vmem_shared>>)
    %add3A_159 = arith.constant 4992 : i32
    %add3A_160 = arith.addi %mul3A_2, %add3A_159 : i32
    "tpu.region"() ({
      %run_scoped3A = tpu.sem_alloc : memref<!tpu.dma_semaphore, #tpu.memory_space<semaphore_mem>>
      %dma_start3A_181 = tpu.memref_slice %arg5[%add3A_160] : memref<160000xi32, #tpu.memory_space<hbm>> -> memref<8xi32, #tpu.memory_space<hbm>>
      %dma_start3A_182 = tpu.memref_slice %arg5[%add3A_160] : memref<160000xi32, #tpu.memory_space<hbm>> -> memref<8xi32, #tpu.memory_space<hbm>>
      tpu.enqueue_dma source(%dma_start3A_182 : memref<8xi32, #tpu.memory_space<hbm>>) target(%arg16 : memref<8xi32, #tpu.memory_space<vmem>>) target_semaphore(%run_scoped3A : memref<!tpu.dma_semaphore, #tpu.memory_space<semaphore_mem>>)
      %dma_wait3A_183 = tpu.memref_slice %arg5[%add3A_160] : memref<160000xi32, #tpu.memory_space<hbm>> -> memref<8xi32, #tpu.memory_space<hbm>>
      %dma_wait3A_184 = tpu.memref_slice %arg5[%add3A_160] : memref<160000xi32, #tpu.memory_space<hbm>> -> memref<8xi32, #tpu.memory_space<hbm>>
      tpu.wait_dma2 semaphore(%run_scoped3A : memref<!tpu.dma_semaphore, #tpu.memory_space<semaphore_mem>>) src(%dma_wait3A_184 : memref<8xi32, #tpu.memory_space<hbm>>) dst(%arg16 : memref<8xi32, #tpu.memory_space<vmem>>)
      tpu.yield
    }) : () -> ()
    "tpu.region"() ({
      %run_scoped3A = tpu.sem_alloc : memref<!tpu.dma_semaphore, #tpu.memory_space<semaphore_mem>>
      %dma_start3A_181 = tpu.memref_slice %arg4[%add3A_160] : memref<160000xi32, #tpu.memory_space<hbm>> -> memref<8xi32, #tpu.memory_space<hbm>>
      %dma_start3A_182 = tpu.memref_slice %arg4[%add3A_160] : memref<160000xi32, #tpu.memory_space<hbm>> -> memref<8xi32, #tpu.memory_space<hbm>>
      tpu.enqueue_dma source(%dma_start3A_182 : memref<8xi32, #tpu.memory_space<hbm>>) target(%arg17 : memref<8xi32, #tpu.memory_space<vmem>>) target_semaphore(%run_scoped3A : memref<!tpu.dma_semaphore, #tpu.memory_space<semaphore_mem>>)
      %dma_wait3A_183 = tpu.memref_slice %arg4[%add3A_160] : memref<160000xi32, #tpu.memory_space<hbm>> -> memref<8xi32, #tpu.memory_space<hbm>>
      %dma_wait3A_184 = tpu.memref_slice %arg4[%add3A_160] : memref<160000xi32, #tpu.memory_space<hbm>> -> memref<8xi32, #tpu.memory_space<hbm>>
      tpu.wait_dma2 semaphore(%run_scoped3A : memref<!tpu.dma_semaphore, #tpu.memory_space<semaphore_mem>>) src(%dma_wait3A_184 : memref<8xi32, #tpu.memory_space<hbm>>) dst(%arg17 : memref<8xi32, #tpu.memory_space<vmem>>)
      tpu.yield
    }) : () -> ()
    %dma_start3A_161 = arith.constant 0 : i32
    %dma_start3A_162 = arith.constant 0 : i32
    %dma_start3A_163 = tpu.memref_slice %arg8[%dma_start3A_161, %dma_start3A_162] : memref<96x128xf32, #tpu.memory_space<vmem>> -> memref<8x128xf32, #tpu.memory_space<vmem>>
    %dma_start3A_164 = arith.constant 0 : i32
    %dma_start3A_165 = arith.constant 0 : i32
    %dma_start3A_166 = tpu.memref_slice %arg2[%dma_start3A_164, %dma_start3A_165] : memref<10000x128xf32, #tpu.memory_space<hbm>> -> memref<10000x128xf32, #tpu.memory_space<hbm>>
    tpu.enqueue_indirect_dma source(%dma_start3A_166 : memref<10000x128xf32, #tpu.memory_space<hbm>>) target(%dma_start3A_163 : memref<8x128xf32, #tpu.memory_space<vmem>>) offsets(%arg16 : memref<8xi32, #tpu.memory_space<vmem>>) semaphore(%arg18 : memref<!tpu.dma_semaphore, #tpu.memory_space<semaphore_mem>>)
    %dma_wait3A_167 = arith.constant 0 : i32
    %dma_wait3A_168 = arith.constant 0 : i32
    %dma_wait3A_169 = tpu.memref_slice %arg8[%dma_wait3A_167, %dma_wait3A_168] : memref<96x128xf32, #tpu.memory_space<vmem>> -> memref<8x128xf32, #tpu.memory_space<vmem>>
    %dma_wait3A_170 = arith.constant 0 : i32
    %dma_wait3A_171 = arith.constant 0 : i32
    %dma_wait3A_172 = tpu.memref_slice %arg2[%dma_wait3A_170, %dma_wait3A_171] : memref<10000x128xf32, #tpu.memory_space<hbm>> -> memref<10000x128xf32, #tpu.memory_space<hbm>>
    tpu.wait_indirect_dma semaphore(%arg18 : memref<!tpu.dma_semaphore, #tpu.memory_space<semaphore_mem>>) src(%dma_wait3A_172 : memref<10000x128xf32, #tpu.memory_space<hbm>>) dst(%dma_wait3A_169 : memref<8x128xf32, #tpu.memory_space<vmem>>)
    "tpu.region"() ({
      %run_scoped3A = tpu.sem_alloc : memref<!tpu.dma_semaphore, #tpu.memory_space<semaphore_mem>>
      %dma_start3A_181 = arith.constant 0 : i32
      %dma_start3A_182 = arith.constant 0 : i32
      %dma_start3A_183 = tpu.memref_slice %arg10[%dma_start3A_181, %dma_start3A_182] : memref<96x128xf32, #tpu.memory_space<vmem>> -> memref<8x128xf32, #tpu.memory_space<vmem>>
      %dma_start3A_184 = arith.constant 0 : i32
      %dma_start3A_185 = tpu.memref_slice %arg3[%add3A_160, %dma_start3A_184] : memref<160000x128xf32, #tpu.memory_space<hbm>> -> memref<8x128xf32, #tpu.memory_space<hbm>>
      %dma_start3A_186 = arith.constant 0 : i32
      %dma_start3A_187 = arith.constant 0 : i32
      %dma_start3A_188 = tpu.memref_slice %arg10[%dma_start3A_186, %dma_start3A_187] : memref<96x128xf32, #tpu.memory_space<vmem>> -> memref<8x128xf32, #tpu.memory_space<vmem>>
      %dma_start3A_189 = arith.constant 0 : i32
      %dma_start3A_190 = tpu.memref_slice %arg3[%add3A_160, %dma_start3A_189] : memref<160000x128xf32, #tpu.memory_space<hbm>> -> memref<8x128xf32, #tpu.memory_space<hbm>>
      tpu.enqueue_dma source(%dma_start3A_190 : memref<8x128xf32, #tpu.memory_space<hbm>>) target(%dma_start3A_188 : memref<8x128xf32, #tpu.memory_space<vmem>>) target_semaphore(%run_scoped3A : memref<!tpu.dma_semaphore, #tpu.memory_space<semaphore_mem>>)
      %dma_wait3A_191 = arith.constant 0 : i32
      %dma_wait3A_192 = arith.constant 0 : i32
      %dma_wait3A_193 = tpu.memref_slice %arg10[%dma_wait3A_191, %dma_wait3A_192] : memref<96x128xf32, #tpu.memory_space<vmem>> -> memref<8x128xf32, #tpu.memory_space<vmem>>
      %dma_wait3A_194 = arith.constant 0 : i32
      %dma_wait3A_195 = tpu.memref_slice %arg3[%add3A_160, %dma_wait3A_194] : memref<160000x128xf32, #tpu.memory_space<hbm>> -> memref<8x128xf32, #tpu.memory_space<hbm>>
      %dma_wait3A_196 = arith.constant 0 : i32
      %dma_wait3A_197 = arith.constant 0 : i32
      %dma_wait3A_198 = tpu.memref_slice %arg10[%dma_wait3A_196, %dma_wait3A_197] : memref<96x128xf32, #tpu.memory_space<vmem>> -> memref<8x128xf32, #tpu.memory_space<vmem>>
      %dma_wait3A_199 = arith.constant 0 : i32
      %dma_wait3A_200 = tpu.memref_slice %arg3[%add3A_160, %dma_wait3A_199] : memref<160000x128xf32, #tpu.memory_space<hbm>> -> memref<8x128xf32, #tpu.memory_space<hbm>>
      tpu.wait_dma2 semaphore(%run_scoped3A : memref<!tpu.dma_semaphore, #tpu.memory_space<semaphore_mem>>) src(%dma_wait3A_200 : memref<8x128xf32, #tpu.memory_space<hbm>>) dst(%dma_wait3A_198 : memref<8x128xf32, #tpu.memory_space<vmem>>)
      tpu.yield
    }) : () -> ()
    %scan3A_173 = arith.constant 0 : i32
    %scan3A_174 = arith.constant 0 : i32
    %scan3A_175 = arith.constant 4 : i32
    %scan3A_176 = arith.addi %scan3A_174, %scan3A_175 : i32
    %scan3A_177 = arith.constant 1 : i32
    %scan3A_178 = scf.for %scan3A_181 = %scan3A_174 to %scan3A_176 step %scan3A_177 iter_args(%scan3A_182 = %scan3A_173) -> (i32)  : i32 {
      %mul3A_183 = arith.constant 2 : i32
      %mul3A_184 = arith.muli %scan3A_181, %mul3A_183 : i32
      %add3A_185 = arith.constant 0 : i32
      %add3A_186 = arith.addi %mul3A_184, %add3A_185 : i32
      %get3A = arith.index_cast %add3A_186 : i32 to index
      %get3A_187 = arith.constant 0 : index
      %get3A_188 = tpu.vector_load %arg8[%get3A, %get3A_187] {strides = array<i32>} : memref<96x128xf32, #tpu.memory_space<vmem>>, vector<1x16xf32>,
      %get3A_189 = vector.shape_cast %get3A_188 : vector<1x16xf32> to vector<16xf32>
      %get3A_190 = arith.index_cast %add3A_186 : i32 to index
      %get3A_191 = arith.constant 0 : index
      %get3A_192 = tpu.vector_load %arg10[%get3A_190, %get3A_191] {strides = array<i32>} : memref<96x128xf32, #tpu.memory_space<vmem>>, vector<1x16xf32>,
      %get3A_193 = vector.shape_cast %get3A_192 : vector<1x16xf32> to vector<16xf32>
      %mul3A_194 = arith.mulf %get3A_189, %get3A_193 : vector<16xf32>
      %swap3A = arith.index_cast %add3A_186 : i32 to index
      %swap3A_195 = arith.constant 0 : index
      %swap3A_196 = tpu.vector_load %arg8[%swap3A, %swap3A_195] {strides = array<i32>} : memref<96x128xf32, #tpu.memory_space<vmem>>, vector<1x16xf32>,
      %swap3A_197 = vector.shape_cast %swap3A_196 : vector<1x16xf32> to vector<16xf32>
      %swap3A_198 = vector.shape_cast %mul3A_194 : vector<16xf32> to vector<1x16xf32>
      tpu.vector_store %arg8[%swap3A, %swap3A_195], %swap3A_198 {strides = array<i32>} : memref<96x128xf32, #tpu.memory_space<vmem>>, vector<1x16xf32>,
      %get3A_199 = arith.index_cast %add3A_186 : i32 to index
      %get3A_200 = arith.constant 16 : index
      %get3A_201 = tpu.vector_load %arg8[%get3A_199, %get3A_200] {strides = array<i32>} : memref<96x128xf32, #tpu.memory_space<vmem>>, vector<1x16xf32>,
      %get3A_202 = vector.shape_cast %get3A_201 : vector<1x16xf32> to vector<16xf32>
      %get3A_203 = arith.index_cast %add3A_186 : i32 to index
      %get3A_204 = arith.constant 16 : index
      %get3A_205 = tpu.vector_load %arg10[%get3A_203, %get3A_204] {strides = array<i32>} : memref<96x128xf32, #tpu.memory_space<vmem>>, vector<1x16xf32>,
      %get3A_206 = vector.shape_cast %get3A_205 : vector<1x16xf32> to vector<16xf32>
      %mul3A_207 = arith.mulf %get3A_202, %get3A_206 : vector<16xf32>
      %swap3A_208 = arith.index_cast %add3A_186 : i32 to index
      %swap3A_209 = arith.constant 16 : index
      %swap3A_210 = tpu.vector_load %arg8[%swap3A_208, %swap3A_209] {strides = array<i32>} : memref<96x128xf32, #tpu.memory_space<vmem>>, vector<1x16xf32>,
      %swap3A_211 = vector.shape_cast %swap3A_210 : vector<1x16xf32> to vector<16xf32>
      %swap3A_212 = vector.shape_cast %mul3A_207 : vector<16xf32> to vector<1x16xf32>
      tpu.vector_store %arg8[%swap3A_208, %swap3A_209], %swap3A_212 {strides = array<i32>} : memref<96x128xf32, #tpu.memory_space<vmem>>, vector<1x16xf32>,
      %get3A_213 = arith.index_cast %add3A_186 : i32 to index
      %get3A_214 = arith.constant 32 : index
      %get3A_215 = tpu.vector_load %arg8[%get3A_213, %get3A_214] {strides = array<i32>} : memref<96x128xf32, #tpu.memory_space<vmem>>, vector<1x16xf32>,
      %get3A_216 = vector.shape_cast %get3A_215 : vector<1x16xf32> to vector<16xf32>
      %get3A_217 = arith.index_cast %add3A_186 : i32 to index
      %get3A_218 = arith.constant 32 : index
      %get3A_219 = tpu.vector_load %arg10[%get3A_217, %get3A_218] {strides = array<i32>} : memref<96x128xf32, #tpu.memory_space<vmem>>, vector<1x16xf32>,
      %get3A_220 = vector.shape_cast %get3A_219 : vector<1x16xf32> to vector<16xf32>
      %mul3A_221 = arith.mulf %get3A_216, %get3A_220 : vector<16xf32>
      %swap3A_222 = arith.index_cast %add3A_186 : i32 to index
      %swap3A_223 = arith.constant 32 : index
      %swap3A_224 = tpu.vector_load %arg8[%swap3A_222, %swap3A_223] {strides = array<i32>} : memref<96x128xf32, #tpu.memory_space<vmem>>, vector<1x16xf32>,
      %swap3A_225 = vector.shape_cast %swap3A_224 : vector<1x16xf32> to vector<16xf32>
      %swap3A_226 = vector.shape_cast %mul3A_221 : vector<16xf32> to vector<1x16xf32>
      tpu.vector_store %arg8[%swap3A_222, %swap3A_223], %swap3A_226 {strides = array<i32>} : memref<96x128xf32, #tpu.memory_space<vmem>>, vector<1x16xf32>,
      %get3A_227 = arith.index_cast %add3A_186 : i32 to index
      %get3A_228 = arith.constant 48 : index
      %get3A_229 = tpu.vector_load %arg8[%get3A_227, %get3A_228] {strides = array<i32>} : memref<96x128xf32, #tpu.memory_space<vmem>>, vector<1x16xf32>,
      %get3A_230 = vector.shape_cast %get3A_229 : vector<1x16xf32> to vector<16xf32>
      %get3A_231 = arith.index_cast %add3A_186 : i32 to index
      %get3A_232 = arith.constant 48 : index
      %get3A_233 = tpu.vector_load %arg10[%get3A_231, %get3A_232] {strides = array<i32>} : memref<96x128xf32, #tpu.memory_space<vmem>>, vector<1x16xf32>,
      %get3A_234 = vector.shape_cast %get3A_233 : vector<1x16xf32> to vector<16xf32>
      %mul3A_235 = arith.mulf %get3A_230, %get3A_234 : vector<16xf32>
      %swap3A_236 = arith.index_cast %add3A_186 : i32 to index
      %swap3A_237 = arith.constant 48 : index
      %swap3A_238 = tpu.vector_load %arg8[%swap3A_236, %swap3A_237] {strides = array<i32>} : memref<96x128xf32, #tpu.memory_space<vmem>>, vector<1x16xf32>,
      %swap3A_239 = vector.shape_cast %swap3A_238 : vector<1x16xf32> to vector<16xf32>
      %swap3A_240 = vector.shape_cast %mul3A_235 : vector<16xf32> to vector<1x16xf32>
      tpu.vector_store %arg8[%swap3A_236, %swap3A_237], %swap3A_240 {strides = array<i32>} : memref<96x128xf32, #tpu.memory_space<vmem>>, vector<1x16xf32>,
      %get3A_241 = arith.index_cast %add3A_186 : i32 to index
      %get3A_242 = arith.constant 64 : index
      %get3A_243 = tpu.vector_load %arg8[%get3A_241, %get3A_242] {strides = array<i32>} : memref<96x128xf32, #tpu.memory_space<vmem>>, vector<1x16xf32>,
      %get3A_244 = vector.shape_cast %get3A_243 : vector<1x16xf32> to vector<16xf32>
      %get3A_245 = arith.index_cast %add3A_186 : i32 to index
      %get3A_246 = arith.constant 64 : index
      %get3A_247 = tpu.vector_load %arg10[%get3A_245, %get3A_246] {strides = array<i32>} : memref<96x128xf32, #tpu.memory_space<vmem>>, vector<1x16xf32>,
      %get3A_248 = vector.shape_cast %get3A_247 : vector<1x16xf32> to vector<16xf32>
      %mul3A_249 = arith.mulf %get3A_244, %get3A_248 : vector<16xf32>
      %swap3A_250 = arith.index_cast %add3A_186 : i32 to index
      %swap3A_251 = arith.constant 64 : index
      %swap3A_252 = tpu.vector_load %arg8[%swap3A_250, %swap3A_251] {strides = array<i32>} : memref<96x128xf32, #tpu.memory_space<vmem>>, vector<1x16xf32>,
      %swap3A_253 = vector.shape_cast %swap3A_252 : vector<1x16xf32> to vector<16xf32>
      %swap3A_254 = vector.shape_cast %mul3A_249 : vector<16xf32> to vector<1x16xf32>
      tpu.vector_store %arg8[%swap3A_250, %swap3A_251], %swap3A_254 {strides = array<i32>} : memref<96x128xf32, #tpu.memory_space<vmem>>, vector<1x16xf32>,
      %get3A_255 = arith.index_cast %add3A_186 : i32 to index
      %get3A_256 = arith.constant 80 : index
      %get3A_257 = tpu.vector_load %arg8[%get3A_255, %get3A_256] {strides = array<i32>} : memref<96x128xf32, #tpu.memory_space<vmem>>, vector<1x16xf32>,
      %get3A_258 = vector.shape_cast %get3A_257 : vector<1x16xf32> to vector<16xf32>
      %get3A_259 = arith.index_cast %add3A_186 : i32 to index
      %get3A_260 = arith.constant 80 : index
      %get3A_261 = tpu.vector_load %arg10[%get3A_259, %get3A_260] {strides = array<i32>} : memref<96x128xf32, #tpu.memory_space<vmem>>, vector<1x16xf32>,
      %get3A_262 = vector.shape_cast %get3A_261 : vector<1x16xf32> to vector<16xf32>
      %mul3A_263 = arith.mulf %get3A_258, %get3A_262 : vector<16xf32>
      %swap3A_264 = arith.index_cast %add3A_186 : i32 to index
      %swap3A_265 = arith.constant 80 : index
      %swap3A_266 = tpu.vector_load %arg8[%swap3A_264, %swap3A_265] {strides = array<i32>} : memref<96x128xf32, #tpu.memory_space<vmem>>, vector<1x16xf32>,
      %swap3A_267 = vector.shape_cast %swap3A_266 : vector<1x16xf32> to vector<16xf32>
      %swap3A_268 = vector.shape_cast %mul3A_263 : vector<16xf32> to vector<1x16xf32>
      tpu.vector_store %arg8[%swap3A_264, %swap3A_265], %swap3A_268 {strides = array<i32>} : memref<96x128xf32, #tpu.memory_space<vmem>>, vector<1x16xf32>,
      %get3A_269 = arith.index_cast %add3A_186 : i32 to index
      %get3A_270 = arith.constant 96 : index
      %get3A_271 = tpu.vector_load %arg8[%get3A_269, %get3A_270] {strides = array<i32>} : memref<96x128xf32, #tpu.memory_space<vmem>>, vector<1x16xf32>,
      %get3A_272 = vector.shape_cast %get3A_271 : vector<1x16xf32> to vector<16xf32>
      %get3A_273 = arith.index_cast %add3A_186 : i32 to index
      %get3A_274 = arith.constant 96 : index
      %get3A_275 = tpu.vector_load %arg10[%get3A_273, %get3A_274] {strides = array<i32>} : memref<96x128xf32, #tpu.memory_space<vmem>>, vector<1x16xf32>,
      %get3A_276 = vector.shape_cast %get3A_275 : vector<1x16xf32> to vector<16xf32>
      %mul3A_277 = arith.mulf %get3A_272, %get3A_276 : vector<16xf32>
      %swap3A_278 = arith.index_cast %add3A_186 : i32 to index
      %swap3A_279 = arith.constant 96 : index
      %swap3A_280 = tpu.vector_load %arg8[%swap3A_278, %swap3A_279] {strides = array<i32>} : memref<96x128xf32, #tpu.memory_space<vmem>>, vector<1x16xf32>,
      %swap3A_281 = vector.shape_cast %swap3A_280 : vector<1x16xf32> to vector<16xf32>
      %swap3A_282 = vector.shape_cast %mul3A_277 : vector<16xf32> to vector<1x16xf32>
      tpu.vector_store %arg8[%swap3A_278, %swap3A_279], %swap3A_282 {strides = array<i32>} : memref<96x128xf32, #tpu.memory_space<vmem>>, vector<1x16xf32>,
      %get3A_283 = arith.index_cast %add3A_186 : i32 to index
      %get3A_284 = arith.constant 112 : index
      %get3A_285 = tpu.vector_load %arg8[%get3A_283, %get3A_284] {strides = array<i32>} : memref<96x128xf32, #tpu.memory_space<vmem>>, vector<1x16xf32>,
      %get3A_286 = vector.shape_cast %get3A_285 : vector<1x16xf32> to vector<16xf32>
      %get3A_287 = arith.index_cast %add3A_186 : i32 to index
      %get3A_288 = arith.constant 112 : index
      %get3A_289 = tpu.vector_load %arg10[%get3A_287, %get3A_288] {strides = array<i32>} : memref<96x128xf32, #tpu.memory_space<vmem>>, vector<1x16xf32>,
      %get3A_290 = vector.shape_cast %get3A_289 : vector<1x16xf32> to vector<16xf32>
      %mul3A_291 = arith.mulf %get3A_286, %get3A_290 : vector<16xf32>
      %swap3A_292 = arith.index_cast %add3A_186 : i32 to index
      %swap3A_293 = arith.constant 112 : index
      %swap3A_294 = tpu.vector_load %arg8[%swap3A_292, %swap3A_293] {strides = array<i32>} : memref<96x128xf32, #tpu.memory_space<vmem>>, vector<1x16xf32>,
      %swap3A_295 = vector.shape_cast %swap3A_294 : vector<1x16xf32> to vector<16xf32>
      %swap3A_296 = vector.shape_cast %mul3A_291 : vector<16xf32> to vector<1x16xf32>
      tpu.vector_store %arg8[%swap3A_292, %swap3A_293], %swap3A_296 {strides = array<i32>} : memref<96x128xf32, #tpu.memory_space<vmem>>, vector<1x16xf32>,
      %mul3A_297 = arith.constant 2 : i32
      %mul3A_298 = arith.muli %scan3A_181, %mul3A_297 : i32
      %add3A_299 = arith.constant 1 : i32
      %add3A_300 = arith.addi %mul3A_298, %add3A_299 : i32
      %get3A_301 = arith.index_cast %add3A_300 : i32 to index
      %get3A_302 = arith.constant 0 : index
      %get3A_303 = tpu.vector_load %arg8[%get3A_301, %get3A_302] {strides = array<i32>} : memref<96x128xf32, #tpu.memory_space<vmem>>, vector<1x16xf32>,
      %get3A_304 = vector.shape_cast %get3A_303 : vector<1x16xf32> to vector<16xf32>
      %get3A_305 = arith.index_cast %add3A_300 : i32 to index
      %get3A_306 = arith.constant 0 : index
      %get3A_307 = tpu.vector_load %arg10[%get3A_305, %get3A_306] {strides = array<i32>} : memref<96x128xf32, #tpu.memory_space<vmem>>, vector<1x16xf32>,
      %get3A_308 = vector.shape_cast %get3A_307 : vector<1x16xf32> to vector<16xf32>
      %mul3A_309 = arith.mulf %get3A_304, %get3A_308 : vector<16xf32>
      %swap3A_310 = arith.index_cast %add3A_300 : i32 to index
      %swap3A_311 = arith.constant 0 : index
      %swap3A_312 = tpu.vector_load %arg8[%swap3A_310, %swap3A_311] {strides = array<i32>} : memref<96x128xf32, #tpu.memory_space<vmem>>, vector<1x16xf32>,
      %swap3A_313 = vector.shape_cast %swap3A_312 : vector<1x16xf32> to vector<16xf32>
      %swap3A_314 = vector.shape_cast %mul3A_309 : vector<16xf32> to vector<1x16xf32>
      tpu.vector_store %arg8[%swap3A_310, %swap3A_311], %swap3A_314 {strides = array<i32>} : memref<96x128xf32, #tpu.memory_space<vmem>>, vector<1x16xf32>,
      %get3A_315 = arith.index_cast %add3A_300 : i32 to index
      %get3A_316 = arith.constant 16 : index
      %get3A_317 = tpu.vector_load %arg8[%get3A_315, %get3A_316] {strides = array<i32>} : memref<96x128xf32, #tpu.memory_space<vmem>>, vector<1x16xf32>,
      %get3A_318 = vector.shape_cast %get3A_317 : vector<1x16xf32> to vector<16xf32>
      %get3A_319 = arith.index_cast %add3A_300 : i32 to index
      %get3A_320 = arith.constant 16 : index
      %get3A_321 = tpu.vector_load %arg10[%get3A_319, %get3A_320] {strides = array<i32>} : memref<96x128xf32, #tpu.memory_space<vmem>>, vector<1x16xf32>,
      %get3A_322 = vector.shape_cast %get3A_321 : vector<1x16xf32> to vector<16xf32>
      %mul3A_323 = arith.mulf %get3A_318, %get3A_322 : vector<16xf32>
      %swap3A_324 = arith.index_cast %add3A_300 : i32 to index
      %swap3A_325 = arith.constant 16 : index
      %swap3A_326 = tpu.vector_load %arg8[%swap3A_324, %swap3A_325] {strides = array<i32>} : memref<96x128xf32, #tpu.memory_space<vmem>>, vector<1x16xf32>,
      %swap3A_327 = vector.shape_cast %swap3A_326 : vector<1x16xf32> to vector<16xf32>
      %swap3A_328 = vector.shape_cast %mul3A_323 : vector<16xf32> to vector<1x16xf32>
      tpu.vector_store %arg8[%swap3A_324, %swap3A_325], %swap3A_328 {strides = array<i32>} : memref<96x128xf32, #tpu.memory_space<vmem>>, vector<1x16xf32>,
      %get3A_329 = arith.index_cast %add3A_300 : i32 to index
      %get3A_330 = arith.constant 32 : index
      %get3A_331 = tpu.vector_load %arg8[%get3A_329, %get3A_330] {strides = array<i32>} : memref<96x128xf32, #tpu.memory_space<vmem>>, vector<1x16xf32>,
      %get3A_332 = vector.shape_cast %get3A_331 : vector<1x16xf32> to vector<16xf32>
      %get3A_333 = arith.index_cast %add3A_300 : i32 to index
      %get3A_334 = arith.constant 32 : index
      %get3A_335 = tpu.vector_load %arg10[%get3A_333, %get3A_334] {strides = array<i32>} : memref<96x128xf32, #tpu.memory_space<vmem>>, vector<1x16xf32>,
      %get3A_336 = vector.shape_cast %get3A_335 : vector<1x16xf32> to vector<16xf32>
      %mul3A_337 = arith.mulf %get3A_332, %get3A_336 : vector<16xf32>
      %swap3A_338 = arith.index_cast %add3A_300 : i32 to index
      %swap3A_339 = arith.constant 32 : index
      %swap3A_340 = tpu.vector_load %arg8[%swap3A_338, %swap3A_339] {strides = array<i32>} : memref<96x128xf32, #tpu.memory_space<vmem>>, vector<1x16xf32>,
      %swap3A_341 = vector.shape_cast %swap3A_340 : vector<1x16xf32> to vector<16xf32>
      %swap3A_342 = vector.shape_cast %mul3A_337 : vector<16xf32> to vector<1x16xf32>
      tpu.vector_store %arg8[%swap3A_338, %swap3A_339], %swap3A_342 {strides = array<i32>} : memref<96x128xf32, #tpu.memory_space<vmem>>, vector<1x16xf32>,
      %get3A_343 = arith.index_cast %add3A_300 : i32 to index
      %get3A_344 = arith.constant 48 : index
      %get3A_345 = tpu.vector_load %arg8[%get3A_343, %get3A_344] {strides = array<i32>} : memref<96x128xf32, #tpu.memory_space<vmem>>, vector<1x16xf32>,
      %get3A_346 = vector.shape_cast %get3A_345 : vector<1x16xf32> to vector<16xf32>
      %get3A_347 = arith.index_cast %add3A_300 : i32 to index
      %get3A_348 = arith.constant 48 : index
      %get3A_349 = tpu.vector_load %arg10[%get3A_347, %get3A_348] {strides = array<i32>} : memref<96x128xf32, #tpu.memory_space<vmem>>, vector<1x16xf32>,
      %get3A_350 = vector.shape_cast %get3A_349 : vector<1x16xf32> to vector<16xf32>
      %mul3A_351 = arith.mulf %get3A_346, %get3A_350 : vector<16xf32>
      %swap3A_352 = arith.index_cast %add3A_300 : i32 to index
      %swap3A_353 = arith.constant 48 : index
      %swap3A_354 = tpu.vector_load %arg8[%swap3A_352, %swap3A_353] {strides = array<i32>} : memref<96x128xf32, #tpu.memory_space<vmem>>, vector<1x16xf32>,
      %swap3A_355 = vector.shape_cast %swap3A_354 : vector<1x16xf32> to vector<16xf32>
      %swap3A_356 = vector.shape_cast %mul3A_351 : vector<16xf32> to vector<1x16xf32>
      tpu.vector_store %arg8[%swap3A_352, %swap3A_353], %swap3A_356 {strides = array<i32>} : memref<96x128xf32, #tpu.memory_space<vmem>>, vector<1x16xf32>,
      %get3A_357 = arith.index_cast %add3A_300 : i32 to index
      %get3A_358 = arith.constant 64 : index
      %get3A_359 = tpu.vector_load %arg8[%get3A_357, %get3A_358] {strides = array<i32>} : memref<96x128xf32, #tpu.memory_space<vmem>>, vector<1x16xf32>,
      %get3A_360 = vector.shape_cast %get3A_359 : vector<1x16xf32> to vector<16xf32>
      %get3A_361 = arith.index_cast %add3A_300 : i32 to index
      %get3A_362 = arith.constant 64 : index
      %get3A_363 = tpu.vector_load %arg10[%get3A_361, %get3A_362] {strides = array<i32>} : memref<96x128xf32, #tpu.memory_space<vmem>>, vector<1x16xf32>,
      %get3A_364 = vector.shape_cast %get3A_363 : vector<1x16xf32> to vector<16xf32>
      %mul3A_365 = arith.mulf %get3A_360, %get3A_364 : vector<16xf32>
      %swap3A_366 = arith.index_cast %add3A_300 : i32 to index
      %swap3A_367 = arith.constant 64 : index
      %swap3A_368 = tpu.vector_load %arg8[%swap3A_366, %swap3A_367] {strides = array<i32>} : memref<96x128xf32, #tpu.memory_space<vmem>>, vector<1x16xf32>,
      %swap3A_369 = vector.shape_cast %swap3A_368 : vector<1x16xf32> to vector<16xf32>
      %swap3A_370 = vector.shape_cast %mul3A_365 : vector<16xf32> to vector<1x16xf32>
      tpu.vector_store %arg8[%swap3A_366, %swap3A_367], %swap3A_370 {strides = array<i32>} : memref<96x128xf32, #tpu.memory_space<vmem>>, vector<1x16xf32>,
      %get3A_371 = arith.index_cast %add3A_300 : i32 to index
      %get3A_372 = arith.constant 80 : index
      %get3A_373 = tpu.vector_load %arg8[%get3A_371, %get3A_372] {strides = array<i32>} : memref<96x128xf32, #tpu.memory_space<vmem>>, vector<1x16xf32>,
      %get3A_374 = vector.shape_cast %get3A_373 : vector<1x16xf32> to vector<16xf32>
      %get3A_375 = arith.index_cast %add3A_300 : i32 to index
      %get3A_376 = arith.constant 80 : index
      %get3A_377 = tpu.vector_load %arg10[%get3A_375, %get3A_376] {strides = array<i32>} : memref<96x128xf32, #tpu.memory_space<vmem>>, vector<1x16xf32>,
      %get3A_378 = vector.shape_cast %get3A_377 : vector<1x16xf32> to vector<16xf32>
      %mul3A_379 = arith.mulf %get3A_374, %get3A_378 : vector<16xf32>
      %swap3A_380 = arith.index_cast %add3A_300 : i32 to index
      %swap3A_381 = arith.constant 80 : index
      %swap3A_382 = tpu.vector_load %arg8[%swap3A_380, %swap3A_381] {strides = array<i32>} : memref<96x128xf32, #tpu.memory_space<vmem>>, vector<1x16xf32>,
      %swap3A_383 = vector.shape_cast %swap3A_382 : vector<1x16xf32> to vector<16xf32>
      %swap3A_384 = vector.shape_cast %mul3A_379 : vector<16xf32> to vector<1x16xf32>
      tpu.vector_store %arg8[%swap3A_380, %swap3A_381], %swap3A_384 {strides = array<i32>} : memref<96x128xf32, #tpu.memory_space<vmem>>, vector<1x16xf32>,
      %get3A_385 = arith.index_cast %add3A_300 : i32 to index
      %get3A_386 = arith.constant 96 : index
      %get3A_387 = tpu.vector_load %arg8[%get3A_385, %get3A_386] {strides = array<i32>} : memref<96x128xf32, #tpu.memory_space<vmem>>, vector<1x16xf32>,
      %get3A_388 = vector.shape_cast %get3A_387 : vector<1x16xf32> to vector<16xf32>
      %get3A_389 = arith.index_cast %add3A_300 : i32 to index
      %get3A_390 = arith.constant 96 : index
      %get3A_391 = tpu.vector_load %arg10[%get3A_389, %get3A_390] {strides = array<i32>} : memref<96x128xf32, #tpu.memory_space<vmem>>, vector<1x16xf32>,
      %get3A_392 = vector.shape_cast %get3A_391 : vector<1x16xf32> to vector<16xf32>
      %mul3A_393 = arith.mulf %get3A_388, %get3A_392 : vector<16xf32>
      %swap3A_394 = arith.index_cast %add3A_300 : i32 to index
      %swap3A_395 = arith.constant 96 : index
      %swap3A_396 = tpu.vector_load %arg8[%swap3A_394, %swap3A_395] {strides = array<i32>} : memref<96x128xf32, #tpu.memory_space<vmem>>, vector<1x16xf32>,
      %swap3A_397 = vector.shape_cast %swap3A_396 : vector<1x16xf32> to vector<16xf32>
      %swap3A_398 = vector.shape_cast %mul3A_393 : vector<16xf32> to vector<1x16xf32>
      tpu.vector_store %arg8[%swap3A_394, %swap3A_395], %swap3A_398 {strides = array<i32>} : memref<96x128xf32, #tpu.memory_space<vmem>>, vector<1x16xf32>,
      %get3A_399 = arith.index_cast %add3A_300 : i32 to index
      %get3A_400 = arith.constant 112 : index
      %get3A_401 = tpu.vector_load %arg8[%get3A_399, %get3A_400] {strides = array<i32>} : memref<96x128xf32, #tpu.memory_space<vmem>>, vector<1x16xf32>,
      %get3A_402 = vector.shape_cast %get3A_401 : vector<1x16xf32> to vector<16xf32>
      %get3A_403 = arith.index_cast %add3A_300 : i32 to index
      %get3A_404 = arith.constant 112 : index
      %get3A_405 = tpu.vector_load %arg10[%get3A_403, %get3A_404] {strides = array<i32>} : memref<96x128xf32, #tpu.memory_space<vmem>>, vector<1x16xf32>,
      %get3A_406 = vector.shape_cast %get3A_405 : vector<1x16xf32> to vector<16xf32>
      %mul3A_407 = arith.mulf %get3A_402, %get3A_406 : vector<16xf32>
      %swap3A_408 = arith.index_cast %add3A_300 : i32 to index
      %swap3A_409 = arith.constant 112 : index
      %swap3A_410 = tpu.vector_load %arg8[%swap3A_408, %swap3A_409] {strides = array<i32>} : memref<96x128xf32, #tpu.memory_space<vmem>>, vector<1x16xf32>,
      %swap3A_411 = vector.shape_cast %swap3A_410 : vector<1x16xf32> to vector<16xf32>
      %swap3A_412 = vector.shape_cast %mul3A_407 : vector<16xf32> to vector<1x16xf32>
      tpu.vector_store %arg8[%swap3A_408, %swap3A_409], %swap3A_412 {strides = array<i32>} : memref<96x128xf32, #tpu.memory_space<vmem>>, vector<1x16xf32>,
      %scan3A_413 = arith.constant 0 : i32
      scf.yield %scan3A_413 : i32
    }
    %scan3A_179 = arith.constant 4 : i32
    "tpu.region"() ({
      %run_scoped3A = tpu.sem_alloc : memref<!tpu.dma_semaphore, #tpu.memory_space<semaphore_mem>>
      %dma_start3A_181 = arith.constant 0 : i32
      %dma_start3A_182 = arith.constant 0 : i32
      %dma_start3A_183 = tpu.memref_slice %arg8[%dma_start3A_181, %dma_start3A_182] : memref<96x128xf32, #tpu.memory_space<vmem>> -> memref<8x128xf32, #tpu.memory_space<vmem>>
      %dma_start3A_184 = arith.constant 0 : i32
      %dma_start3A_185 = arith.constant 0 : i32
      %dma_start3A_186 = tpu.memref_slice %arg7[%dma_start3A_184, %dma_start3A_185] : memref<10112x128xf32, #tpu.memory_space<vmem_shared>> -> memref<10112x128xf32, #tpu.memory_space<vmem_shared>>
      tpu.enqueue_indirect_dma source(%dma_start3A_183 : memref<8x128xf32, #tpu.memory_space<vmem>>) target(%dma_start3A_186 : memref<10112x128xf32, #tpu.memory_space<vmem_shared>>) offsets(%arg17 : memref<8xi32, #tpu.memory_space<vmem>>) semaphore(%run_scoped3A : memref<!tpu.dma_semaphore, #tpu.memory_space<semaphore_mem>>) {add = true}
      %dma_wait3A_187 = arith.constant 0 : i32
      %dma_wait3A_188 = arith.constant 0 : i32
      %dma_wait3A_189 = tpu.memref_slice %arg8[%dma_wait3A_187, %dma_wait3A_188] : memref<96x128xf32, #tpu.memory_space<vmem>> -> memref<8x128xf32, #tpu.memory_space<vmem>>
      %dma_wait3A_190 = arith.constant 0 : i32
      %dma_wait3A_191 = arith.constant 0 : i32
      %dma_wait3A_192 = tpu.memref_slice %arg7[%dma_wait3A_190, %dma_wait3A_191] : memref<10112x128xf32, #tpu.memory_space<vmem_shared>> -> memref<10112x128xf32, #tpu.memory_space<vmem_shared>>
      tpu.wait_indirect_dma semaphore(%run_scoped3A : memref<!tpu.dma_semaphore, #tpu.memory_space<semaphore_mem>>) src(%dma_wait3A_189 : memref<8x128xf32, #tpu.memory_space<vmem>>) dst(%dma_wait3A_192 : memref<10112x128xf32, #tpu.memory_space<vmem_shared>>)
      tpu.yield
    }) : () -> ()
    %barrier3A_180 = arith.constant 0 : index
    tpu.barrier barrier_id(%barrier3A_180)
    "tpu.region"() ({
      %run_scoped3A = tpu.sem_alloc : memref<!tpu.dma_semaphore, #tpu.memory_space<semaphore_mem>>
      %dma_start3A_181 = arith.constant 0 : i32
      %dma_start3A_182 = tpu.memref_slice %arg6[%arg0, %mul3A_27, %dma_start3A_181] : memref<2x10112x128xf32, #tpu.memory_space<hbm>> -> memref<1x632x128xf32, #tpu.memory_space<hbm>>
      %dma_start3A_183 = tpu.memref_squeeze %dma_start3A_182 : memref<1x632x128xf32, #tpu.memory_space<hbm>> -> memref<632x128xf32, #tpu.memory_space<hbm>>
      %dma_start3A_184 = arith.constant 0 : i32
      %dma_start3A_185 = tpu.memref_slice %arg7[%mul3A_27, %dma_start3A_184] : memref<10112x128xf32, #tpu.memory_space<vmem_shared>> -> memref<632x128xf32, #tpu.memory_space<vmem_shared>>
      tpu.enqueue_dma source(%dma_start3A_185 : memref<632x128xf32, #tpu.memory_space<vmem_shared>>) target(%dma_start3A_183 : memref<632x128xf32, #tpu.memory_space<hbm>>) target_semaphore(%run_scoped3A : memref<!tpu.dma_semaphore, #tpu.memory_space<semaphore_mem>>)
      %dma_wait3A_186 = arith.constant 0 : i32
      %dma_wait3A_187 = tpu.memref_slice %arg6[%arg0, %mul3A_27, %dma_wait3A_186] : memref<2x10112x128xf32, #tpu.memory_space<hbm>> -> memref<1x632x128xf32, #tpu.memory_space<hbm>>
      %dma_wait3A_188 = tpu.memref_squeeze %dma_wait3A_187 : memref<1x632x128xf32, #tpu.memory_space<hbm>> -> memref<632x128xf32, #tpu.memory_space<hbm>>
      %dma_wait3A_189 = arith.constant 0 : i32
      %dma_wait3A_190 = tpu.memref_slice %arg7[%mul3A_27, %dma_wait3A_189] : memref<10112x128xf32, #tpu.memory_space<vmem_shared>> -> memref<632x128xf32, #tpu.memory_space<vmem_shared>>
      tpu.wait_dma2 semaphore(%run_scoped3A : memref<!tpu.dma_semaphore, #tpu.memory_space<semaphore_mem>>) src(%dma_wait3A_190 : memref<632x128xf32, #tpu.memory_space<vmem_shared>>) dst(%dma_wait3A_188 : memref<632x128xf32, #tpu.memory_space<hbm>>)
      tpu.yield
    }) : () -> ()
    return
  }
}

#map = affine_map<(d0, d1) -> (0, 0)>
#map1 = affine_map<(d0, d1) -> (0)>
#map2 = affine_map<(d0, d1) -> (0, 0, 0)>
module attributes {stable_mosaic.version = 14 : i64} {
  func.func @_sc_body(%arg0: i32, %arg1: i32, %arg2: memref<10000x128xf32, #tpu.memory_space<hbm>>, %arg3: memref<160000x128xf32, #tpu.memory_space<hbm>>, %arg4: memref<160000xi32, #tpu.memory_space<hbm>>, %arg5: memref<160000xi32, #tpu.memory_space<hbm>>, %arg6: memref<2x10112x128xf32, #tpu.memory_space<hbm>>, %arg7: memref<10112x128xf32, #tpu.memory_space<vmem_shared>>, %arg8: memref<96x128xf32, #tpu.memory_space<vmem>>, %arg9: memref<96x128xf32, #tpu.memory_space<vmem>>, %arg10: memref<96x128xf32, #tpu.memory_space<vmem>>, %arg11: memref<96x128xf32, #tpu.memory_space<vmem>>, %arg12: memref<96xi32, #tpu.memory_space<vmem>>, %arg13: memref<96xi32, #tpu.memory_space<vmem>>, %arg14: memref<96xi32, #tpu.memory_space<vmem>>, %arg15: memref<96xi32, #tpu.memory_space<vmem>>, %arg16: memref<8xi32, #tpu.memory_space<vmem>>, %arg17: memref<8xi32, #tpu.memory_space<vmem>>, %arg18: memref<!tpu.dma_semaphore, #tpu.memory_space<semaphore_mem>>, %arg19: memref<!tpu.dma_semaphore, #tpu.memory_space<semaphore_mem>>, %arg20: memref<!tpu.dma_semaphore, #tpu.memory_space<semaphore_mem>>, %arg21: memref<!tpu.dma_semaphore, #tpu.memory_space<semaphore_mem>>, %arg22: memref<!tpu.dma_semaphore, #tpu.memory_space<semaphore_mem>>, %arg23: memref<!tpu.dma_semaphore, #tpu.memory_space<semaphore_mem>>, %arg24: memref<!tpu.dma_semaphore, #tpu.memory_space<semaphore_mem>>, %arg25: memref<!tpu.dma_semaphore, #tpu.memory_space<semaphore_mem>>, %arg26: memref<!tpu.dma_semaphore, #tpu.memory_space<semaphore_mem>>, %arg27: memref<!tpu.dma_semaphore, #tpu.memory_space<semaphore_mem>>) attributes {dimension_semantics = [#tpu.dimension_semantics<core_parallel>, #tpu.dimension_semantics<subcore_parallel>], iteration_bounds = array<i64: 2, 16>, scalar_prefetch = 0 : i64, scratch_operands = 21 : i64, tpu.core_type = #tpu.core_type<sc_vector_subcore>, window_params = [{transform_indices = #map}, {transform_indices = #map}, {transform_indices = #map1}, {transform_indices = #map1}, {transform_indices = #map2}]} {
    %mul3A = arith.constant 16 : i32
    %mul3A_0 = arith.muli %arg0, %mul3A : i32
    %add3A = arith.addi %mul3A_0, %arg1 : i32
    %mul3A_1 = arith.constant 5000 : i32
    %mul3A_2 = arith.muli %add3A, %mul3A_1 : i32
    %add3A_3 = arith.constant 0 : i32
    %add3A_4 = arith.addi %mul3A_2, %add3A_3 : i32
    %dma_start3A = tpu.memref_slice %arg5[%add3A_4] : memref<160000xi32, #tpu.memory_space<hbm>> -> memref<96xi32, #tpu.memory_space<hbm>>
    %dma_start3A_5 = tpu.memref_slice %arg5[%add3A_4] : memref<160000xi32, #tpu.memory_space<hbm>> -> memref<96xi32, #tpu.memory_space<hbm>>
    tpu.enqueue_dma source(%dma_start3A_5 : memref<96xi32, #tpu.memory_space<hbm>>) target(%arg12 : memref<96xi32, #tpu.memory_space<vmem>>) target_semaphore(%arg20 : memref<!tpu.dma_semaphore, #tpu.memory_space<semaphore_mem>>)
    %add3A_6 = arith.constant 96 : i32
    %add3A_7 = arith.addi %mul3A_2, %add3A_6 : i32
    %dma_start3A_8 = tpu.memref_slice %arg5[%add3A_7] : memref<160000xi32, #tpu.memory_space<hbm>> -> memref<96xi32, #tpu.memory_space<hbm>>
    %dma_start3A_9 = tpu.memref_slice %arg5[%add3A_7] : memref<160000xi32, #tpu.memory_space<hbm>> -> memref<96xi32, #tpu.memory_space<hbm>>
    tpu.enqueue_dma source(%dma_start3A_9 : memref<96xi32, #tpu.memory_space<hbm>>) target(%arg14 : memref<96xi32, #tpu.memory_space<vmem>>) target_semaphore(%arg21 : memref<!tpu.dma_semaphore, #tpu.memory_space<semaphore_mem>>)
    %add3A_10 = arith.constant 0 : i32
    %add3A_11 = arith.addi %mul3A_2, %add3A_10 : i32
    %dma_start3A_12 = tpu.memref_slice %arg4[%add3A_11] : memref<160000xi32, #tpu.memory_space<hbm>> -> memref<96xi32, #tpu.memory_space<hbm>>
    %dma_start3A_13 = tpu.memref_slice %arg4[%add3A_11] : memref<160000xi32, #tpu.memory_space<hbm>> -> memref<96xi32, #tpu.memory_space<hbm>>
    tpu.enqueue_dma source(%dma_start3A_13 : memref<96xi32, #tpu.memory_space<hbm>>) target(%arg13 : memref<96xi32, #tpu.memory_space<vmem>>) target_semaphore(%arg22 : memref<!tpu.dma_semaphore, #tpu.memory_space<semaphore_mem>>)
    %add3A_14 = arith.constant 0 : i32
    %add3A_15 = arith.addi %mul3A_2, %add3A_14 : i32
    %dma_start3A_16 = arith.constant 0 : i32
    %dma_start3A_17 = tpu.memref_slice %arg3[%add3A_15, %dma_start3A_16] : memref<160000x128xf32, #tpu.memory_space<hbm>> -> memref<96x128xf32, #tpu.memory_space<hbm>>
    %dma_start3A_18 = arith.constant 0 : i32
    %dma_start3A_19 = tpu.memref_slice %arg3[%add3A_15, %dma_start3A_18] : memref<160000x128xf32, #tpu.memory_space<hbm>> -> memref<96x128xf32, #tpu.memory_space<hbm>>
    tpu.enqueue_dma source(%dma_start3A_19 : memref<96x128xf32, #tpu.memory_space<hbm>>) target(%arg10 : memref<96x128xf32, #tpu.memory_space<vmem>>) target_semaphore(%arg24 : memref<!tpu.dma_semaphore, #tpu.memory_space<semaphore_mem>>)
    %add3A_20 = arith.constant 96 : i32
    %add3A_21 = arith.addi %mul3A_2, %add3A_20 : i32
    %dma_start3A_22 = arith.constant 0 : i32
    %dma_start3A_23 = tpu.memref_slice %arg3[%add3A_21, %dma_start3A_22] : memref<160000x128xf32, #tpu.memory_space<hbm>> -> memref<96x128xf32, #tpu.memory_space<hbm>>
    %dma_start3A_24 = arith.constant 0 : i32
    %dma_start3A_25 = tpu.memref_slice %arg3[%add3A_21, %dma_start3A_24] : memref<160000x128xf32, #tpu.memory_space<hbm>> -> memref<96x128xf32, #tpu.memory_space<hbm>>
    tpu.enqueue_dma source(%dma_start3A_25 : memref<96x128xf32, #tpu.memory_space<hbm>>) target(%arg11 : memref<96x128xf32, #tpu.memory_space<vmem>>) target_semaphore(%arg25 : memref<!tpu.dma_semaphore, #tpu.memory_space<semaphore_mem>>)
    %mul3A_26 = arith.constant 632 : i32
    %mul3A_27 = arith.muli %arg1, %mul3A_26 : i32
    %scan3A = arith.constant 0 : i32
    %scan3A_28 = arith.constant 0 : i32
    %scan3A_29 = arith.constant 96 : i32
    %scan3A_30 = arith.addi %scan3A_28, %scan3A_29 : i32
    %scan3A_31 = arith.constant 1 : i32
    %scan3A_32 = scf.for %scan3A_181 = %scan3A_28 to %scan3A_30 step %scan3A_31 iter_args(%scan3A_182 = %scan3A) -> (i32)  : i32 {
      %broadcast_in_dim3A = arith.constant 0.000000e+00 : f32
      %broadcast_in_dim3A_183 = vector.broadcast %broadcast_in_dim3A : f32 to vector<16xf32>
      %swap3A = arith.index_cast %scan3A_181 : i32 to index
      %swap3A_184 = arith.constant 0 : index
      %swap3A_185 = tpu.vector_load %arg8[%swap3A, %swap3A_184] {strides = array<i32>} : memref<96x128xf32, #tpu.memory_space<vmem>>, vector<1x16xf32>,
      %swap3A_186 = vector.shape_cast %swap3A_185 : vector<1x16xf32> to vector<16xf32>
      %swap3A_187 = vector.shape_cast %broadcast_in_dim3A_183 : vector<16xf32> to vector<1x16xf32>
      tpu.vector_store %arg8[%swap3A, %swap3A_184], %swap3A_187 {strides = array<i32>} : memref<96x128xf32, #tpu.memory_space<vmem>>, vector<1x16xf32>,
      %broadcast_in_dim3A_188 = arith.constant 0.000000e+00 : f32
      %broadcast_in_dim3A_189 = vector.broadcast %broadcast_in_dim3A_188 : f32 to vector<16xf32>
      %swap3A_190 = arith.index_cast %scan3A_181 : i32 to index
      %swap3A_191 = arith.constant 16 : index
      %swap3A_192 = tpu.vector_load %arg8[%swap3A_190, %swap3A_191] {strides = array<i32>} : memref<96x128xf32, #tpu.memory_space<vmem>>, vector<1x16xf32>,
      %swap3A_193 = vector.shape_cast %swap3A_192 : vector<1x16xf32> to vector<16xf32>
      %swap3A_194 = vector.shape_cast %broadcast_in_dim3A_189 : vector<16xf32> to vector<1x16xf32>
      tpu.vector_store %arg8[%swap3A_190, %swap3A_191], %swap3A_194 {strides = array<i32>} : memref<96x128xf32, #tpu.memory_space<vmem>>, vector<1x16xf32>,
      %broadcast_in_dim3A_195 = arith.constant 0.000000e+00 : f32
      %broadcast_in_dim3A_196 = vector.broadcast %broadcast_in_dim3A_195 : f32 to vector<16xf32>
      %swap3A_197 = arith.index_cast %scan3A_181 : i32 to index
      %swap3A_198 = arith.constant 32 : index
      %swap3A_199 = tpu.vector_load %arg8[%swap3A_197, %swap3A_198] {strides = array<i32>} : memref<96x128xf32, #tpu.memory_space<vmem>>, vector<1x16xf32>,
      %swap3A_200 = vector.shape_cast %swap3A_199 : vector<1x16xf32> to vector<16xf32>
      %swap3A_201 = vector.shape_cast %broadcast_in_dim3A_196 : vector<16xf32> to vector<1x16xf32>
      tpu.vector_store %arg8[%swap3A_197, %swap3A_198], %swap3A_201 {strides = array<i32>} : memref<96x128xf32, #tpu.memory_space<vmem>>, vector<1x16xf32>,
      %broadcast_in_dim3A_202 = arith.constant 0.000000e+00 : f32
      %broadcast_in_dim3A_203 = vector.broadcast %broadcast_in_dim3A_202 : f32 to vector<16xf32>
      %swap3A_204 = arith.index_cast %scan3A_181 : i32 to index
      %swap3A_205 = arith.constant 48 : index
      %swap3A_206 = tpu.vector_load %arg8[%swap3A_204, %swap3A_205] {strides = array<i32>} : memref<96x128xf32, #tpu.memory_space<vmem>>, vector<1x16xf32>,
      %swap3A_207 = vector.shape_cast %swap3A_206 : vector<1x16xf32> to vector<16xf32>
      %swap3A_208 = vector.shape_cast %broadcast_in_dim3A_203 : vector<16xf32> to vector<1x16xf32>
      tpu.vector_store %arg8[%swap3A_204, %swap3A_205], %swap3A_208 {strides = array<i32>} : memref<96x128xf32, #tpu.memory_space<vmem>>, vector<1x16xf32>,
      %broadcast_in_dim3A_209 = arith.constant 0.000000e+00 : f32
      %broadcast_in_dim3A_210 = vector.broadcast %broadcast_in_dim3A_209 : f32 to vector<16xf32>
      %swap3A_211 = arith.index_cast %scan3A_181 : i32 to index
      %swap3A_212 = arith.constant 64 : index
      %swap3A_213 = tpu.vector_load %arg8[%swap3A_211, %swap3A_212] {strides = array<i32>} : memref<96x128xf32, #tpu.memory_space<vmem>>, vector<1x16xf32>,
      %swap3A_214 = vector.shape_cast %swap3A_213 : vector<1x16xf32> to vector<16xf32>
      %swap3A_215 = vector.shape_cast %broadcast_in_dim3A_210 : vector<16xf32> to vector<1x16xf32>
      tpu.vector_store %arg8[%swap3A_211, %swap3A_212], %swap3A_215 {strides = array<i32>} : memref<96x128xf32, #tpu.memory_space<vmem>>, vector<1x16xf32>,
      %broadcast_in_dim3A_216 = arith.constant 0.000000e+00 : f32
      %broadcast_in_dim3A_217 = vector.broadcast %broadcast_in_dim3A_216 : f32 to vector<16xf32>
      %swap3A_218 = arith.index_cast %scan3A_181 : i32 to index
      %swap3A_219 = arith.constant 80 : index
      %swap3A_220 = tpu.vector_load %arg8[%swap3A_218, %swap3A_219] {strides = array<i32>} : memref<96x128xf32, #tpu.memory_space<vmem>>, vector<1x16xf32>,
      %swap3A_221 = vector.shape_cast %swap3A_220 : vector<1x16xf32> to vector<16xf32>
      %swap3A_222 = vector.shape_cast %broadcast_in_dim3A_217 : vector<16xf32> to vector<1x16xf32>
      tpu.vector_store %arg8[%swap3A_218, %swap3A_219], %swap3A_222 {strides = array<i32>} : memref<96x128xf32, #tpu.memory_space<vmem>>, vector<1x16xf32>,
      %broadcast_in_dim3A_223 = arith.constant 0.000000e+00 : f32
      %broadcast_in_dim3A_224 = vector.broadcast %broadcast_in_dim3A_223 : f32 to vector<16xf32>
      %swap3A_225 = arith.index_cast %scan3A_181 : i32 to index
      %swap3A_226 = arith.constant 96 : index
      %swap3A_227 = tpu.vector_load %arg8[%swap3A_225, %swap3A_226] {strides = array<i32>} : memref<96x128xf32, #tpu.memory_space<vmem>>, vector<1x16xf32>,
      %swap3A_228 = vector.shape_cast %swap3A_227 : vector<1x16xf32> to vector<16xf32>
      %swap3A_229 = vector.shape_cast %broadcast_in_dim3A_224 : vector<16xf32> to vector<1x16xf32>
      tpu.vector_store %arg8[%swap3A_225, %swap3A_226], %swap3A_229 {strides = array<i32>} : memref<96x128xf32, #tpu.memory_space<vmem>>, vector<1x16xf32>,
      %broadcast_in_dim3A_230 = arith.constant 0.000000e+00 : f32
      %broadcast_in_dim3A_231 = vector.broadcast %broadcast_in_dim3A_230 : f32 to vector<16xf32>
      %swap3A_232 = arith.index_cast %scan3A_181 : i32 to index
      %swap3A_233 = arith.constant 112 : index
      %swap3A_234 = tpu.vector_load %arg8[%swap3A_232, %swap3A_233] {strides = array<i32>} : memref<96x128xf32, #tpu.memory_space<vmem>>, vector<1x16xf32>,
      %swap3A_235 = vector.shape_cast %swap3A_234 : vector<1x16xf32> to vector<16xf32>
      %swap3A_236 = vector.shape_cast %broadcast_in_dim3A_231 : vector<16xf32> to vector<1x16xf32>
      tpu.vector_store %arg8[%swap3A_232, %swap3A_233], %swap3A_236 {strides = array<i32>} : memref<96x128xf32, #tpu.memory_space<vmem>>, vector<1x16xf32>,
      %scan3A_237 = arith.constant 0 : i32
      scf.yield %scan3A_237 : i32
    }
    %scan3A_33 = arith.constant 96 : i32
    %add3A_34 = arith.constant 0 : i32
    %add3A_35 = arith.addi %mul3A_27, %add3A_34 : i32
    %dma_start3A_36 = arith.constant 0 : i32
    %dma_start3A_37 = tpu.memref_slice %arg7[%add3A_35, %dma_start3A_36] : memref<10112x128xf32, #tpu.memory_space<vmem_shared>> -> memref<96x128xf32, #tpu.memory_space<vmem_shared>>
    %dma_start3A_38 = arith.constant 0 : i32
    %dma_start3A_39 = tpu.memref_slice %arg7[%add3A_35, %dma_start3A_38] : memref<10112x128xf32, #tpu.memory_space<vmem_shared>> -> memref<96x128xf32, #tpu.memory_space<vmem_shared>>
    tpu.enqueue_dma source(%arg8 : memref<96x128xf32, #tpu.memory_space<vmem>>) target(%dma_start3A_39 : memref<96x128xf32, #tpu.memory_space<vmem_shared>>) target_semaphore(%arg26 : memref<!tpu.dma_semaphore, #tpu.memory_space<semaphore_mem>>)
    %add3A_40 = arith.constant 96 : i32
    %add3A_41 = arith.addi %mul3A_27, %add3A_40 : i32
    %dma_start3A_42 = arith.constant 0 : i32
    %dma_start3A_43 = tpu.memref_slice %arg7[%add3A_41, %dma_start3A_42] : memref<10112x128xf32, #tpu.memory_space<vmem_shared>> -> memref<96x128xf32, #tpu.memory_space<vmem_shared>>
    %dma_start3A_44 = arith.constant 0 : i32
    %dma_start3A_45 = tpu.memref_slice %arg7[%add3A_41, %dma_start3A_44] : memref<10112x128xf32, #tpu.memory_space<vmem_shared>> -> memref<96x128xf32, #tpu.memory_space<vmem_shared>>
    tpu.enqueue_dma source(%arg8 : memref<96x128xf32, #tpu.memory_space<vmem>>) target(%dma_start3A_45 : memref<96x128xf32, #tpu.memory_space<vmem_shared>>) target_semaphore(%arg26 : memref<!tpu.dma_semaphore, #tpu.memory_space<semaphore_mem>>)
    %add3A_46 = arith.constant 192 : i32
    %add3A_47 = arith.addi %mul3A_27, %add3A_46 : i32
    %dma_start3A_48 = arith.constant 0 : i32
    %dma_start3A_49 = tpu.memref_slice %arg7[%add3A_47, %dma_start3A_48] : memref<10112x128xf32, #tpu.memory_space<vmem_shared>> -> memref<96x128xf32, #tpu.memory_space<vmem_shared>>
    %dma_start3A_50 = arith.constant 0 : i32
    %dma_start3A_51 = tpu.memref_slice %arg7[%add3A_47, %dma_start3A_50] : memref<10112x128xf32, #tpu.memory_space<vmem_shared>> -> memref<96x128xf32, #tpu.memory_space<vmem_shared>>
    tpu.enqueue_dma source(%arg8 : memref<96x128xf32, #tpu.memory_space<vmem>>) target(%dma_start3A_51 : memref<96x128xf32, #tpu.memory_space<vmem_shared>>) target_semaphore(%arg26 : memref<!tpu.dma_semaphore, #tpu.memory_space<semaphore_mem>>)
    %add3A_52 = arith.constant 288 : i32
    %add3A_53 = arith.addi %mul3A_27, %add3A_52 : i32
    %dma_start3A_54 = arith.constant 0 : i32
    %dma_start3A_55 = tpu.memref_slice %arg7[%add3A_53, %dma_start3A_54] : memref<10112x128xf32, #tpu.memory_space<vmem_shared>> -> memref<96x128xf32, #tpu.memory_space<vmem_shared>>
    %dma_start3A_56 = arith.constant 0 : i32
    %dma_start3A_57 = tpu.memref_slice %arg7[%add3A_53, %dma_start3A_56] : memref<10112x128xf32, #tpu.memory_space<vmem_shared>> -> memref<96x128xf32, #tpu.memory_space<vmem_shared>>
    tpu.enqueue_dma source(%arg8 : memref<96x128xf32, #tpu.memory_space<vmem>>) target(%dma_start3A_57 : memref<96x128xf32, #tpu.memory_space<vmem_shared>>) target_semaphore(%arg26 : memref<!tpu.dma_semaphore, #tpu.memory_space<semaphore_mem>>)
    %add3A_58 = arith.constant 384 : i32
    %add3A_59 = arith.addi %mul3A_27, %add3A_58 : i32
    %dma_start3A_60 = arith.constant 0 : i32
    %dma_start3A_61 = tpu.memref_slice %arg7[%add3A_59, %dma_start3A_60] : memref<10112x128xf32, #tpu.memory_space<vmem_shared>> -> memref<96x128xf32, #tpu.memory_space<vmem_shared>>
    %dma_start3A_62 = arith.constant 0 : i32
    %dma_start3A_63 = tpu.memref_slice %arg7[%add3A_59, %dma_start3A_62] : memref<10112x128xf32, #tpu.memory_space<vmem_shared>> -> memref<96x128xf32, #tpu.memory_space<vmem_shared>>
    tpu.enqueue_dma source(%arg8 : memref<96x128xf32, #tpu.memory_space<vmem>>) target(%dma_start3A_63 : memref<96x128xf32, #tpu.memory_space<vmem_shared>>) target_semaphore(%arg26 : memref<!tpu.dma_semaphore, #tpu.memory_space<semaphore_mem>>)
    %add3A_64 = arith.constant 480 : i32
    %add3A_65 = arith.addi %mul3A_27, %add3A_64 : i32
    %dma_start3A_66 = arith.constant 0 : i32
    %dma_start3A_67 = tpu.memref_slice %arg7[%add3A_65, %dma_start3A_66] : memref<10112x128xf32, #tpu.memory_space<vmem_shared>> -> memref<96x128xf32, #tpu.memory_space<vmem_shared>>
    %dma_start3A_68 = arith.constant 0 : i32
    %dma_start3A_69 = tpu.memref_slice %arg7[%add3A_65, %dma_start3A_68] : memref<10112x128xf32, #tpu.memory_space<vmem_shared>> -> memref<96x128xf32, #tpu.memory_space<vmem_shared>>
    tpu.enqueue_dma source(%arg8 : memref<96x128xf32, #tpu.memory_space<vmem>>) target(%dma_start3A_69 : memref<96x128xf32, #tpu.memory_space<vmem_shared>>) target_semaphore(%arg26 : memref<!tpu.dma_semaphore, #tpu.memory_space<semaphore_mem>>)
    %add3A_70 = arith.constant 576 : i32
    %add3A_71 = arith.addi %mul3A_27, %add3A_70 : i32
    %dma_start3A_72 = arith.constant 0 : i32
    %dma_start3A_73 = arith.constant 0 : i32
    %dma_start3A_74 = tpu.memref_slice %arg8[%dma_start3A_72, %dma_start3A_73] : memref<96x128xf32, #tpu.memory_space<vmem>> -> memref<56x128xf32, #tpu.memory_space<vmem>>
    %dma_start3A_75 = arith.constant 0 : i32
    %dma_start3A_76 = tpu.memref_slice %arg7[%add3A_71, %dma_start3A_75] : memref<10112x128xf32, #tpu.memory_space<vmem_shared>> -> memref<56x128xf32, #tpu.memory_space<vmem_shared>>
    %dma_start3A_77 = arith.constant 0 : i32
    %dma_start3A_78 = tpu.memref_slice %arg7[%add3A_71, %dma_start3A_77] : memref<10112x128xf32, #tpu.memory_space<vmem_shared>> -> memref<56x128xf32, #tpu.memory_space<vmem_shared>>
    %dma_start3A_79 = arith.constant 0 : i32
    %dma_start3A_80 = arith.constant 0 : i32
    %dma_start3A_81 = tpu.memref_slice %arg8[%dma_start3A_79, %dma_start3A_80] : memref<96x128xf32, #tpu.memory_space<vmem>> -> memref<56x128xf32, #tpu.memory_space<vmem>>
    tpu.enqueue_dma source(%dma_start3A_81 : memref<56x128xf32, #tpu.memory_space<vmem>>) target(%dma_start3A_78 : memref<56x128xf32, #tpu.memory_space<vmem_shared>>) target_semaphore(%arg26 : memref<!tpu.dma_semaphore, #tpu.memory_space<semaphore_mem>>)
    %add3A_82 = arith.constant 0 : i32
    %add3A_83 = arith.addi %mul3A_27, %add3A_82 : i32
    %dma_wait3A = arith.constant 0 : i32
    %dma_wait3A_84 = tpu.memref_slice %arg7[%add3A_83, %dma_wait3A] : memref<10112x128xf32, #tpu.memory_space<vmem_shared>> -> memref<96x128xf32, #tpu.memory_space<vmem_shared>>
    %dma_wait3A_85 = arith.constant 0 : i32
    %dma_wait3A_86 = tpu.memref_slice %arg7[%add3A_83, %dma_wait3A_85] : memref<10112x128xf32, #tpu.memory_space<vmem_shared>> -> memref<96x128xf32, #tpu.memory_space<vmem_shared>>
    tpu.wait_dma2 semaphore(%arg26 : memref<!tpu.dma_semaphore, #tpu.memory_space<semaphore_mem>>) src(%arg8 : memref<96x128xf32, #tpu.memory_space<vmem>>) dst(%dma_wait3A_86 : memref<96x128xf32, #tpu.memory_space<vmem_shared>>)
    %add3A_87 = arith.constant 96 : i32
    %add3A_88 = arith.addi %mul3A_27, %add3A_87 : i32
    %dma_wait3A_89 = arith.constant 0 : i32
    %dma_wait3A_90 = tpu.memref_slice %arg7[%add3A_88, %dma_wait3A_89] : memref<10112x128xf32, #tpu.memory_space<vmem_shared>> -> memref<96x128xf32, #tpu.memory_space<vmem_shared>>
    %dma_wait3A_91 = arith.constant 0 : i32
    %dma_wait3A_92 = tpu.memref_slice %arg7[%add3A_88, %dma_wait3A_91] : memref<10112x128xf32, #tpu.memory_space<vmem_shared>> -> memref<96x128xf32, #tpu.memory_space<vmem_shared>>
    tpu.wait_dma2 semaphore(%arg26 : memref<!tpu.dma_semaphore, #tpu.memory_space<semaphore_mem>>) src(%arg8 : memref<96x128xf32, #tpu.memory_space<vmem>>) dst(%dma_wait3A_92 : memref<96x128xf32, #tpu.memory_space<vmem_shared>>)
    %add3A_93 = arith.constant 192 : i32
    %add3A_94 = arith.addi %mul3A_27, %add3A_93 : i32
    %dma_wait3A_95 = arith.constant 0 : i32
    %dma_wait3A_96 = tpu.memref_slice %arg7[%add3A_94, %dma_wait3A_95] : memref<10112x128xf32, #tpu.memory_space<vmem_shared>> -> memref<96x128xf32, #tpu.memory_space<vmem_shared>>
    %dma_wait3A_97 = arith.constant 0 : i32
    %dma_wait3A_98 = tpu.memref_slice %arg7[%add3A_94, %dma_wait3A_97] : memref<10112x128xf32, #tpu.memory_space<vmem_shared>> -> memref<96x128xf32, #tpu.memory_space<vmem_shared>>
    tpu.wait_dma2 semaphore(%arg26 : memref<!tpu.dma_semaphore, #tpu.memory_space<semaphore_mem>>) src(%arg8 : memref<96x128xf32, #tpu.memory_space<vmem>>) dst(%dma_wait3A_98 : memref<96x128xf32, #tpu.memory_space<vmem_shared>>)
    %add3A_99 = arith.constant 288 : i32
    %add3A_100 = arith.addi %mul3A_27, %add3A_99 : i32
    %dma_wait3A_101 = arith.constant 0 : i32
    %dma_wait3A_102 = tpu.memref_slice %arg7[%add3A_100, %dma_wait3A_101] : memref<10112x128xf32, #tpu.memory_space<vmem_shared>> -> memref<96x128xf32, #tpu.memory_space<vmem_shared>>
    %dma_wait3A_103 = arith.constant 0 : i32
    %dma_wait3A_104 = tpu.memref_slice %arg7[%add3A_100, %dma_wait3A_103] : memref<10112x128xf32, #tpu.memory_space<vmem_shared>> -> memref<96x128xf32, #tpu.memory_space<vmem_shared>>
    tpu.wait_dma2 semaphore(%arg26 : memref<!tpu.dma_semaphore, #tpu.memory_space<semaphore_mem>>) src(%arg8 : memref<96x128xf32, #tpu.memory_space<vmem>>) dst(%dma_wait3A_104 : memref<96x128xf32, #tpu.memory_space<vmem_shared>>)
    %add3A_105 = arith.constant 384 : i32
    %add3A_106 = arith.addi %mul3A_27, %add3A_105 : i32
    %dma_wait3A_107 = arith.constant 0 : i32
    %dma_wait3A_108 = tpu.memref_slice %arg7[%add3A_106, %dma_wait3A_107] : memref<10112x128xf32, #tpu.memory_space<vmem_shared>> -> memref<96x128xf32, #tpu.memory_space<vmem_shared>>
    %dma_wait3A_109 = arith.constant 0 : i32
    %dma_wait3A_110 = tpu.memref_slice %arg7[%add3A_106, %dma_wait3A_109] : memref<10112x128xf32, #tpu.memory_space<vmem_shared>> -> memref<96x128xf32, #tpu.memory_space<vmem_shared>>
    tpu.wait_dma2 semaphore(%arg26 : memref<!tpu.dma_semaphore, #tpu.memory_space<semaphore_mem>>) src(%arg8 : memref<96x128xf32, #tpu.memory_space<vmem>>) dst(%dma_wait3A_110 : memref<96x128xf32, #tpu.memory_space<vmem_shared>>)
    %add3A_111 = arith.constant 480 : i32
    %add3A_112 = arith.addi %mul3A_27, %add3A_111 : i32
    %dma_wait3A_113 = arith.constant 0 : i32
    %dma_wait3A_114 = tpu.memref_slice %arg7[%add3A_112, %dma_wait3A_113] : memref<10112x128xf32, #tpu.memory_space<vmem_shared>> -> memref<96x128xf32, #tpu.memory_space<vmem_shared>>
    %dma_wait3A_115 = arith.constant 0 : i32
    %dma_wait3A_116 = tpu.memref_slice %arg7[%add3A_112, %dma_wait3A_115] : memref<10112x128xf32, #tpu.memory_space<vmem_shared>> -> memref<96x128xf32, #tpu.memory_space<vmem_shared>>
    tpu.wait_dma2 semaphore(%arg26 : memref<!tpu.dma_semaphore, #tpu.memory_space<semaphore_mem>>) src(%arg8 : memref<96x128xf32, #tpu.memory_space<vmem>>) dst(%dma_wait3A_116 : memref<96x128xf32, #tpu.memory_space<vmem_shared>>)
    %add3A_117 = arith.constant 576 : i32
    %add3A_118 = arith.addi %mul3A_27, %add3A_117 : i32
    %dma_wait3A_119 = arith.constant 0 : i32
    %dma_wait3A_120 = arith.constant 0 : i32
    %dma_wait3A_121 = tpu.memref_slice %arg8[%dma_wait3A_119, %dma_wait3A_120] : memref<96x128xf32, #tpu.memory_space<vmem>> -> memref<56x128xf32, #tpu.memory_space<vmem>>
    %dma_wait3A_122 = arith.constant 0 : i32
    %dma_wait3A_123 = tpu.memref_slice %arg7[%add3A_118, %dma_wait3A_122] : memref<10112x128xf32, #tpu.memory_space<vmem_shared>> -> memref<56x128xf32, #tpu.memory_space<vmem_shared>>
    %dma_wait3A_124 = arith.constant 0 : i32
    %dma_wait3A_125 = tpu.memref_slice %arg7[%add3A_118, %dma_wait3A_124] : memref<10112x128xf32, #tpu.memory_space<vmem_shared>> -> memref<56x128xf32, #tpu.memory_space<vmem_shared>>
    %dma_wait3A_126 = arith.constant 0 : i32
    %dma_wait3A_127 = arith.constant 0 : i32
    %dma_wait3A_128 = tpu.memref_slice %arg8[%dma_wait3A_126, %dma_wait3A_127] : memref<96x128xf32, #tpu.memory_space<vmem>> -> memref<56x128xf32, #tpu.memory_space<vmem>>
    tpu.wait_dma2 semaphore(%arg26 : memref<!tpu.dma_semaphore, #tpu.memory_space<semaphore_mem>>) src(%dma_wait3A_128 : memref<56x128xf32, #tpu.memory_space<vmem>>) dst(%dma_wait3A_125 : memref<56x128xf32, #tpu.memory_space<vmem_shared>>)
    %barrier3A = arith.constant 0 : index
    tpu.barrier barrier_id(%barrier3A)
    %dma_wait3A_129 = tpu.memref_slice %arg5[%mul3A_2] : memref<160000xi32, #tpu.memory_space<hbm>> -> memref<96xi32, #tpu.memory_space<hbm>>
    %dma_wait3A_130 = tpu.memref_slice %arg5[%mul3A_2] : memref<160000xi32, #tpu.memory_space<hbm>> -> memref<96xi32, #tpu.memory_space<hbm>>
    tpu.wait_dma2 semaphore(%arg20 : memref<!tpu.dma_semaphore, #tpu.memory_space<semaphore_mem>>) src(%dma_wait3A_130 : memref<96xi32, #tpu.memory_space<hbm>>) dst(%arg12 : memref<96xi32, #tpu.memory_space<vmem>>)
    %dma_start3A_131 = arith.constant 0 : i32
    %dma_start3A_132 = arith.constant 0 : i32
    %dma_start3A_133 = tpu.memref_slice %arg2[%dma_start3A_131, %dma_start3A_132] : memref<10000x128xf32, #tpu.memory_space<hbm>> -> memref<10000x128xf32, #tpu.memory_space<hbm>>
    tpu.enqueue_indirect_dma source(%dma_start3A_133 : memref<10000x128xf32, #tpu.memory_space<hbm>>) target(%arg8 : memref<96x128xf32, #tpu.memory_space<vmem>>) offsets(%arg12 : memref<96xi32, #tpu.memory_space<vmem>>) semaphore(%arg18 : memref<!tpu.dma_semaphore, #tpu.memory_space<semaphore_mem>>)
    %scan3A_134 = arith.constant 0 : i32
    %scan3A_135 = arith.constant 0 : i32
    %scan3A_136 = arith.constant 26 : i32
    %scan3A_137 = arith.addi %scan3A_135, %scan3A_136 : i32
    %scan3A_138 = arith.constant 1 : i32
    %scan3A_139 = scf.for %scan3A_181 = %scan3A_135 to %scan3A_137 step %scan3A_138 iter_args(%scan3A_182 = %scan3A_134) -> (i32)  : i32 {
      %mul3A_183 = arith.constant 2 : i32
      %mul3A_184 = arith.muli %mul3A_183, %scan3A_181 : i32
      %dma_wait3A_185 = arith.constant 0 : i32
      %dma_wait3A_186 = arith.constant 0 : i32
      %dma_wait3A_187 = tpu.memref_slice %arg2[%dma_wait3A_185, %dma_wait3A_186] : memref<10000x128xf32, #tpu.memory_space<hbm>> -> memref<10000x128xf32, #tpu.memory_space<hbm>>
      tpu.wait_indirect_dma semaphore(%arg18 : memref<!tpu.dma_semaphore, #tpu.memory_space<semaphore_mem>>) src(%dma_wait3A_187 : memref<10000x128xf32, #tpu.memory_space<hbm>>) dst(%arg8 : memref<96x128xf32, #tpu.memory_space<vmem>>)
      %add3A_188 = arith.constant 2 : i32
      %add3A_189 = arith.addi %mul3A_184, %add3A_188 : i32
      %min3A = arith.constant 51 : i32
      %min3A_190 = arith.minsi %add3A_189, %min3A : i32
      %mul3A_191 = arith.constant 96 : i32
      %mul3A_192 = arith.muli %min3A_190, %mul3A_191 : i32
      %add3A_193 = arith.addi %mul3A_2, %mul3A_192 : i32
      %dma_start3A_194 = tpu.memref_slice %arg5[%add3A_193] : memref<160000xi32, #tpu.memory_space<hbm>> -> memref<96xi32, #tpu.memory_space<hbm>>
      %dma_start3A_195 = tpu.memref_slice %arg5[%add3A_193] : memref<160000xi32, #tpu.memory_space<hbm>> -> memref<96xi32, #tpu.memory_space<hbm>>
      tpu.enqueue_dma source(%dma_start3A_195 : memref<96xi32, #tpu.memory_space<hbm>>) target(%arg12 : memref<96xi32, #tpu.memory_space<vmem>>) target_semaphore(%arg20 : memref<!tpu.dma_semaphore, #tpu.memory_space<semaphore_mem>>)
      %gt3A = arith.constant 0 : i32
      %gt3A_196 = arith.cmpi sgt, %scan3A_181, %gt3A : i32
      %convert_element_type3A = arith.extui %gt3A_196 : i1 to i32
      %cond3A = arith.constant 0 : i32
      %cond3A_197 = arith.cmpi ne, %convert_element_type3A, %cond3A : i32
      scf.if %cond3A_197 {
        %dma_wait3A_300 = arith.constant 0 : i32
        %dma_wait3A_301 = arith.constant 0 : i32
        %dma_wait3A_302 = tpu.memref_slice %arg7[%dma_wait3A_300, %dma_wait3A_301] : memref<10112x128xf32, #tpu.memory_space<vmem_shared>> -> memref<10112x128xf32, #tpu.memory_space<vmem_shared>>
        tpu.wait_indirect_dma semaphore(%arg27 : memref<!tpu.dma_semaphore, #tpu.memory_space<semaphore_mem>>) src(%arg9 : memref<96x128xf32, #tpu.memory_space<vmem>>) dst(%dma_wait3A_302 : memref<10112x128xf32, #tpu.memory_space<vmem_shared>>)
      } else {
      }
      %add3A_198 = arith.constant 1 : i32
      %add3A_199 = arith.addi %mul3A_184, %add3A_198 : i32
      %min3A_200 = arith.constant 51 : i32
      %min3A_201 = arith.minsi %add3A_199, %min3A_200 : i32
      %mul3A_202 = arith.constant 96 : i32
      %mul3A_203 = arith.muli %min3A_201, %mul3A_202 : i32
      %add3A_204 = arith.addi %mul3A_2, %mul3A_203 : i32
      %dma_start3A_205 = tpu.memref_slice %arg4[%add3A_204] : memref<160000xi32, #tpu.memory_space<hbm>> -> memref<96xi32, #tpu.memory_space<hbm>>
      %dma_start3A_206 = tpu.memref_slice %arg4[%add3A_204] : memref<160000xi32, #tpu.memory_space<hbm>> -> memref<96xi32, #tpu.memory_space<hbm>>
      tpu.enqueue_dma source(%dma_start3A_206 : memref<96xi32, #tpu.memory_space<hbm>>) target(%arg15 : memref<96xi32, #tpu.memory_space<vmem>>) target_semaphore(%arg23 : memref<!tpu.dma_semaphore, #tpu.memory_space<semaphore_mem>>)
      %dma_wait3A_207 = tpu.memref_slice %arg5[%mul3A_2] : memref<160000xi32, #tpu.memory_space<hbm>> -> memref<96xi32, #tpu.memory_space<hbm>>
      %dma_wait3A_208 = tpu.memref_slice %arg5[%mul3A_2] : memref<160000xi32, #tpu.memory_space<hbm>> -> memref<96xi32, #tpu.memory_space<hbm>>
      tpu.wait_dma2 semaphore(%arg21 : memref<!tpu.dma_semaphore, #tpu.memory_space<semaphore_mem>>) src(%dma_wait3A_208 : memref<96xi32, #tpu.memory_space<hbm>>) dst(%arg14 : memref<96xi32, #tpu.memory_space<vmem>>)
      %dma_start3A_209 = arith.constant 0 : i32
      %dma_start3A_210 = arith.constant 0 : i32
      %dma_start3A_211 = tpu.memref_slice %arg2[%dma_start3A_209, %dma_start3A_210] : memref<10000x128xf32, #tpu.memory_space<hbm>> -> memref<10000x128xf32, #tpu.memory_space<hbm>>
      tpu.enqueue_indirect_dma source(%dma_start3A_211 : memref<10000x128xf32, #tpu.memory_space<hbm>>) target(%arg9 : memref<96x128xf32, #tpu.memory_space<vmem>>) offsets(%arg14 : memref<96xi32, #tpu.memory_space<vmem>>) semaphore(%arg19 : memref<!tpu.dma_semaphore, #tpu.memory_space<semaphore_mem>>)
      %dma_wait3A_212 = arith.constant 0 : i32
      %dma_wait3A_213 = tpu.memref_slice %arg3[%mul3A_2, %dma_wait3A_212] : memref<160000x128xf32, #tpu.memory_space<hbm>> -> memref<96x128xf32, #tpu.memory_space<hbm>>
      %dma_wait3A_214 = arith.constant 0 : i32
      %dma_wait3A_215 = tpu.memref_slice %arg3[%mul3A_2, %dma_wait3A_214] : memref<160000x128xf32, #tpu.memory_space<hbm>> -> memref<96x128xf32, #tpu.memory_space<hbm>>
      tpu.wait_dma2 semaphore(%arg24 : memref<!tpu.dma_semaphore, #tpu.memory_space<semaphore_mem>>) src(%dma_wait3A_215 : memref<96x128xf32, #tpu.memory_space<hbm>>) dst(%arg10 : memref<96x128xf32, #tpu.memory_space<vmem>>)
      %scan3A_216 = arith.constant 0 : i32
      %scan3A_217 = arith.constant 0 : i32
      %scan3A_218 = arith.constant 48 : i32
      %scan3A_219 = arith.addi %scan3A_217, %scan3A_218 : i32
      %scan3A_220 = arith.constant 1 : i32
      %scan3A_221 = scf.for %scan3A_300 = %scan3A_217 to %scan3A_219 step %scan3A_220 iter_args(%scan3A_301 = %scan3A_216) -> (i32)  : i32 {
        %mul3A_302 = arith.constant 2 : i32
        %mul3A_303 = arith.muli %scan3A_300, %mul3A_302 : i32
        %add3A_304 = arith.constant 0 : i32
        %add3A_305 = arith.addi %mul3A_303, %add3A_304 : i32
        %get3A = arith.index_cast %add3A_305 : i32 to index
        %get3A_306 = arith.constant 0 : index
        %get3A_307 = tpu.vector_load %arg8[%get3A, %get3A_306] {strides = array<i32>} : memref<96x128xf32, #tpu.memory_space<vmem>>, vector<1x16xf32>,
        %get3A_308 = vector.shape_cast %get3A_307 : vector<1x16xf32> to vector<16xf32>
        %get3A_309 = arith.index_cast %add3A_305 : i32 to index
        %get3A_310 = arith.constant 0 : index
        %get3A_311 = tpu.vector_load %arg10[%get3A_309, %get3A_310] {strides = array<i32>} : memref<96x128xf32, #tpu.memory_space<vmem>>, vector<1x16xf32>,
        %get3A_312 = vector.shape_cast %get3A_311 : vector<1x16xf32> to vector<16xf32>
        %mul3A_313 = arith.mulf %get3A_308, %get3A_312 : vector<16xf32>
        %swap3A = arith.index_cast %add3A_305 : i32 to index
        %swap3A_314 = arith.constant 0 : index
        %swap3A_315 = tpu.vector_load %arg8[%swap3A, %swap3A_314] {strides = array<i32>} : memref<96x128xf32, #tpu.memory_space<vmem>>, vector<1x16xf32>,
        %swap3A_316 = vector.shape_cast %swap3A_315 : vector<1x16xf32> to vector<16xf32>
        %swap3A_317 = vector.shape_cast %mul3A_313 : vector<16xf32> to vector<1x16xf32>
        tpu.vector_store %arg8[%swap3A, %swap3A_314], %swap3A_317 {strides = array<i32>} : memref<96x128xf32, #tpu.memory_space<vmem>>, vector<1x16xf32>,
        %get3A_318 = arith.index_cast %add3A_305 : i32 to index
        %get3A_319 = arith.constant 16 : index
        %get3A_320 = tpu.vector_load %arg8[%get3A_318, %get3A_319] {strides = array<i32>} : memref<96x128xf32, #tpu.memory_space<vmem>>, vector<1x16xf32>,
        %get3A_321 = vector.shape_cast %get3A_320 : vector<1x16xf32> to vector<16xf32>
        %get3A_322 = arith.index_cast %add3A_305 : i32 to index
        %get3A_323 = arith.constant 16 : index
        %get3A_324 = tpu.vector_load %arg10[%get3A_322, %get3A_323] {strides = array<i32>} : memref<96x128xf32, #tpu.memory_space<vmem>>, vector<1x16xf32>,
        %get3A_325 = vector.shape_cast %get3A_324 : vector<1x16xf32> to vector<16xf32>
        %mul3A_326 = arith.mulf %get3A_321, %get3A_325 : vector<16xf32>
        %swap3A_327 = arith.index_cast %add3A_305 : i32 to index
        %swap3A_328 = arith.constant 16 : index
        %swap3A_329 = tpu.vector_load %arg8[%swap3A_327, %swap3A_328] {strides = array<i32>} : memref<96x128xf32, #tpu.memory_space<vmem>>, vector<1x16xf32>,
        %swap3A_330 = vector.shape_cast %swap3A_329 : vector<1x16xf32> to vector<16xf32>
        %swap3A_331 = vector.shape_cast %mul3A_326 : vector<16xf32> to vector<1x16xf32>
        tpu.vector_store %arg8[%swap3A_327, %swap3A_328], %swap3A_331 {strides = array<i32>} : memref<96x128xf32, #tpu.memory_space<vmem>>, vector<1x16xf32>,
        %get3A_332 = arith.index_cast %add3A_305 : i32 to index
        %get3A_333 = arith.constant 32 : index
        %get3A_334 = tpu.vector_load %arg8[%get3A_332, %get3A_333] {strides = array<i32>} : memref<96x128xf32, #tpu.memory_space<vmem>>, vector<1x16xf32>,
        %get3A_335 = vector.shape_cast %get3A_334 : vector<1x16xf32> to vector<16xf32>
        %get3A_336 = arith.index_cast %add3A_305 : i32 to index
        %get3A_337 = arith.constant 32 : index
        %get3A_338 = tpu.vector_load %arg10[%get3A_336, %get3A_337] {strides = array<i32>} : memref<96x128xf32, #tpu.memory_space<vmem>>, vector<1x16xf32>,
        %get3A_339 = vector.shape_cast %get3A_338 : vector<1x16xf32> to vector<16xf32>
        %mul3A_340 = arith.mulf %get3A_335, %get3A_339 : vector<16xf32>
        %swap3A_341 = arith.index_cast %add3A_305 : i32 to index
        %swap3A_342 = arith.constant 32 : index
        %swap3A_343 = tpu.vector_load %arg8[%swap3A_341, %swap3A_342] {strides = array<i32>} : memref<96x128xf32, #tpu.memory_space<vmem>>, vector<1x16xf32>,
        %swap3A_344 = vector.shape_cast %swap3A_343 : vector<1x16xf32> to vector<16xf32>
        %swap3A_345 = vector.shape_cast %mul3A_340 : vector<16xf32> to vector<1x16xf32>
        tpu.vector_store %arg8[%swap3A_341, %swap3A_342], %swap3A_345 {strides = array<i32>} : memref<96x128xf32, #tpu.memory_space<vmem>>, vector<1x16xf32>,
        %get3A_346 = arith.index_cast %add3A_305 : i32 to index
        %get3A_347 = arith.constant 48 : index
        %get3A_348 = tpu.vector_load %arg8[%get3A_346, %get3A_347] {strides = array<i32>} : memref<96x128xf32, #tpu.memory_space<vmem>>, vector<1x16xf32>,
        %get3A_349 = vector.shape_cast %get3A_348 : vector<1x16xf32> to vector<16xf32>
        %get3A_350 = arith.index_cast %add3A_305 : i32 to index
        %get3A_351 = arith.constant 48 : index
        %get3A_352 = tpu.vector_load %arg10[%get3A_350, %get3A_351] {strides = array<i32>} : memref<96x128xf32, #tpu.memory_space<vmem>>, vector<1x16xf32>,
        %get3A_353 = vector.shape_cast %get3A_352 : vector<1x16xf32> to vector<16xf32>
        %mul3A_354 = arith.mulf %get3A_349, %get3A_353 : vector<16xf32>
        %swap3A_355 = arith.index_cast %add3A_305 : i32 to index
        %swap3A_356 = arith.constant 48 : index
        %swap3A_357 = tpu.vector_load %arg8[%swap3A_355, %swap3A_356] {strides = array<i32>} : memref<96x128xf32, #tpu.memory_space<vmem>>, vector<1x16xf32>,
        %swap3A_358 = vector.shape_cast %swap3A_357 : vector<1x16xf32> to vector<16xf32>
        %swap3A_359 = vector.shape_cast %mul3A_354 : vector<16xf32> to vector<1x16xf32>
        tpu.vector_store %arg8[%swap3A_355, %swap3A_356], %swap3A_359 {strides = array<i32>} : memref<96x128xf32, #tpu.memory_space<vmem>>, vector<1x16xf32>,
        %get3A_360 = arith.index_cast %add3A_305 : i32 to index
        %get3A_361 = arith.constant 64 : index
        %get3A_362 = tpu.vector_load %arg8[%get3A_360, %get3A_361] {strides = array<i32>} : memref<96x128xf32, #tpu.memory_space<vmem>>, vector<1x16xf32>,
        %get3A_363 = vector.shape_cast %get3A_362 : vector<1x16xf32> to vector<16xf32>
        %get3A_364 = arith.index_cast %add3A_305 : i32 to index
        %get3A_365 = arith.constant 64 : index
        %get3A_366 = tpu.vector_load %arg10[%get3A_364, %get3A_365] {strides = array<i32>} : memref<96x128xf32, #tpu.memory_space<vmem>>, vector<1x16xf32>,
        %get3A_367 = vector.shape_cast %get3A_366 : vector<1x16xf32> to vector<16xf32>
        %mul3A_368 = arith.mulf %get3A_363, %get3A_367 : vector<16xf32>
        %swap3A_369 = arith.index_cast %add3A_305 : i32 to index
        %swap3A_370 = arith.constant 64 : index
        %swap3A_371 = tpu.vector_load %arg8[%swap3A_369, %swap3A_370] {strides = array<i32>} : memref<96x128xf32, #tpu.memory_space<vmem>>, vector<1x16xf32>,
        %swap3A_372 = vector.shape_cast %swap3A_371 : vector<1x16xf32> to vector<16xf32>
        %swap3A_373 = vector.shape_cast %mul3A_368 : vector<16xf32> to vector<1x16xf32>
        tpu.vector_store %arg8[%swap3A_369, %swap3A_370], %swap3A_373 {strides = array<i32>} : memref<96x128xf32, #tpu.memory_space<vmem>>, vector<1x16xf32>,
        %get3A_374 = arith.index_cast %add3A_305 : i32 to index
        %get3A_375 = arith.constant 80 : index
        %get3A_376 = tpu.vector_load %arg8[%get3A_374, %get3A_375] {strides = array<i32>} : memref<96x128xf32, #tpu.memory_space<vmem>>, vector<1x16xf32>,
        %get3A_377 = vector.shape_cast %get3A_376 : vector<1x16xf32> to vector<16xf32>
        %get3A_378 = arith.index_cast %add3A_305 : i32 to index
        %get3A_379 = arith.constant 80 : index
        %get3A_380 = tpu.vector_load %arg10[%get3A_378, %get3A_379] {strides = array<i32>} : memref<96x128xf32, #tpu.memory_space<vmem>>, vector<1x16xf32>,
        %get3A_381 = vector.shape_cast %get3A_380 : vector<1x16xf32> to vector<16xf32>
        %mul3A_382 = arith.mulf %get3A_377, %get3A_381 : vector<16xf32>
        %swap3A_383 = arith.index_cast %add3A_305 : i32 to index
        %swap3A_384 = arith.constant 80 : index
        %swap3A_385 = tpu.vector_load %arg8[%swap3A_383, %swap3A_384] {strides = array<i32>} : memref<96x128xf32, #tpu.memory_space<vmem>>, vector<1x16xf32>,
        %swap3A_386 = vector.shape_cast %swap3A_385 : vector<1x16xf32> to vector<16xf32>
        %swap3A_387 = vector.shape_cast %mul3A_382 : vector<16xf32> to vector<1x16xf32>
        tpu.vector_store %arg8[%swap3A_383, %swap3A_384], %swap3A_387 {strides = array<i32>} : memref<96x128xf32, #tpu.memory_space<vmem>>, vector<1x16xf32>,
        %get3A_388 = arith.index_cast %add3A_305 : i32 to index
        %get3A_389 = arith.constant 96 : index
        %get3A_390 = tpu.vector_load %arg8[%get3A_388, %get3A_389] {strides = array<i32>} : memref<96x128xf32, #tpu.memory_space<vmem>>, vector<1x16xf32>,
        %get3A_391 = vector.shape_cast %get3A_390 : vector<1x16xf32> to vector<16xf32>
        %get3A_392 = arith.index_cast %add3A_305 : i32 to index
        %get3A_393 = arith.constant 96 : index
        %get3A_394 = tpu.vector_load %arg10[%get3A_392, %get3A_393] {strides = array<i32>} : memref<96x128xf32, #tpu.memory_space<vmem>>, vector<1x16xf32>,
        %get3A_395 = vector.shape_cast %get3A_394 : vector<1x16xf32> to vector<16xf32>
        %mul3A_396 = arith.mulf %get3A_391, %get3A_395 : vector<16xf32>
        %swap3A_397 = arith.index_cast %add3A_305 : i32 to index
        %swap3A_398 = arith.constant 96 : index
        %swap3A_399 = tpu.vector_load %arg8[%swap3A_397, %swap3A_398] {strides = array<i32>} : memref<96x128xf32, #tpu.memory_space<vmem>>, vector<1x16xf32>,
        %swap3A_400 = vector.shape_cast %swap3A_399 : vector<1x16xf32> to vector<16xf32>
        %swap3A_401 = vector.shape_cast %mul3A_396 : vector<16xf32> to vector<1x16xf32>
        tpu.vector_store %arg8[%swap3A_397, %swap3A_398], %swap3A_401 {strides = array<i32>} : memref<96x128xf32, #tpu.memory_space<vmem>>, vector<1x16xf32>,
        %get3A_402 = arith.index_cast %add3A_305 : i32 to index
        %get3A_403 = arith.constant 112 : index
        %get3A_404 = tpu.vector_load %arg8[%get3A_402, %get3A_403] {strides = array<i32>} : memref<96x128xf32, #tpu.memory_space<vmem>>, vector<1x16xf32>,
        %get3A_405 = vector.shape_cast %get3A_404 : vector<1x16xf32> to vector<16xf32>
        %get3A_406 = arith.index_cast %add3A_305 : i32 to index
        %get3A_407 = arith.constant 112 : index
        %get3A_408 = tpu.vector_load %arg10[%get3A_406, %get3A_407] {strides = array<i32>} : memref<96x128xf32, #tpu.memory_space<vmem>>, vector<1x16xf32>,
        %get3A_409 = vector.shape_cast %get3A_408 : vector<1x16xf32> to vector<16xf32>
        %mul3A_410 = arith.mulf %get3A_405, %get3A_409 : vector<16xf32>
        %swap3A_411 = arith.index_cast %add3A_305 : i32 to index
        %swap3A_412 = arith.constant 112 : index
        %swap3A_413 = tpu.vector_load %arg8[%swap3A_411, %swap3A_412] {strides = array<i32>} : memref<96x128xf32, #tpu.memory_space<vmem>>, vector<1x16xf32>,
        %swap3A_414 = vector.shape_cast %swap3A_413 : vector<1x16xf32> to vector<16xf32>
        %swap3A_415 = vector.shape_cast %mul3A_410 : vector<16xf32> to vector<1x16xf32>
        tpu.vector_store %arg8[%swap3A_411, %swap3A_412], %swap3A_415 {strides = array<i32>} : memref<96x128xf32, #tpu.memory_space<vmem>>, vector<1x16xf32>,
        %mul3A_416 = arith.constant 2 : i32
        %mul3A_417 = arith.muli %scan3A_300, %mul3A_416 : i32
        %add3A_418 = arith.constant 1 : i32
        %add3A_419 = arith.addi %mul3A_417, %add3A_418 : i32
        %get3A_420 = arith.index_cast %add3A_419 : i32 to index
        %get3A_421 = arith.constant 0 : index
        %get3A_422 = tpu.vector_load %arg8[%get3A_420, %get3A_421] {strides = array<i32>} : memref<96x128xf32, #tpu.memory_space<vmem>>, vector<1x16xf32>,
        %get3A_423 = vector.shape_cast %get3A_422 : vector<1x16xf32> to vector<16xf32>
        %get3A_424 = arith.index_cast %add3A_419 : i32 to index
        %get3A_425 = arith.constant 0 : index
        %get3A_426 = tpu.vector_load %arg10[%get3A_424, %get3A_425] {strides = array<i32>} : memref<96x128xf32, #tpu.memory_space<vmem>>, vector<1x16xf32>,
        %get3A_427 = vector.shape_cast %get3A_426 : vector<1x16xf32> to vector<16xf32>
        %mul3A_428 = arith.mulf %get3A_423, %get3A_427 : vector<16xf32>
        %swap3A_429 = arith.index_cast %add3A_419 : i32 to index
        %swap3A_430 = arith.constant 0 : index
        %swap3A_431 = tpu.vector_load %arg8[%swap3A_429, %swap3A_430] {strides = array<i32>} : memref<96x128xf32, #tpu.memory_space<vmem>>, vector<1x16xf32>,
        %swap3A_432 = vector.shape_cast %swap3A_431 : vector<1x16xf32> to vector<16xf32>
        %swap3A_433 = vector.shape_cast %mul3A_428 : vector<16xf32> to vector<1x16xf32>
        tpu.vector_store %arg8[%swap3A_429, %swap3A_430], %swap3A_433 {strides = array<i32>} : memref<96x128xf32, #tpu.memory_space<vmem>>, vector<1x16xf32>,
        %get3A_434 = arith.index_cast %add3A_419 : i32 to index
        %get3A_435 = arith.constant 16 : index
        %get3A_436 = tpu.vector_load %arg8[%get3A_434, %get3A_435] {strides = array<i32>} : memref<96x128xf32, #tpu.memory_space<vmem>>, vector<1x16xf32>,
        %get3A_437 = vector.shape_cast %get3A_436 : vector<1x16xf32> to vector<16xf32>
        %get3A_438 = arith.index_cast %add3A_419 : i32 to index
        %get3A_439 = arith.constant 16 : index
        %get3A_440 = tpu.vector_load %arg10[%get3A_438, %get3A_439] {strides = array<i32>} : memref<96x128xf32, #tpu.memory_space<vmem>>, vector<1x16xf32>,
        %get3A_441 = vector.shape_cast %get3A_440 : vector<1x16xf32> to vector<16xf32>
        %mul3A_442 = arith.mulf %get3A_437, %get3A_441 : vector<16xf32>
        %swap3A_443 = arith.index_cast %add3A_419 : i32 to index
        %swap3A_444 = arith.constant 16 : index
        %swap3A_445 = tpu.vector_load %arg8[%swap3A_443, %swap3A_444] {strides = array<i32>} : memref<96x128xf32, #tpu.memory_space<vmem>>, vector<1x16xf32>,
        %swap3A_446 = vector.shape_cast %swap3A_445 : vector<1x16xf32> to vector<16xf32>
        %swap3A_447 = vector.shape_cast %mul3A_442 : vector<16xf32> to vector<1x16xf32>
        tpu.vector_store %arg8[%swap3A_443, %swap3A_444], %swap3A_447 {strides = array<i32>} : memref<96x128xf32, #tpu.memory_space<vmem>>, vector<1x16xf32>,
        %get3A_448 = arith.index_cast %add3A_419 : i32 to index
        %get3A_449 = arith.constant 32 : index
        %get3A_450 = tpu.vector_load %arg8[%get3A_448, %get3A_449] {strides = array<i32>} : memref<96x128xf32, #tpu.memory_space<vmem>>, vector<1x16xf32>,
        %get3A_451 = vector.shape_cast %get3A_450 : vector<1x16xf32> to vector<16xf32>
        %get3A_452 = arith.index_cast %add3A_419 : i32 to index
        %get3A_453 = arith.constant 32 : index
        %get3A_454 = tpu.vector_load %arg10[%get3A_452, %get3A_453] {strides = array<i32>} : memref<96x128xf32, #tpu.memory_space<vmem>>, vector<1x16xf32>,
        %get3A_455 = vector.shape_cast %get3A_454 : vector<1x16xf32> to vector<16xf32>
        %mul3A_456 = arith.mulf %get3A_451, %get3A_455 : vector<16xf32>
        %swap3A_457 = arith.index_cast %add3A_419 : i32 to index
        %swap3A_458 = arith.constant 32 : index
        %swap3A_459 = tpu.vector_load %arg8[%swap3A_457, %swap3A_458] {strides = array<i32>} : memref<96x128xf32, #tpu.memory_space<vmem>>, vector<1x16xf32>,
        %swap3A_460 = vector.shape_cast %swap3A_459 : vector<1x16xf32> to vector<16xf32>
        %swap3A_461 = vector.shape_cast %mul3A_456 : vector<16xf32> to vector<1x16xf32>
        tpu.vector_store %arg8[%swap3A_457, %swap3A_458], %swap3A_461 {strides = array<i32>} : memref<96x128xf32, #tpu.memory_space<vmem>>, vector<1x16xf32>,
        %get3A_462 = arith.index_cast %add3A_419 : i32 to index
        %get3A_463 = arith.constant 48 : index
        %get3A_464 = tpu.vector_load %arg8[%get3A_462, %get3A_463] {strides = array<i32>} : memref<96x128xf32, #tpu.memory_space<vmem>>, vector<1x16xf32>,
        %get3A_465 = vector.shape_cast %get3A_464 : vector<1x16xf32> to vector<16xf32>
        %get3A_466 = arith.index_cast %add3A_419 : i32 to index
        %get3A_467 = arith.constant 48 : index
        %get3A_468 = tpu.vector_load %arg10[%get3A_466, %get3A_467] {strides = array<i32>} : memref<96x128xf32, #tpu.memory_space<vmem>>, vector<1x16xf32>,
        %get3A_469 = vector.shape_cast %get3A_468 : vector<1x16xf32> to vector<16xf32>
        %mul3A_470 = arith.mulf %get3A_465, %get3A_469 : vector<16xf32>
        %swap3A_471 = arith.index_cast %add3A_419 : i32 to index
        %swap3A_472 = arith.constant 48 : index
        %swap3A_473 = tpu.vector_load %arg8[%swap3A_471, %swap3A_472] {strides = array<i32>} : memref<96x128xf32, #tpu.memory_space<vmem>>, vector<1x16xf32>,
        %swap3A_474 = vector.shape_cast %swap3A_473 : vector<1x16xf32> to vector<16xf32>
        %swap3A_475 = vector.shape_cast %mul3A_470 : vector<16xf32> to vector<1x16xf32>
        tpu.vector_store %arg8[%swap3A_471, %swap3A_472], %swap3A_475 {strides = array<i32>} : memref<96x128xf32, #tpu.memory_space<vmem>>, vector<1x16xf32>,
        %get3A_476 = arith.index_cast %add3A_419 : i32 to index
        %get3A_477 = arith.constant 64 : index
        %get3A_478 = tpu.vector_load %arg8[%get3A_476, %get3A_477] {strides = array<i32>} : memref<96x128xf32, #tpu.memory_space<vmem>>, vector<1x16xf32>,
        %get3A_479 = vector.shape_cast %get3A_478 : vector<1x16xf32> to vector<16xf32>
        %get3A_480 = arith.index_cast %add3A_419 : i32 to index
        %get3A_481 = arith.constant 64 : index
        %get3A_482 = tpu.vector_load %arg10[%get3A_480, %get3A_481] {strides = array<i32>} : memref<96x128xf32, #tpu.memory_space<vmem>>, vector<1x16xf32>,
        %get3A_483 = vector.shape_cast %get3A_482 : vector<1x16xf32> to vector<16xf32>
        %mul3A_484 = arith.mulf %get3A_479, %get3A_483 : vector<16xf32>
        %swap3A_485 = arith.index_cast %add3A_419 : i32 to index
        %swap3A_486 = arith.constant 64 : index
        %swap3A_487 = tpu.vector_load %arg8[%swap3A_485, %swap3A_486] {strides = array<i32>} : memref<96x128xf32, #tpu.memory_space<vmem>>, vector<1x16xf32>,
        %swap3A_488 = vector.shape_cast %swap3A_487 : vector<1x16xf32> to vector<16xf32>
        %swap3A_489 = vector.shape_cast %mul3A_484 : vector<16xf32> to vector<1x16xf32>
        tpu.vector_store %arg8[%swap3A_485, %swap3A_486], %swap3A_489 {strides = array<i32>} : memref<96x128xf32, #tpu.memory_space<vmem>>, vector<1x16xf32>,
        %get3A_490 = arith.index_cast %add3A_419 : i32 to index
        %get3A_491 = arith.constant 80 : index
        %get3A_492 = tpu.vector_load %arg8[%get3A_490, %get3A_491] {strides = array<i32>} : memref<96x128xf32, #tpu.memory_space<vmem>>, vector<1x16xf32>,
        %get3A_493 = vector.shape_cast %get3A_492 : vector<1x16xf32> to vector<16xf32>
        %get3A_494 = arith.index_cast %add3A_419 : i32 to index
        %get3A_495 = arith.constant 80 : index
        %get3A_496 = tpu.vector_load %arg10[%get3A_494, %get3A_495] {strides = array<i32>} : memref<96x128xf32, #tpu.memory_space<vmem>>, vector<1x16xf32>,
        %get3A_497 = vector.shape_cast %get3A_496 : vector<1x16xf32> to vector<16xf32>
        %mul3A_498 = arith.mulf %get3A_493, %get3A_497 : vector<16xf32>
        %swap3A_499 = arith.index_cast %add3A_419 : i32 to index
        %swap3A_500 = arith.constant 80 : index
        %swap3A_501 = tpu.vector_load %arg8[%swap3A_499, %swap3A_500] {strides = array<i32>} : memref<96x128xf32, #tpu.memory_space<vmem>>, vector<1x16xf32>,
        %swap3A_502 = vector.shape_cast %swap3A_501 : vector<1x16xf32> to vector<16xf32>
        %swap3A_503 = vector.shape_cast %mul3A_498 : vector<16xf32> to vector<1x16xf32>
        tpu.vector_store %arg8[%swap3A_499, %swap3A_500], %swap3A_503 {strides = array<i32>} : memref<96x128xf32, #tpu.memory_space<vmem>>, vector<1x16xf32>,
        %get3A_504 = arith.index_cast %add3A_419 : i32 to index
        %get3A_505 = arith.constant 96 : index
        %get3A_506 = tpu.vector_load %arg8[%get3A_504, %get3A_505] {strides = array<i32>} : memref<96x128xf32, #tpu.memory_space<vmem>>, vector<1x16xf32>,
        %get3A_507 = vector.shape_cast %get3A_506 : vector<1x16xf32> to vector<16xf32>
        %get3A_508 = arith.index_cast %add3A_419 : i32 to index
        %get3A_509 = arith.constant 96 : index
        %get3A_510 = tpu.vector_load %arg10[%get3A_508, %get3A_509] {strides = array<i32>} : memref<96x128xf32, #tpu.memory_space<vmem>>, vector<1x16xf32>,
        %get3A_511 = vector.shape_cast %get3A_510 : vector<1x16xf32> to vector<16xf32>
        %mul3A_512 = arith.mulf %get3A_507, %get3A_511 : vector<16xf32>
        %swap3A_513 = arith.index_cast %add3A_419 : i32 to index
        %swap3A_514 = arith.constant 96 : index
        %swap3A_515 = tpu.vector_load %arg8[%swap3A_513, %swap3A_514] {strides = array<i32>} : memref<96x128xf32, #tpu.memory_space<vmem>>, vector<1x16xf32>,
        %swap3A_516 = vector.shape_cast %swap3A_515 : vector<1x16xf32> to vector<16xf32>
        %swap3A_517 = vector.shape_cast %mul3A_512 : vector<16xf32> to vector<1x16xf32>
        tpu.vector_store %arg8[%swap3A_513, %swap3A_514], %swap3A_517 {strides = array<i32>} : memref<96x128xf32, #tpu.memory_space<vmem>>, vector<1x16xf32>,
        %get3A_518 = arith.index_cast %add3A_419 : i32 to index
        %get3A_519 = arith.constant 112 : index
        %get3A_520 = tpu.vector_load %arg8[%get3A_518, %get3A_519] {strides = array<i32>} : memref<96x128xf32, #tpu.memory_space<vmem>>, vector<1x16xf32>,
        %get3A_521 = vector.shape_cast %get3A_520 : vector<1x16xf32> to vector<16xf32>
        %get3A_522 = arith.index_cast %add3A_419 : i32 to index
        %get3A_523 = arith.constant 112 : index
        %get3A_524 = tpu.vector_load %arg10[%get3A_522, %get3A_523] {strides = array<i32>} : memref<96x128xf32, #tpu.memory_space<vmem>>, vector<1x16xf32>,
        %get3A_525 = vector.shape_cast %get3A_524 : vector<1x16xf32> to vector<16xf32>
        %mul3A_526 = arith.mulf %get3A_521, %get3A_525 : vector<16xf32>
        %swap3A_527 = arith.index_cast %add3A_419 : i32 to index
        %swap3A_528 = arith.constant 112 : index
        %swap3A_529 = tpu.vector_load %arg8[%swap3A_527, %swap3A_528] {strides = array<i32>} : memref<96x128xf32, #tpu.memory_space<vmem>>, vector<1x16xf32>,
        %swap3A_530 = vector.shape_cast %swap3A_529 : vector<1x16xf32> to vector<16xf32>
        %swap3A_531 = vector.shape_cast %mul3A_526 : vector<16xf32> to vector<1x16xf32>
        tpu.vector_store %arg8[%swap3A_527, %swap3A_528], %swap3A_531 {strides = array<i32>} : memref<96x128xf32, #tpu.memory_space<vmem>>, vector<1x16xf32>,
        %scan3A_532 = arith.constant 0 : i32
        scf.yield %scan3A_532 : i32
      }
      %scan3A_222 = arith.constant 48 : i32
      %add3A_223 = arith.constant 2 : i32
      %add3A_224 = arith.addi %mul3A_184, %add3A_223 : i32
      %min3A_225 = arith.constant 51 : i32
      %min3A_226 = arith.minsi %add3A_224, %min3A_225 : i32
      %mul3A_227 = arith.constant 96 : i32
      %mul3A_228 = arith.muli %min3A_226, %mul3A_227 : i32
      %add3A_229 = arith.addi %mul3A_2, %mul3A_228 : i32
      %dma_start3A_230 = arith.constant 0 : i32
      %dma_start3A_231 = tpu.memref_slice %arg3[%add3A_229, %dma_start3A_230] : memref<160000x128xf32, #tpu.memory_space<hbm>> -> memref<96x128xf32, #tpu.memory_space<hbm>>
      %dma_start3A_232 = arith.constant 0 : i32
      %dma_start3A_233 = tpu.memref_slice %arg3[%add3A_229, %dma_start3A_232] : memref<160000x128xf32, #tpu.memory_space<hbm>> -> memref<96x128xf32, #tpu.memory_space<hbm>>
      tpu.enqueue_dma source(%dma_start3A_233 : memref<96x128xf32, #tpu.memory_space<hbm>>) target(%arg10 : memref<96x128xf32, #tpu.memory_space<vmem>>) target_semaphore(%arg24 : memref<!tpu.dma_semaphore, #tpu.memory_space<semaphore_mem>>)
      %dma_wait3A_234 = tpu.memref_slice %arg4[%mul3A_2] : memref<160000xi32, #tpu.memory_space<hbm>> -> memref<96xi32, #tpu.memory_space<hbm>>
      %dma_wait3A_235 = tpu.memref_slice %arg4[%mul3A_2] : memref<160000xi32, #tpu.memory_space<hbm>> -> memref<96xi32, #tpu.memory_space<hbm>>
      tpu.wait_dma2 semaphore(%arg22 : memref<!tpu.dma_semaphore, #tpu.memory_space<semaphore_mem>>) src(%dma_wait3A_235 : memref<96xi32, #tpu.memory_space<hbm>>) dst(%arg13 : memref<96xi32, #tpu.memory_space<vmem>>)
      %dma_start3A_236 = arith.constant 0 : i32
      %dma_start3A_237 = arith.constant 0 : i32
      %dma_start3A_238 = tpu.memref_slice %arg7[%dma_start3A_236, %dma_start3A_237] : memref<10112x128xf32, #tpu.memory_space<vmem_shared>> -> memref<10112x128xf32, #tpu.memory_space<vmem_shared>>
      tpu.enqueue_indirect_dma source(%arg8 : memref<96x128xf32, #tpu.memory_space<vmem>>) target(%dma_start3A_238 : memref<10112x128xf32, #tpu.memory_space<vmem_shared>>) offsets(%arg13 : memref<96xi32, #tpu.memory_space<vmem>>) semaphore(%arg26 : memref<!tpu.dma_semaphore, #tpu.memory_space<semaphore_mem>>) {add = true}
      %mul3A_239 = arith.constant 2 : i32
      %mul3A_240 = arith.muli %mul3A_239, %scan3A_181 : i32
      %add3A_241 = arith.constant 1 : i32
      %add3A_242 = arith.addi %mul3A_240, %add3A_241 : i32
      %dma_wait3A_243 = arith.constant 0 : i32
      %dma_wait3A_244 = arith.constant 0 : i32
      %dma_wait3A_245 = tpu.memref_slice %arg2[%dma_wait3A_243, %dma_wait3A_244] : memref<10000x128xf32, #tpu.memory_space<hbm>> -> memref<10000x128xf32, #tpu.memory_space<hbm>>
      tpu.wait_indirect_dma semaphore(%arg19 : memref<!tpu.dma_semaphore, #tpu.memory_space<semaphore_mem>>) src(%dma_wait3A_245 : memref<10000x128xf32, #tpu.memory_space<hbm>>) dst(%arg9 : memref<96x128xf32, #tpu.memory_space<vmem>>)
      %add3A_246 = arith.constant 2 : i32
      %add3A_247 = arith.addi %add3A_242, %add3A_246 : i32
      %min3A_248 = arith.constant 51 : i32
      %min3A_249 = arith.minsi %add3A_247, %min3A_248 : i32
      %mul3A_250 = arith.constant 96 : i32
      %mul3A_251 = arith.muli %min3A_249, %mul3A_250 : i32
      %add3A_252 = arith.addi %mul3A_2, %mul3A_251 : i32
      %dma_start3A_253 = tpu.memref_slice %arg5[%add3A_252] : memref<160000xi32, #tpu.memory_space<hbm>> -> memref<96xi32, #tpu.memory_space<hbm>>
      %dma_start3A_254 = tpu.memref_slice %arg5[%add3A_252] : memref<160000xi32, #tpu.memory_space<hbm>> -> memref<96xi32, #tpu.memory_space<hbm>>
      tpu.enqueue_dma source(%dma_start3A_254 : memref<96xi32, #tpu.memory_space<hbm>>) target(%arg14 : memref<96xi32, #tpu.memory_space<vmem>>) target_semaphore(%arg21 : memref<!tpu.dma_semaphore, #tpu.memory_space<semaphore_mem>>)
      %dma_wait3A_255 = arith.constant 0 : i32
      %dma_wait3A_256 = arith.constant 0 : i32
      %dma_wait3A_257 = tpu.memref_slice %arg7[%dma_wait3A_255, %dma_wait3A_256] : memref<10112x128xf32, #tpu.memory_space<vmem_shared>> -> memref<10112x128xf32, #tpu.memory_space<vmem_shared>>
      tpu.wait_indirect_dma semaphore(%arg26 : memref<!tpu.dma_semaphore, #tpu.memory_space<semaphore_mem>>) src(%arg8 : memref<96x128xf32, #tpu.memory_space<vmem>>) dst(%dma_wait3A_257 : memref<10112x128xf32, #tpu.memory_space<vmem_shared>>)
      %add3A_258 = arith.constant 1 : i32
      %add3A_259 = arith.addi %add3A_242, %add3A_258 : i32
      %min3A_260 = arith.constant 51 : i32
      %min3A_261 = arith.minsi %add3A_259, %min3A_260 : i32
      %mul3A_262 = arith.constant 96 : i32
      %mul3A_263 = arith.muli %min3A_261, %mul3A_262 : i32
      %add3A_264 = arith.addi %mul3A_2, %mul3A_263 : i32
      %dma_start3A_265 = tpu.memref_slice %arg4[%add3A_264] : memref<160000xi32, #tpu.memory_space<hbm>> -> memref<96xi32, #tpu.memory_space<hbm>>
      %dma_start3A_266 = tpu.memref_slice %arg4[%add3A_264] : memref<160000xi32, #tpu.memory_space<hbm>> -> memref<96xi32, #tpu.memory_space<hbm>>
      tpu.enqueue_dma source(%dma_start3A_266 : memref<96xi32, #tpu.memory_space<hbm>>) target(%arg13 : memref<96xi32, #tpu.memory_space<vmem>>) target_semaphore(%arg22 : memref<!tpu.dma_semaphore, #tpu.memory_space<semaphore_mem>>)
      %dma_wait3A_267 = tpu.memref_slice %arg5[%mul3A_2] : memref<160000xi32, #tpu.memory_space<hbm>> -> memref<96xi32, #tpu.memory_space<hbm>>
      %dma_wait3A_268 = tpu.memref_slice %arg5[%mul3A_2] : memref<160000xi32, #tpu.memory_space<hbm>> -> memref<96xi32, #tpu.memory_space<hbm>>
      tpu.wait_dma2 semaphore(%arg20 : memref<!tpu.dma_semaphore, #tpu.memory_space<semaphore_mem>>) src(%dma_wait3A_268 : memref<96xi32, #tpu.memory_space<hbm>>) dst(%arg12 : memref<96xi32, #tpu.memory_space<vmem>>)
      %dma_start3A_269 = arith.constant 0 : i32
      %dma_start3A_270 = arith.constant 0 : i32
      %dma_start3A_271 = tpu.memref_slice %arg2[%dma_start3A_269, %dma_start3A_270] : memref<10000x128xf32, #tpu.memory_space<hbm>> -> memref<10000x128xf32, #tpu.memory_space<hbm>>
      tpu.enqueue_indirect_dma source(%dma_start3A_271 : memref<10000x128xf32, #tpu.memory_space<hbm>>) target(%arg8 : memref<96x128xf32, #tpu.memory_space<vmem>>) offsets(%arg12 : memref<96xi32, #tpu.memory_space<vmem>>) semaphore(%arg18 : memref<!tpu.dma_semaphore, #tpu.memory_space<semaphore_mem>>)
      %dma_wait3A_272 = arith.constant 0 : i32
      %dma_wait3A_273 = tpu.memref_slice %arg3[%mul3A_2, %dma_wait3A_272] : memref<160000x128xf32, #tpu.memory_space<hbm>> -> memref<96x128xf32, #tpu.memory_space<hbm>>
      %dma_wait3A_274 = arith.constant 0 : i32
      %dma_wait3A_275 = tpu.memref_slice %arg3[%mul3A_2, %dma_wait3A_274] : memref<160000x128xf32, #tpu.memory_space<hbm>> -> memref<96x128xf32, #tpu.memory_space<hbm>>
      tpu.wait_dma2 semaphore(%arg25 : memref<!tpu.dma_semaphore, #tpu.memory_space<semaphore_mem>>) src(%dma_wait3A_275 : memref<96x128xf32, #tpu.memory_space<hbm>>) dst(%arg11 : memref<96x128xf32, #tpu.memory_space<vmem>>)
      %scan3A_276 = arith.constant 0 : i32
      %scan3A_277 = arith.constant 0 : i32
      %scan3A_278 = arith.constant 48 : i32
      %scan3A_279 = arith.addi %scan3A_277, %scan3A_278 : i32
      %scan3A_280 = arith.constant 1 : i32
      %scan3A_281 = scf.for %scan3A_300 = %scan3A_277 to %scan3A_279 step %scan3A_280 iter_args(%scan3A_301 = %scan3A_276) -> (i32)  : i32 {
        %mul3A_302 = arith.constant 2 : i32
        %mul3A_303 = arith.muli %scan3A_300, %mul3A_302 : i32
        %add3A_304 = arith.constant 0 : i32
        %add3A_305 = arith.addi %mul3A_303, %add3A_304 : i32
        %get3A = arith.index_cast %add3A_305 : i32 to index
        %get3A_306 = arith.constant 0 : index
        %get3A_307 = tpu.vector_load %arg9[%get3A, %get3A_306] {strides = array<i32>} : memref<96x128xf32, #tpu.memory_space<vmem>>, vector<1x16xf32>,
        %get3A_308 = vector.shape_cast %get3A_307 : vector<1x16xf32> to vector<16xf32>
        %get3A_309 = arith.index_cast %add3A_305 : i32 to index
        %get3A_310 = arith.constant 0 : index
        %get3A_311 = tpu.vector_load %arg11[%get3A_309, %get3A_310] {strides = array<i32>} : memref<96x128xf32, #tpu.memory_space<vmem>>, vector<1x16xf32>,
        %get3A_312 = vector.shape_cast %get3A_311 : vector<1x16xf32> to vector<16xf32>
        %mul3A_313 = arith.mulf %get3A_308, %get3A_312 : vector<16xf32>
        %swap3A = arith.index_cast %add3A_305 : i32 to index
        %swap3A_314 = arith.constant 0 : index
        %swap3A_315 = tpu.vector_load %arg9[%swap3A, %swap3A_314] {strides = array<i32>} : memref<96x128xf32, #tpu.memory_space<vmem>>, vector<1x16xf32>,
        %swap3A_316 = vector.shape_cast %swap3A_315 : vector<1x16xf32> to vector<16xf32>
        %swap3A_317 = vector.shape_cast %mul3A_313 : vector<16xf32> to vector<1x16xf32>
        tpu.vector_store %arg9[%swap3A, %swap3A_314], %swap3A_317 {strides = array<i32>} : memref<96x128xf32, #tpu.memory_space<vmem>>, vector<1x16xf32>,
        %get3A_318 = arith.index_cast %add3A_305 : i32 to index
        %get3A_319 = arith.constant 16 : index
        %get3A_320 = tpu.vector_load %arg9[%get3A_318, %get3A_319] {strides = array<i32>} : memref<96x128xf32, #tpu.memory_space<vmem>>, vector<1x16xf32>,
        %get3A_321 = vector.shape_cast %get3A_320 : vector<1x16xf32> to vector<16xf32>
        %get3A_322 = arith.index_cast %add3A_305 : i32 to index
        %get3A_323 = arith.constant 16 : index
        %get3A_324 = tpu.vector_load %arg11[%get3A_322, %get3A_323] {strides = array<i32>} : memref<96x128xf32, #tpu.memory_space<vmem>>, vector<1x16xf32>,
        %get3A_325 = vector.shape_cast %get3A_324 : vector<1x16xf32> to vector<16xf32>
        %mul3A_326 = arith.mulf %get3A_321, %get3A_325 : vector<16xf32>
        %swap3A_327 = arith.index_cast %add3A_305 : i32 to index
        %swap3A_328 = arith.constant 16 : index
        %swap3A_329 = tpu.vector_load %arg9[%swap3A_327, %swap3A_328] {strides = array<i32>} : memref<96x128xf32, #tpu.memory_space<vmem>>, vector<1x16xf32>,
        %swap3A_330 = vector.shape_cast %swap3A_329 : vector<1x16xf32> to vector<16xf32>
        %swap3A_331 = vector.shape_cast %mul3A_326 : vector<16xf32> to vector<1x16xf32>
        tpu.vector_store %arg9[%swap3A_327, %swap3A_328], %swap3A_331 {strides = array<i32>} : memref<96x128xf32, #tpu.memory_space<vmem>>, vector<1x16xf32>,
        %get3A_332 = arith.index_cast %add3A_305 : i32 to index
        %get3A_333 = arith.constant 32 : index
        %get3A_334 = tpu.vector_load %arg9[%get3A_332, %get3A_333] {strides = array<i32>} : memref<96x128xf32, #tpu.memory_space<vmem>>, vector<1x16xf32>,
        %get3A_335 = vector.shape_cast %get3A_334 : vector<1x16xf32> to vector<16xf32>
        %get3A_336 = arith.index_cast %add3A_305 : i32 to index
        %get3A_337 = arith.constant 32 : index
        %get3A_338 = tpu.vector_load %arg11[%get3A_336, %get3A_337] {strides = array<i32>} : memref<96x128xf32, #tpu.memory_space<vmem>>, vector<1x16xf32>,
        %get3A_339 = vector.shape_cast %get3A_338 : vector<1x16xf32> to vector<16xf32>
        %mul3A_340 = arith.mulf %get3A_335, %get3A_339 : vector<16xf32>
        %swap3A_341 = arith.index_cast %add3A_305 : i32 to index
        %swap3A_342 = arith.constant 32 : index
        %swap3A_343 = tpu.vector_load %arg9[%swap3A_341, %swap3A_342] {strides = array<i32>} : memref<96x128xf32, #tpu.memory_space<vmem>>, vector<1x16xf32>,
        %swap3A_344 = vector.shape_cast %swap3A_343 : vector<1x16xf32> to vector<16xf32>
        %swap3A_345 = vector.shape_cast %mul3A_340 : vector<16xf32> to vector<1x16xf32>
        tpu.vector_store %arg9[%swap3A_341, %swap3A_342], %swap3A_345 {strides = array<i32>} : memref<96x128xf32, #tpu.memory_space<vmem>>, vector<1x16xf32>,
        %get3A_346 = arith.index_cast %add3A_305 : i32 to index
        %get3A_347 = arith.constant 48 : index
        %get3A_348 = tpu.vector_load %arg9[%get3A_346, %get3A_347] {strides = array<i32>} : memref<96x128xf32, #tpu.memory_space<vmem>>, vector<1x16xf32>,
        %get3A_349 = vector.shape_cast %get3A_348 : vector<1x16xf32> to vector<16xf32>
        %get3A_350 = arith.index_cast %add3A_305 : i32 to index
        %get3A_351 = arith.constant 48 : index
        %get3A_352 = tpu.vector_load %arg11[%get3A_350, %get3A_351] {strides = array<i32>} : memref<96x128xf32, #tpu.memory_space<vmem>>, vector<1x16xf32>,
        %get3A_353 = vector.shape_cast %get3A_352 : vector<1x16xf32> to vector<16xf32>
        %mul3A_354 = arith.mulf %get3A_349, %get3A_353 : vector<16xf32>
        %swap3A_355 = arith.index_cast %add3A_305 : i32 to index
        %swap3A_356 = arith.constant 48 : index
        %swap3A_357 = tpu.vector_load %arg9[%swap3A_355, %swap3A_356] {strides = array<i32>} : memref<96x128xf32, #tpu.memory_space<vmem>>, vector<1x16xf32>,
        %swap3A_358 = vector.shape_cast %swap3A_357 : vector<1x16xf32> to vector<16xf32>
        %swap3A_359 = vector.shape_cast %mul3A_354 : vector<16xf32> to vector<1x16xf32>
        tpu.vector_store %arg9[%swap3A_355, %swap3A_356], %swap3A_359 {strides = array<i32>} : memref<96x128xf32, #tpu.memory_space<vmem>>, vector<1x16xf32>,
        %get3A_360 = arith.index_cast %add3A_305 : i32 to index
        %get3A_361 = arith.constant 64 : index
        %get3A_362 = tpu.vector_load %arg9[%get3A_360, %get3A_361] {strides = array<i32>} : memref<96x128xf32, #tpu.memory_space<vmem>>, vector<1x16xf32>,
        %get3A_363 = vector.shape_cast %get3A_362 : vector<1x16xf32> to vector<16xf32>
        %get3A_364 = arith.index_cast %add3A_305 : i32 to index
        %get3A_365 = arith.constant 64 : index
        %get3A_366 = tpu.vector_load %arg11[%get3A_364, %get3A_365] {strides = array<i32>} : memref<96x128xf32, #tpu.memory_space<vmem>>, vector<1x16xf32>,
        %get3A_367 = vector.shape_cast %get3A_366 : vector<1x16xf32> to vector<16xf32>
        %mul3A_368 = arith.mulf %get3A_363, %get3A_367 : vector<16xf32>
        %swap3A_369 = arith.index_cast %add3A_305 : i32 to index
        %swap3A_370 = arith.constant 64 : index
        %swap3A_371 = tpu.vector_load %arg9[%swap3A_369, %swap3A_370] {strides = array<i32>} : memref<96x128xf32, #tpu.memory_space<vmem>>, vector<1x16xf32>,
        %swap3A_372 = vector.shape_cast %swap3A_371 : vector<1x16xf32> to vector<16xf32>
        %swap3A_373 = vector.shape_cast %mul3A_368 : vector<16xf32> to vector<1x16xf32>
        tpu.vector_store %arg9[%swap3A_369, %swap3A_370], %swap3A_373 {strides = array<i32>} : memref<96x128xf32, #tpu.memory_space<vmem>>, vector<1x16xf32>,
        %get3A_374 = arith.index_cast %add3A_305 : i32 to index
        %get3A_375 = arith.constant 80 : index
        %get3A_376 = tpu.vector_load %arg9[%get3A_374, %get3A_375] {strides = array<i32>} : memref<96x128xf32, #tpu.memory_space<vmem>>, vector<1x16xf32>,
        %get3A_377 = vector.shape_cast %get3A_376 : vector<1x16xf32> to vector<16xf32>
        %get3A_378 = arith.index_cast %add3A_305 : i32 to index
        %get3A_379 = arith.constant 80 : index
        %get3A_380 = tpu.vector_load %arg11[%get3A_378, %get3A_379] {strides = array<i32>} : memref<96x128xf32, #tpu.memory_space<vmem>>, vector<1x16xf32>,
        %get3A_381 = vector.shape_cast %get3A_380 : vector<1x16xf32> to vector<16xf32>
        %mul3A_382 = arith.mulf %get3A_377, %get3A_381 : vector<16xf32>
        %swap3A_383 = arith.index_cast %add3A_305 : i32 to index
        %swap3A_384 = arith.constant 80 : index
        %swap3A_385 = tpu.vector_load %arg9[%swap3A_383, %swap3A_384] {strides = array<i32>} : memref<96x128xf32, #tpu.memory_space<vmem>>, vector<1x16xf32>,
        %swap3A_386 = vector.shape_cast %swap3A_385 : vector<1x16xf32> to vector<16xf32>
        %swap3A_387 = vector.shape_cast %mul3A_382 : vector<16xf32> to vector<1x16xf32>
        tpu.vector_store %arg9[%swap3A_383, %swap3A_384], %swap3A_387 {strides = array<i32>} : memref<96x128xf32, #tpu.memory_space<vmem>>, vector<1x16xf32>,
        %get3A_388 = arith.index_cast %add3A_305 : i32 to index
        %get3A_389 = arith.constant 96 : index
        %get3A_390 = tpu.vector_load %arg9[%get3A_388, %get3A_389] {strides = array<i32>} : memref<96x128xf32, #tpu.memory_space<vmem>>, vector<1x16xf32>,
        %get3A_391 = vector.shape_cast %get3A_390 : vector<1x16xf32> to vector<16xf32>
        %get3A_392 = arith.index_cast %add3A_305 : i32 to index
        %get3A_393 = arith.constant 96 : index
        %get3A_394 = tpu.vector_load %arg11[%get3A_392, %get3A_393] {strides = array<i32>} : memref<96x128xf32, #tpu.memory_space<vmem>>, vector<1x16xf32>,
        %get3A_395 = vector.shape_cast %get3A_394 : vector<1x16xf32> to vector<16xf32>
        %mul3A_396 = arith.mulf %get3A_391, %get3A_395 : vector<16xf32>
        %swap3A_397 = arith.index_cast %add3A_305 : i32 to index
        %swap3A_398 = arith.constant 96 : index
        %swap3A_399 = tpu.vector_load %arg9[%swap3A_397, %swap3A_398] {strides = array<i32>} : memref<96x128xf32, #tpu.memory_space<vmem>>, vector<1x16xf32>,
        %swap3A_400 = vector.shape_cast %swap3A_399 : vector<1x16xf32> to vector<16xf32>
        %swap3A_401 = vector.shape_cast %mul3A_396 : vector<16xf32> to vector<1x16xf32>
        tpu.vector_store %arg9[%swap3A_397, %swap3A_398], %swap3A_401 {strides = array<i32>} : memref<96x128xf32, #tpu.memory_space<vmem>>, vector<1x16xf32>,
        %get3A_402 = arith.index_cast %add3A_305 : i32 to index
        %get3A_403 = arith.constant 112 : index
        %get3A_404 = tpu.vector_load %arg9[%get3A_402, %get3A_403] {strides = array<i32>} : memref<96x128xf32, #tpu.memory_space<vmem>>, vector<1x16xf32>,
        %get3A_405 = vector.shape_cast %get3A_404 : vector<1x16xf32> to vector<16xf32>
        %get3A_406 = arith.index_cast %add3A_305 : i32 to index
        %get3A_407 = arith.constant 112 : index
        %get3A_408 = tpu.vector_load %arg11[%get3A_406, %get3A_407] {strides = array<i32>} : memref<96x128xf32, #tpu.memory_space<vmem>>, vector<1x16xf32>,
        %get3A_409 = vector.shape_cast %get3A_408 : vector<1x16xf32> to vector<16xf32>
        %mul3A_410 = arith.mulf %get3A_405, %get3A_409 : vector<16xf32>
        %swap3A_411 = arith.index_cast %add3A_305 : i32 to index
        %swap3A_412 = arith.constant 112 : index
        %swap3A_413 = tpu.vector_load %arg9[%swap3A_411, %swap3A_412] {strides = array<i32>} : memref<96x128xf32, #tpu.memory_space<vmem>>, vector<1x16xf32>,
        %swap3A_414 = vector.shape_cast %swap3A_413 : vector<1x16xf32> to vector<16xf32>
        %swap3A_415 = vector.shape_cast %mul3A_410 : vector<16xf32> to vector<1x16xf32>
        tpu.vector_store %arg9[%swap3A_411, %swap3A_412], %swap3A_415 {strides = array<i32>} : memref<96x128xf32, #tpu.memory_space<vmem>>, vector<1x16xf32>,
        %mul3A_416 = arith.constant 2 : i32
        %mul3A_417 = arith.muli %scan3A_300, %mul3A_416 : i32
        %add3A_418 = arith.constant 1 : i32
        %add3A_419 = arith.addi %mul3A_417, %add3A_418 : i32
        %get3A_420 = arith.index_cast %add3A_419 : i32 to index
        %get3A_421 = arith.constant 0 : index
        %get3A_422 = tpu.vector_load %arg9[%get3A_420, %get3A_421] {strides = array<i32>} : memref<96x128xf32, #tpu.memory_space<vmem>>, vector<1x16xf32>,
        %get3A_423 = vector.shape_cast %get3A_422 : vector<1x16xf32> to vector<16xf32>
        %get3A_424 = arith.index_cast %add3A_419 : i32 to index
        %get3A_425 = arith.constant 0 : index
        %get3A_426 = tpu.vector_load %arg11[%get3A_424, %get3A_425] {strides = array<i32>} : memref<96x128xf32, #tpu.memory_space<vmem>>, vector<1x16xf32>,
        %get3A_427 = vector.shape_cast %get3A_426 : vector<1x16xf32> to vector<16xf32>
        %mul3A_428 = arith.mulf %get3A_423, %get3A_427 : vector<16xf32>
        %swap3A_429 = arith.index_cast %add3A_419 : i32 to index
        %swap3A_430 = arith.constant 0 : index
        %swap3A_431 = tpu.vector_load %arg9[%swap3A_429, %swap3A_430] {strides = array<i32>} : memref<96x128xf32, #tpu.memory_space<vmem>>, vector<1x16xf32>,
        %swap3A_432 = vector.shape_cast %swap3A_431 : vector<1x16xf32> to vector<16xf32>
        %swap3A_433 = vector.shape_cast %mul3A_428 : vector<16xf32> to vector<1x16xf32>
        tpu.vector_store %arg9[%swap3A_429, %swap3A_430], %swap3A_433 {strides = array<i32>} : memref<96x128xf32, #tpu.memory_space<vmem>>, vector<1x16xf32>,
        %get3A_434 = arith.index_cast %add3A_419 : i32 to index
        %get3A_435 = arith.constant 16 : index
        %get3A_436 = tpu.vector_load %arg9[%get3A_434, %get3A_435] {strides = array<i32>} : memref<96x128xf32, #tpu.memory_space<vmem>>, vector<1x16xf32>,
        %get3A_437 = vector.shape_cast %get3A_436 : vector<1x16xf32> to vector<16xf32>
        %get3A_438 = arith.index_cast %add3A_419 : i32 to index
        %get3A_439 = arith.constant 16 : index
        %get3A_440 = tpu.vector_load %arg11[%get3A_438, %get3A_439] {strides = array<i32>} : memref<96x128xf32, #tpu.memory_space<vmem>>, vector<1x16xf32>,
        %get3A_441 = vector.shape_cast %get3A_440 : vector<1x16xf32> to vector<16xf32>
        %mul3A_442 = arith.mulf %get3A_437, %get3A_441 : vector<16xf32>
        %swap3A_443 = arith.index_cast %add3A_419 : i32 to index
        %swap3A_444 = arith.constant 16 : index
        %swap3A_445 = tpu.vector_load %arg9[%swap3A_443, %swap3A_444] {strides = array<i32>} : memref<96x128xf32, #tpu.memory_space<vmem>>, vector<1x16xf32>,
        %swap3A_446 = vector.shape_cast %swap3A_445 : vector<1x16xf32> to vector<16xf32>
        %swap3A_447 = vector.shape_cast %mul3A_442 : vector<16xf32> to vector<1x16xf32>
        tpu.vector_store %arg9[%swap3A_443, %swap3A_444], %swap3A_447 {strides = array<i32>} : memref<96x128xf32, #tpu.memory_space<vmem>>, vector<1x16xf32>,
        %get3A_448 = arith.index_cast %add3A_419 : i32 to index
        %get3A_449 = arith.constant 32 : index
        %get3A_450 = tpu.vector_load %arg9[%get3A_448, %get3A_449] {strides = array<i32>} : memref<96x128xf32, #tpu.memory_space<vmem>>, vector<1x16xf32>,
        %get3A_451 = vector.shape_cast %get3A_450 : vector<1x16xf32> to vector<16xf32>
        %get3A_452 = arith.index_cast %add3A_419 : i32 to index
        %get3A_453 = arith.constant 32 : index
        %get3A_454 = tpu.vector_load %arg11[%get3A_452, %get3A_453] {strides = array<i32>} : memref<96x128xf32, #tpu.memory_space<vmem>>, vector<1x16xf32>,
        %get3A_455 = vector.shape_cast %get3A_454 : vector<1x16xf32> to vector<16xf32>
        %mul3A_456 = arith.mulf %get3A_451, %get3A_455 : vector<16xf32>
        %swap3A_457 = arith.index_cast %add3A_419 : i32 to index
        %swap3A_458 = arith.constant 32 : index
        %swap3A_459 = tpu.vector_load %arg9[%swap3A_457, %swap3A_458] {strides = array<i32>} : memref<96x128xf32, #tpu.memory_space<vmem>>, vector<1x16xf32>,
        %swap3A_460 = vector.shape_cast %swap3A_459 : vector<1x16xf32> to vector<16xf32>
        %swap3A_461 = vector.shape_cast %mul3A_456 : vector<16xf32> to vector<1x16xf32>
        tpu.vector_store %arg9[%swap3A_457, %swap3A_458], %swap3A_461 {strides = array<i32>} : memref<96x128xf32, #tpu.memory_space<vmem>>, vector<1x16xf32>,
        %get3A_462 = arith.index_cast %add3A_419 : i32 to index
        %get3A_463 = arith.constant 48 : index
        %get3A_464 = tpu.vector_load %arg9[%get3A_462, %get3A_463] {strides = array<i32>} : memref<96x128xf32, #tpu.memory_space<vmem>>, vector<1x16xf32>,
        %get3A_465 = vector.shape_cast %get3A_464 : vector<1x16xf32> to vector<16xf32>
        %get3A_466 = arith.index_cast %add3A_419 : i32 to index
        %get3A_467 = arith.constant 48 : index
        %get3A_468 = tpu.vector_load %arg11[%get3A_466, %get3A_467] {strides = array<i32>} : memref<96x128xf32, #tpu.memory_space<vmem>>, vector<1x16xf32>,
        %get3A_469 = vector.shape_cast %get3A_468 : vector<1x16xf32> to vector<16xf32>
        %mul3A_470 = arith.mulf %get3A_465, %get3A_469 : vector<16xf32>
        %swap3A_471 = arith.index_cast %add3A_419 : i32 to index
        %swap3A_472 = arith.constant 48 : index
        %swap3A_473 = tpu.vector_load %arg9[%swap3A_471, %swap3A_472] {strides = array<i32>} : memref<96x128xf32, #tpu.memory_space<vmem>>, vector<1x16xf32>,
        %swap3A_474 = vector.shape_cast %swap3A_473 : vector<1x16xf32> to vector<16xf32>
        %swap3A_475 = vector.shape_cast %mul3A_470 : vector<16xf32> to vector<1x16xf32>
        tpu.vector_store %arg9[%swap3A_471, %swap3A_472], %swap3A_475 {strides = array<i32>} : memref<96x128xf32, #tpu.memory_space<vmem>>, vector<1x16xf32>,
        %get3A_476 = arith.index_cast %add3A_419 : i32 to index
        %get3A_477 = arith.constant 64 : index
        %get3A_478 = tpu.vector_load %arg9[%get3A_476, %get3A_477] {strides = array<i32>} : memref<96x128xf32, #tpu.memory_space<vmem>>, vector<1x16xf32>,
        %get3A_479 = vector.shape_cast %get3A_478 : vector<1x16xf32> to vector<16xf32>
        %get3A_480 = arith.index_cast %add3A_419 : i32 to index
        %get3A_481 = arith.constant 64 : index
        %get3A_482 = tpu.vector_load %arg11[%get3A_480, %get3A_481] {strides = array<i32>} : memref<96x128xf32, #tpu.memory_space<vmem>>, vector<1x16xf32>,
        %get3A_483 = vector.shape_cast %get3A_482 : vector<1x16xf32> to vector<16xf32>
        %mul3A_484 = arith.mulf %get3A_479, %get3A_483 : vector<16xf32>
        %swap3A_485 = arith.index_cast %add3A_419 : i32 to index
        %swap3A_486 = arith.constant 64 : index
        %swap3A_487 = tpu.vector_load %arg9[%swap3A_485, %swap3A_486] {strides = array<i32>} : memref<96x128xf32, #tpu.memory_space<vmem>>, vector<1x16xf32>,
        %swap3A_488 = vector.shape_cast %swap3A_487 : vector<1x16xf32> to vector<16xf32>
        %swap3A_489 = vector.shape_cast %mul3A_484 : vector<16xf32> to vector<1x16xf32>
        tpu.vector_store %arg9[%swap3A_485, %swap3A_486], %swap3A_489 {strides = array<i32>} : memref<96x128xf32, #tpu.memory_space<vmem>>, vector<1x16xf32>,
        %get3A_490 = arith.index_cast %add3A_419 : i32 to index
        %get3A_491 = arith.constant 80 : index
        %get3A_492 = tpu.vector_load %arg9[%get3A_490, %get3A_491] {strides = array<i32>} : memref<96x128xf32, #tpu.memory_space<vmem>>, vector<1x16xf32>,
        %get3A_493 = vector.shape_cast %get3A_492 : vector<1x16xf32> to vector<16xf32>
        %get3A_494 = arith.index_cast %add3A_419 : i32 to index
        %get3A_495 = arith.constant 80 : index
        %get3A_496 = tpu.vector_load %arg11[%get3A_494, %get3A_495] {strides = array<i32>} : memref<96x128xf32, #tpu.memory_space<vmem>>, vector<1x16xf32>,
        %get3A_497 = vector.shape_cast %get3A_496 : vector<1x16xf32> to vector<16xf32>
        %mul3A_498 = arith.mulf %get3A_493, %get3A_497 : vector<16xf32>
        %swap3A_499 = arith.index_cast %add3A_419 : i32 to index
        %swap3A_500 = arith.constant 80 : index
        %swap3A_501 = tpu.vector_load %arg9[%swap3A_499, %swap3A_500] {strides = array<i32>} : memref<96x128xf32, #tpu.memory_space<vmem>>, vector<1x16xf32>,
        %swap3A_502 = vector.shape_cast %swap3A_501 : vector<1x16xf32> to vector<16xf32>
        %swap3A_503 = vector.shape_cast %mul3A_498 : vector<16xf32> to vector<1x16xf32>
        tpu.vector_store %arg9[%swap3A_499, %swap3A_500], %swap3A_503 {strides = array<i32>} : memref<96x128xf32, #tpu.memory_space<vmem>>, vector<1x16xf32>,
        %get3A_504 = arith.index_cast %add3A_419 : i32 to index
        %get3A_505 = arith.constant 96 : index
        %get3A_506 = tpu.vector_load %arg9[%get3A_504, %get3A_505] {strides = array<i32>} : memref<96x128xf32, #tpu.memory_space<vmem>>, vector<1x16xf32>,
        %get3A_507 = vector.shape_cast %get3A_506 : vector<1x16xf32> to vector<16xf32>
        %get3A_508 = arith.index_cast %add3A_419 : i32 to index
        %get3A_509 = arith.constant 96 : index
        %get3A_510 = tpu.vector_load %arg11[%get3A_508, %get3A_509] {strides = array<i32>} : memref<96x128xf32, #tpu.memory_space<vmem>>, vector<1x16xf32>,
        %get3A_511 = vector.shape_cast %get3A_510 : vector<1x16xf32> to vector<16xf32>
        %mul3A_512 = arith.mulf %get3A_507, %get3A_511 : vector<16xf32>
        %swap3A_513 = arith.index_cast %add3A_419 : i32 to index
        %swap3A_514 = arith.constant 96 : index
        %swap3A_515 = tpu.vector_load %arg9[%swap3A_513, %swap3A_514] {strides = array<i32>} : memref<96x128xf32, #tpu.memory_space<vmem>>, vector<1x16xf32>,
        %swap3A_516 = vector.shape_cast %swap3A_515 : vector<1x16xf32> to vector<16xf32>
        %swap3A_517 = vector.shape_cast %mul3A_512 : vector<16xf32> to vector<1x16xf32>
        tpu.vector_store %arg9[%swap3A_513, %swap3A_514], %swap3A_517 {strides = array<i32>} : memref<96x128xf32, #tpu.memory_space<vmem>>, vector<1x16xf32>,
        %get3A_518 = arith.index_cast %add3A_419 : i32 to index
        %get3A_519 = arith.constant 112 : index
        %get3A_520 = tpu.vector_load %arg9[%get3A_518, %get3A_519] {strides = array<i32>} : memref<96x128xf32, #tpu.memory_space<vmem>>, vector<1x16xf32>,
        %get3A_521 = vector.shape_cast %get3A_520 : vector<1x16xf32> to vector<16xf32>
        %get3A_522 = arith.index_cast %add3A_419 : i32 to index
        %get3A_523 = arith.constant 112 : index
        %get3A_524 = tpu.vector_load %arg11[%get3A_522, %get3A_523] {strides = array<i32>} : memref<96x128xf32, #tpu.memory_space<vmem>>, vector<1x16xf32>,
        %get3A_525 = vector.shape_cast %get3A_524 : vector<1x16xf32> to vector<16xf32>
        %mul3A_526 = arith.mulf %get3A_521, %get3A_525 : vector<16xf32>
        %swap3A_527 = arith.index_cast %add3A_419 : i32 to index
        %swap3A_528 = arith.constant 112 : index
        %swap3A_529 = tpu.vector_load %arg9[%swap3A_527, %swap3A_528] {strides = array<i32>} : memref<96x128xf32, #tpu.memory_space<vmem>>, vector<1x16xf32>,
        %swap3A_530 = vector.shape_cast %swap3A_529 : vector<1x16xf32> to vector<16xf32>
        %swap3A_531 = vector.shape_cast %mul3A_526 : vector<16xf32> to vector<1x16xf32>
        tpu.vector_store %arg9[%swap3A_527, %swap3A_528], %swap3A_531 {strides = array<i32>} : memref<96x128xf32, #tpu.memory_space<vmem>>, vector<1x16xf32>,
        %scan3A_532 = arith.constant 0 : i32
        scf.yield %scan3A_532 : i32
      }
      %scan3A_282 = arith.constant 48 : i32
      %add3A_283 = arith.constant 2 : i32
      %add3A_284 = arith.addi %add3A_242, %add3A_283 : i32
      %min3A_285 = arith.constant 51 : i32
      %min3A_286 = arith.minsi %add3A_284, %min3A_285 : i32
      %mul3A_287 = arith.constant 96 : i32
      %mul3A_288 = arith.muli %min3A_286, %mul3A_287 : i32
      %add3A_289 = arith.addi %mul3A_2, %mul3A_288 : i32
      %dma_start3A_290 = arith.constant 0 : i32
      %dma_start3A_291 = tpu.memref_slice %arg3[%add3A_289, %dma_start3A_290] : memref<160000x128xf32, #tpu.memory_space<hbm>> -> memref<96x128xf32, #tpu.memory_space<hbm>>
      %dma_start3A_292 = arith.constant 0 : i32
      %dma_start3A_293 = tpu.memref_slice %arg3[%add3A_289, %dma_start3A_292] : memref<160000x128xf32, #tpu.memory_space<hbm>> -> memref<96x128xf32, #tpu.memory_space<hbm>>
      tpu.enqueue_dma source(%dma_start3A_293 : memref<96x128xf32, #tpu.memory_space<hbm>>) target(%arg11 : memref<96x128xf32, #tpu.memory_space<vmem>>) target_semaphore(%arg25 : memref<!tpu.dma_semaphore, #tpu.memory_space<semaphore_mem>>)
      %dma_wait3A_294 = tpu.memref_slice %arg4[%mul3A_2] : memref<160000xi32, #tpu.memory_space<hbm>> -> memref<96xi32, #tpu.memory_space<hbm>>
      %dma_wait3A_295 = tpu.memref_slice %arg4[%mul3A_2] : memref<160000xi32, #tpu.memory_space<hbm>> -> memref<96xi32, #tpu.memory_space<hbm>>
      tpu.wait_dma2 semaphore(%arg23 : memref<!tpu.dma_semaphore, #tpu.memory_space<semaphore_mem>>) src(%dma_wait3A_295 : memref<96xi32, #tpu.memory_space<hbm>>) dst(%arg15 : memref<96xi32, #tpu.memory_space<vmem>>)
      %dma_start3A_296 = arith.constant 0 : i32
      %dma_start3A_297 = arith.constant 0 : i32
      %dma_start3A_298 = tpu.memref_slice %arg7[%dma_start3A_296, %dma_start3A_297] : memref<10112x128xf32, #tpu.memory_space<vmem_shared>> -> memref<10112x128xf32, #tpu.memory_space<vmem_shared>>
      tpu.enqueue_indirect_dma source(%arg9 : memref<96x128xf32, #tpu.memory_space<vmem>>) target(%dma_start3A_298 : memref<10112x128xf32, #tpu.memory_space<vmem_shared>>) offsets(%arg15 : memref<96xi32, #tpu.memory_space<vmem>>) semaphore(%arg27 : memref<!tpu.dma_semaphore, #tpu.memory_space<semaphore_mem>>) {add = true}
      %scan3A_299 = arith.constant 0 : i32
      scf.yield %scan3A_299 : i32
    }
    %scan3A_140 = arith.constant 26 : i32
    %dma_wait3A_141 = arith.constant 0 : i32
    %dma_wait3A_142 = arith.constant 0 : i32
    %dma_wait3A_143 = tpu.memref_slice %arg2[%dma_wait3A_141, %dma_wait3A_142] : memref<10000x128xf32, #tpu.memory_space<hbm>> -> memref<10000x128xf32, #tpu.memory_space<hbm>>
    tpu.wait_indirect_dma semaphore(%arg18 : memref<!tpu.dma_semaphore, #tpu.memory_space<semaphore_mem>>) src(%dma_wait3A_143 : memref<10000x128xf32, #tpu.memory_space<hbm>>) dst(%arg8 : memref<96x128xf32, #tpu.memory_space<vmem>>)
    %dma_wait3A_144 = tpu.memref_slice %arg5[%mul3A_2] : memref<160000xi32, #tpu.memory_space<hbm>> -> memref<96xi32, #tpu.memory_space<hbm>>
    %dma_wait3A_145 = tpu.memref_slice %arg5[%mul3A_2] : memref<160000xi32, #tpu.memory_space<hbm>> -> memref<96xi32, #tpu.memory_space<hbm>>
    tpu.wait_dma2 semaphore(%arg21 : memref<!tpu.dma_semaphore, #tpu.memory_space<semaphore_mem>>) src(%dma_wait3A_145 : memref<96xi32, #tpu.memory_space<hbm>>) dst(%arg14 : memref<96xi32, #tpu.memory_space<vmem>>)
    %dma_wait3A_146 = tpu.memref_slice %arg4[%mul3A_2] : memref<160000xi32, #tpu.memory_space<hbm>> -> memref<96xi32, #tpu.memory_space<hbm>>
    %dma_wait3A_147 = tpu.memref_slice %arg4[%mul3A_2] : memref<160000xi32, #tpu.memory_space<hbm>> -> memref<96xi32, #tpu.memory_space<hbm>>
    tpu.wait_dma2 semaphore(%arg22 : memref<!tpu.dma_semaphore, #tpu.memory_space<semaphore_mem>>) src(%dma_wait3A_147 : memref<96xi32, #tpu.memory_space<hbm>>) dst(%arg13 : memref<96xi32, #tpu.memory_space<vmem>>)
    %dma_wait3A_148 = arith.constant 0 : i32
    %dma_wait3A_149 = tpu.memref_slice %arg3[%mul3A_2, %dma_wait3A_148] : memref<160000x128xf32, #tpu.memory_space<hbm>> -> memref<96x128xf32, #tpu.memory_space<hbm>>
    %dma_wait3A_150 = arith.constant 0 : i32
    %dma_wait3A_151 = tpu.memref_slice %arg3[%mul3A_2, %dma_wait3A_150] : memref<160000x128xf32, #tpu.memory_space<hbm>> -> memref<96x128xf32, #tpu.memory_space<hbm>>
    tpu.wait_dma2 semaphore(%arg24 : memref<!tpu.dma_semaphore, #tpu.memory_space<semaphore_mem>>) src(%dma_wait3A_151 : memref<96x128xf32, #tpu.memory_space<hbm>>) dst(%arg10 : memref<96x128xf32, #tpu.memory_space<vmem>>)
    %dma_wait3A_152 = arith.constant 0 : i32
    %dma_wait3A_153 = tpu.memref_slice %arg3[%mul3A_2, %dma_wait3A_152] : memref<160000x128xf32, #tpu.memory_space<hbm>> -> memref<96x128xf32, #tpu.memory_space<hbm>>
    %dma_wait3A_154 = arith.constant 0 : i32
    %dma_wait3A_155 = tpu.memref_slice %arg3[%mul3A_2, %dma_wait3A_154] : memref<160000x128xf32, #tpu.memory_space<hbm>> -> memref<96x128xf32, #tpu.memory_space<hbm>>
    tpu.wait_dma2 semaphore(%arg25 : memref<!tpu.dma_semaphore, #tpu.memory_space<semaphore_mem>>) src(%dma_wait3A_155 : memref<96x128xf32, #tpu.memory_space<hbm>>) dst(%arg11 : memref<96x128xf32, #tpu.memory_space<vmem>>)
    %dma_wait3A_156 = arith.constant 0 : i32
    %dma_wait3A_157 = arith.constant 0 : i32
    %dma_wait3A_158 = tpu.memref_slice %arg7[%dma_wait3A_156, %dma_wait3A_157] : memref<10112x128xf32, #tpu.memory_space<vmem_shared>> -> memref<10112x128xf32, #tpu.memory_space<vmem_shared>>
    tpu.wait_indirect_dma semaphore(%arg27 : memref<!tpu.dma_semaphore, #tpu.memory_space<semaphore_mem>>) src(%arg9 : memref<96x128xf32, #tpu.memory_space<vmem>>) dst(%dma_wait3A_158 : memref<10112x128xf32, #tpu.memory_space<vmem_shared>>)
    %add3A_159 = arith.constant 4992 : i32
    %add3A_160 = arith.addi %mul3A_2, %add3A_159 : i32
    "tpu.region"() ({
      %run_scoped3A = tpu.sem_alloc : memref<!tpu.dma_semaphore, #tpu.memory_space<semaphore_mem>>
      %dma_start3A_181 = tpu.memref_slice %arg5[%add3A_160] : memref<160000xi32, #tpu.memory_space<hbm>> -> memref<8xi32, #tpu.memory_space<hbm>>
      %dma_start3A_182 = tpu.memref_slice %arg5[%add3A_160] : memref<160000xi32, #tpu.memory_space<hbm>> -> memref<8xi32, #tpu.memory_space<hbm>>
      tpu.enqueue_dma source(%dma_start3A_182 : memref<8xi32, #tpu.memory_space<hbm>>) target(%arg16 : memref<8xi32, #tpu.memory_space<vmem>>) target_semaphore(%run_scoped3A : memref<!tpu.dma_semaphore, #tpu.memory_space<semaphore_mem>>)
      %dma_wait3A_183 = tpu.memref_slice %arg5[%add3A_160] : memref<160000xi32, #tpu.memory_space<hbm>> -> memref<8xi32, #tpu.memory_space<hbm>>
      %dma_wait3A_184 = tpu.memref_slice %arg5[%add3A_160] : memref<160000xi32, #tpu.memory_space<hbm>> -> memref<8xi32, #tpu.memory_space<hbm>>
      tpu.wait_dma2 semaphore(%run_scoped3A : memref<!tpu.dma_semaphore, #tpu.memory_space<semaphore_mem>>) src(%dma_wait3A_184 : memref<8xi32, #tpu.memory_space<hbm>>) dst(%arg16 : memref<8xi32, #tpu.memory_space<vmem>>)
      tpu.yield
    }) : () -> ()
    "tpu.region"() ({
      %run_scoped3A = tpu.sem_alloc : memref<!tpu.dma_semaphore, #tpu.memory_space<semaphore_mem>>
      %dma_start3A_181 = tpu.memref_slice %arg4[%add3A_160] : memref<160000xi32, #tpu.memory_space<hbm>> -> memref<8xi32, #tpu.memory_space<hbm>>
      %dma_start3A_182 = tpu.memref_slice %arg4[%add3A_160] : memref<160000xi32, #tpu.memory_space<hbm>> -> memref<8xi32, #tpu.memory_space<hbm>>
      tpu.enqueue_dma source(%dma_start3A_182 : memref<8xi32, #tpu.memory_space<hbm>>) target(%arg17 : memref<8xi32, #tpu.memory_space<vmem>>) target_semaphore(%run_scoped3A : memref<!tpu.dma_semaphore, #tpu.memory_space<semaphore_mem>>)
      %dma_wait3A_183 = tpu.memref_slice %arg4[%add3A_160] : memref<160000xi32, #tpu.memory_space<hbm>> -> memref<8xi32, #tpu.memory_space<hbm>>
      %dma_wait3A_184 = tpu.memref_slice %arg4[%add3A_160] : memref<160000xi32, #tpu.memory_space<hbm>> -> memref<8xi32, #tpu.memory_space<hbm>>
      tpu.wait_dma2 semaphore(%run_scoped3A : memref<!tpu.dma_semaphore, #tpu.memory_space<semaphore_mem>>) src(%dma_wait3A_184 : memref<8xi32, #tpu.memory_space<hbm>>) dst(%arg17 : memref<8xi32, #tpu.memory_space<vmem>>)
      tpu.yield
    }) : () -> ()
    %dma_start3A_161 = arith.constant 0 : i32
    %dma_start3A_162 = arith.constant 0 : i32
    %dma_start3A_163 = tpu.memref_slice %arg8[%dma_start3A_161, %dma_start3A_162] : memref<96x128xf32, #tpu.memory_space<vmem>> -> memref<8x128xf32, #tpu.memory_space<vmem>>
    %dma_start3A_164 = arith.constant 0 : i32
    %dma_start3A_165 = arith.constant 0 : i32
    %dma_start3A_166 = tpu.memref_slice %arg2[%dma_start3A_164, %dma_start3A_165] : memref<10000x128xf32, #tpu.memory_space<hbm>> -> memref<10000x128xf32, #tpu.memory_space<hbm>>
    tpu.enqueue_indirect_dma source(%dma_start3A_166 : memref<10000x128xf32, #tpu.memory_space<hbm>>) target(%dma_start3A_163 : memref<8x128xf32, #tpu.memory_space<vmem>>) offsets(%arg16 : memref<8xi32, #tpu.memory_space<vmem>>) semaphore(%arg18 : memref<!tpu.dma_semaphore, #tpu.memory_space<semaphore_mem>>)
    %dma_wait3A_167 = arith.constant 0 : i32
    %dma_wait3A_168 = arith.constant 0 : i32
    %dma_wait3A_169 = tpu.memref_slice %arg8[%dma_wait3A_167, %dma_wait3A_168] : memref<96x128xf32, #tpu.memory_space<vmem>> -> memref<8x128xf32, #tpu.memory_space<vmem>>
    %dma_wait3A_170 = arith.constant 0 : i32
    %dma_wait3A_171 = arith.constant 0 : i32
    %dma_wait3A_172 = tpu.memref_slice %arg2[%dma_wait3A_170, %dma_wait3A_171] : memref<10000x128xf32, #tpu.memory_space<hbm>> -> memref<10000x128xf32, #tpu.memory_space<hbm>>
    tpu.wait_indirect_dma semaphore(%arg18 : memref<!tpu.dma_semaphore, #tpu.memory_space<semaphore_mem>>) src(%dma_wait3A_172 : memref<10000x128xf32, #tpu.memory_space<hbm>>) dst(%dma_wait3A_169 : memref<8x128xf32, #tpu.memory_space<vmem>>)
    "tpu.region"() ({
      %run_scoped3A = tpu.sem_alloc : memref<!tpu.dma_semaphore, #tpu.memory_space<semaphore_mem>>
      %dma_start3A_181 = arith.constant 0 : i32
      %dma_start3A_182 = arith.constant 0 : i32
      %dma_start3A_183 = tpu.memref_slice %arg10[%dma_start3A_181, %dma_start3A_182] : memref<96x128xf32, #tpu.memory_space<vmem>> -> memref<8x128xf32, #tpu.memory_space<vmem>>
      %dma_start3A_184 = arith.constant 0 : i32
      %dma_start3A_185 = tpu.memref_slice %arg3[%add3A_160, %dma_start3A_184] : memref<160000x128xf32, #tpu.memory_space<hbm>> -> memref<8x128xf32, #tpu.memory_space<hbm>>
      %dma_start3A_186 = arith.constant 0 : i32
      %dma_start3A_187 = arith.constant 0 : i32
      %dma_start3A_188 = tpu.memref_slice %arg10[%dma_start3A_186, %dma_start3A_187] : memref<96x128xf32, #tpu.memory_space<vmem>> -> memref<8x128xf32, #tpu.memory_space<vmem>>
      %dma_start3A_189 = arith.constant 0 : i32
      %dma_start3A_190 = tpu.memref_slice %arg3[%add3A_160, %dma_start3A_189] : memref<160000x128xf32, #tpu.memory_space<hbm>> -> memref<8x128xf32, #tpu.memory_space<hbm>>
      tpu.enqueue_dma source(%dma_start3A_190 : memref<8x128xf32, #tpu.memory_space<hbm>>) target(%dma_start3A_188 : memref<8x128xf32, #tpu.memory_space<vmem>>) target_semaphore(%run_scoped3A : memref<!tpu.dma_semaphore, #tpu.memory_space<semaphore_mem>>)
      %dma_wait3A_191 = arith.constant 0 : i32
      %dma_wait3A_192 = arith.constant 0 : i32
      %dma_wait3A_193 = tpu.memref_slice %arg10[%dma_wait3A_191, %dma_wait3A_192] : memref<96x128xf32, #tpu.memory_space<vmem>> -> memref<8x128xf32, #tpu.memory_space<vmem>>
      %dma_wait3A_194 = arith.constant 0 : i32
      %dma_wait3A_195 = tpu.memref_slice %arg3[%add3A_160, %dma_wait3A_194] : memref<160000x128xf32, #tpu.memory_space<hbm>> -> memref<8x128xf32, #tpu.memory_space<hbm>>
      %dma_wait3A_196 = arith.constant 0 : i32
      %dma_wait3A_197 = arith.constant 0 : i32
      %dma_wait3A_198 = tpu.memref_slice %arg10[%dma_wait3A_196, %dma_wait3A_197] : memref<96x128xf32, #tpu.memory_space<vmem>> -> memref<8x128xf32, #tpu.memory_space<vmem>>
      %dma_wait3A_199 = arith.constant 0 : i32
      %dma_wait3A_200 = tpu.memref_slice %arg3[%add3A_160, %dma_wait3A_199] : memref<160000x128xf32, #tpu.memory_space<hbm>> -> memref<8x128xf32, #tpu.memory_space<hbm>>
      tpu.wait_dma2 semaphore(%run_scoped3A : memref<!tpu.dma_semaphore, #tpu.memory_space<semaphore_mem>>) src(%dma_wait3A_200 : memref<8x128xf32, #tpu.memory_space<hbm>>) dst(%dma_wait3A_198 : memref<8x128xf32, #tpu.memory_space<vmem>>)
      tpu.yield
    }) : () -> ()
    %scan3A_173 = arith.constant 0 : i32
    %scan3A_174 = arith.constant 0 : i32
    %scan3A_175 = arith.constant 4 : i32
    %scan3A_176 = arith.addi %scan3A_174, %scan3A_175 : i32
    %scan3A_177 = arith.constant 1 : i32
    %scan3A_178 = scf.for %scan3A_181 = %scan3A_174 to %scan3A_176 step %scan3A_177 iter_args(%scan3A_182 = %scan3A_173) -> (i32)  : i32 {
      %mul3A_183 = arith.constant 2 : i32
      %mul3A_184 = arith.muli %scan3A_181, %mul3A_183 : i32
      %add3A_185 = arith.constant 0 : i32
      %add3A_186 = arith.addi %mul3A_184, %add3A_185 : i32
      %get3A = arith.index_cast %add3A_186 : i32 to index
      %get3A_187 = arith.constant 0 : index
      %get3A_188 = tpu.vector_load %arg8[%get3A, %get3A_187] {strides = array<i32>} : memref<96x128xf32, #tpu.memory_space<vmem>>, vector<1x16xf32>,
      %get3A_189 = vector.shape_cast %get3A_188 : vector<1x16xf32> to vector<16xf32>
      %get3A_190 = arith.index_cast %add3A_186 : i32 to index
      %get3A_191 = arith.constant 0 : index
      %get3A_192 = tpu.vector_load %arg10[%get3A_190, %get3A_191] {strides = array<i32>} : memref<96x128xf32, #tpu.memory_space<vmem>>, vector<1x16xf32>,
      %get3A_193 = vector.shape_cast %get3A_192 : vector<1x16xf32> to vector<16xf32>
      %mul3A_194 = arith.mulf %get3A_189, %get3A_193 : vector<16xf32>
      %swap3A = arith.index_cast %add3A_186 : i32 to index
      %swap3A_195 = arith.constant 0 : index
      %swap3A_196 = tpu.vector_load %arg8[%swap3A, %swap3A_195] {strides = array<i32>} : memref<96x128xf32, #tpu.memory_space<vmem>>, vector<1x16xf32>,
      %swap3A_197 = vector.shape_cast %swap3A_196 : vector<1x16xf32> to vector<16xf32>
      %swap3A_198 = vector.shape_cast %mul3A_194 : vector<16xf32> to vector<1x16xf32>
      tpu.vector_store %arg8[%swap3A, %swap3A_195], %swap3A_198 {strides = array<i32>} : memref<96x128xf32, #tpu.memory_space<vmem>>, vector<1x16xf32>,
      %get3A_199 = arith.index_cast %add3A_186 : i32 to index
      %get3A_200 = arith.constant 16 : index
      %get3A_201 = tpu.vector_load %arg8[%get3A_199, %get3A_200] {strides = array<i32>} : memref<96x128xf32, #tpu.memory_space<vmem>>, vector<1x16xf32>,
      %get3A_202 = vector.shape_cast %get3A_201 : vector<1x16xf32> to vector<16xf32>
      %get3A_203 = arith.index_cast %add3A_186 : i32 to index
      %get3A_204 = arith.constant 16 : index
      %get3A_205 = tpu.vector_load %arg10[%get3A_203, %get3A_204] {strides = array<i32>} : memref<96x128xf32, #tpu.memory_space<vmem>>, vector<1x16xf32>,
      %get3A_206 = vector.shape_cast %get3A_205 : vector<1x16xf32> to vector<16xf32>
      %mul3A_207 = arith.mulf %get3A_202, %get3A_206 : vector<16xf32>
      %swap3A_208 = arith.index_cast %add3A_186 : i32 to index
      %swap3A_209 = arith.constant 16 : index
      %swap3A_210 = tpu.vector_load %arg8[%swap3A_208, %swap3A_209] {strides = array<i32>} : memref<96x128xf32, #tpu.memory_space<vmem>>, vector<1x16xf32>,
      %swap3A_211 = vector.shape_cast %swap3A_210 : vector<1x16xf32> to vector<16xf32>
      %swap3A_212 = vector.shape_cast %mul3A_207 : vector<16xf32> to vector<1x16xf32>
      tpu.vector_store %arg8[%swap3A_208, %swap3A_209], %swap3A_212 {strides = array<i32>} : memref<96x128xf32, #tpu.memory_space<vmem>>, vector<1x16xf32>,
      %get3A_213 = arith.index_cast %add3A_186 : i32 to index
      %get3A_214 = arith.constant 32 : index
      %get3A_215 = tpu.vector_load %arg8[%get3A_213, %get3A_214] {strides = array<i32>} : memref<96x128xf32, #tpu.memory_space<vmem>>, vector<1x16xf32>,
      %get3A_216 = vector.shape_cast %get3A_215 : vector<1x16xf32> to vector<16xf32>
      %get3A_217 = arith.index_cast %add3A_186 : i32 to index
      %get3A_218 = arith.constant 32 : index
      %get3A_219 = tpu.vector_load %arg10[%get3A_217, %get3A_218] {strides = array<i32>} : memref<96x128xf32, #tpu.memory_space<vmem>>, vector<1x16xf32>,
      %get3A_220 = vector.shape_cast %get3A_219 : vector<1x16xf32> to vector<16xf32>
      %mul3A_221 = arith.mulf %get3A_216, %get3A_220 : vector<16xf32>
      %swap3A_222 = arith.index_cast %add3A_186 : i32 to index
      %swap3A_223 = arith.constant 32 : index
      %swap3A_224 = tpu.vector_load %arg8[%swap3A_222, %swap3A_223] {strides = array<i32>} : memref<96x128xf32, #tpu.memory_space<vmem>>, vector<1x16xf32>,
      %swap3A_225 = vector.shape_cast %swap3A_224 : vector<1x16xf32> to vector<16xf32>
      %swap3A_226 = vector.shape_cast %mul3A_221 : vector<16xf32> to vector<1x16xf32>
      tpu.vector_store %arg8[%swap3A_222, %swap3A_223], %swap3A_226 {strides = array<i32>} : memref<96x128xf32, #tpu.memory_space<vmem>>, vector<1x16xf32>,
      %get3A_227 = arith.index_cast %add3A_186 : i32 to index
      %get3A_228 = arith.constant 48 : index
      %get3A_229 = tpu.vector_load %arg8[%get3A_227, %get3A_228] {strides = array<i32>} : memref<96x128xf32, #tpu.memory_space<vmem>>, vector<1x16xf32>,
      %get3A_230 = vector.shape_cast %get3A_229 : vector<1x16xf32> to vector<16xf32>
      %get3A_231 = arith.index_cast %add3A_186 : i32 to index
      %get3A_232 = arith.constant 48 : index
      %get3A_233 = tpu.vector_load %arg10[%get3A_231, %get3A_232] {strides = array<i32>} : memref<96x128xf32, #tpu.memory_space<vmem>>, vector<1x16xf32>,
      %get3A_234 = vector.shape_cast %get3A_233 : vector<1x16xf32> to vector<16xf32>
      %mul3A_235 = arith.mulf %get3A_230, %get3A_234 : vector<16xf32>
      %swap3A_236 = arith.index_cast %add3A_186 : i32 to index
      %swap3A_237 = arith.constant 48 : index
      %swap3A_238 = tpu.vector_load %arg8[%swap3A_236, %swap3A_237] {strides = array<i32>} : memref<96x128xf32, #tpu.memory_space<vmem>>, vector<1x16xf32>,
      %swap3A_239 = vector.shape_cast %swap3A_238 : vector<1x16xf32> to vector<16xf32>
      %swap3A_240 = vector.shape_cast %mul3A_235 : vector<16xf32> to vector<1x16xf32>
      tpu.vector_store %arg8[%swap3A_236, %swap3A_237], %swap3A_240 {strides = array<i32>} : memref<96x128xf32, #tpu.memory_space<vmem>>, vector<1x16xf32>,
      %get3A_241 = arith.index_cast %add3A_186 : i32 to index
      %get3A_242 = arith.constant 64 : index
      %get3A_243 = tpu.vector_load %arg8[%get3A_241, %get3A_242] {strides = array<i32>} : memref<96x128xf32, #tpu.memory_space<vmem>>, vector<1x16xf32>,
      %get3A_244 = vector.shape_cast %get3A_243 : vector<1x16xf32> to vector<16xf32>
      %get3A_245 = arith.index_cast %add3A_186 : i32 to index
      %get3A_246 = arith.constant 64 : index
      %get3A_247 = tpu.vector_load %arg10[%get3A_245, %get3A_246] {strides = array<i32>} : memref<96x128xf32, #tpu.memory_space<vmem>>, vector<1x16xf32>,
      %get3A_248 = vector.shape_cast %get3A_247 : vector<1x16xf32> to vector<16xf32>
      %mul3A_249 = arith.mulf %get3A_244, %get3A_248 : vector<16xf32>
      %swap3A_250 = arith.index_cast %add3A_186 : i32 to index
      %swap3A_251 = arith.constant 64 : index
      %swap3A_252 = tpu.vector_load %arg8[%swap3A_250, %swap3A_251] {strides = array<i32>} : memref<96x128xf32, #tpu.memory_space<vmem>>, vector<1x16xf32>,
      %swap3A_253 = vector.shape_cast %swap3A_252 : vector<1x16xf32> to vector<16xf32>
      %swap3A_254 = vector.shape_cast %mul3A_249 : vector<16xf32> to vector<1x16xf32>
      tpu.vector_store %arg8[%swap3A_250, %swap3A_251], %swap3A_254 {strides = array<i32>} : memref<96x128xf32, #tpu.memory_space<vmem>>, vector<1x16xf32>,
      %get3A_255 = arith.index_cast %add3A_186 : i32 to index
      %get3A_256 = arith.constant 80 : index
      %get3A_257 = tpu.vector_load %arg8[%get3A_255, %get3A_256] {strides = array<i32>} : memref<96x128xf32, #tpu.memory_space<vmem>>, vector<1x16xf32>,
      %get3A_258 = vector.shape_cast %get3A_257 : vector<1x16xf32> to vector<16xf32>
      %get3A_259 = arith.index_cast %add3A_186 : i32 to index
      %get3A_260 = arith.constant 80 : index
      %get3A_261 = tpu.vector_load %arg10[%get3A_259, %get3A_260] {strides = array<i32>} : memref<96x128xf32, #tpu.memory_space<vmem>>, vector<1x16xf32>,
      %get3A_262 = vector.shape_cast %get3A_261 : vector<1x16xf32> to vector<16xf32>
      %mul3A_263 = arith.mulf %get3A_258, %get3A_262 : vector<16xf32>
      %swap3A_264 = arith.index_cast %add3A_186 : i32 to index
      %swap3A_265 = arith.constant 80 : index
      %swap3A_266 = tpu.vector_load %arg8[%swap3A_264, %swap3A_265] {strides = array<i32>} : memref<96x128xf32, #tpu.memory_space<vmem>>, vector<1x16xf32>,
      %swap3A_267 = vector.shape_cast %swap3A_266 : vector<1x16xf32> to vector<16xf32>
      %swap3A_268 = vector.shape_cast %mul3A_263 : vector<16xf32> to vector<1x16xf32>
      tpu.vector_store %arg8[%swap3A_264, %swap3A_265], %swap3A_268 {strides = array<i32>} : memref<96x128xf32, #tpu.memory_space<vmem>>, vector<1x16xf32>,
      %get3A_269 = arith.index_cast %add3A_186 : i32 to index
      %get3A_270 = arith.constant 96 : index
      %get3A_271 = tpu.vector_load %arg8[%get3A_269, %get3A_270] {strides = array<i32>} : memref<96x128xf32, #tpu.memory_space<vmem>>, vector<1x16xf32>,
      %get3A_272 = vector.shape_cast %get3A_271 : vector<1x16xf32> to vector<16xf32>
      %get3A_273 = arith.index_cast %add3A_186 : i32 to index
      %get3A_274 = arith.constant 96 : index
      %get3A_275 = tpu.vector_load %arg10[%get3A_273, %get3A_274] {strides = array<i32>} : memref<96x128xf32, #tpu.memory_space<vmem>>, vector<1x16xf32>,
      %get3A_276 = vector.shape_cast %get3A_275 : vector<1x16xf32> to vector<16xf32>
      %mul3A_277 = arith.mulf %get3A_272, %get3A_276 : vector<16xf32>
      %swap3A_278 = arith.index_cast %add3A_186 : i32 to index
      %swap3A_279 = arith.constant 96 : index
      %swap3A_280 = tpu.vector_load %arg8[%swap3A_278, %swap3A_279] {strides = array<i32>} : memref<96x128xf32, #tpu.memory_space<vmem>>, vector<1x16xf32>,
      %swap3A_281 = vector.shape_cast %swap3A_280 : vector<1x16xf32> to vector<16xf32>
      %swap3A_282 = vector.shape_cast %mul3A_277 : vector<16xf32> to vector<1x16xf32>
      tpu.vector_store %arg8[%swap3A_278, %swap3A_279], %swap3A_282 {strides = array<i32>} : memref<96x128xf32, #tpu.memory_space<vmem>>, vector<1x16xf32>,
      %get3A_283 = arith.index_cast %add3A_186 : i32 to index
      %get3A_284 = arith.constant 112 : index
      %get3A_285 = tpu.vector_load %arg8[%get3A_283, %get3A_284] {strides = array<i32>} : memref<96x128xf32, #tpu.memory_space<vmem>>, vector<1x16xf32>,
      %get3A_286 = vector.shape_cast %get3A_285 : vector<1x16xf32> to vector<16xf32>
      %get3A_287 = arith.index_cast %add3A_186 : i32 to index
      %get3A_288 = arith.constant 112 : index
      %get3A_289 = tpu.vector_load %arg10[%get3A_287, %get3A_288] {strides = array<i32>} : memref<96x128xf32, #tpu.memory_space<vmem>>, vector<1x16xf32>,
      %get3A_290 = vector.shape_cast %get3A_289 : vector<1x16xf32> to vector<16xf32>
      %mul3A_291 = arith.mulf %get3A_286, %get3A_290 : vector<16xf32>
      %swap3A_292 = arith.index_cast %add3A_186 : i32 to index
      %swap3A_293 = arith.constant 112 : index
      %swap3A_294 = tpu.vector_load %arg8[%swap3A_292, %swap3A_293] {strides = array<i32>} : memref<96x128xf32, #tpu.memory_space<vmem>>, vector<1x16xf32>,
      %swap3A_295 = vector.shape_cast %swap3A_294 : vector<1x16xf32> to vector<16xf32>
      %swap3A_296 = vector.shape_cast %mul3A_291 : vector<16xf32> to vector<1x16xf32>
      tpu.vector_store %arg8[%swap3A_292, %swap3A_293], %swap3A_296 {strides = array<i32>} : memref<96x128xf32, #tpu.memory_space<vmem>>, vector<1x16xf32>,
      %mul3A_297 = arith.constant 2 : i32
      %mul3A_298 = arith.muli %scan3A_181, %mul3A_297 : i32
      %add3A_299 = arith.constant 1 : i32
      %add3A_300 = arith.addi %mul3A_298, %add3A_299 : i32
      %get3A_301 = arith.index_cast %add3A_300 : i32 to index
      %get3A_302 = arith.constant 0 : index
      %get3A_303 = tpu.vector_load %arg8[%get3A_301, %get3A_302] {strides = array<i32>} : memref<96x128xf32, #tpu.memory_space<vmem>>, vector<1x16xf32>,
      %get3A_304 = vector.shape_cast %get3A_303 : vector<1x16xf32> to vector<16xf32>
      %get3A_305 = arith.index_cast %add3A_300 : i32 to index
      %get3A_306 = arith.constant 0 : index
      %get3A_307 = tpu.vector_load %arg10[%get3A_305, %get3A_306] {strides = array<i32>} : memref<96x128xf32, #tpu.memory_space<vmem>>, vector<1x16xf32>,
      %get3A_308 = vector.shape_cast %get3A_307 : vector<1x16xf32> to vector<16xf32>
      %mul3A_309 = arith.mulf %get3A_304, %get3A_308 : vector<16xf32>
      %swap3A_310 = arith.index_cast %add3A_300 : i32 to index
      %swap3A_311 = arith.constant 0 : index
      %swap3A_312 = tpu.vector_load %arg8[%swap3A_310, %swap3A_311] {strides = array<i32>} : memref<96x128xf32, #tpu.memory_space<vmem>>, vector<1x16xf32>,
      %swap3A_313 = vector.shape_cast %swap3A_312 : vector<1x16xf32> to vector<16xf32>
      %swap3A_314 = vector.shape_cast %mul3A_309 : vector<16xf32> to vector<1x16xf32>
      tpu.vector_store %arg8[%swap3A_310, %swap3A_311], %swap3A_314 {strides = array<i32>} : memref<96x128xf32, #tpu.memory_space<vmem>>, vector<1x16xf32>,
      %get3A_315 = arith.index_cast %add3A_300 : i32 to index
      %get3A_316 = arith.constant 16 : index
      %get3A_317 = tpu.vector_load %arg8[%get3A_315, %get3A_316] {strides = array<i32>} : memref<96x128xf32, #tpu.memory_space<vmem>>, vector<1x16xf32>,
      %get3A_318 = vector.shape_cast %get3A_317 : vector<1x16xf32> to vector<16xf32>
      %get3A_319 = arith.index_cast %add3A_300 : i32 to index
      %get3A_320 = arith.constant 16 : index
      %get3A_321 = tpu.vector_load %arg10[%get3A_319, %get3A_320] {strides = array<i32>} : memref<96x128xf32, #tpu.memory_space<vmem>>, vector<1x16xf32>,
      %get3A_322 = vector.shape_cast %get3A_321 : vector<1x16xf32> to vector<16xf32>
      %mul3A_323 = arith.mulf %get3A_318, %get3A_322 : vector<16xf32>
      %swap3A_324 = arith.index_cast %add3A_300 : i32 to index
      %swap3A_325 = arith.constant 16 : index
      %swap3A_326 = tpu.vector_load %arg8[%swap3A_324, %swap3A_325] {strides = array<i32>} : memref<96x128xf32, #tpu.memory_space<vmem>>, vector<1x16xf32>,
      %swap3A_327 = vector.shape_cast %swap3A_326 : vector<1x16xf32> to vector<16xf32>
      %swap3A_328 = vector.shape_cast %mul3A_323 : vector<16xf32> to vector<1x16xf32>
      tpu.vector_store %arg8[%swap3A_324, %swap3A_325], %swap3A_328 {strides = array<i32>} : memref<96x128xf32, #tpu.memory_space<vmem>>, vector<1x16xf32>,
      %get3A_329 = arith.index_cast %add3A_300 : i32 to index
      %get3A_330 = arith.constant 32 : index
      %get3A_331 = tpu.vector_load %arg8[%get3A_329, %get3A_330] {strides = array<i32>} : memref<96x128xf32, #tpu.memory_space<vmem>>, vector<1x16xf32>,
      %get3A_332 = vector.shape_cast %get3A_331 : vector<1x16xf32> to vector<16xf32>
      %get3A_333 = arith.index_cast %add3A_300 : i32 to index
      %get3A_334 = arith.constant 32 : index
      %get3A_335 = tpu.vector_load %arg10[%get3A_333, %get3A_334] {strides = array<i32>} : memref<96x128xf32, #tpu.memory_space<vmem>>, vector<1x16xf32>,
      %get3A_336 = vector.shape_cast %get3A_335 : vector<1x16xf32> to vector<16xf32>
      %mul3A_337 = arith.mulf %get3A_332, %get3A_336 : vector<16xf32>
      %swap3A_338 = arith.index_cast %add3A_300 : i32 to index
      %swap3A_339 = arith.constant 32 : index
      %swap3A_340 = tpu.vector_load %arg8[%swap3A_338, %swap3A_339] {strides = array<i32>} : memref<96x128xf32, #tpu.memory_space<vmem>>, vector<1x16xf32>,
      %swap3A_341 = vector.shape_cast %swap3A_340 : vector<1x16xf32> to vector<16xf32>
      %swap3A_342 = vector.shape_cast %mul3A_337 : vector<16xf32> to vector<1x16xf32>
      tpu.vector_store %arg8[%swap3A_338, %swap3A_339], %swap3A_342 {strides = array<i32>} : memref<96x128xf32, #tpu.memory_space<vmem>>, vector<1x16xf32>,
      %get3A_343 = arith.index_cast %add3A_300 : i32 to index
      %get3A_344 = arith.constant 48 : index
      %get3A_345 = tpu.vector_load %arg8[%get3A_343, %get3A_344] {strides = array<i32>} : memref<96x128xf32, #tpu.memory_space<vmem>>, vector<1x16xf32>,
      %get3A_346 = vector.shape_cast %get3A_345 : vector<1x16xf32> to vector<16xf32>
      %get3A_347 = arith.index_cast %add3A_300 : i32 to index
      %get3A_348 = arith.constant 48 : index
      %get3A_349 = tpu.vector_load %arg10[%get3A_347, %get3A_348] {strides = array<i32>} : memref<96x128xf32, #tpu.memory_space<vmem>>, vector<1x16xf32>,
      %get3A_350 = vector.shape_cast %get3A_349 : vector<1x16xf32> to vector<16xf32>
      %mul3A_351 = arith.mulf %get3A_346, %get3A_350 : vector<16xf32>
      %swap3A_352 = arith.index_cast %add3A_300 : i32 to index
      %swap3A_353 = arith.constant 48 : index
      %swap3A_354 = tpu.vector_load %arg8[%swap3A_352, %swap3A_353] {strides = array<i32>} : memref<96x128xf32, #tpu.memory_space<vmem>>, vector<1x16xf32>,
      %swap3A_355 = vector.shape_cast %swap3A_354 : vector<1x16xf32> to vector<16xf32>
      %swap3A_356 = vector.shape_cast %mul3A_351 : vector<16xf32> to vector<1x16xf32>
      tpu.vector_store %arg8[%swap3A_352, %swap3A_353], %swap3A_356 {strides = array<i32>} : memref<96x128xf32, #tpu.memory_space<vmem>>, vector<1x16xf32>,
      %get3A_357 = arith.index_cast %add3A_300 : i32 to index
      %get3A_358 = arith.constant 64 : index
      %get3A_359 = tpu.vector_load %arg8[%get3A_357, %get3A_358] {strides = array<i32>} : memref<96x128xf32, #tpu.memory_space<vmem>>, vector<1x16xf32>,
      %get3A_360 = vector.shape_cast %get3A_359 : vector<1x16xf32> to vector<16xf32>
      %get3A_361 = arith.index_cast %add3A_300 : i32 to index
      %get3A_362 = arith.constant 64 : index
      %get3A_363 = tpu.vector_load %arg10[%get3A_361, %get3A_362] {strides = array<i32>} : memref<96x128xf32, #tpu.memory_space<vmem>>, vector<1x16xf32>,
      %get3A_364 = vector.shape_cast %get3A_363 : vector<1x16xf32> to vector<16xf32>
      %mul3A_365 = arith.mulf %get3A_360, %get3A_364 : vector<16xf32>
      %swap3A_366 = arith.index_cast %add3A_300 : i32 to index
      %swap3A_367 = arith.constant 64 : index
      %swap3A_368 = tpu.vector_load %arg8[%swap3A_366, %swap3A_367] {strides = array<i32>} : memref<96x128xf32, #tpu.memory_space<vmem>>, vector<1x16xf32>,
      %swap3A_369 = vector.shape_cast %swap3A_368 : vector<1x16xf32> to vector<16xf32>
      %swap3A_370 = vector.shape_cast %mul3A_365 : vector<16xf32> to vector<1x16xf32>
      tpu.vector_store %arg8[%swap3A_366, %swap3A_367], %swap3A_370 {strides = array<i32>} : memref<96x128xf32, #tpu.memory_space<vmem>>, vector<1x16xf32>,
      %get3A_371 = arith.index_cast %add3A_300 : i32 to index
      %get3A_372 = arith.constant 80 : index
      %get3A_373 = tpu.vector_load %arg8[%get3A_371, %get3A_372] {strides = array<i32>} : memref<96x128xf32, #tpu.memory_space<vmem>>, vector<1x16xf32>,
      %get3A_374 = vector.shape_cast %get3A_373 : vector<1x16xf32> to vector<16xf32>
      %get3A_375 = arith.index_cast %add3A_300 : i32 to index
      %get3A_376 = arith.constant 80 : index
      %get3A_377 = tpu.vector_load %arg10[%get3A_375, %get3A_376] {strides = array<i32>} : memref<96x128xf32, #tpu.memory_space<vmem>>, vector<1x16xf32>,
      %get3A_378 = vector.shape_cast %get3A_377 : vector<1x16xf32> to vector<16xf32>
      %mul3A_379 = arith.mulf %get3A_374, %get3A_378 : vector<16xf32>
      %swap3A_380 = arith.index_cast %add3A_300 : i32 to index
      %swap3A_381 = arith.constant 80 : index
      %swap3A_382 = tpu.vector_load %arg8[%swap3A_380, %swap3A_381] {strides = array<i32>} : memref<96x128xf32, #tpu.memory_space<vmem>>, vector<1x16xf32>,
      %swap3A_383 = vector.shape_cast %swap3A_382 : vector<1x16xf32> to vector<16xf32>
      %swap3A_384 = vector.shape_cast %mul3A_379 : vector<16xf32> to vector<1x16xf32>
      tpu.vector_store %arg8[%swap3A_380, %swap3A_381], %swap3A_384 {strides = array<i32>} : memref<96x128xf32, #tpu.memory_space<vmem>>, vector<1x16xf32>,
      %get3A_385 = arith.index_cast %add3A_300 : i32 to index
      %get3A_386 = arith.constant 96 : index
      %get3A_387 = tpu.vector_load %arg8[%get3A_385, %get3A_386] {strides = array<i32>} : memref<96x128xf32, #tpu.memory_space<vmem>>, vector<1x16xf32>,
      %get3A_388 = vector.shape_cast %get3A_387 : vector<1x16xf32> to vector<16xf32>
      %get3A_389 = arith.index_cast %add3A_300 : i32 to index
      %get3A_390 = arith.constant 96 : index
      %get3A_391 = tpu.vector_load %arg10[%get3A_389, %get3A_390] {strides = array<i32>} : memref<96x128xf32, #tpu.memory_space<vmem>>, vector<1x16xf32>,
      %get3A_392 = vector.shape_cast %get3A_391 : vector<1x16xf32> to vector<16xf32>
      %mul3A_393 = arith.mulf %get3A_388, %get3A_392 : vector<16xf32>
      %swap3A_394 = arith.index_cast %add3A_300 : i32 to index
      %swap3A_395 = arith.constant 96 : index
      %swap3A_396 = tpu.vector_load %arg8[%swap3A_394, %swap3A_395] {strides = array<i32>} : memref<96x128xf32, #tpu.memory_space<vmem>>, vector<1x16xf32>,
      %swap3A_397 = vector.shape_cast %swap3A_396 : vector<1x16xf32> to vector<16xf32>
      %swap3A_398 = vector.shape_cast %mul3A_393 : vector<16xf32> to vector<1x16xf32>
      tpu.vector_store %arg8[%swap3A_394, %swap3A_395], %swap3A_398 {strides = array<i32>} : memref<96x128xf32, #tpu.memory_space<vmem>>, vector<1x16xf32>,
      %get3A_399 = arith.index_cast %add3A_300 : i32 to index
      %get3A_400 = arith.constant 112 : index
      %get3A_401 = tpu.vector_load %arg8[%get3A_399, %get3A_400] {strides = array<i32>} : memref<96x128xf32, #tpu.memory_space<vmem>>, vector<1x16xf32>,
      %get3A_402 = vector.shape_cast %get3A_401 : vector<1x16xf32> to vector<16xf32>
      %get3A_403 = arith.index_cast %add3A_300 : i32 to index
      %get3A_404 = arith.constant 112 : index
      %get3A_405 = tpu.vector_load %arg10[%get3A_403, %get3A_404] {strides = array<i32>} : memref<96x128xf32, #tpu.memory_space<vmem>>, vector<1x16xf32>,
      %get3A_406 = vector.shape_cast %get3A_405 : vector<1x16xf32> to vector<16xf32>
      %mul3A_407 = arith.mulf %get3A_402, %get3A_406 : vector<16xf32>
      %swap3A_408 = arith.index_cast %add3A_300 : i32 to index
      %swap3A_409 = arith.constant 112 : index
      %swap3A_410 = tpu.vector_load %arg8[%swap3A_408, %swap3A_409] {strides = array<i32>} : memref<96x128xf32, #tpu.memory_space<vmem>>, vector<1x16xf32>,
      %swap3A_411 = vector.shape_cast %swap3A_410 : vector<1x16xf32> to vector<16xf32>
      %swap3A_412 = vector.shape_cast %mul3A_407 : vector<16xf32> to vector<1x16xf32>
      tpu.vector_store %arg8[%swap3A_408, %swap3A_409], %swap3A_412 {strides = array<i32>} : memref<96x128xf32, #tpu.memory_space<vmem>>, vector<1x16xf32>,
      %scan3A_413 = arith.constant 0 : i32
      scf.yield %scan3A_413 : i32
    }
    %scan3A_179 = arith.constant 4 : i32
    "tpu.region"() ({
      %run_scoped3A = tpu.sem_alloc : memref<!tpu.dma_semaphore, #tpu.memory_space<semaphore_mem>>
      %dma_start3A_181 = arith.constant 0 : i32
      %dma_start3A_182 = arith.constant 0 : i32
      %dma_start3A_183 = tpu.memref_slice %arg8[%dma_start3A_181, %dma_start3A_182] : memref<96x128xf32, #tpu.memory_space<vmem>> -> memref<8x128xf32, #tpu.memory_space<vmem>>
      %dma_start3A_184 = arith.constant 0 : i32
      %dma_start3A_185 = arith.constant 0 : i32
      %dma_start3A_186 = tpu.memref_slice %arg7[%dma_start3A_184, %dma_start3A_185] : memref<10112x128xf32, #tpu.memory_space<vmem_shared>> -> memref<10112x128xf32, #tpu.memory_space<vmem_shared>>
      tpu.enqueue_indirect_dma source(%dma_start3A_183 : memref<8x128xf32, #tpu.memory_space<vmem>>) target(%dma_start3A_186 : memref<10112x128xf32, #tpu.memory_space<vmem_shared>>) offsets(%arg17 : memref<8xi32, #tpu.memory_space<vmem>>) semaphore(%run_scoped3A : memref<!tpu.dma_semaphore, #tpu.memory_space<semaphore_mem>>) {add = true}
      %dma_wait3A_187 = arith.constant 0 : i32
      %dma_wait3A_188 = arith.constant 0 : i32
      %dma_wait3A_189 = tpu.memref_slice %arg8[%dma_wait3A_187, %dma_wait3A_188] : memref<96x128xf32, #tpu.memory_space<vmem>> -> memref<8x128xf32, #tpu.memory_space<vmem>>
      %dma_wait3A_190 = arith.constant 0 : i32
      %dma_wait3A_191 = arith.constant 0 : i32
      %dma_wait3A_192 = tpu.memref_slice %arg7[%dma_wait3A_190, %dma_wait3A_191] : memref<10112x128xf32, #tpu.memory_space<vmem_shared>> -> memref<10112x128xf32, #tpu.memory_space<vmem_shared>>
      tpu.wait_indirect_dma semaphore(%run_scoped3A : memref<!tpu.dma_semaphore, #tpu.memory_space<semaphore_mem>>) src(%dma_wait3A_189 : memref<8x128xf32, #tpu.memory_space<vmem>>) dst(%dma_wait3A_192 : memref<10112x128xf32, #tpu.memory_space<vmem_shared>>)
      tpu.yield
    }) : () -> ()
    %barrier3A_180 = arith.constant 0 : index
    tpu.barrier barrier_id(%barrier3A_180)
    "tpu.region"() ({
      %run_scoped3A = tpu.sem_alloc : memref<!tpu.dma_semaphore, #tpu.memory_space<semaphore_mem>>
      %dma_start3A_181 = arith.constant 0 : i32
      %dma_start3A_182 = tpu.memref_slice %arg6[%arg0, %mul3A_27, %dma_start3A_181] : memref<2x10112x128xf32, #tpu.memory_space<hbm>> -> memref<1x632x128xf32, #tpu.memory_space<hbm>>
      %dma_start3A_183 = tpu.memref_squeeze %dma_start3A_182 : memref<1x632x128xf32, #tpu.memory_space<hbm>> -> memref<632x128xf32, #tpu.memory_space<hbm>>
      %dma_start3A_184 = arith.constant 0 : i32
      %dma_start3A_185 = tpu.memref_slice %arg7[%mul3A_27, %dma_start3A_184] : memref<10112x128xf32, #tpu.memory_space<vmem_shared>> -> memref<632x128xf32, #tpu.memory_space<vmem_shared>>
      tpu.enqueue_dma source(%dma_start3A_185 : memref<632x128xf32, #tpu.memory_space<vmem_shared>>) target(%dma_start3A_183 : memref<632x128xf32, #tpu.memory_space<hbm>>) target_semaphore(%run_scoped3A : memref<!tpu.dma_semaphore, #tpu.memory_space<semaphore_mem>>)
      %dma_wait3A_186 = arith.constant 0 : i32
      %dma_wait3A_187 = tpu.memref_slice %arg6[%arg0, %mul3A_27, %dma_wait3A_186] : memref<2x10112x128xf32, #tpu.memory_space<hbm>> -> memref<1x632x128xf32, #tpu.memory_space<hbm>>
      %dma_wait3A_188 = tpu.memref_squeeze %dma_wait3A_187 : memref<1x632x128xf32, #tpu.memory_space<hbm>> -> memref<632x128xf32, #tpu.memory_space<hbm>>
      %dma_wait3A_189 = arith.constant 0 : i32
      %dma_wait3A_190 = tpu.memref_slice %arg7[%mul3A_27, %dma_wait3A_189] : memref<10112x128xf32, #tpu.memory_space<vmem_shared>> -> memref<632x128xf32, #tpu.memory_space<vmem_shared>>
      tpu.wait_dma2 semaphore(%run_scoped3A : memref<!tpu.dma_semaphore, #tpu.memory_space<semaphore_mem>>) src(%dma_wait3A_190 : memref<632x128xf32, #tpu.memory_space<vmem_shared>>) dst(%dma_wait3A_188 : memref<632x128xf32, #tpu.memory_space<hbm>>)
      tpu.yield
    }) : () -> ()
    return
  }
}

module attributes {stable_mosaic.version = 14 : i64} {
  func.func @_h_body(%arg0: i32, %arg1: memref<2000x128xf32, #tpu.memory_space<vmem>>, %arg2: memref<128x128xf32, #tpu.memory_space<vmem>>, %arg3: memref<2000x128xf32, #tpu.memory_space<vmem>>) attributes {dimension_semantics = [#tpu.dimension_semantics<arbitrary>], iteration_bounds = array<i64: 5>, scalar_prefetch = 0 : i64, scratch_operands = 0 : i64, tpu.core_type = #tpu.core_type<tc>, window_params = [{transform_indices = @transform_0, window_bounds = array<i64: 2000, 128>}, {pipeline_mode = #tpu.pipeline_mode<synchronous>, transform_indices = @transform_1, window_bounds = array<i64: 128, 128>}, {transform_indices = @transform_2, window_bounds = array<i64: 2000, 128>}]} {
    %get3A = arith.constant 0 : index
    %get3A_0 = arith.constant 0 : index
    %get3A_1 = vector.load %arg1[%get3A, %get3A_0] : memref<2000x128xf32, #tpu.memory_space<vmem>>, vector<2000x128xf32>
    %get3A_2 = arith.constant 0 : index
    %get3A_3 = arith.constant 0 : index
    %get3A_4 = vector.load %arg2[%get3A_2, %get3A_3] : memref<128x128xf32, #tpu.memory_space<vmem>>, vector<128x128xf32>
    %dot_general3A = arith.constant dense<0.000000e+00> : vector<2000x128xf32>
    %dot_general3A_5 = tpu.matmul %get3A_1, %get3A_4, %dot_general3A {dimension_numbers = #tpu.dot_dimension_numbers<[1], [0], [0], [1], [0, 0, 1, 1], [], []>, transpose_lhs_hint = false} : vector<2000x128xf32>, vector<128x128xf32>, vector<2000x128xf32> -> vector<2000x128xf32>
    %swap3A = arith.constant 0 : index
    %swap3A_6 = arith.constant 0 : index
    %swap3A_7 = vector.load %arg3[%swap3A, %swap3A_6] : memref<2000x128xf32, #tpu.memory_space<vmem>>, vector<2000x128xf32>
    tpu.vector_store %arg3[%swap3A, %swap3A_6], %dot_general3A_5 {strides = array<i32>} : memref<2000x128xf32, #tpu.memory_space<vmem>>, vector<2000x128xf32>,
    return
  }
  func.func @transform_0(%arg0: i32) -> (i32, i32) {
    %c0_i32 = arith.constant 0 : i32
    %c0_i32_0 = arith.constant 0 : i32
    return %arg0, %c0_i32 : i32, i32
  }
  func.func @transform_1(%arg0: i32) -> (i32, i32) {
    %c0_i32 = arith.constant 0 : i32
    %c0_i32_0 = arith.constant 0 : i32
    %c0_i32_1 = arith.constant 0 : i32
    return %c0_i32, %c0_i32_0 : i32, i32
  }
  func.func @transform_2(%arg0: i32) -> (i32, i32) {
    %c0_i32 = arith.constant 0 : i32
    %c0_i32_0 = arith.constant 0 : i32
    return %arg0, %c0_i32 : i32, i32
  }
}

module attributes {stable_mosaic.version = 14 : i64} {
  func.func @_wij_body(%arg0: i32, %arg1: memref<50x16000xf32, #tpu.memory_space<vmem>>, %arg2: memref<1x1x16000xf32, #tpu.memory_space<vmem>>, %arg3: memref<50x128xf32, #tpu.memory_space<vmem>>, %arg4: memref<128xf32, #tpu.memory_space<vmem>>, %arg5: memref<128x128xf32, #tpu.memory_space<vmem>>, %arg6: memref<128xf32, #tpu.memory_space<vmem>>, %arg7: memref<16000x128xf32, #tpu.memory_space<vmem>>) attributes {dimension_semantics = [#tpu.dimension_semantics<arbitrary>], iteration_bounds = array<i64: 10>, scalar_prefetch = 0 : i64, scratch_operands = 0 : i64, tpu.core_type = #tpu.core_type<tc>, window_params = [{transform_indices = @transform_0, window_bounds = array<i64: 50, 16000>}, {transform_indices = @transform_1, window_bounds = array<i64: 1, 1, 16000>}, {pipeline_mode = #tpu.pipeline_mode<synchronous>, transform_indices = @transform_2, window_bounds = array<i64: 50, 128>}, {pipeline_mode = #tpu.pipeline_mode<synchronous>, transform_indices = @transform_3, window_bounds = array<i64: 128>}, {pipeline_mode = #tpu.pipeline_mode<synchronous>, transform_indices = @transform_4, window_bounds = array<i64: 128, 128>}, {pipeline_mode = #tpu.pipeline_mode<synchronous>, transform_indices = @transform_5, window_bounds = array<i64: 128>}, {transform_indices = @transform_6, window_bounds = array<i64: 16000, 128>}]} {
    %get3A = arith.constant 0 : index
    %get3A_0 = arith.constant 0 : index
    %get3A_1 = vector.load %arg1[%get3A, %get3A_0] : memref<50x16000xf32, #tpu.memory_space<vmem>>, vector<50x16000xf32>
    %get3A_2 = arith.constant 0 : index
    %get3A_3 = arith.constant 0 : index
    %get3A_4 = vector.load %arg3[%get3A_2, %get3A_3] : memref<50x128xf32, #tpu.memory_space<vmem>>, vector<50x128xf32>
    %dot_general3A = arith.constant dense<0.000000e+00> : vector<16000x128xf32>
    %dot_general3A_5 = tpu.matmul %get3A_1, %get3A_4, %dot_general3A {dimension_numbers = #tpu.dot_dimension_numbers<[0], [0], [1], [1], [0, 1, 1, 1], [], []>, transpose_lhs_hint = false} : vector<50x16000xf32>, vector<50x128xf32>, vector<16000x128xf32> -> vector<16000x128xf32>
    %get3A_6 = arith.constant 0 : index
    %get3A_7 = vector.load %arg4[%get3A_6] : memref<128xf32, #tpu.memory_space<vmem>>, vector<128xf32>
    %broadcast_in_dim3A = vector.shape_cast %get3A_7 : vector<128xf32> to vector<1x128xf32>
    %add3A = vector.broadcast %broadcast_in_dim3A : vector<1x128xf32> to vector<16000x128xf32>
    %add3A_8 = arith.addf %dot_general3A_5, %add3A : vector<16000x128xf32>
    %mul3A = arith.constant 1.44269502 : f32
    %mul3A_9 = vector.broadcast %mul3A : f32 to vector<16000x128xf32>
    %mul3A_10 = arith.mulf %add3A_8, %mul3A_9 : vector<16000x128xf32>
    %min3A = arith.constant 1.270000e+02 : f32
    %min3A_11 = vector.broadcast %min3A : f32 to vector<16000x128xf32>
    %min3A_12 = arith.minimumf %mul3A_10, %min3A_11 : vector<16000x128xf32>
    %exp23A = math.exp2 %min3A_12 : vector<16000x128xf32>
    %add3A_13 = arith.constant 1.000000e+00 : f32
    %add3A_14 = vector.broadcast %add3A_13 : f32 to vector<16000x128xf32>
    %add3A_15 = arith.addf %exp23A, %add3A_14 : vector<16000x128xf32>
    %log3A = math.log %add3A_15 : vector<16000x128xf32>
    %log3A_16 = arith.constant 2.000000e+00 : f32
    %log3A_17 = math.log %log3A_16 : f32
    %div3A = vector.broadcast %log3A_17 : f32 to vector<16000x128xf32>
    %div3A_18 = arith.divf %log3A, %div3A : vector<16000x128xf32>
    %sub3A = arith.constant 1.000000e+00 : f32
    %sub3A_19 = vector.broadcast %sub3A : f32 to vector<16000x128xf32>
    %sub3A_20 = arith.subf %div3A_18, %sub3A_19 : vector<16000x128xf32>
    %mul3A_21 = arith.constant 0.693147182 : f32
    %mul3A_22 = vector.broadcast %mul3A_21 : f32 to vector<16000x128xf32>
    %mul3A_23 = arith.mulf %sub3A_20, %mul3A_22 : vector<16000x128xf32>
    %get3A_24 = arith.constant 0 : index
    %get3A_25 = arith.constant 0 : index
    %get3A_26 = vector.load %arg5[%get3A_24, %get3A_25] : memref<128x128xf32, #tpu.memory_space<vmem>>, vector<128x128xf32>
    %dot_general3A_27 = arith.constant dense<0.000000e+00> : vector<16000x128xf32>
    %dot_general3A_28 = tpu.matmul %mul3A_23, %get3A_26, %dot_general3A_27 {dimension_numbers = #tpu.dot_dimension_numbers<[1], [0], [0], [1], [0, 0, 1, 1], [], []>, transpose_lhs_hint = false} : vector<16000x128xf32>, vector<128x128xf32>, vector<16000x128xf32> -> vector<16000x128xf32>
    %get3A_29 = arith.constant 0 : index
    %get3A_30 = vector.load %arg6[%get3A_29] : memref<128xf32, #tpu.memory_space<vmem>>, vector<128xf32>
    %broadcast_in_dim3A_31 = vector.shape_cast %get3A_30 : vector<128xf32> to vector<1x128xf32>
    %add3A_32 = vector.broadcast %broadcast_in_dim3A_31 : vector<1x128xf32> to vector<16000x128xf32>
    %add3A_33 = arith.addf %dot_general3A_28, %add3A_32 : vector<16000x128xf32>
    %get3A_34 = arith.constant 0 : index
    %get3A_35 = arith.constant 0 : index
    %get3A_36 = arith.constant 0 : index
    %get3A_37 = vector.load %arg2[%get3A_34, %get3A_35, %get3A_36] : memref<1x1x16000xf32, #tpu.memory_space<vmem>>, vector<1x1x16000xf32>
    %get3A_38 = vector.shape_cast %get3A_37 : vector<1x1x16000xf32> to vector<16000xf32>
    %broadcast_in_dim3A_39 = vector.shape_cast %get3A_38 : vector<16000xf32> to vector<16000x1xf32>
    %mul3A_40 = vector.broadcast %broadcast_in_dim3A_39 : vector<16000x1xf32> to vector<16000x128xf32>
    %mul3A_41 = arith.mulf %add3A_33, %mul3A_40 : vector<16000x128xf32>
    %swap3A = arith.constant 0 : index
    %swap3A_42 = arith.constant 0 : index
    %swap3A_43 = vector.load %arg7[%swap3A, %swap3A_42] : memref<16000x128xf32, #tpu.memory_space<vmem>>, vector<16000x128xf32>
    tpu.vector_store %arg7[%swap3A, %swap3A_42], %mul3A_41 {strides = array<i32>} : memref<16000x128xf32, #tpu.memory_space<vmem>>, vector<16000x128xf32>,
    return
  }
  func.func @transform_0(%arg0: i32) -> (i32, i32) {
    %add3A = arith.constant 10 : i32
    %add3A_0 = arith.addi %arg0, %add3A : i32
    %c0_i32 = arith.constant 0 : i32
    %c0_i32_1 = arith.constant 0 : i32
    return %c0_i32, %add3A_0 : i32, i32
  }
  func.func @transform_1(%arg0: i32) -> (i32, i32, i32) {
    %add3A = arith.constant 10 : i32
    %add3A_0 = arith.addi %arg0, %add3A : i32
    %c0_i32 = arith.constant 0 : i32
    %c0_i32_1 = arith.constant 0 : i32
    %c0_i32_2 = arith.constant 0 : i32
    return %add3A_0, %c0_i32, %c0_i32_1 : i32, i32, i32
  }
  func.func @transform_2(%arg0: i32) -> (i32, i32) {
    %c0_i32 = arith.constant 0 : i32
    %c0_i32_0 = arith.constant 0 : i32
    %c0_i32_1 = arith.constant 0 : i32
    return %c0_i32, %c0_i32_0 : i32, i32
  }
  func.func @transform_3(%arg0: i32) -> i32 {
    %c0_i32 = arith.constant 0 : i32
    %c0_i32_0 = arith.constant 0 : i32
    return %c0_i32 : i32
  }
  func.func @transform_4(%arg0: i32) -> (i32, i32) {
    %c0_i32 = arith.constant 0 : i32
    %c0_i32_0 = arith.constant 0 : i32
    %c0_i32_1 = arith.constant 0 : i32
    return %c0_i32, %c0_i32_0 : i32, i32
  }
  func.func @transform_5(%arg0: i32) -> i32 {
    %c0_i32 = arith.constant 0 : i32
    %c0_i32_0 = arith.constant 0 : i32
    return %c0_i32 : i32
  }
  func.func @transform_6(%arg0: i32) -> (i32, i32) {
    %c0_i32 = arith.constant 0 : i32
    %c0_i32_0 = arith.constant 0 : i32
    return %arg0, %c0_i32 : i32, i32
  }
}

module attributes {stable_mosaic.version = 14 : i64} {
  func.func @_wij_body(%arg0: i32, %arg1: memref<50x16000xf32, #tpu.memory_space<vmem>>, %arg2: memref<1x1x16000xf32, #tpu.memory_space<vmem>>, %arg3: memref<50x128xf32, #tpu.memory_space<vmem>>, %arg4: memref<128xf32, #tpu.memory_space<vmem>>, %arg5: memref<128x128xf32, #tpu.memory_space<vmem>>, %arg6: memref<128xf32, #tpu.memory_space<vmem>>, %arg7: memref<16000x128xf32, #tpu.memory_space<vmem>>) attributes {dimension_semantics = [#tpu.dimension_semantics<arbitrary>], iteration_bounds = array<i64: 10>, scalar_prefetch = 0 : i64, scratch_operands = 0 : i64, tpu.core_type = #tpu.core_type<tc>, window_params = [{transform_indices = @transform_0, window_bounds = array<i64: 50, 16000>}, {transform_indices = @transform_1, window_bounds = array<i64: 1, 1, 16000>}, {pipeline_mode = #tpu.pipeline_mode<synchronous>, transform_indices = @transform_2, window_bounds = array<i64: 50, 128>}, {pipeline_mode = #tpu.pipeline_mode<synchronous>, transform_indices = @transform_3, window_bounds = array<i64: 128>}, {pipeline_mode = #tpu.pipeline_mode<synchronous>, transform_indices = @transform_4, window_bounds = array<i64: 128, 128>}, {pipeline_mode = #tpu.pipeline_mode<synchronous>, transform_indices = @transform_5, window_bounds = array<i64: 128>}, {transform_indices = @transform_6, window_bounds = array<i64: 16000, 128>}]} {
    %get3A = arith.constant 0 : index
    %get3A_0 = arith.constant 0 : index
    %get3A_1 = vector.load %arg1[%get3A, %get3A_0] : memref<50x16000xf32, #tpu.memory_space<vmem>>, vector<50x16000xf32>
    %get3A_2 = arith.constant 0 : index
    %get3A_3 = arith.constant 0 : index
    %get3A_4 = vector.load %arg3[%get3A_2, %get3A_3] : memref<50x128xf32, #tpu.memory_space<vmem>>, vector<50x128xf32>
    %dot_general3A = arith.constant dense<0.000000e+00> : vector<16000x128xf32>
    %dot_general3A_5 = tpu.matmul %get3A_1, %get3A_4, %dot_general3A {dimension_numbers = #tpu.dot_dimension_numbers<[0], [0], [1], [1], [0, 1, 1, 1], [], []>, transpose_lhs_hint = false} : vector<50x16000xf32>, vector<50x128xf32>, vector<16000x128xf32> -> vector<16000x128xf32>
    %get3A_6 = arith.constant 0 : index
    %get3A_7 = vector.load %arg4[%get3A_6] : memref<128xf32, #tpu.memory_space<vmem>>, vector<128xf32>
    %broadcast_in_dim3A = vector.shape_cast %get3A_7 : vector<128xf32> to vector<1x128xf32>
    %add3A = vector.broadcast %broadcast_in_dim3A : vector<1x128xf32> to vector<16000x128xf32>
    %add3A_8 = arith.addf %dot_general3A_5, %add3A : vector<16000x128xf32>
    %mul3A = arith.constant 1.44269502 : f32
    %mul3A_9 = vector.broadcast %mul3A : f32 to vector<16000x128xf32>
    %mul3A_10 = arith.mulf %add3A_8, %mul3A_9 : vector<16000x128xf32>
    %min3A = arith.constant 1.270000e+02 : f32
    %min3A_11 = vector.broadcast %min3A : f32 to vector<16000x128xf32>
    %min3A_12 = arith.minimumf %mul3A_10, %min3A_11 : vector<16000x128xf32>
    %exp23A = math.exp2 %min3A_12 : vector<16000x128xf32>
    %add3A_13 = arith.constant 1.000000e+00 : f32
    %add3A_14 = vector.broadcast %add3A_13 : f32 to vector<16000x128xf32>
    %add3A_15 = arith.addf %exp23A, %add3A_14 : vector<16000x128xf32>
    %log3A = math.log %add3A_15 : vector<16000x128xf32>
    %log3A_16 = arith.constant 2.000000e+00 : f32
    %log3A_17 = math.log %log3A_16 : f32
    %div3A = vector.broadcast %log3A_17 : f32 to vector<16000x128xf32>
    %div3A_18 = arith.divf %log3A, %div3A : vector<16000x128xf32>
    %sub3A = arith.constant 1.000000e+00 : f32
    %sub3A_19 = vector.broadcast %sub3A : f32 to vector<16000x128xf32>
    %sub3A_20 = arith.subf %div3A_18, %sub3A_19 : vector<16000x128xf32>
    %mul3A_21 = arith.constant 0.693147182 : f32
    %mul3A_22 = vector.broadcast %mul3A_21 : f32 to vector<16000x128xf32>
    %mul3A_23 = arith.mulf %sub3A_20, %mul3A_22 : vector<16000x128xf32>
    %get3A_24 = arith.constant 0 : index
    %get3A_25 = arith.constant 0 : index
    %get3A_26 = vector.load %arg5[%get3A_24, %get3A_25] : memref<128x128xf32, #tpu.memory_space<vmem>>, vector<128x128xf32>
    %dot_general3A_27 = arith.constant dense<0.000000e+00> : vector<16000x128xf32>
    %dot_general3A_28 = tpu.matmul %mul3A_23, %get3A_26, %dot_general3A_27 {dimension_numbers = #tpu.dot_dimension_numbers<[1], [0], [0], [1], [0, 0, 1, 1], [], []>, transpose_lhs_hint = false} : vector<16000x128xf32>, vector<128x128xf32>, vector<16000x128xf32> -> vector<16000x128xf32>
    %get3A_29 = arith.constant 0 : index
    %get3A_30 = vector.load %arg6[%get3A_29] : memref<128xf32, #tpu.memory_space<vmem>>, vector<128xf32>
    %broadcast_in_dim3A_31 = vector.shape_cast %get3A_30 : vector<128xf32> to vector<1x128xf32>
    %add3A_32 = vector.broadcast %broadcast_in_dim3A_31 : vector<1x128xf32> to vector<16000x128xf32>
    %add3A_33 = arith.addf %dot_general3A_28, %add3A_32 : vector<16000x128xf32>
    %get3A_34 = arith.constant 0 : index
    %get3A_35 = arith.constant 0 : index
    %get3A_36 = arith.constant 0 : index
    %get3A_37 = vector.load %arg2[%get3A_34, %get3A_35, %get3A_36] : memref<1x1x16000xf32, #tpu.memory_space<vmem>>, vector<1x1x16000xf32>
    %get3A_38 = vector.shape_cast %get3A_37 : vector<1x1x16000xf32> to vector<16000xf32>
    %broadcast_in_dim3A_39 = vector.shape_cast %get3A_38 : vector<16000xf32> to vector<16000x1xf32>
    %mul3A_40 = vector.broadcast %broadcast_in_dim3A_39 : vector<16000x1xf32> to vector<16000x128xf32>
    %mul3A_41 = arith.mulf %add3A_33, %mul3A_40 : vector<16000x128xf32>
    %swap3A = arith.constant 0 : index
    %swap3A_42 = arith.constant 0 : index
    %swap3A_43 = vector.load %arg7[%swap3A, %swap3A_42] : memref<16000x128xf32, #tpu.memory_space<vmem>>, vector<16000x128xf32>
    tpu.vector_store %arg7[%swap3A, %swap3A_42], %mul3A_41 {strides = array<i32>} : memref<16000x128xf32, #tpu.memory_space<vmem>>, vector<16000x128xf32>,
    return
  }
  func.func @transform_0(%arg0: i32) -> (i32, i32) {
    %add3A = arith.constant 0 : i32
    %add3A_0 = arith.addi %arg0, %add3A : i32
    %c0_i32 = arith.constant 0 : i32
    %c0_i32_1 = arith.constant 0 : i32
    return %c0_i32, %add3A_0 : i32, i32
  }
  func.func @transform_1(%arg0: i32) -> (i32, i32, i32) {
    %add3A = arith.constant 0 : i32
    %add3A_0 = arith.addi %arg0, %add3A : i32
    %c0_i32 = arith.constant 0 : i32
    %c0_i32_1 = arith.constant 0 : i32
    %c0_i32_2 = arith.constant 0 : i32
    return %add3A_0, %c0_i32, %c0_i32_1 : i32, i32, i32
  }
  func.func @transform_2(%arg0: i32) -> (i32, i32) {
    %c0_i32 = arith.constant 0 : i32
    %c0_i32_0 = arith.constant 0 : i32
    %c0_i32_1 = arith.constant 0 : i32
    return %c0_i32, %c0_i32_0 : i32, i32
  }
  func.func @transform_3(%arg0: i32) -> i32 {
    %c0_i32 = arith.constant 0 : i32
    %c0_i32_0 = arith.constant 0 : i32
    return %c0_i32 : i32
  }
  func.func @transform_4(%arg0: i32) -> (i32, i32) {
    %c0_i32 = arith.constant 0 : i32
    %c0_i32_0 = arith.constant 0 : i32
    %c0_i32_1 = arith.constant 0 : i32
    return %c0_i32, %c0_i32_0 : i32, i32
  }
  func.func @transform_5(%arg0: i32) -> i32 {
    %c0_i32 = arith.constant 0 : i32
    %c0_i32_0 = arith.constant 0 : i32
    return %c0_i32 : i32
  }
  func.func @transform_6(%arg0: i32) -> (i32, i32) {
    %c0_i32 = arith.constant 0 : i32
    %c0_i32_0 = arith.constant 0 : i32
    return %arg0, %c0_i32 : i32, i32
  }
}

module attributes {stable_mosaic.version = 14 : i64} {
  func.func @_out_body(%arg0: i32, %arg1: memref<1x2000x128xf32, #tpu.memory_space<vmem>>, %arg2: memref<1x2000x128xf32, #tpu.memory_space<vmem>>, %arg3: memref<1x2000x128xf32, #tpu.memory_space<vmem>>, %arg4: memref<1x2000x128xf32, #tpu.memory_space<vmem>>, %arg5: memref<128x128xf32, #tpu.memory_space<vmem>>, %arg6: memref<128xf32, #tpu.memory_space<vmem>>, %arg7: memref<128x128xf32, #tpu.memory_space<vmem>>, %arg8: memref<128xf32, #tpu.memory_space<vmem>>, %arg9: memref<2000x128xf32, #tpu.memory_space<vmem>>) attributes {dimension_semantics = [#tpu.dimension_semantics<arbitrary>], iteration_bounds = array<i64: 5>, scalar_prefetch = 0 : i64, scratch_operands = 0 : i64, tpu.core_type = #tpu.core_type<tc>, window_params = [{transform_indices = @transform_0, window_bounds = array<i64: 1, 2000, 128>}, {transform_indices = @transform_1, window_bounds = array<i64: 1, 2000, 128>}, {transform_indices = @transform_2, window_bounds = array<i64: 1, 2000, 128>}, {transform_indices = @transform_3, window_bounds = array<i64: 1, 2000, 128>}, {pipeline_mode = #tpu.pipeline_mode<synchronous>, transform_indices = @transform_4, window_bounds = array<i64: 128, 128>}, {pipeline_mode = #tpu.pipeline_mode<synchronous>, transform_indices = @transform_5, window_bounds = array<i64: 128>}, {pipeline_mode = #tpu.pipeline_mode<synchronous>, transform_indices = @transform_6, window_bounds = array<i64: 128, 128>}, {pipeline_mode = #tpu.pipeline_mode<synchronous>, transform_indices = @transform_7, window_bounds = array<i64: 128>}, {transform_indices = @transform_8, window_bounds = array<i64: 2000, 128>}]} {
    %get3A = arith.constant 0 : index
    %get3A_0 = arith.constant 0 : index
    %get3A_1 = arith.constant 0 : index
    %get3A_2 = vector.load %arg1[%get3A, %get3A_0, %get3A_1] : memref<1x2000x128xf32, #tpu.memory_space<vmem>>, vector<1x2000x128xf32>
    %get3A_3 = vector.shape_cast %get3A_2 : vector<1x2000x128xf32> to vector<2000x128xf32>
    %get3A_4 = arith.constant 0 : index
    %get3A_5 = arith.constant 0 : index
    %get3A_6 = arith.constant 0 : index
    %get3A_7 = vector.load %arg2[%get3A_4, %get3A_5, %get3A_6] : memref<1x2000x128xf32, #tpu.memory_space<vmem>>, vector<1x2000x128xf32>
    %get3A_8 = vector.shape_cast %get3A_7 : vector<1x2000x128xf32> to vector<2000x128xf32>
    %add3A = arith.addf %get3A_3, %get3A_8 : vector<2000x128xf32>
    %get3A_9 = arith.constant 0 : index
    %get3A_10 = arith.constant 0 : index
    %get3A_11 = arith.constant 0 : index
    %get3A_12 = vector.load %arg3[%get3A_9, %get3A_10, %get3A_11] : memref<1x2000x128xf32, #tpu.memory_space<vmem>>, vector<1x2000x128xf32>
    %get3A_13 = vector.shape_cast %get3A_12 : vector<1x2000x128xf32> to vector<2000x128xf32>
    %get3A_14 = arith.constant 0 : index
    %get3A_15 = arith.constant 0 : index
    %get3A_16 = arith.constant 0 : index
    %get3A_17 = vector.load %arg4[%get3A_14, %get3A_15, %get3A_16] : memref<1x2000x128xf32, #tpu.memory_space<vmem>>, vector<1x2000x128xf32>
    %get3A_18 = vector.shape_cast %get3A_17 : vector<1x2000x128xf32> to vector<2000x128xf32>
    %add3A_19 = arith.addf %get3A_13, %get3A_18 : vector<2000x128xf32>
    %add3A_20 = arith.addf %add3A, %add3A_19 : vector<2000x128xf32>
    %get3A_21 = arith.constant 0 : index
    %get3A_22 = arith.constant 0 : index
    %get3A_23 = vector.load %arg5[%get3A_21, %get3A_22] : memref<128x128xf32, #tpu.memory_space<vmem>>, vector<128x128xf32>
    %dot_general3A = arith.constant dense<0.000000e+00> : vector<2000x128xf32>
    %dot_general3A_24 = tpu.matmul %add3A_20, %get3A_23, %dot_general3A {dimension_numbers = #tpu.dot_dimension_numbers<[1], [0], [0], [1], [0, 0, 1, 1], [], []>, transpose_lhs_hint = false} : vector<2000x128xf32>, vector<128x128xf32>, vector<2000x128xf32> -> vector<2000x128xf32>
    %get3A_25 = arith.constant 0 : index
    %get3A_26 = vector.load %arg6[%get3A_25] : memref<128xf32, #tpu.memory_space<vmem>>, vector<128xf32>
    %broadcast_in_dim3A = vector.shape_cast %get3A_26 : vector<128xf32> to vector<1x128xf32>
    %add3A_27 = vector.broadcast %broadcast_in_dim3A : vector<1x128xf32> to vector<2000x128xf32>
    %add3A_28 = arith.addf %dot_general3A_24, %add3A_27 : vector<2000x128xf32>
    %mul3A = arith.constant 1.44269502 : f32
    %mul3A_29 = vector.broadcast %mul3A : f32 to vector<2000x128xf32>
    %mul3A_30 = arith.mulf %add3A_28, %mul3A_29 : vector<2000x128xf32>
    %min3A = arith.constant 1.270000e+02 : f32
    %min3A_31 = vector.broadcast %min3A : f32 to vector<2000x128xf32>
    %min3A_32 = arith.minimumf %mul3A_30, %min3A_31 : vector<2000x128xf32>
    %exp23A = math.exp2 %min3A_32 : vector<2000x128xf32>
    %add3A_33 = arith.constant 1.000000e+00 : f32
    %add3A_34 = vector.broadcast %add3A_33 : f32 to vector<2000x128xf32>
    %add3A_35 = arith.addf %exp23A, %add3A_34 : vector<2000x128xf32>
    %log3A = math.log %add3A_35 : vector<2000x128xf32>
    %log3A_36 = arith.constant 2.000000e+00 : f32
    %log3A_37 = math.log %log3A_36 : f32
    %div3A = vector.broadcast %log3A_37 : f32 to vector<2000x128xf32>
    %div3A_38 = arith.divf %log3A, %div3A : vector<2000x128xf32>
    %sub3A = arith.constant 1.000000e+00 : f32
    %sub3A_39 = vector.broadcast %sub3A : f32 to vector<2000x128xf32>
    %sub3A_40 = arith.subf %div3A_38, %sub3A_39 : vector<2000x128xf32>
    %mul3A_41 = arith.constant 0.693147182 : f32
    %mul3A_42 = vector.broadcast %mul3A_41 : f32 to vector<2000x128xf32>
    %mul3A_43 = arith.mulf %sub3A_40, %mul3A_42 : vector<2000x128xf32>
    %get3A_44 = arith.constant 0 : index
    %get3A_45 = arith.constant 0 : index
    %get3A_46 = vector.load %arg7[%get3A_44, %get3A_45] : memref<128x128xf32, #tpu.memory_space<vmem>>, vector<128x128xf32>
    %dot_general3A_47 = arith.constant dense<0.000000e+00> : vector<2000x128xf32>
    %dot_general3A_48 = tpu.matmul %mul3A_43, %get3A_46, %dot_general3A_47 {dimension_numbers = #tpu.dot_dimension_numbers<[1], [0], [0], [1], [0, 0, 1, 1], [], []>, transpose_lhs_hint = false} : vector<2000x128xf32>, vector<128x128xf32>, vector<2000x128xf32> -> vector<2000x128xf32>
    %get3A_49 = arith.constant 0 : index
    %get3A_50 = vector.load %arg8[%get3A_49] : memref<128xf32, #tpu.memory_space<vmem>>, vector<128xf32>
    %broadcast_in_dim3A_51 = vector.shape_cast %get3A_50 : vector<128xf32> to vector<1x128xf32>
    %add3A_52 = vector.broadcast %broadcast_in_dim3A_51 : vector<1x128xf32> to vector<2000x128xf32>
    %add3A_53 = arith.addf %dot_general3A_48, %add3A_52 : vector<2000x128xf32>
    %swap3A = arith.constant 0 : index
    %swap3A_54 = arith.constant 0 : index
    %swap3A_55 = vector.load %arg9[%swap3A, %swap3A_54] : memref<2000x128xf32, #tpu.memory_space<vmem>>, vector<2000x128xf32>
    tpu.vector_store %arg9[%swap3A, %swap3A_54], %add3A_53 {strides = array<i32>} : memref<2000x128xf32, #tpu.memory_space<vmem>>, vector<2000x128xf32>,
    return
  }
  func.func @transform_0(%arg0: i32) -> (i32, i32, i32) {
    %c0_i32 = arith.constant 0 : i32
    %c0_i32_0 = arith.constant 0 : i32
    %c0_i32_1 = arith.constant 0 : i32
    return %c0_i32, %arg0, %c0_i32_0 : i32, i32, i32
  }
  func.func @transform_1(%arg0: i32) -> (i32, i32, i32) {
    %c1_i32 = arith.constant 1 : i32
    %c0_i32 = arith.constant 0 : i32
    %c0_i32_0 = arith.constant 0 : i32
    return %c1_i32, %arg0, %c0_i32 : i32, i32, i32
  }
  func.func @transform_2(%arg0: i32) -> (i32, i32, i32) {
    %c0_i32 = arith.constant 0 : i32
    %c0_i32_0 = arith.constant 0 : i32
    %c0_i32_1 = arith.constant 0 : i32
    return %c0_i32, %arg0, %c0_i32_0 : i32, i32, i32
  }
  func.func @transform_3(%arg0: i32) -> (i32, i32, i32) {
    %c1_i32 = arith.constant 1 : i32
    %c0_i32 = arith.constant 0 : i32
    %c0_i32_0 = arith.constant 0 : i32
    return %c1_i32, %arg0, %c0_i32 : i32, i32, i32
  }
  func.func @transform_4(%arg0: i32) -> (i32, i32) {
    %c0_i32 = arith.constant 0 : i32
    %c0_i32_0 = arith.constant 0 : i32
    %c0_i32_1 = arith.constant 0 : i32
    return %c0_i32, %c0_i32_0 : i32, i32
  }
  func.func @transform_5(%arg0: i32) -> i32 {
    %c0_i32 = arith.constant 0 : i32
    %c0_i32_0 = arith.constant 0 : i32
    return %c0_i32 : i32
  }
  func.func @transform_6(%arg0: i32) -> (i32, i32) {
    %c0_i32 = arith.constant 0 : i32
    %c0_i32_0 = arith.constant 0 : i32
    %c0_i32_1 = arith.constant 0 : i32
    return %c0_i32, %c0_i32_0 : i32, i32
  }
  func.func @transform_7(%arg0: i32) -> i32 {
    %c0_i32 = arith.constant 0 : i32
    %c0_i32_0 = arith.constant 0 : i32
    return %c0_i32 : i32
  }
  func.func @transform_8(%arg0: i32) -> (i32, i32) {
    %c0_i32 = arith.constant 0 : i32
    %c0_i32_0 = arith.constant 0 : i32
    return %arg0, %c0_i32 : i32, i32
  }
}

</mosaic_0001>

<sc_bundles>
// kernel: kernel.11.cloned.1.call-start
scs
__scs_entry_jumppad:
0x0: {  	(pc) =	sbr.rel $0x88, $3  }
0x1: {  	(tag) =	ssettag $0x0;
	lr =	simm.s32 $0x1  }
0x2: {  	[smem:$0x3F93] =	sst lr;
	_ =	strace $0xD0000000  }
0x3: {  	_ = 	snop  }
0x4: {  	_ = 	snop  }
0x5: {  	_ = 	snop  }
0x6: {  	_ = 	snop  }
0x7: {  	_ = 	snop  }
__scs_overlays_trampoline_lowered:
0x8: {  	[smem:$0x3FA2] =	sst s0  }
0x9: {  	[smem:$0x3FA3] =	sst s1  }
0xa: {  	[smem:$0x3FA4] =	sst s2  }
0xb: {  	[smem:$0x3FA5] =	sst s3  }
0xc: {  	[smem:$0x3FA6] =	sst s4  }
0xd: {  	[smem:$0x3FA7] =	sst s5  }
0xe: {  	[smem:$0x3FA8] =	sst s6  }
0xf: {  	[smem:$0x3FA9] =	sst s7  }
0x10: {  	[smem:$0x3FAA] =	sst s8  }
0x11: {  	[smem:$0x3FAB] =	sst s9;
	s0 =	simm.s32 @!p0 $0x0  }
0x12: {  	s1 =	sld [smem:$0x3F91];
	s0 =	simm.s32 @p0 $0x1  }
0x13: {  	[smem:$0x3FAC] =	sst s0;
	s0 =	simm.s32 @!p1 $0x0  }
0x14: {  	s2 =	sld [smem:$0x3F90];
	s0 =	simm.s32 @p1 $0x1  }
0x15: {  	[smem:$0x3FAD] =	sst s0;
	s0 =	simm.s32 @!p2 $0x0  }
0x16: {  	s3 =	sld [smem:$0x3FDB];
	s0 =	simm.s32 @p2 $0x1  }
0x17: {  	s4 =	simm.s32 $0x1BF5;
	[smem:$0x3FAF] =	sst s0  }
0x18: {  	s0 =	sld [smem:$0x3F92];
	_ =	swait.ge [sflag:s4], $0x0  }
0x19: {  	s7 =	sld [smem:$0x3F93]  }
0x1a: {  	s8 =	sadd.s32 $0xFFFFE003, lr  }
0x1b: {  	s9 =	sadd.s32 $0xFFFFFEF7, lr;
	s5 =	simm.s32 $0xFFFFFFFF;
	p2 =	slt.u32 s8, $0xFFFFF086  }
0x1c: {  	p1 =	slt.u32 s9, $0xF7A;
	s5 =	simm.s32 @!p2 $0x0  }
0x1d: {  	s5 =	simm.s32 @p1 $0x1;
	p0 =	seq.s32 s7, s2  }
0x1e: {  	s7 =	smul.u32 @!p0 $0xF7A, s2;
	p2 =	seq.s32 @!p0 s5, $0x0  }
0x1f: {  	s9 =	smul.u32 $0xF7A, s1;
	s8 =	simm.s32 @!p0 $0x1BF5;
	p2 =	por !p2, p0  }
0x20: {  	[sflag:s8] =	ssyncset.s32 @!p0 $0xFFFFF086;
	s6 =	sadd.s32 @!p0 s3, s7;
	s7 =	simm.s32 @!p0 $0x108  }
0x21: {  	s3 =	sadd.s32 s3, s9;
	s6 =	sadd.s32 @!p0 $0x88, s6;
	s7 =	simm.s32 @p2 $0x1082  }
0x22: {  	[simem:s7], [sflag:s8] =	dma.local @!p0 [hbm:s6], $0xF7A  }
0x23: {  	s9 =	sor.u32 $0xD0000000, s2;
	s6 =	simm.s32 $0x108;
	_ =	swait.ge @!p0 [sflag:s8], $0x0  }
0x24: {  	s3 =	sadd.s32 $0x88, s3;
	s6 =	simm.s32 @!p1 $0x1082;
	[sflag:s4] =	ssyncset.s32 $0xFFFFF086  }
0x25: {  	[simem:s6], [sflag:s4] =	dma.local [hbm:s3], $0xF7A  }
0x26: {  	[smem:$0x3F93] =	sst s1;
	(tag) =	ssettag s2;
	_ =	strace s9  }
0x27: {  	s1 =	sld [smem:$0x3FA3]  }
0x28: {  	s2 =	sld [smem:$0x3FA4]  }
0x29: {  	s4 =	sld [smem:$0x3FA6]  }
0x2a: {  	p0 =	seq.s32 s5, $0x0;
	s5 =	sld [smem:$0x3FA7]  }
0x2b: {  	s6 =	sld [smem:$0x3FA8]  }
0x2c: {  	s7 =	sld [smem:$0x3FA9]  }
0x2d: {  	s3 =	simm.s32 $0x108;
	s8 =	sld [smem:$0x3FAA]  }
0x2e: {  	s3 =	simm.s32 @!p0 $0x1082;
	s9 =	sld [smem:$0x3FAB]  }
0x2f: {  	lr =	sadd.s32 s0, s3;
	s0 =	sld [smem:$0x3FA2]  }
0x30: {  	s3 =	sld [smem:$0x3FA5]  }
0x31: {  	[smem:$0x3FAE] =	sst s10  }
0x32: {  	s10 =	sld [smem:$0x3FAC];
	_ =	sdelay $0x3  }
0x33: {  	p0 =	seq.s32 s10, $0x1;
	s10 =	sld [smem:$0x3FAE];
	_ =	sdelay $0x3  }
0x34: {  	[smem:$0x3FAE] =	sst s10  }
0x35: {  	s10 =	sld [smem:$0x3FAD];
	_ =	sdelay $0x3  }
0x36: {  	p1 =	seq.s32 s10, $0x1;
	s10 =	sld [smem:$0x3FAE];
	_ =	sdelay $0x3  }
0x37: {  	[smem:$0x3FAE] =	sst s10  }
0x38: {  	s10 =	sld [smem:$0x3FAF]  }
0x39: {  	_ = 	snop;
	(pc) =	sbr.ind lr, $3  }
0x3a: {  	_ = 	snop  }
0x3b: {  	_ = 	snop  }
0x3c: {  	p2 =	seq.s32 s10, $0x1;
	s10 =	sld [smem:$0x3FAE]  }
0x3d: {  	_ =	shalt  }
0x3e: {  	_ =	shalt  }
0x3f: {  	_ =	shalt  }
0x40: {  	_ =	shalt  }
0x41: {  	_ =	shalt  }
0x42: {  	_ =	shalt  }
0x43: {  	_ =	shalt  }
0x44: {  	_ =	shalt  }
0x45: {  	_ =	shalt  }
0x46: {  	_ =	shalt  }
0x47: {  	_ =	shalt  }
0x48: {  	_ =	shalt  }
0x49: {  	_ =	shalt  }
0x4a: {  	_ =	shalt  }
0x4b: {  	_ =	shalt  }
0x4c: {  	_ =	shalt  }
0x4d: {  	_ =	shalt  }
0x4e: {  	_ =	shalt  }
0x4f: {  	_ =	shalt  }
0x50: {  	_ =	shalt  }
0x51: {  	_ =	shalt  }
0x52: {  	_ =	shalt  }
0x53: {  	_ =	shalt  }
0x54: {  	_ =	shalt  }
0x55: {  	_ =	shalt  }
0x56: {  	_ =	shalt  }
0x57: {  	_ =	shalt  }
0x58: {  	_ =	shalt  }
0x59: {  	_ =	shalt  }
0x5a: {  	_ =	shalt  }
0x5b: {  	_ =	shalt  }
0x5c: {  	_ =	shalt  }
0x5d: {  	_ =	shalt  }
0x5e: {  	_ =	shalt  }
0x5f: {  	_ =	shalt  }
0x60: {  	_ =	shalt  }
0x61: {  	_ =	shalt  }
0x62: {  	_ =	shalt  }
0x63: {  	_ =	shalt  }
0x64: {  	_ =	shalt  }
0x65: {  	_ =	shalt  }
0x66: {  	_ =	shalt  }
0x67: {  	_ =	shalt  }
0x68: {  	_ =	shalt  }
0x69: {  	_ =	shalt  }
0x6a: {  	_ =	shalt  }
0x6b: {  	_ =	shalt  }
0x6c: {  	_ =	shalt  }
0x6d: {  	_ =	shalt  }
0x6e: {  	_ =	shalt  }
0x6f: {  	_ =	shalt  }
0x70: {  	_ =	shalt  }
0x71: {  	_ =	shalt  }
0x72: {  	_ =	shalt  }
0x73: {  	_ =	shalt  }
0x74: {  	_ =	shalt  }
0x75: {  	_ =	shalt  }
0x76: {  	_ =	shalt  }
0x77: {  	_ =	shalt  }
0x78: {  	_ =	shalt  }
0x79: {  	_ =	shalt  }
0x7a: {  	_ =	shalt  }
0x7b: {  	_ =	shalt  }
0x7c: {  	_ =	shalt  }
0x7d: {  	_ =	shalt  }
0x7e: {  	_ =	shalt  }
0x7f: {  	_ =	shalt  }
0x80: {  	_ =	shalt  }
0x81: {  	_ =	shalt  }
0x82: {  	_ =	shalt  }
0x83: {  	_ =	shalt  }
0x84: {  	_ =	shalt  }
0x85: {  	_ =	shalt  }
0x86: {  	_ =	shalt  }
0x87: {  	_ =	shalt  }
.Lfunc_end0:
.L_simem_size_0:
called_computation.1_lowered:
.L_overlay_start_0:
0x88: {  	s2 =	sld [smem:$0x3FD9]  }
0x89: {  	s3 =	sld [smem:$0x3FFE];
	_ =	sdelay $0x1  }
0x8a: {  	s1 =	srdreg.scid  }
0x8b: {  	s0 =	sand.u32 $0x1, s1  }
0x8c: {  	s17 =	sshll.u32 s0, $0xA;
	s2 =	sadd.s32 s3, s2  }
0x8d: {  	s2 =	sadd.s32 s2, s17  }
0x8e: {  	[smem:$0x3FBA] =	sst s2  }
0x8f: {  	_ = 	snop  }
0x90: {  	s2 =	sld [smem:$0x3FD0];
	(tm) =	ssettm $0x1  }
0x91: {  	s18 =	sld [smem:$0x3FFB];
	_ =	sdelay $0x3  }
0x92: {  	_ =	strace s18  }
0x93: {  	s3 =	sld [smem:$0x3FFC];
	_ =	sdelay $0x3  }
0x94: {  	_ =	strace s3  }
0x95: {  	s3 =	sld [smem:$0x3FFD];
	_ =	sdelay $0x3  }
0x96: {  	_ =	strace s3  }
0x97: {  	_ =	strace $0x8FFFFFFF  }
0x98: {  	s19 =	sld [smem:$0x3FDB];
	_ =	sdelay $0x1  }
0x99: {  	s4 =	simm.s32 $_scs_section_size  }
0x9a: {  	s5 =	simm.s32 $_size__tile_overlayer_lowered;
	s6 =	simm.s32 $_tile_overlayer_lowered  }
0x9b: {  	s22 =	simm.s32 $0x1BFF;
	s21 =	sshll.u32 s6, $0x1;
	s3 =	sadd.s32 s4, s19  }
0x9c: {  	s7 =	simm.s32 $0x0;
	s20 =	sshll.u32 s5, $0x1;
	s5 =	sadd.s32 s21, s3  }
0x9d: {  	[timem:s7], [sflag:s22] =	dma.local [hbm:s5], s20  }
0x9e: {  	_ =	swait.ge [sflag:s22], s20  }
0x9f: {  	s4 =	ssub.s32 $0x0, s20;
	[sflag:s22] =	ssyncset.done $0x0  }
0xa0: {  	[sflag:s22] =	ssyncadd.s32 s4;
	_ =	sdelay $0x1  }
0xa1: {  	s23 =	simm.s32 $0x1B8B  }
0xa2: {  	_ =	swait.ge [sflag:s23], $0x1  }
0xa3: {  	[sflag:s23] =	ssyncset.done $0x0  }
0xa4: {  	s25 =	simm.s32 $0x1B8E;
	s24 =	sld [smem:$0x3FFE];
	[sflag:s23] =	ssyncadd.s32 $0xFFFFFFFF  }
0xa5: {  	s26 =	simm.s32 $execute0_lowered;
	[smem:$0x3FD2] =	sst s25  }
0xa6: {  	s5 =	sshll.u32 s26, $0x1;
	_ =	strace $0x80000046;
	[dreg:$0x1] =	wrdreg $0xFFFFFFFF  }
0xa7: {  	s28 =	simm.s32 $_size_execute0_lowered;
	s3 =	sadd.s32 s3, s5;
	[dreg:$0x0] =	wrdreg $0x0  }
0xa8: {  	s5 =	sshll.u32 s28, $0x1;
	[dreg:$0x2] =	wrdreg s3  }
0xa9: {  	[dreg:$0x3] =	wrdreg s5  }
0xaa: {  	[dreg:$0x4] =	wrdreg $0xC0  }
0xab: {  	_ =	task [dreg:s7], $0x5FFFF  }
0xac: {  	[dreg:$0x1] =	wrdreg $0xFFFFFFFF  }
0xad: {  	[dreg:$0x0] =	wrdreg $0x60  }
0xae: {  	[dreg:$0x2] =	wrdreg s2  }
0xaf: {  	[dreg:$0x3] =	wrdreg s24  }
0xb0: {  	[dreg:$0x4] =	wrdreg $0x0  }
0xb1: {  	[dreg:$0x5] =	wrdreg $0xA  }
0xb2: {  	_ =	task.clear_ibuf [dreg:s7], $0x6FFFF;
	_ =	strace $0x90000046  }
0xb3: {  	s29 =	simm.s32 $0xA;
	_ =	strace $0x80000048  }
0xb4: {  	_ =	swait.ge [sflag:s29], $0x1  }
0xb5: {  	[sflag:s29] =	ssyncadd.s32 $0xFFFFFFFF  }
0xb6: {  	_ =	strace $0x90000048  }
0xb7: {  	_ =	sfence  }
0xb8: {  	s30 =	sld [smem:$0x0];
	_ =	sdelay $0x2  }
0xb9: {  	s31 =	sshll.u32 s1, $0xD;
	s1 =	sshrl.u32 s1, $0x2  }
0xba: {  	s3 =	sand.u32 $0x4000, s31;
	s1 =	sadd.s32 s1, s30  }
0xbb: {  	s0 =	sor.u32 s3, s0;
	s1 =	sshll.u32 s1, $0x11  }
0xbc: {  	s0 =	sor.u32 s1, s0  }
0xbd: {  	s0 =	sadd.s32 $0x8F2B, s0  }
0xbe: {  	[sflag:s0] =	ssyncadd.remote.s32 $0x1  }
0xbf: {  	_ =	sfence.sel $0xFFFF  }
0xc0: {  	[dreg:$0x0] =	wrdreg $0xFFFFFFFF;
	(pc) =	sbr.abs _section_cstart, $3  }
0xc1: {  	[dreg:$0x1] =	wrdreg $0xFFFFFFFF  }
0xc2: {  	_ =	task.clear_ibuf [dreg:s7], $0x2FFFF;
	_ =	strace $0x9FFFFFFF  }
0xc3: {  	(tm) =	ssettm $0x7FFFFFFF  }
tec
execute0_lowered:
.L_overlay_start_1:
0x0: {  	(tag) =	ssettag $0x1  }
0x1: {  	s0 =	rddreg [dreg:$0x1]  }
0x2: {  	s28 =	rddreg [dreg:$0x2];
	s4 =	simm.s32 $0x0  }
0x3: {  	s3 =	srdreg.scid;
	s2 =	stileid.u32;
	s29 =	simm.s32 $0x1FC00  }
0x4: {  	s30 =	simm.s32 $0x1FD00;
	s31 =	simm.s32 $0x1FC80;
	[smem:$0x7FF] =	sst s4  }
0x5: {  	s3 =	sand.u32 $0x1, s3;
	s8 =	smul.u32 $0x13C00, s2;
	s5 =	sadd.s32 $0x16400, s0  }
0x6: {  	s6 =	sadd.s32 $0x7400, s0;
	s13 =	smul.u32 $0x4F000, s2;
	s9 =	sshll.u32 s3, $0x4  }
0x7: {  	s7 =	smul.u32 $0x13C000, s3;
	s3 =	ssub.s32 $0x2, s3;
	s9 =	sor.u32 s2, s9  }
0x8: {  	_ =	strace $0x80000047;
	s11 =	sshrl.u32 s3, $0x1;
	s10 =	smul.u32 $0x1388, s9  }
0x9: {  	s2 =	simm.s32 $0x0;
	s8 =	sadd.s32 s8, s7;
	s9 =	smul.u32 $0x13880, s9  }
0xa: {  	s7 =	sadd.s32 $0x2400, s0;
	s3 =	ssub.s32 s3, s11;
	s8 =	sshrl.u32 s8, $0x3  }
0xb: {  	s0 =	sadd.s32 s8, s0;
	s23 =	sshrl.u32 s10, $0x3;
	s9 =	sadd.s32 s5, s9  }
0xc: {  	s22 =	sadd.s32 $0x60, s10;
	s1 =	sadd.s32 s7, s23;
	[dreg:$0x7] =	wrdreg s9  }
0xd: {  	s8 =	sshrl.u32 s13, $0x2;
	s25 =	sadd.s32 s6, s23;
	[dreg:$0x4] =	wrdreg s1  }
0xe: {  	s19 =	sadd.s32 $0xC0, s10;
	s0 =	sadd.s32 $0x287400, s0;
	[dreg:$0x6] =	wrdreg s25  }
0xf: {  	s12 =	sshrl.u32 s22, $0x3;
	s8 =	sadd.s32 s8, s28;
	[dreg:$0x11] =	wrdreg s0  }
0x10: {  	s26 =	sshll.u32 s22, $0x4;
	s24 =	sadd.s32 s7, s12;
	[dreg:$0x9] =	wrdreg s8  }
0x11: {  	s17 =	sadd.s32 $0x1380, s10;
	s11 =	sadd.s32 s5, s26;
	[dreg:$0x5] =	wrdreg s24  }
0x12: {  	s20 =	sadd.s32 $0x120, s10;
	s13 =	sadd.s32 $0x3000, s8;
	[dreg:$0x8] =	wrdreg s11  }
0x13: {  	s10 =	simm.s32 $0x9;
	s14 =	sadd.s32 $0x6000, s8;
	[dreg:$0xa] =	wrdreg s13  }
0x14: {  	s18 =	sshrl.u32 s17, $0x3;
	s15 =	sadd.s32 $0x9000, s8;
	[dreg:$0xb] =	wrdreg s14  }
0x15: {  	s9 =	sshll.u32 s17, $0x4;
	s16 =	sadd.s32 $0xC000, s8;
	[dreg:$0xc] =	wrdreg s15  }
0x16: {  	s17 =	simm.s32 $0x16C00;
	s21 =	sadd.s32 s7, s18;
	[dreg:$0xd] =	wrdreg s16  }
0x17: {  	s1 =	smov.u32 s22;
	s22 =	sadd.s32 s6, s18;
	[dreg:$0xe] =	wrdreg s21  }
0x18: {  	s23 =	sadd.s32 s5, s9;
	s25 =	sadd.s32 $0xF000, s8;
	[dreg:$0xf] =	wrdreg s22  }
0x19: {  	s26 =	sadd.s32 $0x12000, s8;
	s9 =	simm.s32 $0x13C00;
	[dreg:$0x10] =	wrdreg s23  }
0x1a: {  	s12 =	simm.s32 $0x60;
	s18 =	simm.s32 $0x7;
	[dreg:$0x13] =	wrdreg s25  }
0x1b: {  	s24 =	smax.u32 s3, $0x1;
	[dreg:$0x14] =	wrdreg s26;
	s14 =	simm.s32 $0x19C00  }
0x1c: {  	s11 =	simm.s32 $0x3;
	s13 =	simm.s32 $0x1;
	s15 =	simm.s32 $0x1FD80  }
0x1d: {  	s16 =	simm.s32 $0x4;
	s21 =	simm.s32 $0x5;
	s22 =	simm.s32 $0x2  }
0x1e: {  	v0 =	vimm.f32 $0.0e+00;
	s23 =	simm.s32 $0x8;
	[dreg:$0x12] =	wrdreg s24;
	s24 =	simm.s32 $0x6  }
.LBB2_1:
0x1f: {  	[dreg:$0x15] =	wrdreg s2  }
0x20: {  	s0 =	rddreg [dreg:$0x4]  }
0x21: {  	s26 =	rddreg [dreg:$0x5]  }
0x22: {  	[tilespmem:s29], [sflag:$0x3] =	stream.linear.gather [hbm4b:s0+s4], $0x60, $0x38;
	[tilespmem:$0x1FF00] =	vst v63  }
0x23: {  	s2 =	rddreg [dreg:$0x6]  }
0x24: {  	[tilespmem:s30], [sflag:$0x4] =	stream.linear.gather [hbm4b:s26+s4], $0x60, $0x38;
	[tilespmem:$0x1FF00] =	vst v63  }
0x25: {  	s3 =	rddreg [dreg:$0x7]  }
0x26: {  	[tilespmem:s31], [sflag:$0x5] =	stream.linear.gather [hbm4b:s2+s4], $0x60, $0x38;
	[tilespmem:$0x1FF00] =	vst v63  }
0x27: {  	s25 =	rddreg [dreg:$0x8]  }
0x28: {  	[tilespmem:s14], [sflag:$0x7] =	stream.linear.gather [hbm4b:s3+s4], $0x3000, $0x38;
	[tilespmem:$0x1FF00] =	vst v63  }
0x29: {  	s0 =	simm.s32 $0x0;
	s26 =	simm.s32 $0x1CC00;
	s3 =	simm.s32 $0x200  }
0x2a: {  	[tilespmem:s26], [sflag:$0x8] =	stream.linear.gather [hbm4b:s25+s4], $0x3000, $0x38;
	[tilespmem:$0x1FF00] =	vst v63  }
.LBB2_2:
0x2b: {  	p0 =	sne.s32 s3, $0xBE00;
	[tilespmem:s0+$0x13C70] =	vst v0  }
0x2c: {  	[tilespmem:s0+$0x13C00] =	vst v0  }
0x2d: {  	[tilespmem:s0+$0x13C10] =	vst v0  }
.Ltmp0:
0x2e: {  	[tilespmem:s0+$0x13C20] =	vst v0;
	(pc) =	sbr.rel @p0 .LBB2_2-.Ltmp0, $4  }
0x2f: {  	[tilespmem:s0+$0x13C30] =	vst v0  }
0x30: {  	[tilespmem:s0+$0x13C40] =	vst v0  }
0x31: {  	[tilespmem:s0+$0x13C50] =	vst v0  }
0x32: {  	[tilespmem:s0+$0x13C60] =	vst v0;
	s0 =	sshra.s32 s3, $0x2;
	s3 =	sadd.s32 $0x200, s3  }
0x33: {  	[tilespmem:s0+$0x13C70] =	vst v0  }
0x34: {  	[tilespmem:s0+$0x13C00] =	vst v0  }
0x35: {  	[tilespmem:s0+$0x13C10] =	vst v0  }
0x36: {  	[tilespmem:s0+$0x13C20] =	vst v0  }
0x37: {  	[tilespmem:s0+$0x13C30] =	vst v0  }
0x38: {  	[tilespmem:s0+$0x13C40] =	vst v0  }
0x39: {  	[tilespmem:s0+$0x13C50] =	vst v0  }
0x3a: {  	[tilespmem:s0+$0x13C60] =	vst v0  }
0x3b: {  	[spmem:s8] =	stream.linear.scatter [tilespmem:s9], [sflag:$0x9], $0x3000, $0x38;
	[tilespmem:$0x1FF00] =	vst v63  }
0x3c: {  	s26 =	rddreg [dreg:$0xa]  }
0x3d: {  	[spmem:s26] =	stream.linear.scatter [tilespmem:s9], [sflag:$0x9], $0x3000, $0x38;
	[tilespmem:$0x1FF00] =	vst v63  }
0x3e: {  	s2 =	rddreg [dreg:$0xb]  }
0x3f: {  	[spmem:s2] =	stream.linear.scatter [tilespmem:s9], [sflag:$0x9], $0x3000, $0x38;
	[tilespmem:$0x1FF00] =	vst v63  }
0x40: {  	s3 =	rddreg [dreg:$0xc]  }
0x41: {  	[spmem:s3] =	stream.linear.scatter [tilespmem:s9], [sflag:$0x9], $0x3000, $0x38;
	[tilespmem:$0x1FF00] =	vst v63  }
0x42: {  	s8 =	rddreg [dreg:$0xd]  }
0x43: {  	[spmem:s8] =	stream.linear.scatter [tilespmem:s9], [sflag:$0x9], $0x3000, $0x38;
	[tilespmem:$0x1FF00] =	vst v63  }
0x44: {  	s14 =	rddreg [dreg:$0x13]  }
0x45: {  	[spmem:s14] =	stream.linear.scatter [tilespmem:s9], [sflag:$0x9], $0x3000, $0x38;
	[tilespmem:$0x1FF00] =	vst v63  }
0x46: {  	s25 =	rddreg [dreg:$0x14]  }
0x47: {  	[spmem:s25] =	stream.linear.scatter [tilespmem:s9], [sflag:$0x9], $0x1C00, $0x38;
	[tilespmem:$0x1FF00] =	vst v63  }
0x48: {  	_ =	swait.ge [sflag:s10], $0x3000  }
0x49: {  	[sflag:s10] =	ssyncset.done $0x0  }
0x4a: {  	[sflag:s10] =	ssyncadd.s32 $0xFFFFD000  }
0x4b: {  	_ =	swait.ge [sflag:s10], $0x3000  }
0x4c: {  	[sflag:s10] =	ssyncset.done $0x0  }
0x4d: {  	[sflag:s10] =	ssyncadd.s32 $0xFFFFD000  }
0x4e: {  	_ =	swait.ge [sflag:s10], $0x3000  }
0x4f: {  	[sflag:s10] =	ssyncset.done $0x0  }
0x50: {  	[sflag:s10] =	ssyncadd.s32 $0xFFFFD000  }
0x51: {  	_ =	swait.ge [sflag:s10], $0x3000  }
0x52: {  	[sflag:s10] =	ssyncset.done $0x0  }
0x53: {  	[sflag:s10] =	ssyncadd.s32 $0xFFFFD000  }
0x54: {  	_ =	swait.ge [sflag:s10], $0x3000  }
0x55: {  	[sflag:s10] =	ssyncset.done $0x0  }
0x56: {  	[sflag:s10] =	ssyncadd.s32 $0xFFFFD000  }
0x57: {  	_ =	swait.ge [sflag:s10], $0x3000  }
0x58: {  	[sflag:s10] =	ssyncset.done $0x0  }
0x59: {  	[sflag:s10] =	ssyncadd.s32 $0xFFFFD000  }
0x5a: {  	_ =	swait.ge [sflag:s10], $0x1C00  }
0x5b: {  	[sflag:s10] =	ssyncset.done $0x0  }
0x5c: {  	[sflag:s10] =	ssyncadd.s32 $0xFFFFE400  }
0x5d: {  	[bflag:$0x0] =	sbarrier.arrive $0xFFFF  }
0x5e: {  	_ =	swait.ge [sflag:s11], $0x60  }
0x5f: {  	[sflag:s11] =	ssyncset.done $0x0  }
0x60: {  	[sflag:s11] =	ssyncadd.s32 $0xFFFFFFA0  }
0x61: {  	s25 =	simm.s32 $0x0;
	s26 =	rddreg [dreg:$0x0]  }
0x62: {  	[tilespmem:s9], [sflag:$0x1] =	stream.indirect.gather [hbm4b:s26+s12], $0x80, s29, s12, $0xb8;
	[tilespmem:$0x1FF00] =	vst v63  }
.LBB2_4:
0x63: {  	s26 =	sshll.u32 s25, $0x1  }
0x64: {  	s0 =	smin.u32 s26, $0x31  }
0x65: {  	s0 =	smul.u32 $0x60, s0;
	_ =	sdelay $0x1  }
0x66: {  	s8 =	smov.u32 s28;
	_ =	swait.ge [sflag:s13], $0x3000;
	s28 =	sadd.s32 s0, s19  }
0x67: {  	p0 =	seq.s32 s25, $0x0;
	[sflag:s13] =	ssyncset.done $0x0;
	s14 =	sshrl.u32 s28, $0x3  }
0x68: {  	s2 =	smul.u32 $0xC0, s25;
	[sflag:s13] =	ssyncadd.s32 $0xFFFFD000;
	s3 =	sadd.s32 s7, s14  }
0x69: {  	[tilespmem:s29], [sflag:$0x3] =	stream.linear.gather [hbm4b:s3+s4], $0x60, $0x38;
	[tilespmem:$0x1FF00] =	vst v63  }
0x6a: {  	s3 =	simm.s32 @!p0 $0xA  }
0x6b: {  	s0 =	sadd.s32 s2, s1;
	_ =	swait.ge @!p0 [sflag:s3], $0x3000  }
0x6c: {  	s0 =	sshrl.u32 s0, $0x3;
	[sflag:s3] =	ssyncset.done @!p0 $0x0  }
0x6d: {  	s0 =	sadd.s32 s6, s0;
	[sflag:s3] =	ssyncadd.s32 @!p0 $0xFFFFD000  }
0x6e: {  	[tilespmem:s15], [sflag:$0x6] =	stream.linear.gather [hbm4b:s0+s4], $0x60, $0x38;
	[tilespmem:$0x1FF00] =	vst v63  }
0x6f: {  	_ =	swait.ge [sflag:s16], $0x60  }
0x70: {  	[sflag:s16] =	ssyncset.done $0x0  }
0x71: {  	[sflag:s16] =	ssyncadd.s32 $0xFFFFFFA0  }
0x72: {  	s3 =	rddreg [dreg:$0x0]  }
0x73: {  	[tilespmem:s17], [sflag:$0x2] =	stream.indirect.gather [hbm4b:s3+s12], $0x80, s30, s12, $0xb8;
	[tilespmem:$0x1FF00] =	vst v63  }
0x74: {  	_ =	swait.ge [sflag:s18], $0x3000  }
0x75: {  	[sflag:s18] =	ssyncset.done $0x0  }
0x76: {  	s3 =	simm.s32 $0xF0;
	[sflag:s18] =	ssyncadd.s32 $0xFFFFD000  }
0x77: {  	v7 =	vld [tilespmem:s3+$0x19B10]  }
0x78: {  	v8 =	vld [tilespmem:s3+$0x19B20]  }
0x79: {  	v9 =	vld [tilespmem:s3+$0x19B30]  }
0x7a: {  	v10 =	vld [tilespmem:s3+$0x19B40]  }
0x7b: {  	v11 =	vld [tilespmem:s3+$0x19B50]  }
0x7c: {  	v12 =	vld [tilespmem:s3+$0x19B60]  }
0x7d: {  	v13 =	vld [tilespmem:s3+$0x19B70]  }
0x7e: {  	v14 =	vld [tilespmem:s3+$0x19B80]  }
0x7f: {  	v15 =	vld [tilespmem:s3+$0x19B90]  }
0x80: {  	v16 =	vld [tilespmem:s3+$0x19BA0]  }
0x81: {  	v6 =	vld [tilespmem:s3+$0x19BB0]  }
0x82: {  	v5 =	vld [tilespmem:s3+$0x19BC0]  }
0x83: {  	v4 =	vld [tilespmem:s3+$0x19BD0]  }
0x84: {  	v3 =	vld [tilespmem:s3+$0x19BE0]  }
0x85: {  	v2 =	vld [tilespmem:s3+$0x19BF0]  }
0x86: {  	v1 =	vld [tilespmem:s3+$0x19C00]  }
0x87: {  	v17 =	vld [tilespmem:s3+$0x13B10]  }
0x88: {  	v18 =	vld [tilespmem:s3+$0x13B20]  }
0x89: {  	v19 =	vld [tilespmem:s3+$0x13B30]  }
0x8a: {  	v20 =	vld [tilespmem:s3+$0x13B40]  }
0x8b: {  	v21 =	vld [tilespmem:s3+$0x13B50]  }
0x8c: {  	v60 =	vld [tilespmem:s3+$0x13B60];
	v7 =	vmul.f32 v7, v17  }
0x8d: {  	v22 =	vld [tilespmem:s3+$0x13B70];
	v8 =	vmul.f32 v8, v18  }
0x8e: {  	v61 =	vld [tilespmem:s3+$0x13B80];
	[tilespmem:s3+$0x13B10] =	vst v7;
	v7 =	vmul.f32 v9, v19  }
0x8f: {  	v62 =	vld [tilespmem:s3+$0x13B90];
	[tilespmem:s3+$0x13B20] =	vst v8;
	v8 =	vmul.f32 v10, v20  }
0x90: {  	v63 =	vld [tilespmem:s3+$0x13BA0];
	[tilespmem:s3+$0x13B30] =	vst v7;
	v7 =	vmul.f32 v11, v21  }
0x91: {  	v9 =	vmul.f32 v12, v60;
	[tilespmem:s3+$0x13B40] =	vst v8;
	v8 =	vld [tilespmem:s3+$0x13BB0]  }
0x92: {  	v10 =	vmul.f32 v13, v22;
	[tilespmem:s3+$0x13B50] =	vst v7;
	v7 =	vld [tilespmem:s3+$0x13BC0]  }
0x93: {  	[tilespmem:s3+$0x13B60] =	vst v9;
	v9 =	vld [tilespmem:s3+$0x13BD0];
	v11 =	vmul.f32 v14, v61  }
0x94: {  	v13 =	vmul.f32 v15, v62;
	[tilespmem:s3+$0x13B70] =	vst v10;
	v10 =	vld [tilespmem:s3+$0x13BE0]  }
0x95: {  	s0 =	simm.s32 $0x7C0;
	v12 =	vmul.f32 v16, v63;
	[tilespmem:s3+$0x13B80] =	vst v11;
	v11 =	vld [tilespmem:s3+$0x13BF0]  }
.LBB2_5:
0x96: {  	s2 =	sshra.s32 s0, $0x2;
	p0 =	sne.s32 s0, $0xBFC0;
	[tilespmem:s3+$0x13B90] =	vst v13;
	v6 =	vmul.f32 v6, v8;
	v8 =	vld [tilespmem:s3+$0x13C00]  }
0x97: {  	v13 =	vld [tilespmem:s2+$0x19B10];
	[tilespmem:s3+$0x13BA0] =	vst v12;
	v5 =	vmul.f32 v5, v7  }
0x98: {  	v7 =	vld [tilespmem:s2+$0x19B20];
	[tilespmem:s3+$0x13BB0] =	vst v6;
	v4 =	vmul.f32 v4, v9  }
0x99: {  	v9 =	vld [tilespmem:s2+$0x19B30];
	[tilespmem:s3+$0x13BC0] =	vst v5;
	v3 =	vmul.f32 v3, v10  }
0x9a: {  	v10 =	vld [tilespmem:s2+$0x19B40];
	[tilespmem:s3+$0x13BD0] =	vst v4;
	v2 =	vmul.f32 v2, v11  }
0x9b: {  	v11 =	vld [tilespmem:s2+$0x19B50];
	[tilespmem:s3+$0x13BE0] =	vst v3;
	v1 =	vmul.f32 v1, v8  }
0x9c: {  	v8 =	vld [tilespmem:s2+$0x19B60];
	[tilespmem:s3+$0x13BF0] =	vst v2  }
0x9d: {  	v12 =	vld [tilespmem:s2+$0x19B70];
	[tilespmem:s3+$0x13C00] =	vst v1;
	s3 =	smov.u32 s2  }
0x9e: {  	v14 =	vld [tilespmem:s3+$0x19B80]  }
0x9f: {  	v15 =	vld [tilespmem:s3+$0x19B90]  }
0xa0: {  	v16 =	vld [tilespmem:s3+$0x19BA0]  }
0xa1: {  	v6 =	vld [tilespmem:s3+$0x19BB0]  }
0xa2: {  	v5 =	vld [tilespmem:s3+$0x19BC0]  }
0xa3: {  	v4 =	vld [tilespmem:s3+$0x19BD0]  }
0xa4: {  	v3 =	vld [tilespmem:s3+$0x19BE0]  }
0xa5: {  	v2 =	vld [tilespmem:s3+$0x19BF0]  }
0xa6: {  	v1 =	vld [tilespmem:s3+$0x19C00]  }
0xa7: {  	v17 =	vld [tilespmem:s3+$0x13B10]  }
0xa8: {  	v18 =	vld [tilespmem:s3+$0x13B20]  }
0xa9: {  	v19 =	vld [tilespmem:s3+$0x13B30]  }
0xaa: {  	v20 =	vld [tilespmem:s3+$0x13B40]  }
0xab: {  	v21 =	vld [tilespmem:s3+$0x13B50]  }
0xac: {  	v13 =	vmul.f32 v13, v17;
	v17 =	vld [tilespmem:s3+$0x13B60]  }
0xad: {  	v7 =	vmul.f32 v7, v18;
	v18 =	vld [tilespmem:s3+$0x13B70]  }
0xae: {  	[tilespmem:s3+$0x13B10] =	vst v13;
	v9 =	vmul.f32 v9, v19;
	v13 =	vld [tilespmem:s3+$0x13B80]  }
0xaf: {  	[tilespmem:s3+$0x13B20] =	vst v7;
	v7 =	vmul.f32 v10, v20;
	v10 =	vld [tilespmem:s3+$0x13B90]  }
0xb0: {  	[tilespmem:s3+$0x13B30] =	vst v9;
	v9 =	vmul.f32 v11, v21;
	v11 =	vld [tilespmem:s3+$0x13BA0]  }
.Ltmp1:
0xb1: {  	[tilespmem:s3+$0x13B40] =	vst v7;
	v17 =	vmul.f32 v8, v17;
	v8 =	vld [tilespmem:s3+$0x13BB0];
	(pc) =	sbr.rel @p0 .LBB2_5-.Ltmp1, $4  }
0xb2: {  	[tilespmem:s3+$0x13B50] =	vst v9;
	v12 =	vmul.f32 v12, v18;
	v7 =	vld [tilespmem:s3+$0x13BC0]  }
0xb3: {  	[tilespmem:s3+$0x13B60] =	vst v17;
	v14 =	vmul.f32 v14, v13;
	v9 =	vld [tilespmem:s3+$0x13BD0]  }
0xb4: {  	[tilespmem:s3+$0x13B70] =	vst v12;
	v13 =	vmul.f32 v15, v10;
	v10 =	vld [tilespmem:s3+$0x13BE0]  }
0xb5: {  	s0 =	sadd.s32 $0x400, s0;
	[tilespmem:s3+$0x13B80] =	vst v14;
	v12 =	vmul.f32 v16, v11;
	v11 =	vld [tilespmem:s3+$0x13BF0]  }
0xb6: {  	[tilespmem:s3+$0x13B90] =	vst v13;
	v6 =	vmul.f32 v6, v8;
	v8 =	vld [tilespmem:s3+$0x13C00]  }
0xb7: {  	[tilespmem:s3+$0x13BA0] =	vst v12;
	v5 =	vmul.f32 v5, v7  }
0xb8: {  	[tilespmem:s3+$0x13BB0] =	vst v6;
	v4 =	vmul.f32 v4, v9  }
0xb9: {  	[tilespmem:s3+$0x13BC0] =	vst v5;
	v3 =	vmul.f32 v3, v10  }
0xba: {  	[tilespmem:s3+$0x13BD0] =	vst v4;
	v2 =	vmul.f32 v2, v11  }
0xbb: {  	[tilespmem:s3+$0x13BE0] =	vst v3;
	v1 =	vmul.f32 v1, v8  }
0xbc: {  	s0 =	sshll.u32 s28, $0x4;
	[tilespmem:s3+$0x13BF0] =	vst v2  }
0xbd: {  	s2 =	simm.s32 $0x19C00;
	s0 =	sadd.s32 s5, s0;
	[tilespmem:s3+$0x13C00] =	vst v1  }
0xbe: {  	[tilespmem:s2], [sflag:$0x7] =	stream.linear.gather [hbm4b:s0+s4], $0x3000, $0x38;
	[tilespmem:$0x1FF00] =	vst v63  }
0xbf: {  	_ =	swait.ge [sflag:s21], $0x60  }
0xc0: {  	s3 =	smin.u32 s26, $0x30;
	[sflag:s21] =	ssyncset.done $0x0  }
0xc1: {  	s0 =	smul.u32 $0x60, s3;
	[sflag:s21] =	ssyncadd.s32 $0xFFFFFFA0  }
0xc2: {  	[spmem:s8] =	stream.indirect.scatter.add.f32 [tilespmem:s9], [sflag:$0x9], $0x80, s31, s12, $0xb8;
	[tilespmem:$0x1FF00] =	vst v63  }
0xc3: {  	s26 =	sadd.s32 s0, s20;
	_ =	swait.ge [sflag:s22], $0x3000  }
0xc4: {  	s0 =	sshrl.u32 s26, $0x3;
	[sflag:s22] =	ssyncset.done $0x0  }
0xc5: {  	s0 =	sadd.s32 s7, s0;
	[sflag:s22] =	ssyncadd.s32 $0xFFFFD000  }
0xc6: {  	[tilespmem:s30], [sflag:$0x4] =	stream.linear.gather [hbm4b:s0+s4], $0x60, $0x38;
	[tilespmem:$0x1FF00] =	vst v63  }
0xc7: {  	_ =	swait.ge [sflag:s10], $0x3000  }
0xc8: {  	[sflag:s10] =	ssyncset.done $0x0  }
0xc9: {  	s28 =	smov.u32 s8;
	s8 =	sadd.s32 s6, s14;
	[sflag:s10] =	ssyncadd.s32 $0xFFFFD000  }
0xca: {  	[tilespmem:s31], [sflag:$0x5] =	stream.linear.gather [hbm4b:s8+s4], $0x60, $0x38;
	[tilespmem:$0x1FF00] =	vst v63  }
0xcb: {  	_ =	swait.ge [sflag:s11], $0x60  }
0xcc: {  	[sflag:s11] =	ssyncset.done $0x0  }
0xcd: {  	[sflag:s11] =	ssyncadd.s32 $0xFFFFFFA0  }
0xce: {  	s14 =	rddreg [dreg:$0x0]  }
0xcf: {  	[tilespmem:s9], [sflag:$0x1] =	stream.indirect.gather [hbm4b:s14+s12], $0x80, s29, s12, $0xb8;
	[tilespmem:$0x1FF00] =	vst v63  }
0xd0: {  	_ =	swait.ge [sflag:s23], $0x3000  }
0xd1: {  	[sflag:s23] =	ssyncset.done $0x0  }
0xd2: {  	s3 =	simm.s32 $0xF0;
	[sflag:s23] =	ssyncadd.s32 $0xFFFFD000  }
0xd3: {  	v7 =	vld [tilespmem:s3+$0x1CB10]  }
0xd4: {  	v8 =	vld [tilespmem:s3+$0x1CB20]  }
0xd5: {  	v9 =	vld [tilespmem:s3+$0x1CB30]  }
0xd6: {  	v10 =	vld [tilespmem:s3+$0x1CB40]  }
0xd7: {  	v11 =	vld [tilespmem:s3+$0x1CB50]  }
0xd8: {  	v12 =	vld [tilespmem:s3+$0x1CB60]  }
0xd9: {  	v13 =	vld [tilespmem:s3+$0x1CB70]  }
0xda: {  	v14 =	vld [tilespmem:s3+$0x1CB80]  }
0xdb: {  	v15 =	vld [tilespmem:s3+$0x1CB90]  }
0xdc: {  	v16 =	vld [tilespmem:s3+$0x1CBA0]  }
0xdd: {  	v6 =	vld [tilespmem:s3+$0x1CBB0]  }
0xde: {  	v5 =	vld [tilespmem:s3+$0x1CBC0]  }
0xdf: {  	v4 =	vld [tilespmem:s3+$0x1CBD0]  }
0xe0: {  	v3 =	vld [tilespmem:s3+$0x1CBE0]  }
0xe1: {  	v2 =	vld [tilespmem:s3+$0x1CBF0]  }
0xe2: {  	v1 =	vld [tilespmem:s3+$0x1CC00]  }
0xe3: {  	v17 =	vld [tilespmem:s3+$0x16B10]  }
0xe4: {  	v18 =	vld [tilespmem:s3+$0x16B20]  }
0xe5: {  	v19 =	vld [tilespmem:s3+$0x16B30]  }
0xe6: {  	v20 =	vld [tilespmem:s3+$0x16B40]  }
0xe7: {  	v21 =	vld [tilespmem:s3+$0x16B50]  }
0xe8: {  	v60 =	vld [tilespmem:s3+$0x16B60];
	v7 =	vmul.f32 v7, v17  }
0xe9: {  	v22 =	vld [tilespmem:s3+$0x16B70];
	v8 =	vmul.f32 v8, v18  }
0xea: {  	v61 =	vld [tilespmem:s3+$0x16B80];
	[tilespmem:s3+$0x16B10] =	vst v7;
	v7 =	vmul.f32 v9, v19  }
0xeb: {  	v62 =	vld [tilespmem:s3+$0x16B90];
	[tilespmem:s3+$0x16B20] =	vst v8;
	v8 =	vmul.f32 v10, v20  }
0xec: {  	v63 =	vld [tilespmem:s3+$0x16BA0];
	[tilespmem:s3+$0x16B30] =	vst v7;
	v7 =	vmul.f32 v11, v21  }
0xed: {  	v9 =	vmul.f32 v12, v60;
	[tilespmem:s3+$0x16B40] =	vst v8;
	v8 =	vld [tilespmem:s3+$0x16BB0]  }
0xee: {  	v10 =	vmul.f32 v13, v22;
	[tilespmem:s3+$0x16B50] =	vst v7;
	v7 =	vld [tilespmem:s3+$0x16BC0]  }
0xef: {  	[tilespmem:s3+$0x16B60] =	vst v9;
	v9 =	vld [tilespmem:s3+$0x16BD0];
	v11 =	vmul.f32 v14, v61  }
0xf0: {  	v13 =	vmul.f32 v15, v62;
	[tilespmem:s3+$0x16B70] =	vst v10;
	v10 =	vld [tilespmem:s3+$0x16BE0]  }
0xf1: {  	s0 =	simm.s32 $0x7C0;
	v12 =	vmul.f32 v16, v63;
	[tilespmem:s3+$0x16B80] =	vst v11;
	v11 =	vld [tilespmem:s3+$0x16BF0]  }
.LBB2_7:
0xf2: {  	s2 =	sshra.s32 s0, $0x2;
	p0 =	sne.s32 s0, $0xBFC0;
	[tilespmem:s3+$0x16B90] =	vst v13;
	v6 =	vmul.f32 v6, v8;
	v8 =	vld [tilespmem:s3+$0x16C00]  }
0xf3: {  	v13 =	vld [tilespmem:s2+$0x1CB10];
	[tilespmem:s3+$0x16BA0] =	vst v12;
	v5 =	vmul.f32 v5, v7  }
0xf4: {  	v7 =	vld [tilespmem:s2+$0x1CB20];
	[tilespmem:s3+$0x16BB0] =	vst v6;
	v4 =	vmul.f32 v4, v9  }
0xf5: {  	v9 =	vld [tilespmem:s2+$0x1CB30];
	[tilespmem:s3+$0x16BC0] =	vst v5;
	v3 =	vmul.f32 v3, v10  }
0xf6: {  	v10 =	vld [tilespmem:s2+$0x1CB40];
	[tilespmem:s3+$0x16BD0] =	vst v4;
	v2 =	vmul.f32 v2, v11  }
0xf7: {  	v11 =	vld [tilespmem:s2+$0x1CB50];
	[tilespmem:s3+$0x16BE0] =	vst v3;
	v1 =	vmul.f32 v1, v8  }
0xf8: {  	v8 =	vld [tilespmem:s2+$0x1CB60];
	[tilespmem:s3+$0x16BF0] =	vst v2  }
0xf9: {  	v12 =	vld [tilespmem:s2+$0x1CB70];
	[tilespmem:s3+$0x16C00] =	vst v1;
	s3 =	smov.u32 s2  }
0xfa: {  	v14 =	vld [tilespmem:s3+$0x1CB80]  }
0xfb: {  	v15 =	vld [tilespmem:s3+$0x1CB90]  }
0xfc: {  	v16 =	vld [tilespmem:s3+$0x1CBA0]  }
0xfd: {  	v6 =	vld [tilespmem:s3+$0x1CBB0]  }
0xfe: {  	v5 =	vld [tilespmem:s3+$0x1CBC0]  }
0xff: {  	v4 =	vld [tilespmem:s3+$0x1CBD0]  }
0x100: {  	v3 =	vld [tilespmem:s3+$0x1CBE0]  }
0x101: {  	v2 =	vld [tilespmem:s3+$0x1CBF0]  }
0x102: {  	v1 =	vld [tilespmem:s3+$0x1CC00]  }
0x103: {  	v17 =	vld [tilespmem:s3+$0x16B10]  }
0x104: {  	v18 =	vld [tilespmem:s3+$0x16B20]  }
0x105: {  	v19 =	vld [tilespmem:s3+$0x16B30]  }
0x106: {  	v20 =	vld [tilespmem:s3+$0x16B40]  }
0x107: {  	v21 =	vld [tilespmem:s3+$0x16B50]  }
0x108: {  	v13 =	vmul.f32 v13, v17;
	v17 =	vld [tilespmem:s3+$0x16B60]  }
0x109: {  	v7 =	vmul.f32 v7, v18;
	v18 =	vld [tilespmem:s3+$0x16B70]  }
0x10a: {  	[tilespmem:s3+$0x16B10] =	vst v13;
	v9 =	vmul.f32 v9, v19;
	v13 =	vld [tilespmem:s3+$0x16B80]  }
0x10b: {  	[tilespmem:s3+$0x16B20] =	vst v7;
	v7 =	vmul.f32 v10, v20;
	v10 =	vld [tilespmem:s3+$0x16B90]  }
0x10c: {  	[tilespmem:s3+$0x16B30] =	vst v9;
	v9 =	vmul.f32 v11, v21;
	v11 =	vld [tilespmem:s3+$0x16BA0]  }
.Ltmp2:
0x10d: {  	[tilespmem:s3+$0x16B40] =	vst v7;
	v17 =	vmul.f32 v8, v17;
	v8 =	vld [tilespmem:s3+$0x16BB0];
	(pc) =	sbr.rel @p0 .LBB2_7-.Ltmp2, $4  }
0x10e: {  	[tilespmem:s3+$0x16B50] =	vst v9;
	v12 =	vmul.f32 v12, v18;
	v7 =	vld [tilespmem:s3+$0x16BC0]  }
0x10f: {  	[tilespmem:s3+$0x16B60] =	vst v17;
	v14 =	vmul.f32 v14, v13;
	v9 =	vld [tilespmem:s3+$0x16BD0]  }
0x110: {  	[tilespmem:s3+$0x16B70] =	vst v12;
	v13 =	vmul.f32 v15, v10;
	v10 =	vld [tilespmem:s3+$0x16BE0]  }
0x111: {  	s0 =	sadd.s32 $0x400, s0;
	[tilespmem:s3+$0x16B80] =	vst v14;
	v12 =	vmul.f32 v16, v11;
	v11 =	vld [tilespmem:s3+$0x16BF0]  }
0x112: {  	[tilespmem:s3+$0x16B90] =	vst v13;
	v6 =	vmul.f32 v6, v8;
	v63 =	vld [tilespmem:s3+$0x16C00]  }
0x113: {  	[tilespmem:s3+$0x16BA0] =	vst v12;
	v5 =	vmul.f32 v5, v7  }
0x114: {  	[tilespmem:s3+$0x16BB0] =	vst v6;
	v4 =	vmul.f32 v4, v9  }
0x115: {  	[tilespmem:s3+$0x16BC0] =	vst v5;
	v3 =	vmul.f32 v3, v10  }
0x116: {  	[tilespmem:s3+$0x16BD0] =	vst v4;
	v2 =	vmul.f32 v2, v11  }
0x117: {  	[tilespmem:s3+$0x16BE0] =	vst v3;
	v1 =	vmul.f32 v1, v63  }
0x118: {  	s0 =	sshll.u32 s26, $0x4;
	s25 =	sadd.s32 $0x1, s25;
	[tilespmem:s3+$0x16BF0] =	vst v2  }
0x119: {  	s2 =	simm.s32 $0x1CC00;
	s0 =	sadd.s32 s5, s0;
	p0 =	sne.s32 s25, $0x1A;
	[tilespmem:s3+$0x16C00] =	vst v1  }
0x11a: {  	[tilespmem:s2], [sflag:$0x8] =	stream.linear.gather [hbm4b:s0+s4], $0x3000, $0x38;
	[tilespmem:$0x1FF00] =	vst v63  }
.Ltmp3:
0x11b: {  	_ = 	snop;
	(pc) =	sbr.rel @p0 .LBB2_4-.Ltmp3, $4  }
0x11c: {  	_ =	swait.ge [sflag:s24], $0x60  }
0x11d: {  	[sflag:s24] =	ssyncset.done $0x0  }
0x11e: {  	[sflag:s24] =	ssyncadd.s32 $0xFFFFFFA0  }
0x11f: {  	[spmem:s28] =	stream.indirect.scatter.add.f32 [tilespmem:s17], [sflag:$0xA], $0x80, s15, s12, $0xb8;
	[tilespmem:$0x1FF00] =	vst v63  }
0x120: {  	_ =	swait.ge [sflag:s13], $0x3000  }
0x121: {  	[sflag:s13] =	ssyncset.done $0x0  }
0x122: {  	[sflag:s13] =	ssyncadd.s32 $0xFFFFD000  }
0x123: {  	_ =	swait.ge [sflag:s16], $0x60  }
0x124: {  	[sflag:s16] =	ssyncset.done $0x0  }
0x125: {  	[sflag:s16] =	ssyncadd.s32 $0xFFFFFFA0  }
0x126: {  	_ =	swait.ge [sflag:s21], $0x60  }
0x127: {  	[sflag:s21] =	ssyncset.done $0x0  }
0x128: {  	[sflag:s21] =	ssyncadd.s32 $0xFFFFFFA0  }
0x129: {  	_ =	swait.ge [sflag:s18], $0x3000  }
0x12a: {  	[sflag:s18] =	ssyncset.done $0x0  }
0x12b: {  	[sflag:s18] =	ssyncadd.s32 $0xFFFFD000  }
0x12c: {  	_ =	swait.ge [sflag:s23], $0x3000  }
0x12d: {  	[sflag:s23] =	ssyncset.done $0x0  }
0x12e: {  	s0 =	simm.s32 $0xA;
	[sflag:s23] =	ssyncadd.s32 $0xFFFFD000  }
0x12f: {  	_ =	swait.ge [sflag:s0], $0x3000  }
0x130: {  	s2 =	simm.s32 $0x1FE00;
	[sflag:s0] =	ssyncset.done $0x0  }
0x131: {  	s25 =	simm.s32 $0xB;
	s3 =	rddreg [dreg:$0xe];
	[sflag:s0] =	ssyncadd.s32 $0xFFFFD000  }
0x132: {  	[tilespmem:s2], [sflag:$0xB] =	stream.linear.gather [hbm4b:s3+s4], $0x8, $0x38;
	[tilespmem:$0x1FF00] =	vst v63  }
0x133: {  	_ =	swait.ge [sflag:s25], $0x8  }
0x134: {  	[sflag:s25] =	ssyncset.done $0x0  }
0x135: {  	s3 =	simm.s32 $0x1FE80;
	s8 =	rddreg [dreg:$0xf];
	[sflag:s25] =	ssyncadd.s32 $0xFFFFFFF8  }
0x136: {  	[tilespmem:s3], [sflag:$0xB] =	stream.linear.gather [hbm4b:s8+s4], $0x8, $0x38;
	[tilespmem:$0x1FF00] =	vst v63  }
0x137: {  	_ =	swait.ge [sflag:s25], $0x8  }
0x138: {  	[sflag:s25] =	ssyncset.done $0x0  }
0x139: {  	[sflag:s25] =	ssyncadd.s32 $0xFFFFFFF8  }
0x13a: {  	s14 =	rddreg [dreg:$0x0]  }
0x13b: {  	[tilespmem:s9], [sflag:$0x1] =	stream.indirect.gather [hbm4b:s14+s23], $0x80, s2, s23, $0xb8;
	[tilespmem:$0x1FF00] =	vst v63  }
0x13c: {  	_ =	swait.ge [sflag:s13], $0x400  }
0x13d: {  	[sflag:s13] =	ssyncset.done $0x0  }
0x13e: {  	s14 =	simm.s32 $0x19C00;
	s26 =	rddreg [dreg:$0x10];
	[sflag:s13] =	ssyncadd.s32 $0xFFFFFC00  }
0x13f: {  	[tilespmem:s14], [sflag:$0xB] =	stream.linear.gather [hbm4b:s26+s4], $0x400, $0x38;
	[tilespmem:$0x1FF00] =	vst v63  }
0x140: {  	_ =	swait.ge [sflag:s25], $0x400  }
0x141: {  	[sflag:s25] =	ssyncset.done $0x0  }
0x142: {  	[sflag:s25] =	ssyncadd.s32 $0xFFFFFC00  }
0x143: {  	v1 =	vld [tilespmem:$0x13C00]  }
0x144: {  	v2 =	vld [tilespmem:$0x19C00]  }
0x145: {  	v3 =	vld [tilespmem:$0x13C10]  }
0x146: {  	v4 =	vld [tilespmem:$0x19C10]  }
0x147: {  	v5 =	vld [tilespmem:$0x13C20]  }
0x148: {  	v6 =	vld [tilespmem:$0x19C20]  }
0x149: {  	v7 =	vld [tilespmem:$0x13C30]  }
0x14a: {  	v8 =	vld [tilespmem:$0x19C30]  }
0x14b: {  	v9 =	vld [tilespmem:$0x13C40]  }
0x14c: {  	v10 =	vld [tilespmem:$0x19C40]  }
0x14d: {  	v11 =	vld [tilespmem:$0x13C50]  }
0x14e: {  	v12 =	vld [tilespmem:$0x19C50]  }
0x14f: {  	v13 =	vld [tilespmem:$0x13C60]  }
0x150: {  	v14 =	vld [tilespmem:$0x19C60]  }
0x151: {  	v15 =	vld [tilespmem:$0x13C70]  }
0x152: {  	v16 =	vld [tilespmem:$0x19C70]  }
0x153: {  	v17 =	vld [tilespmem:$0x13C80]  }
0x154: {  	v18 =	vld [tilespmem:$0x19C80]  }
0x155: {  	v19 =	vld [tilespmem:$0x13C90]  }
0x156: {  	v20 =	vld [tilespmem:$0x19C90]  }
0x157: {  	v21 =	vld [tilespmem:$0x13CA0]  }
0x158: {  	v22 =	vld [tilespmem:$0x19CA0]  }
0x159: {  	v23 =	vld [tilespmem:$0x13CB0]  }
0x15a: {  	v24 =	vld [tilespmem:$0x19CB0]  }
0x15b: {  	v25 =	vld [tilespmem:$0x13CC0]  }
0x15c: {  	v26 =	vld [tilespmem:$0x19CC0]  }
0x15d: {  	v27 =	vld [tilespmem:$0x13CD0]  }
0x15e: {  	v28 =	vld [tilespmem:$0x19CD0]  }
0x15f: {  	v29 =	vld [tilespmem:$0x13CE0]  }
0x160: {  	v30 =	vld [tilespmem:$0x19CE0]  }
0x161: {  	v31 =	vld [tilespmem:$0x13CF0]  }
0x162: {  	v32 =	vld [tilespmem:$0x19CF0]  }
0x163: {  	v33 =	vld [tilespmem:$0x13D00]  }
0x164: {  	v34 =	vld [tilespmem:$0x19D00]  }
0x165: {  	v35 =	vld [tilespmem:$0x13D10]  }
0x166: {  	v36 =	vld [tilespmem:$0x19D10]  }
0x167: {  	v37 =	vld [tilespmem:$0x13D20]  }
0x168: {  	v38 =	vld [tilespmem:$0x19D20]  }
0x169: {  	v39 =	vld [tilespmem:$0x13D30]  }
0x16a: {  	v40 =	vld [tilespmem:$0x19D30]  }
0x16b: {  	v41 =	vld [tilespmem:$0x13D40]  }
0x16c: {  	v42 =	vld [tilespmem:$0x19D40]  }
0x16d: {  	v43 =	vld [tilespmem:$0x13D50]  }
0x16e: {  	v44 =	vld [tilespmem:$0x19D50]  }
0x16f: {  	v45 =	vld [tilespmem:$0x13D60]  }
0x170: {  	v46 =	vld [tilespmem:$0x19D60]  }
0x171: {  	v47 =	vld [tilespmem:$0x13D70]  }
0x172: {  	v48 =	vld [tilespmem:$0x19D70]  }
0x173: {  	v49 =	vld [tilespmem:$0x13D80]  }
0x174: {  	v50 =	vld [tilespmem:$0x19D80]  }
0x175: {  	v51 =	vld [tilespmem:$0x13D90]  }
0x176: {  	v52 =	vld [tilespmem:$0x19D90]  }
0x177: {  	v53 =	vld [tilespmem:$0x13DA0]  }
0x178: {  	v54 =	vld [tilespmem:$0x19DA0]  }
0x179: {  	v55 =	vld [tilespmem:$0x13DB0]  }
0x17a: {  	v61 =	vld [tilespmem:$0x13DE0]  }
0x17b: {  	v56 =	vld [tilespmem:$0x19DB0]  }
0x17c: {  	v57 =	vld [tilespmem:$0x13DC0]  }
0x17d: {  	v58 =	vld [tilespmem:$0x19DC0]  }
0x17e: {  	v59 =	vld [tilespmem:$0x13DD0];
	v1 =	vmul.f32 v2, v1  }
0x17f: {  	[tilespmem:$0x1FF90] =	vst v61;
	v61 =	vld [tilespmem:$0x13DF0];
	v3 =	vmul.f32 v4, v3  }
0x180: {  	v60 =	vld [tilespmem:$0x19DD0];
	[tilespmem:$0x13C00] =	vst v1;
	v1 =	vmul.f32 v6, v5  }
0x181: {  	v62 =	vld [tilespmem:$0x19DE0];
	[tilespmem:$0x13C10] =	vst v3;
	v3 =	vmul.f32 v8, v7  }
0x182: {  	v63 =	vld [tilespmem:$0x19DF0];
	[tilespmem:$0x13C20] =	vst v1  }
0x183: {  	v2 =	vld [tilespmem:$0x19E20];
	v1 =	vmul.f32 v10, v9;
	[tilespmem:$0x13C30] =	vst v3  }
0x184: {  	v3 =	vmul.f32 v12, v11;
	[tilespmem:$0x1FFA0] =	vst v61;
	v61 =	vld [tilespmem:$0x13E00]  }
0x185: {  	v4 =	vld [tilespmem:$0x13E30];
	[tilespmem:$0x13C40] =	vst v1;
	v1 =	vmul.f32 v14, v13  }
0x186: {  	v5 =	vld [tilespmem:$0x19E30];
	[tilespmem:$0x13C50] =	vst v3;
	v3 =	vmul.f32 v16, v15  }
0x187: {  	v6 =	vld [tilespmem:$0x13E40];
	[tilespmem:$0x13C60] =	vst v1  }
0x188: {  	v7 =	vld [tilespmem:$0x19E40];
	v1 =	vmul.f32 v18, v17;
	[tilespmem:$0x13C70] =	vst v3  }
0x189: {  	v8 =	vld [tilespmem:$0x13E50];
	v3 =	vmul.f32 v20, v19;
	[tilespmem:$0x1FFB0] =	vst v61  }
0x18a: {  	v9 =	vld [tilespmem:$0x19E50];
	[tilespmem:$0x13C80] =	vst v1;
	v1 =	vmul.f32 v22, v21  }
0x18b: {  	v61 =	vld [tilespmem:$0x19E00];
	[tilespmem:$0x13C90] =	vst v3;
	v3 =	vmul.f32 v24, v23  }
0x18c: {  	v10 =	vld [tilespmem:$0x13E60];
	[tilespmem:$0x13CA0] =	vst v1;
	v1 =	vmul.f32 v26, v25  }
0x18d: {  	v11 =	vld [tilespmem:$0x19E60];
	[tilespmem:$0x13CB0] =	vst v3;
	v3 =	vmul.f32 v28, v27  }
0x18e: {  	v12 =	vld [tilespmem:$0x13E70];
	[tilespmem:$0x13CC0] =	vst v1  }
0x18f: {  	v13 =	vld [tilespmem:$0x19E70];
	v1 =	vmul.f32 v30, v29;
	[tilespmem:$0x13CD0] =	vst v3  }
0x190: {  	v14 =	vld [tilespmem:$0x13E80];
	v3 =	vmul.f32 v32, v31;
	[tilespmem:$0x1FFC0] =	vst v61  }
0x191: {  	v61 =	vld [tilespmem:$0x13E10];
	[tilespmem:$0x13CE0] =	vst v1;
	v1 =	vmul.f32 v34, v33  }
0x192: {  	v15 =	vld [tilespmem:$0x19E80];
	[tilespmem:$0x13CF0] =	vst v3;
	v3 =	vmul.f32 v36, v35  }
0x193: {  	v16 =	vld [tilespmem:$0x13E90];
	[tilespmem:$0x13D00] =	vst v1;
	v1 =	vmul.f32 v38, v37  }
0x194: {  	v17 =	vld [tilespmem:$0x19E90];
	[tilespmem:$0x13D10] =	vst v3  }
0x195: {  	v18 =	vld [tilespmem:$0x13EA0];
	[tilespmem:$0x13D20] =	vst v1;
	v1 =	vmul.f32 v42, v41  }
0x196: {  	v19 =	vld [tilespmem:$0x19EA0];
	v3 =	vmul.f32 v40, v39;
	[tilespmem:$0x1FFD0] =	vst v61  }
0x197: {  	v20 =	vld [tilespmem:$0x13EB0];
	[tilespmem:$0x13D40] =	vst v1;
	v1 =	vmul.f32 v46, v45  }
0x198: {  	v21 =	vld [tilespmem:$0x19EB0];
	[tilespmem:$0x13D30] =	vst v3;
	v3 =	vmul.f32 v44, v43  }
0x199: {  	v22 =	vld [tilespmem:$0x13EC0];
	[tilespmem:$0x13D60] =	vst v1;
	v1 =	vmul.f32 v50, v49  }
0x19a: {  	v23 =	vld [tilespmem:$0x19EC0];
	[tilespmem:$0x13D50] =	vst v3;
	v3 =	vmul.f32 v48, v47  }
0x19b: {  	v61 =	vld [tilespmem:$0x19E10];
	[tilespmem:$0x13D80] =	vst v1;
	v1 =	vmul.f32 v54, v53  }
0x19c: {  	v24 =	vld [tilespmem:$0x13ED0];
	[tilespmem:$0x13D70] =	vst v3;
	v3 =	vmul.f32 v52, v51  }
0x19d: {  	v25 =	vld [tilespmem:$0x19ED0];
	[tilespmem:$0x13DA0] =	vst v1;
	v1 =	vmul.f32 v58, v57  }
0x19e: {  	v26 =	vld [tilespmem:$0x13EE0];
	[tilespmem:$0x13D90] =	vst v3  }
0x19f: {  	v3 =	vmul.f32 v56, v55;
	[tilespmem:$0x13DC0] =	vst v1;
	v1 =	vld [tilespmem:$0x1FF90]  }
0x1a0: {  	[tilespmem:$0x1FFE0] =	vst v61;
	v61 =	vld [tilespmem:$0x13E20]  }
0x1a1: {  	v27 =	vld [tilespmem:$0x19EE0];
	[tilespmem:$0x13DB0] =	vst v3;
	v3 =	vmul.f32 v60, v59  }
0x1a2: {  	v28 =	vld [tilespmem:$0x13EF0]  }
0x1a3: {  	[tilespmem:$0x13DD0] =	vst v3;
	v3 =	vld [tilespmem:$0x1FFA0]  }
0x1a4: {  	v40 =	vld [tilespmem:$0x13F30];
	v1 =	vmul.f32 v62, v1  }
0x1a5: {  	[tilespmem:$0x1FFF0] =	vst v61;
	v61 =	vld [tilespmem:$0x1FFC0]  }
0x1a6: {  	[tilespmem:$0x13DE0] =	vst v1;
	v1 =	vld [tilespmem:$0x1FFB0]  }
0x1a7: {  	v41 =	vld [tilespmem:$0x13F40]  }
0x1a8: {  	v42 =	vld [tilespmem:$0x19F40];
	v3 =	vmul.f32 v63, v3  }
0x1a9: {  	v63 =	vld [tilespmem:$0x1FFE0]  }
0x1aa: {  	[tilespmem:$0x13DF0] =	vst v3;
	v3 =	vld [tilespmem:$0x1FFD0]  }
0x1ab: {  	v43 =	vld [tilespmem:$0x13F50];
	v1 =	vmul.f32 v61, v1  }
0x1ac: {  	v44 =	vld [tilespmem:$0x19F50]  }
0x1ad: {  	[tilespmem:$0x13E00] =	vst v1;
	v1 =	vld [tilespmem:$0x1FFF0]  }
0x1ae: {  	v45 =	vld [tilespmem:$0x13F60]  }
0x1af: {  	v46 =	vld [tilespmem:$0x19F60];
	v3 =	vmul.f32 v63, v3  }
0x1b0: {  	v47 =	vld [tilespmem:$0x13F70]  }
0x1b1: {  	v48 =	vld [tilespmem:$0x19F70];
	[tilespmem:$0x13E10] =	vst v3;
	v3 =	vmul.f32 v5, v4  }
0x1b2: {  	v49 =	vld [tilespmem:$0x13F80];
	v1 =	vmul.f32 v2, v1  }
0x1b3: {  	v50 =	vld [tilespmem:$0x19F80];
	[tilespmem:$0x13E30] =	vst v3;
	v3 =	vmul.f32 v9, v8  }
0x1b4: {  	v51 =	vld [tilespmem:$0x13F90];
	[tilespmem:$0x13E20] =	vst v1;
	v1 =	vmul.f32 v7, v6  }
0x1b5: {  	v52 =	vld [tilespmem:$0x19F90];
	[tilespmem:$0x13E50] =	vst v3;
	v3 =	vmul.f32 v13, v12  }
0x1b6: {  	v54 =	vld [tilespmem:$0x19EF0];
	[tilespmem:$0x13E40] =	vst v1;
	v1 =	vmul.f32 v11, v10  }
0x1b7: {  	v56 =	vld [tilespmem:$0x13F00];
	[tilespmem:$0x13E70] =	vst v3;
	v3 =	vmul.f32 v17, v16  }
0x1b8: {  	v2 =	vld [tilespmem:$0x19F30];
	[tilespmem:$0x13E60] =	vst v1;
	v1 =	vmul.f32 v15, v14  }
0x1b9: {  	v53 =	vld [tilespmem:$0x13FA0];
	[tilespmem:$0x13E90] =	vst v3;
	v3 =	vmul.f32 v21, v20  }
0x1ba: {  	v57 =	vld [tilespmem:$0x19F00];
	[tilespmem:$0x13E80] =	vst v1;
	v1 =	vmul.f32 v19, v18  }
0x1bb: {  	v58 =	vld [tilespmem:$0x13F10];
	[tilespmem:$0x13EB0] =	vst v3;
	v3 =	vmul.f32 v25, v24  }
0x1bc: {  	v60 =	vld [tilespmem:$0x13F20];
	[tilespmem:$0x13EA0] =	vst v1;
	v1 =	vmul.f32 v23, v22  }
0x1bd: {  	v62 =	vld [tilespmem:$0x19F20];
	v2 =	vmul.f32 v2, v40;
	[tilespmem:$0x13ED0] =	vst v3  }
0x1be: {  	v59 =	vld [tilespmem:$0x19F10];
	[tilespmem:$0x13EC0] =	vst v1;
	v1 =	vmul.f32 v27, v26  }
0x1bf: {  	v55 =	vld [tilespmem:$0x13FB0];
	v3 =	vmul.f32 v54, v28;
	[tilespmem:$0x13F30] =	vst v2  }
0x1c0: {  	v61 =	vld [tilespmem:$0x19FE0];
	[tilespmem:$0x13EE0] =	vst v1;
	v1 =	vmul.f32 v57, v56  }
0x1c1: {  	v63 =	vld [tilespmem:$0x19FF0];
	v2 =	vmul.f32 v44, v43;
	[tilespmem:$0x13EF0] =	vst v3  }
0x1c2: {  	v54 =	vld [tilespmem:$0x19FA0];
	[tilespmem:$0x13F00] =	vst v1;
	v1 =	vmul.f32 v62, v60  }
0x1c3: {  	v3 =	vmul.f32 v59, v58;
	v58 =	vld [tilespmem:$0x13FD0];
	[tilespmem:$0x13F50] =	vst v2  }
0x1c4: {  	v56 =	vld [tilespmem:$0x19FB0];
	[tilespmem:$0x13F20] =	vst v1;
	v1 =	vmul.f32 v42, v41  }
0x1c5: {  	v59 =	vld [tilespmem:$0x19FD0];
	v2 =	vmul.f32 v48, v47;
	[tilespmem:$0x13F10] =	vst v3  }
0x1c6: {  	v3 =	vld [tilespmem:$0x13FC0];
	[tilespmem:$0x13F40] =	vst v1;
	v1 =	vmul.f32 v46, v45  }
0x1c7: {  	[tilespmem:$0x13F70] =	vst v2;
	v2 =	vmul.f32 v52, v51;
	v57 =	vld [tilespmem:$0x19FC0]  }
0x1c8: {  	v62 =	vld [tilespmem:$0x13FF0];
	[tilespmem:$0x13F60] =	vst v1;
	v1 =	vmul.f32 v50, v49  }
0x1c9: {  	[tilespmem:$0x13F90] =	vst v2;
	v60 =	vld [tilespmem:$0x13FE0];
	v2 =	vmul.f32 v56, v55  }
0x1ca: {  	[tilespmem:$0x13F80] =	vst v1;
	v1 =	vmul.f32 v54, v53  }
0x1cb: {  	[tilespmem:$0x13FB0] =	vst v2;
	v2 =	vmul.f32 v59, v58  }
0x1cc: {  	[tilespmem:$0x13FA0] =	vst v1;
	v1 =	vmul.f32 v57, v3  }
0x1cd: {  	[tilespmem:$0x13FD0] =	vst v2;
	v2 =	vmul.f32 v63, v62  }
0x1ce: {  	[tilespmem:$0x13FC0] =	vst v1;
	v1 =	vmul.f32 v61, v60  }
0x1cf: {  	[tilespmem:$0x13FF0] =	vst v2  }
0x1d0: {  	[tilespmem:$0x13FE0] =	vst v1  }
0x1d1: {  	[spmem:s28] =	stream.indirect.scatter.add.f32 [tilespmem:s9], [sflag:$0xB], $0x80, s3, s23, $0xb8;
	[tilespmem:$0x1FF00] =	vst v63  }
0x1d2: {  	_ =	swait.ge [sflag:s25], $0x400  }
0x1d3: {  	[sflag:s25] =	ssyncset.done $0x0  }
0x1d4: {  	[sflag:s25] =	ssyncadd.s32 $0xFFFFFC00  }
0x1d5: {  	s2 =	stileid.u32;
	[bflag:$0x0] =	sbarrier.arrive $0xFFFF  }
0x1d6: {  	s0 =	sshll.u32 s2, $0x6;
	s8 =	rddreg [dreg:$0x9]  }
0x1d7: {  	s0 =	sor.u32 $0x1C0B, s0;
	s26 =	rddreg [dreg:$0x11];
	s3 =	sshrl.u32 s8, $0x3  }
0x1d8: {  	[hbm:s26], [sflag:s0] =	dma.local [spmem:s3], $0x2780  }
0x1d9: {  	_ =	swait.ge [sflag:s25], $0x2780  }
0x1da: {  	s3 =	rddreg [dreg:$0x15]  }
0x1db: {  	s26 =	rddreg [dreg:$0x12];
	s2 =	sadd.s32 $0x1, s3  }
0x1dc: {  	p0 =	sne.s32 s2, s26  }
.Ltmp4:
0x1dd: {  	_ = 	snop;
	(pc) =	sbr.rel @p0 .LBB2_1-.Ltmp4, $3  }
0x1de: {  	_ =	sdelay $0x1  }
0x1df: {  	[sflag:s25] =	ssyncset.done $0x0  }
0x1e0: {  	[sflag:s25] =	ssyncadd.s32 $0xFFFFD880  }
0x1e1: {  	_ =	sfence.sel $0x180000  }
0x1e2: {  	[bflag:$0x0] =	sbarrier.arrive $0xFFFF  }
0x1e3: {  	_ =	strace $0x90000047  }
0x1e4: {  	s0 =	stileid.u32;
	[bflag:$0x2] =	sbarrier.arrive $0xFFFF  }
0x1e5: {  	p0 =	sne.s32 s0, $0x0;
	s0 =	rddreg [dreg:$0x3]  }
0x1e6: {  	s0 =	sadd.s32 @!p0 $0x100000, s0  }
0x1e7: {  	[sflag:s0] =	ssyncadd.tile.s32 @!p0 $0x1;
	_ =	shalt  }
.Lfunc_end2:
_tile_overlayer_lowered:
.L_overlay_start_2:
0x1e8: {  	(tag) =	ssettag $0x2  }
0x1e9: {  	s0 =	rddreg [dreg:$0x0];
	s2 =	stileid.u32  }
0x1ea: {  	s1 =	rddreg [dreg:$0x1];
	p0 =	sne.s32 s2, $0x0  }
0x1eb: {  	s3 =	rddreg [dreg:$0x2];
	[bflag:$0x3] =	sbarrier.arrive $0xFFFF;
	s2 =	simm.s32 @!p0 $0x1C0B  }
0x1ec: {  	[timem:s3], [sflag:s2] =	dma.local @!p0 [hbm:s0], s1  }
0x1ed: {  	s0 =	simm.s32 @!p0 $0xB  }
0x1ee: {  	_ =	swait.ge @!p0 [sflag:s0], s1  }
0x1ef: {  	s1 =	ssub.s32 @!p0 $0x0, s1;
	[sflag:s0] =	ssyncset.done @!p0 $0x0  }
0x1f0: {  	[sflag:s0] =	ssyncadd.s32 @!p0 s1  }
0x1f1: {  	[bflag:$0x3] =	sbarrier.arrive $0xFFFF  }
0x1f2: {  	_ =	shalt  }

// kernel: kernel.8.cloned.1.call-start
scs
__scs_entry_jumppad:
0x0: {  	(pc) =	sbr.rel $0x88, $3  }
0x1: {  	(tag) =	ssettag $0x0;
	lr =	simm.s32 $0x1  }
0x2: {  	[smem:$0x3F93] =	sst lr;
	_ =	strace $0xD0000000  }
0x3: {  	_ = 	snop  }
0x4: {  	_ = 	snop  }
0x5: {  	_ = 	snop  }
0x6: {  	_ = 	snop  }
0x7: {  	_ = 	snop  }
__scs_overlays_trampoline_lowered:
0x8: {  	[smem:$0x3FA2] =	sst s0  }
0x9: {  	[smem:$0x3FA3] =	sst s1  }
0xa: {  	[smem:$0x3FA4] =	sst s2  }
0xb: {  	[smem:$0x3FA5] =	sst s3  }
0xc: {  	[smem:$0x3FA6] =	sst s4  }
0xd: {  	[smem:$0x3FA7] =	sst s5  }
0xe: {  	[smem:$0x3FA8] =	sst s6  }
0xf: {  	[smem:$0x3FA9] =	sst s7  }
0x10: {  	[smem:$0x3FAA] =	sst s8  }
0x11: {  	[smem:$0x3FAB] =	sst s9;
	s0 =	simm.s32 @!p0 $0x0  }
0x12: {  	s1 =	sld [smem:$0x3F91];
	s0 =	simm.s32 @p0 $0x1  }
0x13: {  	[smem:$0x3FAC] =	sst s0;
	s0 =	simm.s32 @!p1 $0x0  }
0x14: {  	s2 =	sld [smem:$0x3F90];
	s0 =	simm.s32 @p1 $0x1  }
0x15: {  	[smem:$0x3FAD] =	sst s0;
	s0 =	simm.s32 @!p2 $0x0  }
0x16: {  	s3 =	sld [smem:$0x3FDB];
	s0 =	simm.s32 @p2 $0x1  }
0x17: {  	s4 =	simm.s32 $0x1BF5;
	[smem:$0x3FAF] =	sst s0  }
0x18: {  	s0 =	sld [smem:$0x3F92];
	_ =	swait.ge [sflag:s4], $0x0  }
0x19: {  	s7 =	sld [smem:$0x3F93]  }
0x1a: {  	s8 =	sadd.s32 $0xFFFFE003, lr  }
0x1b: {  	s9 =	sadd.s32 $0xFFFFFEF7, lr;
	s5 =	simm.s32 $0xFFFFFFFF;
	p2 =	slt.u32 s8, $0xFFFFF086  }
0x1c: {  	p1 =	slt.u32 s9, $0xF7A;
	s5 =	simm.s32 @!p2 $0x0  }
0x1d: {  	s5 =	simm.s32 @p1 $0x1;
	p0 =	seq.s32 s7, s2  }
0x1e: {  	s7 =	smul.u32 @!p0 $0xF7A, s2;
	p2 =	seq.s32 @!p0 s5, $0x0  }
0x1f: {  	s9 =	smul.u32 $0xF7A, s1;
	s8 =	simm.s32 @!p0 $0x1BF5;
	p2 =	por !p2, p0  }
0x20: {  	[sflag:s8] =	ssyncset.s32 @!p0 $0xFFFFF086;
	s6 =	sadd.s32 @!p0 s3, s7;
	s7 =	simm.s32 @!p0 $0x108  }
0x21: {  	s3 =	sadd.s32 s3, s9;
	s6 =	sadd.s32 @!p0 $0x88, s6;
	s7 =	simm.s32 @p2 $0x1082  }
0x22: {  	[simem:s7], [sflag:s8] =	dma.local @!p0 [hbm:s6], $0xF7A  }
0x23: {  	s9 =	sor.u32 $0xD0000000, s2;
	s6 =	simm.s32 $0x108;
	_ =	swait.ge @!p0 [sflag:s8], $0x0  }
0x24: {  	s3 =	sadd.s32 $0x88, s3;
	s6 =	simm.s32 @!p1 $0x1082;
	[sflag:s4] =	ssyncset.s32 $0xFFFFF086  }
0x25: {  	[simem:s6], [sflag:s4] =	dma.local [hbm:s3], $0xF7A  }
0x26: {  	[smem:$0x3F93] =	sst s1;
	(tag) =	ssettag s2;
	_ =	strace s9  }
0x27: {  	s1 =	sld [smem:$0x3FA3]  }
0x28: {  	s2 =	sld [smem:$0x3FA4]  }
0x29: {  	s4 =	sld [smem:$0x3FA6]  }
0x2a: {  	p0 =	seq.s32 s5, $0x0;
	s5 =	sld [smem:$0x3FA7]  }
0x2b: {  	s6 =	sld [smem:$0x3FA8]  }
0x2c: {  	s7 =	sld [smem:$0x3FA9]  }
0x2d: {  	s3 =	simm.s32 $0x108;
	s8 =	sld [smem:$0x3FAA]  }
0x2e: {  	s3 =	simm.s32 @!p0 $0x1082;
	s9 =	sld [smem:$0x3FAB]  }
0x2f: {  	lr =	sadd.s32 s0, s3;
	s0 =	sld [smem:$0x3FA2]  }
0x30: {  	s3 =	sld [smem:$0x3FA5]  }
0x31: {  	[smem:$0x3FAE] =	sst s10  }
0x32: {  	s10 =	sld [smem:$0x3FAC];
	_ =	sdelay $0x3  }
0x33: {  	p0 =	seq.s32 s10, $0x1;
	s10 =	sld [smem:$0x3FAE];
	_ =	sdelay $0x3  }
0x34: {  	[smem:$0x3FAE] =	sst s10  }
0x35: {  	s10 =	sld [smem:$0x3FAD];
	_ =	sdelay $0x3  }
0x36: {  	p1 =	seq.s32 s10, $0x1;
	s10 =	sld [smem:$0x3FAE];
	_ =	sdelay $0x3  }
0x37: {  	[smem:$0x3FAE] =	sst s10  }
0x38: {  	s10 =	sld [smem:$0x3FAF]  }
0x39: {  	_ = 	snop;
	(pc) =	sbr.ind lr, $3  }
0x3a: {  	_ = 	snop  }
0x3b: {  	_ = 	snop  }
0x3c: {  	p2 =	seq.s32 s10, $0x1;
	s10 =	sld [smem:$0x3FAE]  }
0x3d: {  	_ =	shalt  }
0x3e: {  	_ =	shalt  }
0x3f: {  	_ =	shalt  }
0x40: {  	_ =	shalt  }
0x41: {  	_ =	shalt  }
0x42: {  	_ =	shalt  }
0x43: {  	_ =	shalt  }
0x44: {  	_ =	shalt  }
0x45: {  	_ =	shalt  }
0x46: {  	_ =	shalt  }
0x47: {  	_ =	shalt  }
0x48: {  	_ =	shalt  }
0x49: {  	_ =	shalt  }
0x4a: {  	_ =	shalt  }
0x4b: {  	_ =	shalt  }
0x4c: {  	_ =	shalt  }
0x4d: {  	_ =	shalt  }
0x4e: {  	_ =	shalt  }
0x4f: {  	_ =	shalt  }
0x50: {  	_ =	shalt  }
0x51: {  	_ =	shalt  }
0x52: {  	_ =	shalt  }
0x53: {  	_ =	shalt  }
0x54: {  	_ =	shalt  }
0x55: {  	_ =	shalt  }
0x56: {  	_ =	shalt  }
0x57: {  	_ =	shalt  }
0x58: {  	_ =	shalt  }
0x59: {  	_ =	shalt  }
0x5a: {  	_ =	shalt  }
0x5b: {  	_ =	shalt  }
0x5c: {  	_ =	shalt  }
0x5d: {  	_ =	shalt  }
0x5e: {  	_ =	shalt  }
0x5f: {  	_ =	shalt  }
0x60: {  	_ =	shalt  }
0x61: {  	_ =	shalt  }
0x62: {  	_ =	shalt  }
0x63: {  	_ =	shalt  }
0x64: {  	_ =	shalt  }
0x65: {  	_ =	shalt  }
0x66: {  	_ =	shalt  }
0x67: {  	_ =	shalt  }
0x68: {  	_ =	shalt  }
0x69: {  	_ =	shalt  }
0x6a: {  	_ =	shalt  }
0x6b: {  	_ =	shalt  }
0x6c: {  	_ =	shalt  }
0x6d: {  	_ =	shalt  }
0x6e: {  	_ =	shalt  }
0x6f: {  	_ =	shalt  }
0x70: {  	_ =	shalt  }
0x71: {  	_ =	shalt  }
0x72: {  	_ =	shalt  }
0x73: {  	_ =	shalt  }
0x74: {  	_ =	shalt  }
0x75: {  	_ =	shalt  }
0x76: {  	_ =	shalt  }
0x77: {  	_ =	shalt  }
0x78: {  	_ =	shalt  }
0x79: {  	_ =	shalt  }
0x7a: {  	_ =	shalt  }
0x7b: {  	_ =	shalt  }
0x7c: {  	_ =	shalt  }
0x7d: {  	_ =	shalt  }
0x7e: {  	_ =	shalt  }
0x7f: {  	_ =	shalt  }
0x80: {  	_ =	shalt  }
0x81: {  	_ =	shalt  }
0x82: {  	_ =	shalt  }
0x83: {  	_ =	shalt  }
0x84: {  	_ =	shalt  }
0x85: {  	_ =	shalt  }
0x86: {  	_ =	shalt  }
0x87: {  	_ =	shalt  }
.Lfunc_end0:
.L_simem_size_0:
called_computation_lowered:
.L_overlay_start_0:
0x88: {  	s2 =	sld [smem:$0x3FD9]  }
0x89: {  	s3 =	sld [smem:$0x3FFE];
	_ =	sdelay $0x1  }
0x8a: {  	s1 =	srdreg.scid  }
0x8b: {  	s0 =	sand.u32 $0x1, s1  }
0x8c: {  	s17 =	sshll.u32 s0, $0xA;
	s2 =	sadd.s32 s3, s2  }
0x8d: {  	s2 =	sadd.s32 s2, s17  }
0x8e: {  	[smem:$0x3FBA] =	sst s2  }
0x8f: {  	_ = 	snop  }
0x90: {  	s18 =	sld [smem:$0x3FD0];
	(tm) =	ssettm $0x1  }
0x91: {  	s19 =	sld [smem:$0x3FFB];
	_ =	sdelay $0x3  }
0x92: {  	_ =	strace s19  }
0x93: {  	s2 =	sld [smem:$0x3FFC];
	_ =	sdelay $0x3  }
0x94: {  	_ =	strace s2  }
0x95: {  	s2 =	sld [smem:$0x3FFD];
	_ =	sdelay $0x3  }
0x96: {  	_ =	strace s2  }
0x97: {  	_ =	strace $0x8FFFFFFF  }
0x98: {  	s20 =	sld [smem:$0x3FDB];
	_ =	sdelay $0x1  }
0x99: {  	s4 =	simm.s32 $_scs_section_size  }
0x9a: {  	s5 =	simm.s32 $_size__tile_overlayer_lowered;
	s6 =	simm.s32 $_tile_overlayer_lowered  }
0x9b: {  	s7 =	simm.s32 $0x1BFF;
	s21 =	sshll.u32 s6, $0x1;
	s4 =	sadd.s32 s4, s20  }
0x9c: {  	s22 =	simm.s32 $0x0;
	s5 =	sshll.u32 s5, $0x1;
	s6 =	sadd.s32 s21, s4  }
0x9d: {  	[timem:s22], [sflag:s7] =	dma.local [hbm:s6], s5  }
0x9e: {  	_ =	swait.ge [sflag:s7], s5  }
0x9f: {  	s5 =	ssub.s32 $0x0, s5;
	[sflag:s7] =	ssyncset.done $0x0  }
0xa0: {  	[sflag:s7] =	ssyncadd.s32 s5;
	_ =	sdelay $0x1  }
0xa1: {  	s23 =	simm.s32 $0x1B8B  }
0xa2: {  	_ =	swait.ge [sflag:s23], $0x1  }
0xa3: {  	[sflag:s23] =	ssyncset.done $0x0  }
0xa4: {  	[sflag:s23] =	ssyncadd.s32 $0xFFFFFFFF  }
0xa5: {  	s5 =	sld [smem:$0x0]  }
0xa6: {  	s6 =	sand.u32 $0xFFFFFFFE, s1  }
0xa7: {  	p0 =	sne.s32 s1, s6  }
0xa8: {  	s6 =	sshll.u32 @p0 s6, $0xE  }
0xa9: {  	s6 =	sadd.s32 @p0 $0x11B8D, s6;
	s7 =	sshll.u32 @p0 s5, $0x11  }
0xaa: {  	s6 =	sor.u32 @p0 s7, s6  }
0xab: {  	[sflag:s6] =	ssyncadd.remote.s32 @p0 $0x1;
	_ =	sdelay $0x1  }
0xac: {  	s6 =	simm.s32 @p0 $0x1B8D  }
0xad: {  	_ =	swait.eq @p0 [sflag:s6], $0x1  }
0xae: {  	[sflag:s6] =	ssyncadd.s32 @p0 $0xFFFFFFFF  }
0xaf: {  	s7 =	sshll.u32 @!p0 s1, $0xE  }
0xb0: {  	s7 =	sor.u32 @!p0 $0x4000, s7;
	s6 =	simm.s32 @!p0 $0x1B8D  }
0xb1: {  	s5 =	sshll.u32 @!p0 s5, $0x11;
	s7 =	sadd.s32 @!p0 $0x11B8D, s7;
	_ =	swait.eq @!p0 [sflag:s6], $0x1  }
0xb2: {  	s5 =	sor.u32 @!p0 s5, s7;
	[sflag:s6] =	ssyncadd.s32 @!p0 $0xFFFFFFFF  }
0xb3: {  	s25 =	simm.s32 $0x1B8E;
	s24 =	sld [smem:$0x3FFE];
	[sflag:s5] =	ssyncadd.remote.s32 @!p0 $0x1  }
0xb4: {  	s26 =	simm.s32 $execute0_lowered;
	[smem:$0x3FD2] =	sst s25  }
0xb5: {  	s6 =	sshll.u32 s26, $0x1;
	_ =	strace $0x80000049;
	[dreg:$0x1] =	wrdreg $0xFFFFFFFF  }
0xb6: {  	s28 =	simm.s32 $_size_execute0_lowered;
	s4 =	sadd.s32 s4, s6;
	[dreg:$0x0] =	wrdreg $0x0  }
0xb7: {  	s6 =	sshll.u32 s28, $0x1;
	[dreg:$0x2] =	wrdreg s4  }
0xb8: {  	[dreg:$0x3] =	wrdreg s6  }
0xb9: {  	[dreg:$0x4] =	wrdreg $0xC0  }
0xba: {  	_ =	task [dreg:s22], $0x5FFFF  }
0xbb: {  	[dreg:$0x1] =	wrdreg $0xFFFFFFFF  }
0xbc: {  	[dreg:$0x0] =	wrdreg $0x60  }
0xbd: {  	[dreg:$0x2] =	wrdreg s18  }
0xbe: {  	[dreg:$0x3] =	wrdreg s24  }
0xbf: {  	[dreg:$0x4] =	wrdreg $0x0  }
0xc0: {  	[dreg:$0x5] =	wrdreg $0x9  }
0xc1: {  	_ =	task.clear_ibuf [dreg:s22], $0x6FFFF;
	_ =	strace $0x90000049  }
0xc2: {  	s29 =	simm.s32 $0x9;
	_ =	strace $0x8000004B  }
0xc3: {  	_ =	swait.ge [sflag:s29], $0x1  }
0xc4: {  	[sflag:s29] =	ssyncadd.s32 $0xFFFFFFFF  }
0xc5: {  	_ =	strace $0x9000004B  }
0xc6: {  	_ =	sfence  }
0xc7: {  	s30 =	sld [smem:$0x0];
	_ =	sdelay $0x2  }
0xc8: {  	s31 =	sshll.u32 s1, $0xD;
	s1 =	sshrl.u32 s1, $0x2  }
0xc9: {  	s4 =	sand.u32 $0x4000, s31;
	s1 =	sadd.s32 s1, s30  }
0xca: {  	s0 =	sor.u32 s4, s0;
	s1 =	sshll.u32 s1, $0x11  }
0xcb: {  	s0 =	sor.u32 s1, s0  }
0xcc: {  	s0 =	sadd.s32 $0x8F2B, s0  }
0xcd: {  	[sflag:s0] =	ssyncadd.remote.s32 $0x1  }
0xce: {  	_ =	sfence.sel $0xFFFF  }
0xcf: {  	[dreg:$0x0] =	wrdreg $0xFFFFFFFF;
	(pc) =	sbr.abs _section_cstart, $3  }
0xd0: {  	[dreg:$0x1] =	wrdreg $0xFFFFFFFF  }
0xd1: {  	_ =	task.clear_ibuf [dreg:s22], $0x2FFFF;
	_ =	strace $0x9FFFFFFF  }
0xd2: {  	(tm) =	ssettm $0x7FFFFFFF  }
0xd3: {  	_ =	shalt  }
tec
execute0_lowered:
.L_overlay_start_1:
0x0: {  	(tag) =	ssettag $0x1  }
0x1: {  	s0 =	rddreg [dreg:$0x1]  }
0x2: {  	s28 =	rddreg [dreg:$0x2];
	s4 =	simm.s32 $0x0  }
0x3: {  	s3 =	srdreg.scid;
	s2 =	stileid.u32;
	s29 =	simm.s32 $0x1FC00  }
0x4: {  	s30 =	simm.s32 $0x1FD00;
	s31 =	simm.s32 $0x1FC80;
	[smem:$0x7FF] =	sst s4  }
0x5: {  	s3 =	sand.u32 $0x1, s3;
	s8 =	smul.u32 $0x13C00, s2;
	s5 =	sadd.s32 $0x2D6400, s0  }
0x6: {  	s6 =	sadd.s32 $0x11400, s0;
	s13 =	smul.u32 $0x4F000, s2;
	s9 =	sshll.u32 s3, $0x4  }
0x7: {  	s7 =	smul.u32 $0x13C000, s3;
	s3 =	ssub.s32 $0x2, s3;
	s9 =	sor.u32 s2, s9  }
0x8: {  	_ =	strace $0x8000004A;
	s11 =	sshrl.u32 s3, $0x1;
	s10 =	smul.u32 $0x1388, s9  }
0x9: {  	s2 =	simm.s32 $0x0;
	s8 =	sadd.s32 s8, s7;
	s9 =	smul.u32 $0x13880, s9  }
0xa: {  	s7 =	sadd.s32 $0xC400, s0;
	s3 =	ssub.s32 s3, s11;
	s8 =	sshrl.u32 s8, $0x3  }
0xb: {  	s0 =	sadd.s32 s8, s0;
	s23 =	sshrl.u32 s10, $0x3;
	s9 =	sadd.s32 s5, s9  }
0xc: {  	s22 =	sadd.s32 $0x60, s10;
	s1 =	sadd.s32 s7, s23;
	[dreg:$0x7] =	wrdreg s9  }
0xd: {  	s8 =	sshrl.u32 s13, $0x2;
	s25 =	sadd.s32 s6, s23;
	[dreg:$0x4] =	wrdreg s1  }
0xe: {  	s19 =	sadd.s32 $0xC0, s10;
	s0 =	sadd.s32 $0x547400, s0;
	[dreg:$0x6] =	wrdreg s25  }
0xf: {  	s12 =	sshrl.u32 s22, $0x3;
	s8 =	sadd.s32 s8, s28;
	[dreg:$0x11] =	wrdreg s0  }
0x10: {  	s26 =	sshll.u32 s22, $0x4;
	s24 =	sadd.s32 s7, s12;
	[dreg:$0x9] =	wrdreg s8  }
0x11: {  	s17 =	sadd.s32 $0x1380, s10;
	s11 =	sadd.s32 s5, s26;
	[dreg:$0x5] =	wrdreg s24  }
0x12: {  	s20 =	sadd.s32 $0x120, s10;
	s13 =	sadd.s32 $0x3000, s8;
	[dreg:$0x8] =	wrdreg s11  }
0x13: {  	s10 =	simm.s32 $0x9;
	s14 =	sadd.s32 $0x6000, s8;
	[dreg:$0xa] =	wrdreg s13  }
0x14: {  	s18 =	sshrl.u32 s17, $0x3;
	s15 =	sadd.s32 $0x9000, s8;
	[dreg:$0xb] =	wrdreg s14  }
0x15: {  	s9 =	sshll.u32 s17, $0x4;
	s16 =	sadd.s32 $0xC000, s8;
	[dreg:$0xc] =	wrdreg s15  }
0x16: {  	s17 =	simm.s32 $0x16C00;
	s21 =	sadd.s32 s7, s18;
	[dreg:$0xd] =	wrdreg s16  }
0x17: {  	s1 =	smov.u32 s22;
	s22 =	sadd.s32 s6, s18;
	[dreg:$0xe] =	wrdreg s21  }
0x18: {  	s23 =	sadd.s32 s5, s9;
	s25 =	sadd.s32 $0xF000, s8;
	[dreg:$0xf] =	wrdreg s22  }
0x19: {  	s26 =	sadd.s32 $0x12000, s8;
	s9 =	simm.s32 $0x13C00;
	[dreg:$0x10] =	wrdreg s23  }
0x1a: {  	s12 =	simm.s32 $0x60;
	s18 =	simm.s32 $0x7;
	[dreg:$0x13] =	wrdreg s25  }
0x1b: {  	s24 =	smax.u32 s3, $0x1;
	[dreg:$0x14] =	wrdreg s26;
	s14 =	simm.s32 $0x19C00  }
0x1c: {  	s11 =	simm.s32 $0x3;
	s13 =	simm.s32 $0x1;
	s15 =	simm.s32 $0x1FD80  }
0x1d: {  	s16 =	simm.s32 $0x4;
	s21 =	simm.s32 $0x5;
	s22 =	simm.s32 $0x2  }
0x1e: {  	v0 =	vimm.f32 $0.0e+00;
	s23 =	simm.s32 $0x8;
	[dreg:$0x12] =	wrdreg s24;
	s24 =	simm.s32 $0x6  }
.LBB2_1:
0x1f: {  	[dreg:$0x15] =	wrdreg s2  }
0x20: {  	s0 =	rddreg [dreg:$0x4]  }
0x21: {  	s26 =	rddreg [dreg:$0x5]  }
0x22: {  	[tilespmem:s29], [sflag:$0x3] =	stream.linear.gather [hbm4b:s0+s4], $0x60, $0x38;
	[tilespmem:$0x1FF00] =	vst v63  }
0x23: {  	s2 =	rddreg [dreg:$0x6]  }
0x24: {  	[tilespmem:s30], [sflag:$0x4] =	stream.linear.gather [hbm4b:s26+s4], $0x60, $0x38;
	[tilespmem:$0x1FF00] =	vst v63  }
0x25: {  	s3 =	rddreg [dreg:$0x7]  }
0x26: {  	[tilespmem:s31], [sflag:$0x5] =	stream.linear.gather [hbm4b:s2+s4], $0x60, $0x38;
	[tilespmem:$0x1FF00] =	vst v63  }
0x27: {  	s25 =	rddreg [dreg:$0x8]  }
0x28: {  	[tilespmem:s14], [sflag:$0x7] =	stream.linear.gather [hbm4b:s3+s4], $0x3000, $0x38;
	[tilespmem:$0x1FF00] =	vst v63  }
0x29: {  	s0 =	simm.s32 $0x0;
	s26 =	simm.s32 $0x1CC00;
	s3 =	simm.s32 $0x200  }
0x2a: {  	[tilespmem:s26], [sflag:$0x8] =	stream.linear.gather [hbm4b:s25+s4], $0x3000, $0x38;
	[tilespmem:$0x1FF00] =	vst v63  }
.LBB2_2:
0x2b: {  	p0 =	sne.s32 s3, $0xBE00;
	[tilespmem:s0+$0x13C70] =	vst v0  }
0x2c: {  	[tilespmem:s0+$0x13C00] =	vst v0  }
0x2d: {  	[tilespmem:s0+$0x13C10] =	vst v0  }
.Ltmp0:
0x2e: {  	[tilespmem:s0+$0x13C20] =	vst v0;
	(pc) =	sbr.rel @p0 .LBB2_2-.Ltmp0, $4  }
0x2f: {  	[tilespmem:s0+$0x13C30] =	vst v0  }
0x30: {  	[tilespmem:s0+$0x13C40] =	vst v0  }
0x31: {  	[tilespmem:s0+$0x13C50] =	vst v0  }
0x32: {  	[tilespmem:s0+$0x13C60] =	vst v0;
	s0 =	sshra.s32 s3, $0x2;
	s3 =	sadd.s32 $0x200, s3  }
0x33: {  	[tilespmem:s0+$0x13C70] =	vst v0  }
0x34: {  	[tilespmem:s0+$0x13C00] =	vst v0  }
0x35: {  	[tilespmem:s0+$0x13C10] =	vst v0  }
0x36: {  	[tilespmem:s0+$0x13C20] =	vst v0  }
0x37: {  	[tilespmem:s0+$0x13C30] =	vst v0  }
0x38: {  	[tilespmem:s0+$0x13C40] =	vst v0  }
0x39: {  	[tilespmem:s0+$0x13C50] =	vst v0  }
0x3a: {  	[tilespmem:s0+$0x13C60] =	vst v0  }
0x3b: {  	[spmem:s8] =	stream.linear.scatter [tilespmem:s9], [sflag:$0x9], $0x3000, $0x38;
	[tilespmem:$0x1FF00] =	vst v63  }
0x3c: {  	s26 =	rddreg [dreg:$0xa]  }
0x3d: {  	[spmem:s26] =	stream.linear.scatter [tilespmem:s9], [sflag:$0x9], $0x3000, $0x38;
	[tilespmem:$0x1FF00] =	vst v63  }
0x3e: {  	s2 =	rddreg [dreg:$0xb]  }
0x3f: {  	[spmem:s2] =	stream.linear.scatter [tilespmem:s9], [sflag:$0x9], $0x3000, $0x38;
	[tilespmem:$0x1FF00] =	vst v63  }
0x40: {  	s3 =	rddreg [dreg:$0xc]  }
0x41: {  	[spmem:s3] =	stream.linear.scatter [tilespmem:s9], [sflag:$0x9], $0x3000, $0x38;
	[tilespmem:$0x1FF00] =	vst v63  }
0x42: {  	s8 =	rddreg [dreg:$0xd]  }
0x43: {  	[spmem:s8] =	stream.linear.scatter [tilespmem:s9], [sflag:$0x9], $0x3000, $0x38;
	[tilespmem:$0x1FF00] =	vst v63  }
0x44: {  	s14 =	rddreg [dreg:$0x13]  }
0x45: {  	[spmem:s14] =	stream.linear.scatter [tilespmem:s9], [sflag:$0x9], $0x3000, $0x38;
	[tilespmem:$0x1FF00] =	vst v63  }
0x46: {  	s25 =	rddreg [dreg:$0x14]  }
0x47: {  	[spmem:s25] =	stream.linear.scatter [tilespmem:s9], [sflag:$0x9], $0x1C00, $0x38;
	[tilespmem:$0x1FF00] =	vst v63  }
0x48: {  	_ =	swait.ge [sflag:s10], $0x3000  }
0x49: {  	[sflag:s10] =	ssyncset.done $0x0  }
0x4a: {  	[sflag:s10] =	ssyncadd.s32 $0xFFFFD000  }
0x4b: {  	_ =	swait.ge [sflag:s10], $0x3000  }
0x4c: {  	[sflag:s10] =	ssyncset.done $0x0  }
0x4d: {  	[sflag:s10] =	ssyncadd.s32 $0xFFFFD000  }
0x4e: {  	_ =	swait.ge [sflag:s10], $0x3000  }
0x4f: {  	[sflag:s10] =	ssyncset.done $0x0  }
0x50: {  	[sflag:s10] =	ssyncadd.s32 $0xFFFFD000  }
0x51: {  	_ =	swait.ge [sflag:s10], $0x3000  }
0x52: {  	[sflag:s10] =	ssyncset.done $0x0  }
0x53: {  	[sflag:s10] =	ssyncadd.s32 $0xFFFFD000  }
0x54: {  	_ =	swait.ge [sflag:s10], $0x3000  }
0x55: {  	[sflag:s10] =	ssyncset.done $0x0  }
0x56: {  	[sflag:s10] =	ssyncadd.s32 $0xFFFFD000  }
0x57: {  	_ =	swait.ge [sflag:s10], $0x3000  }
0x58: {  	[sflag:s10] =	ssyncset.done $0x0  }
0x59: {  	[sflag:s10] =	ssyncadd.s32 $0xFFFFD000  }
0x5a: {  	_ =	swait.ge [sflag:s10], $0x1C00  }
0x5b: {  	[sflag:s10] =	ssyncset.done $0x0  }
0x5c: {  	[sflag:s10] =	ssyncadd.s32 $0xFFFFE400  }
0x5d: {  	[bflag:$0x0] =	sbarrier.arrive $0xFFFF  }
0x5e: {  	_ =	swait.ge [sflag:s11], $0x60  }
0x5f: {  	[sflag:s11] =	ssyncset.done $0x0  }
0x60: {  	[sflag:s11] =	ssyncadd.s32 $0xFFFFFFA0  }
0x61: {  	s25 =	simm.s32 $0x0;
	s26 =	rddreg [dreg:$0x0]  }
0x62: {  	[tilespmem:s9], [sflag:$0x1] =	stream.indirect.gather [hbm4b:s26+s12], $0x80, s29, s12, $0xb8;
	[tilespmem:$0x1FF00] =	vst v63  }
.LBB2_4:
0x63: {  	s26 =	sshll.u32 s25, $0x1  }
0x64: {  	s0 =	smin.u32 s26, $0x31  }
0x65: {  	s0 =	smul.u32 $0x60, s0;
	_ =	sdelay $0x1  }
0x66: {  	s8 =	smov.u32 s28;
	_ =	swait.ge [sflag:s13], $0x3000;
	s28 =	sadd.s32 s0, s19  }
0x67: {  	p0 =	seq.s32 s25, $0x0;
	[sflag:s13] =	ssyncset.done $0x0;
	s14 =	sshrl.u32 s28, $0x3  }
0x68: {  	s2 =	smul.u32 $0xC0, s25;
	[sflag:s13] =	ssyncadd.s32 $0xFFFFD000;
	s3 =	sadd.s32 s7, s14  }
0x69: {  	[tilespmem:s29], [sflag:$0x3] =	stream.linear.gather [hbm4b:s3+s4], $0x60, $0x38;
	[tilespmem:$0x1FF00] =	vst v63  }
0x6a: {  	s3 =	simm.s32 @!p0 $0xA  }
0x6b: {  	s0 =	sadd.s32 s2, s1;
	_ =	swait.ge @!p0 [sflag:s3], $0x3000  }
0x6c: {  	s0 =	sshrl.u32 s0, $0x3;
	[sflag:s3] =	ssyncset.done @!p0 $0x0  }
0x6d: {  	s0 =	sadd.s32 s6, s0;
	[sflag:s3] =	ssyncadd.s32 @!p0 $0xFFFFD000  }
0x6e: {  	[tilespmem:s15], [sflag:$0x6] =	stream.linear.gather [hbm4b:s0+s4], $0x60, $0x38;
	[tilespmem:$0x1FF00] =	vst v63  }
0x6f: {  	_ =	swait.ge [sflag:s16], $0x60  }
0x70: {  	[sflag:s16] =	ssyncset.done $0x0  }
0x71: {  	[sflag:s16] =	ssyncadd.s32 $0xFFFFFFA0  }
0x72: {  	s3 =	rddreg [dreg:$0x0]  }
0x73: {  	[tilespmem:s17], [sflag:$0x2] =	stream.indirect.gather [hbm4b:s3+s12], $0x80, s30, s12, $0xb8;
	[tilespmem:$0x1FF00] =	vst v63  }
0x74: {  	_ =	swait.ge [sflag:s18], $0x3000  }
0x75: {  	[sflag:s18] =	ssyncset.done $0x0  }
0x76: {  	s3 =	simm.s32 $0xF0;
	[sflag:s18] =	ssyncadd.s32 $0xFFFFD000  }
0x77: {  	v7 =	vld [tilespmem:s3+$0x19B10]  }
0x78: {  	v8 =	vld [tilespmem:s3+$0x19B20]  }
0x79: {  	v9 =	vld [tilespmem:s3+$0x19B30]  }
0x7a: {  	v10 =	vld [tilespmem:s3+$0x19B40]  }
0x7b: {  	v11 =	vld [tilespmem:s3+$0x19B50]  }
0x7c: {  	v12 =	vld [tilespmem:s3+$0x19B60]  }
0x7d: {  	v13 =	vld [tilespmem:s3+$0x19B70]  }
0x7e: {  	v14 =	vld [tilespmem:s3+$0x19B80]  }
0x7f: {  	v15 =	vld [tilespmem:s3+$0x19B90]  }
0x80: {  	v16 =	vld [tilespmem:s3+$0x19BA0]  }
0x81: {  	v6 =	vld [tilespmem:s3+$0x19BB0]  }
0x82: {  	v5 =	vld [tilespmem:s3+$0x19BC0]  }
0x83: {  	v4 =	vld [tilespmem:s3+$0x19BD0]  }
0x84: {  	v3 =	vld [tilespmem:s3+$0x19BE0]  }
0x85: {  	v2 =	vld [tilespmem:s3+$0x19BF0]  }
0x86: {  	v1 =	vld [tilespmem:s3+$0x19C00]  }
0x87: {  	v17 =	vld [tilespmem:s3+$0x13B10]  }
0x88: {  	v18 =	vld [tilespmem:s3+$0x13B20]  }
0x89: {  	v19 =	vld [tilespmem:s3+$0x13B30]  }
0x8a: {  	v20 =	vld [tilespmem:s3+$0x13B40]  }
0x8b: {  	v21 =	vld [tilespmem:s3+$0x13B50]  }
0x8c: {  	v60 =	vld [tilespmem:s3+$0x13B60];
	v7 =	vmul.f32 v7, v17  }
0x8d: {  	v22 =	vld [tilespmem:s3+$0x13B70];
	v8 =	vmul.f32 v8, v18  }
0x8e: {  	v61 =	vld [tilespmem:s3+$0x13B80];
	[tilespmem:s3+$0x13B10] =	vst v7;
	v7 =	vmul.f32 v9, v19  }
0x8f: {  	v62 =	vld [tilespmem:s3+$0x13B90];
	[tilespmem:s3+$0x13B20] =	vst v8;
	v8 =	vmul.f32 v10, v20  }
0x90: {  	v63 =	vld [tilespmem:s3+$0x13BA0];
	[tilespmem:s3+$0x13B30] =	vst v7;
	v7 =	vmul.f32 v11, v21  }
0x91: {  	v9 =	vmul.f32 v12, v60;
	[tilespmem:s3+$0x13B40] =	vst v8;
	v8 =	vld [tilespmem:s3+$0x13BB0]  }
0x92: {  	v10 =	vmul.f32 v13, v22;
	[tilespmem:s3+$0x13B50] =	vst v7;
	v7 =	vld [tilespmem:s3+$0x13BC0]  }
0x93: {  	[tilespmem:s3+$0x13B60] =	vst v9;
	v9 =	vld [tilespmem:s3+$0x13BD0];
	v11 =	vmul.f32 v14, v61  }
0x94: {  	v13 =	vmul.f32 v15, v62;
	[tilespmem:s3+$0x13B70] =	vst v10;
	v10 =	vld [tilespmem:s3+$0x13BE0]  }
0x95: {  	s0 =	simm.s32 $0x7C0;
	v12 =	vmul.f32 v16, v63;
	[tilespmem:s3+$0x13B80] =	vst v11;
	v11 =	vld [tilespmem:s3+$0x13BF0]  }
.LBB2_5:
0x96: {  	s2 =	sshra.s32 s0, $0x2;
	p0 =	sne.s32 s0, $0xBFC0;
	[tilespmem:s3+$0x13B90] =	vst v13;
	v6 =	vmul.f32 v6, v8;
	v8 =	vld [tilespmem:s3+$0x13C00]  }
0x97: {  	v13 =	vld [tilespmem:s2+$0x19B10];
	[tilespmem:s3+$0x13BA0] =	vst v12;
	v5 =	vmul.f32 v5, v7  }
0x98: {  	v7 =	vld [tilespmem:s2+$0x19B20];
	[tilespmem:s3+$0x13BB0] =	vst v6;
	v4 =	vmul.f32 v4, v9  }
0x99: {  	v9 =	vld [tilespmem:s2+$0x19B30];
	[tilespmem:s3+$0x13BC0] =	vst v5;
	v3 =	vmul.f32 v3, v10  }
0x9a: {  	v10 =	vld [tilespmem:s2+$0x19B40];
	[tilespmem:s3+$0x13BD0] =	vst v4;
	v2 =	vmul.f32 v2, v11  }
0x9b: {  	v11 =	vld [tilespmem:s2+$0x19B50];
	[tilespmem:s3+$0x13BE0] =	vst v3;
	v1 =	vmul.f32 v1, v8  }
0x9c: {  	v8 =	vld [tilespmem:s2+$0x19B60];
	[tilespmem:s3+$0x13BF0] =	vst v2  }
0x9d: {  	v12 =	vld [tilespmem:s2+$0x19B70];
	[tilespmem:s3+$0x13C00] =	vst v1;
	s3 =	smov.u32 s2  }
0x9e: {  	v14 =	vld [tilespmem:s3+$0x19B80]  }
0x9f: {  	v15 =	vld [tilespmem:s3+$0x19B90]  }
0xa0: {  	v16 =	vld [tilespmem:s3+$0x19BA0]  }
0xa1: {  	v6 =	vld [tilespmem:s3+$0x19BB0]  }
0xa2: {  	v5 =	vld [tilespmem:s3+$0x19BC0]  }
0xa3: {  	v4 =	vld [tilespmem:s3+$0x19BD0]  }
0xa4: {  	v3 =	vld [tilespmem:s3+$0x19BE0]  }
0xa5: {  	v2 =	vld [tilespmem:s3+$0x19BF0]  }
0xa6: {  	v1 =	vld [tilespmem:s3+$0x19C00]  }
0xa7: {  	v17 =	vld [tilespmem:s3+$0x13B10]  }
0xa8: {  	v18 =	vld [tilespmem:s3+$0x13B20]  }
0xa9: {  	v19 =	vld [tilespmem:s3+$0x13B30]  }
0xaa: {  	v20 =	vld [tilespmem:s3+$0x13B40]  }
0xab: {  	v21 =	vld [tilespmem:s3+$0x13B50]  }
0xac: {  	v13 =	vmul.f32 v13, v17;
	v17 =	vld [tilespmem:s3+$0x13B60]  }
0xad: {  	v7 =	vmul.f32 v7, v18;
	v18 =	vld [tilespmem:s3+$0x13B70]  }
0xae: {  	[tilespmem:s3+$0x13B10] =	vst v13;
	v9 =	vmul.f32 v9, v19;
	v13 =	vld [tilespmem:s3+$0x13B80]  }
0xaf: {  	[tilespmem:s3+$0x13B20] =	vst v7;
	v7 =	vmul.f32 v10, v20;
	v10 =	vld [tilespmem:s3+$0x13B90]  }
0xb0: {  	[tilespmem:s3+$0x13B30] =	vst v9;
	v9 =	vmul.f32 v11, v21;
	v11 =	vld [tilespmem:s3+$0x13BA0]  }
.Ltmp1:
0xb1: {  	[tilespmem:s3+$0x13B40] =	vst v7;
	v17 =	vmul.f32 v8, v17;
	v8 =	vld [tilespmem:s3+$0x13BB0];
	(pc) =	sbr.rel @p0 .LBB2_5-.Ltmp1, $4  }
0xb2: {  	[tilespmem:s3+$0x13B50] =	vst v9;
	v12 =	vmul.f32 v12, v18;
	v7 =	vld [tilespmem:s3+$0x13BC0]  }
0xb3: {  	[tilespmem:s3+$0x13B60] =	vst v17;
	v14 =	vmul.f32 v14, v13;
	v9 =	vld [tilespmem:s3+$0x13BD0]  }
0xb4: {  	[tilespmem:s3+$0x13B70] =	vst v12;
	v13 =	vmul.f32 v15, v10;
	v10 =	vld [tilespmem:s3+$0x13BE0]  }
0xb5: {  	s0 =	sadd.s32 $0x400, s0;
	[tilespmem:s3+$0x13B80] =	vst v14;
	v12 =	vmul.f32 v16, v11;
	v11 =	vld [tilespmem:s3+$0x13BF0]  }
0xb6: {  	[tilespmem:s3+$0x13B90] =	vst v13;
	v6 =	vmul.f32 v6, v8;
	v8 =	vld [tilespmem:s3+$0x13C00]  }
0xb7: {  	[tilespmem:s3+$0x13BA0] =	vst v12;
	v5 =	vmul.f32 v5, v7  }
0xb8: {  	[tilespmem:s3+$0x13BB0] =	vst v6;
	v4 =	vmul.f32 v4, v9  }
0xb9: {  	[tilespmem:s3+$0x13BC0] =	vst v5;
	v3 =	vmul.f32 v3, v10  }
0xba: {  	[tilespmem:s3+$0x13BD0] =	vst v4;
	v2 =	vmul.f32 v2, v11  }
0xbb: {  	[tilespmem:s3+$0x13BE0] =	vst v3;
	v1 =	vmul.f32 v1, v8  }
0xbc: {  	s0 =	sshll.u32 s28, $0x4;
	[tilespmem:s3+$0x13BF0] =	vst v2  }
0xbd: {  	s2 =	simm.s32 $0x19C00;
	s0 =	sadd.s32 s5, s0;
	[tilespmem:s3+$0x13C00] =	vst v1  }
0xbe: {  	[tilespmem:s2], [sflag:$0x7] =	stream.linear.gather [hbm4b:s0+s4], $0x3000, $0x38;
	[tilespmem:$0x1FF00] =	vst v63  }
0xbf: {  	_ =	swait.ge [sflag:s21], $0x60  }
0xc0: {  	s3 =	smin.u32 s26, $0x30;
	[sflag:s21] =	ssyncset.done $0x0  }
0xc1: {  	s0 =	smul.u32 $0x60, s3;
	[sflag:s21] =	ssyncadd.s32 $0xFFFFFFA0  }
0xc2: {  	[spmem:s8] =	stream.indirect.scatter.add.f32 [tilespmem:s9], [sflag:$0x9], $0x80, s31, s12, $0xb8;
	[tilespmem:$0x1FF00] =	vst v63  }
0xc3: {  	s26 =	sadd.s32 s0, s20;
	_ =	swait.ge [sflag:s22], $0x3000  }
0xc4: {  	s0 =	sshrl.u32 s26, $0x3;
	[sflag:s22] =	ssyncset.done $0x0  }
0xc5: {  	s0 =	sadd.s32 s7, s0;
	[sflag:s22] =	ssyncadd.s32 $0xFFFFD000  }
0xc6: {  	[tilespmem:s30], [sflag:$0x4] =	stream.linear.gather [hbm4b:s0+s4], $0x60, $0x38;
	[tilespmem:$0x1FF00] =	vst v63  }
0xc7: {  	_ =	swait.ge [sflag:s10], $0x3000  }
0xc8: {  	[sflag:s10] =	ssyncset.done $0x0  }
0xc9: {  	s28 =	smov.u32 s8;
	s8 =	sadd.s32 s6, s14;
	[sflag:s10] =	ssyncadd.s32 $0xFFFFD000  }
0xca: {  	[tilespmem:s31], [sflag:$0x5] =	stream.linear.gather [hbm4b:s8+s4], $0x60, $0x38;
	[tilespmem:$0x1FF00] =	vst v63  }
0xcb: {  	_ =	swait.ge [sflag:s11], $0x60  }
0xcc: {  	[sflag:s11] =	ssyncset.done $0x0  }
0xcd: {  	[sflag:s11] =	ssyncadd.s32 $0xFFFFFFA0  }
0xce: {  	s14 =	rddreg [dreg:$0x0]  }
0xcf: {  	[tilespmem:s9], [sflag:$0x1] =	stream.indirect.gather [hbm4b:s14+s12], $0x80, s29, s12, $0xb8;
	[tilespmem:$0x1FF00] =	vst v63  }
0xd0: {  	_ =	swait.ge [sflag:s23], $0x3000  }
0xd1: {  	[sflag:s23] =	ssyncset.done $0x0  }
0xd2: {  	s3 =	simm.s32 $0xF0;
	[sflag:s23] =	ssyncadd.s32 $0xFFFFD000  }
0xd3: {  	v7 =	vld [tilespmem:s3+$0x1CB10]  }
0xd4: {  	v8 =	vld [tilespmem:s3+$0x1CB20]  }
0xd5: {  	v9 =	vld [tilespmem:s3+$0x1CB30]  }
0xd6: {  	v10 =	vld [tilespmem:s3+$0x1CB40]  }
0xd7: {  	v11 =	vld [tilespmem:s3+$0x1CB50]  }
0xd8: {  	v12 =	vld [tilespmem:s3+$0x1CB60]  }
0xd9: {  	v13 =	vld [tilespmem:s3+$0x1CB70]  }
0xda: {  	v14 =	vld [tilespmem:s3+$0x1CB80]  }
0xdb: {  	v15 =	vld [tilespmem:s3+$0x1CB90]  }
0xdc: {  	v16 =	vld [tilespmem:s3+$0x1CBA0]  }
0xdd: {  	v6 =	vld [tilespmem:s3+$0x1CBB0]  }
0xde: {  	v5 =	vld [tilespmem:s3+$0x1CBC0]  }
0xdf: {  	v4 =	vld [tilespmem:s3+$0x1CBD0]  }
0xe0: {  	v3 =	vld [tilespmem:s3+$0x1CBE0]  }
0xe1: {  	v2 =	vld [tilespmem:s3+$0x1CBF0]  }
0xe2: {  	v1 =	vld [tilespmem:s3+$0x1CC00]  }
0xe3: {  	v17 =	vld [tilespmem:s3+$0x16B10]  }
0xe4: {  	v18 =	vld [tilespmem:s3+$0x16B20]  }
0xe5: {  	v19 =	vld [tilespmem:s3+$0x16B30]  }
0xe6: {  	v20 =	vld [tilespmem:s3+$0x16B40]  }
0xe7: {  	v21 =	vld [tilespmem:s3+$0x16B50]  }
0xe8: {  	v60 =	vld [tilespmem:s3+$0x16B60];
	v7 =	vmul.f32 v7, v17  }
0xe9: {  	v22 =	vld [tilespmem:s3+$0x16B70];
	v8 =	vmul.f32 v8, v18  }
0xea: {  	v61 =	vld [tilespmem:s3+$0x16B80];
	[tilespmem:s3+$0x16B10] =	vst v7;
	v7 =	vmul.f32 v9, v19  }
0xeb: {  	v62 =	vld [tilespmem:s3+$0x16B90];
	[tilespmem:s3+$0x16B20] =	vst v8;
	v8 =	vmul.f32 v10, v20  }
0xec: {  	v63 =	vld [tilespmem:s3+$0x16BA0];
	[tilespmem:s3+$0x16B30] =	vst v7;
	v7 =	vmul.f32 v11, v21  }
0xed: {  	v9 =	vmul.f32 v12, v60;
	[tilespmem:s3+$0x16B40] =	vst v8;
	v8 =	vld [tilespmem:s3+$0x16BB0]  }
0xee: {  	v10 =	vmul.f32 v13, v22;
	[tilespmem:s3+$0x16B50] =	vst v7;
	v7 =	vld [tilespmem:s3+$0x16BC0]  }
0xef: {  	[tilespmem:s3+$0x16B60] =	vst v9;
	v9 =	vld [tilespmem:s3+$0x16BD0];
	v11 =	vmul.f32 v14, v61  }
0xf0: {  	v13 =	vmul.f32 v15, v62;
	[tilespmem:s3+$0x16B70] =	vst v10;
	v10 =	vld [tilespmem:s3+$0x16BE0]  }
0xf1: {  	s0 =	simm.s32 $0x7C0;
	v12 =	vmul.f32 v16, v63;
	[tilespmem:s3+$0x16B80] =	vst v11;
	v11 =	vld [tilespmem:s3+$0x16BF0]  }
.LBB2_7:
0xf2: {  	s2 =	sshra.s32 s0, $0x2;
	p0 =	sne.s32 s0, $0xBFC0;
	[tilespmem:s3+$0x16B90] =	vst v13;
	v6 =	vmul.f32 v6, v8;
	v8 =	vld [tilespmem:s3+$0x16C00]  }
0xf3: {  	v13 =	vld [tilespmem:s2+$0x1CB10];
	[tilespmem:s3+$0x16BA0] =	vst v12;
	v5 =	vmul.f32 v5, v7  }
0xf4: {  	v7 =	vld [tilespmem:s2+$0x1CB20];
	[tilespmem:s3+$0x16BB0] =	vst v6;
	v4 =	vmul.f32 v4, v9  }
0xf5: {  	v9 =	vld [tilespmem:s2+$0x1CB30];
	[tilespmem:s3+$0x16BC0] =	vst v5;
	v3 =	vmul.f32 v3, v10  }
0xf6: {  	v10 =	vld [tilespmem:s2+$0x1CB40];
	[tilespmem:s3+$0x16BD0] =	vst v4;
	v2 =	vmul.f32 v2, v11  }
0xf7: {  	v11 =	vld [tilespmem:s2+$0x1CB50];
	[tilespmem:s3+$0x16BE0] =	vst v3;
	v1 =	vmul.f32 v1, v8  }
0xf8: {  	v8 =	vld [tilespmem:s2+$0x1CB60];
	[tilespmem:s3+$0x16BF0] =	vst v2  }
0xf9: {  	v12 =	vld [tilespmem:s2+$0x1CB70];
	[tilespmem:s3+$0x16C00] =	vst v1;
	s3 =	smov.u32 s2  }
0xfa: {  	v14 =	vld [tilespmem:s3+$0x1CB80]  }
0xfb: {  	v15 =	vld [tilespmem:s3+$0x1CB90]  }
0xfc: {  	v16 =	vld [tilespmem:s3+$0x1CBA0]  }
0xfd: {  	v6 =	vld [tilespmem:s3+$0x1CBB0]  }
0xfe: {  	v5 =	vld [tilespmem:s3+$0x1CBC0]  }
0xff: {  	v4 =	vld [tilespmem:s3+$0x1CBD0]  }
0x100: {  	v3 =	vld [tilespmem:s3+$0x1CBE0]  }
0x101: {  	v2 =	vld [tilespmem:s3+$0x1CBF0]  }
0x102: {  	v1 =	vld [tilespmem:s3+$0x1CC00]  }
0x103: {  	v17 =	vld [tilespmem:s3+$0x16B10]  }
0x104: {  	v18 =	vld [tilespmem:s3+$0x16B20]  }
0x105: {  	v19 =	vld [tilespmem:s3+$0x16B30]  }
0x106: {  	v20 =	vld [tilespmem:s3+$0x16B40]  }
0x107: {  	v21 =	vld [tilespmem:s3+$0x16B50]  }
0x108: {  	v13 =	vmul.f32 v13, v17;
	v17 =	vld [tilespmem:s3+$0x16B60]  }
0x109: {  	v7 =	vmul.f32 v7, v18;
	v18 =	vld [tilespmem:s3+$0x16B70]  }
0x10a: {  	[tilespmem:s3+$0x16B10] =	vst v13;
	v9 =	vmul.f32 v9, v19;
	v13 =	vld [tilespmem:s3+$0x16B80]  }
0x10b: {  	[tilespmem:s3+$0x16B20] =	vst v7;
	v7 =	vmul.f32 v10, v20;
	v10 =	vld [tilespmem:s3+$0x16B90]  }
0x10c: {  	[tilespmem:s3+$0x16B30] =	vst v9;
	v9 =	vmul.f32 v11, v21;
	v11 =	vld [tilespmem:s3+$0x16BA0]  }
.Ltmp2:
0x10d: {  	[tilespmem:s3+$0x16B40] =	vst v7;
	v17 =	vmul.f32 v8, v17;
	v8 =	vld [tilespmem:s3+$0x16BB0];
	(pc) =	sbr.rel @p0 .LBB2_7-.Ltmp2, $4  }
0x10e: {  	[tilespmem:s3+$0x16B50] =	vst v9;
	v12 =	vmul.f32 v12, v18;
	v7 =	vld [tilespmem:s3+$0x16BC0]  }
0x10f: {  	[tilespmem:s3+$0x16B60] =	vst v17;
	v14 =	vmul.f32 v14, v13;
	v9 =	vld [tilespmem:s3+$0x16BD0]  }
0x110: {  	[tilespmem:s3+$0x16B70] =	vst v12;
	v13 =	vmul.f32 v15, v10;
	v10 =	vld [tilespmem:s3+$0x16BE0]  }
0x111: {  	s0 =	sadd.s32 $0x400, s0;
	[tilespmem:s3+$0x16B80] =	vst v14;
	v12 =	vmul.f32 v16, v11;
	v11 =	vld [tilespmem:s3+$0x16BF0]  }
0x112: {  	[tilespmem:s3+$0x16B90] =	vst v13;
	v6 =	vmul.f32 v6, v8;
	v63 =	vld [tilespmem:s3+$0x16C00]  }
0x113: {  	[tilespmem:s3+$0x16BA0] =	vst v12;
	v5 =	vmul.f32 v5, v7  }
0x114: {  	[tilespmem:s3+$0x16BB0] =	vst v6;
	v4 =	vmul.f32 v4, v9  }
0x115: {  	[tilespmem:s3+$0x16BC0] =	vst v5;
	v3 =	vmul.f32 v3, v10  }
0x116: {  	[tilespmem:s3+$0x16BD0] =	vst v4;
	v2 =	vmul.f32 v2, v11  }
0x117: {  	[tilespmem:s3+$0x16BE0] =	vst v3;
	v1 =	vmul.f32 v1, v63  }
0x118: {  	s0 =	sshll.u32 s26, $0x4;
	s25 =	sadd.s32 $0x1, s25;
	[tilespmem:s3+$0x16BF0] =	vst v2  }
0x119: {  	s2 =	simm.s32 $0x1CC00;
	s0 =	sadd.s32 s5, s0;
	p0 =	sne.s32 s25, $0x1A;
	[tilespmem:s3+$0x16C00] =	vst v1  }
0x11a: {  	[tilespmem:s2], [sflag:$0x8] =	stream.linear.gather [hbm4b:s0+s4], $0x3000, $0x38;
	[tilespmem:$0x1FF00] =	vst v63  }
.Ltmp3:
0x11b: {  	_ = 	snop;
	(pc) =	sbr.rel @p0 .LBB2_4-.Ltmp3, $4  }
0x11c: {  	_ =	swait.ge [sflag:s24], $0x60  }
0x11d: {  	[sflag:s24] =	ssyncset.done $0x0  }
0x11e: {  	[sflag:s24] =	ssyncadd.s32 $0xFFFFFFA0  }
0x11f: {  	[spmem:s28] =	stream.indirect.scatter.add.f32 [tilespmem:s17], [sflag:$0xA], $0x80, s15, s12, $0xb8;
	[tilespmem:$0x1FF00] =	vst v63  }
0x120: {  	_ =	swait.ge [sflag:s13], $0x3000  }
0x121: {  	[sflag:s13] =	ssyncset.done $0x0  }
0x122: {  	[sflag:s13] =	ssyncadd.s32 $0xFFFFD000  }
0x123: {  	_ =	swait.ge [sflag:s16], $0x60  }
0x124: {  	[sflag:s16] =	ssyncset.done $0x0  }
0x125: {  	[sflag:s16] =	ssyncadd.s32 $0xFFFFFFA0  }
0x126: {  	_ =	swait.ge [sflag:s21], $0x60  }
0x127: {  	[sflag:s21] =	ssyncset.done $0x0  }
0x128: {  	[sflag:s21] =	ssyncadd.s32 $0xFFFFFFA0  }
0x129: {  	_ =	swait.ge [sflag:s18], $0x3000  }
0x12a: {  	[sflag:s18] =	ssyncset.done $0x0  }
0x12b: {  	[sflag:s18] =	ssyncadd.s32 $0xFFFFD000  }
0x12c: {  	_ =	swait.ge [sflag:s23], $0x3000  }
0x12d: {  	[sflag:s23] =	ssyncset.done $0x0  }
0x12e: {  	s0 =	simm.s32 $0xA;
	[sflag:s23] =	ssyncadd.s32 $0xFFFFD000  }
0x12f: {  	_ =	swait.ge [sflag:s0], $0x3000  }
0x130: {  	s2 =	simm.s32 $0x1FE00;
	[sflag:s0] =	ssyncset.done $0x0  }
0x131: {  	s25 =	simm.s32 $0xB;
	s3 =	rddreg [dreg:$0xe];
	[sflag:s0] =	ssyncadd.s32 $0xFFFFD000  }
0x132: {  	[tilespmem:s2], [sflag:$0xB] =	stream.linear.gather [hbm4b:s3+s4], $0x8, $0x38;
	[tilespmem:$0x1FF00] =	vst v63  }
0x133: {  	_ =	swait.ge [sflag:s25], $0x8  }
0x134: {  	[sflag:s25] =	ssyncset.done $0x0  }
0x135: {  	s3 =	simm.s32 $0x1FE80;
	s8 =	rddreg [dreg:$0xf];
	[sflag:s25] =	ssyncadd.s32 $0xFFFFFFF8  }
0x136: {  	[tilespmem:s3], [sflag:$0xB] =	stream.linear.gather [hbm4b:s8+s4], $0x8, $0x38;
	[tilespmem:$0x1FF00] =	vst v63  }
0x137: {  	_ =	swait.ge [sflag:s25], $0x8  }
0x138: {  	[sflag:s25] =	ssyncset.done $0x0  }
0x139: {  	[sflag:s25] =	ssyncadd.s32 $0xFFFFFFF8  }
0x13a: {  	s14 =	rddreg [dreg:$0x0]  }
0x13b: {  	[tilespmem:s9], [sflag:$0x1] =	stream.indirect.gather [hbm4b:s14+s23], $0x80, s2, s23, $0xb8;
	[tilespmem:$0x1FF00] =	vst v63  }
0x13c: {  	_ =	swait.ge [sflag:s13], $0x400  }
0x13d: {  	[sflag:s13] =	ssyncset.done $0x0  }
0x13e: {  	s14 =	simm.s32 $0x19C00;
	s26 =	rddreg [dreg:$0x10];
	[sflag:s13] =	ssyncadd.s32 $0xFFFFFC00  }
0x13f: {  	[tilespmem:s14], [sflag:$0xB] =	stream.linear.gather [hbm4b:s26+s4], $0x400, $0x38;
	[tilespmem:$0x1FF00] =	vst v63  }
0x140: {  	_ =	swait.ge [sflag:s25], $0x400  }
0x141: {  	[sflag:s25] =	ssyncset.done $0x0  }
0x142: {  	[sflag:s25] =	ssyncadd.s32 $0xFFFFFC00  }
0x143: {  	v1 =	vld [tilespmem:$0x13C00]  }
0x144: {  	v2 =	vld [tilespmem:$0x19C00]  }
0x145: {  	v3 =	vld [tilespmem:$0x13C10]  }
0x146: {  	v4 =	vld [tilespmem:$0x19C10]  }
0x147: {  	v5 =	vld [tilespmem:$0x13C20]  }
0x148: {  	v6 =	vld [tilespmem:$0x19C20]  }
0x149: {  	v7 =	vld [tilespmem:$0x13C30]  }
0x14a: {  	v8 =	vld [tilespmem:$0x19C30]  }
0x14b: {  	v9 =	vld [tilespmem:$0x13C40]  }
0x14c: {  	v10 =	vld [tilespmem:$0x19C40]  }
0x14d: {  	v11 =	vld [tilespmem:$0x13C50]  }
0x14e: {  	v12 =	vld [tilespmem:$0x19C50]  }
0x14f: {  	v13 =	vld [tilespmem:$0x13C60]  }
0x150: {  	v14 =	vld [tilespmem:$0x19C60]  }
0x151: {  	v15 =	vld [tilespmem:$0x13C70]  }
0x152: {  	v16 =	vld [tilespmem:$0x19C70]  }
0x153: {  	v17 =	vld [tilespmem:$0x13C80]  }
0x154: {  	v18 =	vld [tilespmem:$0x19C80]  }
0x155: {  	v19 =	vld [tilespmem:$0x13C90]  }
0x156: {  	v20 =	vld [tilespmem:$0x19C90]  }
0x157: {  	v21 =	vld [tilespmem:$0x13CA0]  }
0x158: {  	v22 =	vld [tilespmem:$0x19CA0]  }
0x159: {  	v23 =	vld [tilespmem:$0x13CB0]  }
0x15a: {  	v24 =	vld [tilespmem:$0x19CB0]  }
0x15b: {  	v25 =	vld [tilespmem:$0x13CC0]  }
0x15c: {  	v26 =	vld [tilespmem:$0x19CC0]  }
0x15d: {  	v27 =	vld [tilespmem:$0x13CD0]  }
0x15e: {  	v28 =	vld [tilespmem:$0x19CD0]  }
0x15f: {  	v29 =	vld [tilespmem:$0x13CE0]  }
0x160: {  	v30 =	vld [tilespmem:$0x19CE0]  }
0x161: {  	v31 =	vld [tilespmem:$0x13CF0]  }
0x162: {  	v32 =	vld [tilespmem:$0x19CF0]  }
0x163: {  	v33 =	vld [tilespmem:$0x13D00]  }
0x164: {  	v34 =	vld [tilespmem:$0x19D00]  }
0x165: {  	v35 =	vld [tilespmem:$0x13D10]  }
0x166: {  	v36 =	vld [tilespmem:$0x19D10]  }
0x167: {  	v37 =	vld [tilespmem:$0x13D20]  }
0x168: {  	v38 =	vld [tilespmem:$0x19D20]  }
0x169: {  	v39 =	vld [tilespmem:$0x13D30]  }
0x16a: {  	v40 =	vld [tilespmem:$0x19D30]  }
0x16b: {  	v41 =	vld [tilespmem:$0x13D40]  }
0x16c: {  	v42 =	vld [tilespmem:$0x19D40]  }
0x16d: {  	v43 =	vld [tilespmem:$0x13D50]  }
0x16e: {  	v44 =	vld [tilespmem:$0x19D50]  }
0x16f: {  	v45 =	vld [tilespmem:$0x13D60]  }
0x170: {  	v46 =	vld [tilespmem:$0x19D60]  }
0x171: {  	v47 =	vld [tilespmem:$0x13D70]  }
0x172: {  	v48 =	vld [tilespmem:$0x19D70]  }
0x173: {  	v49 =	vld [tilespmem:$0x13D80]  }
0x174: {  	v50 =	vld [tilespmem:$0x19D80]  }
0x175: {  	v51 =	vld [tilespmem:$0x13D90]  }
0x176: {  	v52 =	vld [tilespmem:$0x19D90]  }
0x177: {  	v53 =	vld [tilespmem:$0x13DA0]  }
0x178: {  	v54 =	vld [tilespmem:$0x19DA0]  }
0x179: {  	v55 =	vld [tilespmem:$0x13DB0]  }
0x17a: {  	v61 =	vld [tilespmem:$0x13DE0]  }
0x17b: {  	v56 =	vld [tilespmem:$0x19DB0]  }
0x17c: {  	v57 =	vld [tilespmem:$0x13DC0]  }
0x17d: {  	v58 =	vld [tilespmem:$0x19DC0]  }
0x17e: {  	v59 =	vld [tilespmem:$0x13DD0];
	v1 =	vmul.f32 v2, v1  }
0x17f: {  	[tilespmem:$0x1FF90] =	vst v61;
	v61 =	vld [tilespmem:$0x13DF0];
	v3 =	vmul.f32 v4, v3  }
0x180: {  	v60 =	vld [tilespmem:$0x19DD0];
	[tilespmem:$0x13C00] =	vst v1;
	v1 =	vmul.f32 v6, v5  }
0x181: {  	v62 =	vld [tilespmem:$0x19DE0];
	[tilespmem:$0x13C10] =	vst v3;
	v3 =	vmul.f32 v8, v7  }
0x182: {  	v63 =	vld [tilespmem:$0x19DF0];
	[tilespmem:$0x13C20] =	vst v1  }
0x183: {  	v2 =	vld [tilespmem:$0x19E20];
	v1 =	vmul.f32 v10, v9;
	[tilespmem:$0x13C30] =	vst v3  }
0x184: {  	v3 =	vmul.f32 v12, v11;
	[tilespmem:$0x1FFA0] =	vst v61;
	v61 =	vld [tilespmem:$0x13E00]  }
0x185: {  	v4 =	vld [tilespmem:$0x13E30];
	[tilespmem:$0x13C40] =	vst v1;
	v1 =	vmul.f32 v14, v13  }
0x186: {  	v5 =	vld [tilespmem:$0x19E30];
	[tilespmem:$0x13C50] =	vst v3;
	v3 =	vmul.f32 v16, v15  }
0x187: {  	v6 =	vld [tilespmem:$0x13E40];
	[tilespmem:$0x13C60] =	vst v1  }
0x188: {  	v7 =	vld [tilespmem:$0x19E40];
	v1 =	vmul.f32 v18, v17;
	[tilespmem:$0x13C70] =	vst v3  }
0x189: {  	v8 =	vld [tilespmem:$0x13E50];
	v3 =	vmul.f32 v20, v19;
	[tilespmem:$0x1FFB0] =	vst v61  }
0x18a: {  	v9 =	vld [tilespmem:$0x19E50];
	[tilespmem:$0x13C80] =	vst v1;
	v1 =	vmul.f32 v22, v21  }
0x18b: {  	v61 =	vld [tilespmem:$0x19E00];
	[tilespmem:$0x13C90] =	vst v3;
	v3 =	vmul.f32 v24, v23  }
0x18c: {  	v10 =	vld [tilespmem:$0x13E60];
	[tilespmem:$0x13CA0] =	vst v1;
	v1 =	vmul.f32 v26, v25  }
0x18d: {  	v11 =	vld [tilespmem:$0x19E60];
	[tilespmem:$0x13CB0] =	vst v3;
	v3 =	vmul.f32 v28, v27  }
0x18e: {  	v12 =	vld [tilespmem:$0x13E70];
	[tilespmem:$0x13CC0] =	vst v1  }
0x18f: {  	v13 =	vld [tilespmem:$0x19E70];
	v1 =	vmul.f32 v30, v29;
	[tilespmem:$0x13CD0] =	vst v3  }
0x190: {  	v14 =	vld [tilespmem:$0x13E80];
	v3 =	vmul.f32 v32, v31;
	[tilespmem:$0x1FFC0] =	vst v61  }
0x191: {  	v61 =	vld [tilespmem:$0x13E10];
	[tilespmem:$0x13CE0] =	vst v1;
	v1 =	vmul.f32 v34, v33  }
0x192: {  	v15 =	vld [tilespmem:$0x19E80];
	[tilespmem:$0x13CF0] =	vst v3;
	v3 =	vmul.f32 v36, v35  }
0x193: {  	v16 =	vld [tilespmem:$0x13E90];
	[tilespmem:$0x13D00] =	vst v1;
	v1 =	vmul.f32 v38, v37  }
0x194: {  	v17 =	vld [tilespmem:$0x19E90];
	[tilespmem:$0x13D10] =	vst v3  }
0x195: {  	v18 =	vld [tilespmem:$0x13EA0];
	[tilespmem:$0x13D20] =	vst v1;
	v1 =	vmul.f32 v42, v41  }
0x196: {  	v19 =	vld [tilespmem:$0x19EA0];
	v3 =	vmul.f32 v40, v39;
	[tilespmem:$0x1FFD0] =	vst v61  }
0x197: {  	v20 =	vld [tilespmem:$0x13EB0];
	[tilespmem:$0x13D40] =	vst v1;
	v1 =	vmul.f32 v46, v45  }
0x198: {  	v21 =	vld [tilespmem:$0x19EB0];
	[tilespmem:$0x13D30] =	vst v3;
	v3 =	vmul.f32 v44, v43  }
0x199: {  	v22 =	vld [tilespmem:$0x13EC0];
	[tilespmem:$0x13D60] =	vst v1;
	v1 =	vmul.f32 v50, v49  }
0x19a: {  	v23 =	vld [tilespmem:$0x19EC0];
	[tilespmem:$0x13D50] =	vst v3;
	v3 =	vmul.f32 v48, v47  }
0x19b: {  	v61 =	vld [tilespmem:$0x19E10];
	[tilespmem:$0x13D80] =	vst v1;
	v1 =	vmul.f32 v54, v53  }
0x19c: {  	v24 =	vld [tilespmem:$0x13ED0];
	[tilespmem:$0x13D70] =	vst v3;
	v3 =	vmul.f32 v52, v51  }
0x19d: {  	v25 =	vld [tilespmem:$0x19ED0];
	[tilespmem:$0x13DA0] =	vst v1;
	v1 =	vmul.f32 v58, v57  }
0x19e: {  	v26 =	vld [tilespmem:$0x13EE0];
	[tilespmem:$0x13D90] =	vst v3  }
0x19f: {  	v3 =	vmul.f32 v56, v55;
	[tilespmem:$0x13DC0] =	vst v1;
	v1 =	vld [tilespmem:$0x1FF90]  }
0x1a0: {  	[tilespmem:$0x1FFE0] =	vst v61;
	v61 =	vld [tilespmem:$0x13E20]  }
0x1a1: {  	v27 =	vld [tilespmem:$0x19EE0];
	[tilespmem:$0x13DB0] =	vst v3;
	v3 =	vmul.f32 v60, v59  }
0x1a2: {  	v28 =	vld [tilespmem:$0x13EF0]  }
0x1a3: {  	[tilespmem:$0x13DD0] =	vst v3;
	v3 =	vld [tilespmem:$0x1FFA0]  }
0x1a4: {  	v40 =	vld [tilespmem:$0x13F30];
	v1 =	vmul.f32 v62, v1  }
0x1a5: {  	[tilespmem:$0x1FFF0] =	vst v61;
	v61 =	vld [tilespmem:$0x1FFC0]  }
0x1a6: {  	[tilespmem:$0x13DE0] =	vst v1;
	v1 =	vld [tilespmem:$0x1FFB0]  }
0x1a7: {  	v41 =	vld [tilespmem:$0x13F40]  }
0x1a8: {  	v42 =	vld [tilespmem:$0x19F40];
	v3 =	vmul.f32 v63, v3  }
0x1a9: {  	v63 =	vld [tilespmem:$0x1FFE0]  }
0x1aa: {  	[tilespmem:$0x13DF0] =	vst v3;
	v3 =	vld [tilespmem:$0x1FFD0]  }
0x1ab: {  	v43 =	vld [tilespmem:$0x13F50];
	v1 =	vmul.f32 v61, v1  }
0x1ac: {  	v44 =	vld [tilespmem:$0x19F50]  }
0x1ad: {  	[tilespmem:$0x13E00] =	vst v1;
	v1 =	vld [tilespmem:$0x1FFF0]  }
0x1ae: {  	v45 =	vld [tilespmem:$0x13F60]  }
0x1af: {  	v46 =	vld [tilespmem:$0x19F60];
	v3 =	vmul.f32 v63, v3  }
0x1b0: {  	v47 =	vld [tilespmem:$0x13F70]  }
0x1b1: {  	v48 =	vld [tilespmem:$0x19F70];
	[tilespmem:$0x13E10] =	vst v3;
	v3 =	vmul.f32 v5, v4  }
0x1b2: {  	v49 =	vld [tilespmem:$0x13F80];
	v1 =	vmul.f32 v2, v1  }
0x1b3: {  	v50 =	vld [tilespmem:$0x19F80];
	[tilespmem:$0x13E30] =	vst v3;
	v3 =	vmul.f32 v9, v8  }
0x1b4: {  	v51 =	vld [tilespmem:$0x13F90];
	[tilespmem:$0x13E20] =	vst v1;
	v1 =	vmul.f32 v7, v6  }
0x1b5: {  	v52 =	vld [tilespmem:$0x19F90];
	[tilespmem:$0x13E50] =	vst v3;
	v3 =	vmul.f32 v13, v12  }
0x1b6: {  	v54 =	vld [tilespmem:$0x19EF0];
	[tilespmem:$0x13E40] =	vst v1;
	v1 =	vmul.f32 v11, v10  }
0x1b7: {  	v56 =	vld [tilespmem:$0x13F00];
	[tilespmem:$0x13E70] =	vst v3;
	v3 =	vmul.f32 v17, v16  }
0x1b8: {  	v2 =	vld [tilespmem:$0x19F30];
	[tilespmem:$0x13E60] =	vst v1;
	v1 =	vmul.f32 v15, v14  }
0x1b9: {  	v53 =	vld [tilespmem:$0x13FA0];
	[tilespmem:$0x13E90] =	vst v3;
	v3 =	vmul.f32 v21, v20  }
0x1ba: {  	v57 =	vld [tilespmem:$0x19F00];
	[tilespmem:$0x13E80] =	vst v1;
	v1 =	vmul.f32 v19, v18  }
0x1bb: {  	v58 =	vld [tilespmem:$0x13F10];
	[tilespmem:$0x13EB0] =	vst v3;
	v3 =	vmul.f32 v25, v24  }
0x1bc: {  	v60 =	vld [tilespmem:$0x13F20];
	[tilespmem:$0x13EA0] =	vst v1;
	v1 =	vmul.f32 v23, v22  }
0x1bd: {  	v62 =	vld [tilespmem:$0x19F20];
	v2 =	vmul.f32 v2, v40;
	[tilespmem:$0x13ED0] =	vst v3  }
0x1be: {  	v59 =	vld [tilespmem:$0x19F10];
	[tilespmem:$0x13EC0] =	vst v1;
	v1 =	vmul.f32 v27, v26  }
0x1bf: {  	v55 =	vld [tilespmem:$0x13FB0];
	v3 =	vmul.f32 v54, v28;
	[tilespmem:$0x13F30] =	vst v2  }
0x1c0: {  	v61 =	vld [tilespmem:$0x19FE0];
	[tilespmem:$0x13EE0] =	vst v1;
	v1 =	vmul.f32 v57, v56  }
0x1c1: {  	v63 =	vld [tilespmem:$0x19FF0];
	v2 =	vmul.f32 v44, v43;
	[tilespmem:$0x13EF0] =	vst v3  }
0x1c2: {  	v54 =	vld [tilespmem:$0x19FA0];
	[tilespmem:$0x13F00] =	vst v1;
	v1 =	vmul.f32 v62, v60  }
0x1c3: {  	v3 =	vmul.f32 v59, v58;
	v58 =	vld [tilespmem:$0x13FD0];
	[tilespmem:$0x13F50] =	vst v2  }
0x1c4: {  	v56 =	vld [tilespmem:$0x19FB0];
	[tilespmem:$0x13F20] =	vst v1;
	v1 =	vmul.f32 v42, v41  }
0x1c5: {  	v59 =	vld [tilespmem:$0x19FD0];
	v2 =	vmul.f32 v48, v47;
	[tilespmem:$0x13F10] =	vst v3  }
0x1c6: {  	v3 =	vld [tilespmem:$0x13FC0];
	[tilespmem:$0x13F40] =	vst v1;
	v1 =	vmul.f32 v46, v45  }
0x1c7: {  	[tilespmem:$0x13F70] =	vst v2;
	v2 =	vmul.f32 v52, v51;
	v57 =	vld [tilespmem:$0x19FC0]  }
0x1c8: {  	v62 =	vld [tilespmem:$0x13FF0];
	[tilespmem:$0x13F60] =	vst v1;
	v1 =	vmul.f32 v50, v49  }
0x1c9: {  	[tilespmem:$0x13F90] =	vst v2;
	v60 =	vld [tilespmem:$0x13FE0];
	v2 =	vmul.f32 v56, v55  }
0x1ca: {  	[tilespmem:$0x13F80] =	vst v1;
	v1 =	vmul.f32 v54, v53  }
0x1cb: {  	[tilespmem:$0x13FB0] =	vst v2;
	v2 =	vmul.f32 v59, v58  }
0x1cc: {  	[tilespmem:$0x13FA0] =	vst v1;
	v1 =	vmul.f32 v57, v3  }
0x1cd: {  	[tilespmem:$0x13FD0] =	vst v2;
	v2 =	vmul.f32 v63, v62  }
0x1ce: {  	[tilespmem:$0x13FC0] =	vst v1;
	v1 =	vmul.f32 v61, v60  }
0x1cf: {  	[tilespmem:$0x13FF0] =	vst v2  }
0x1d0: {  	[tilespmem:$0x13FE0] =	vst v1  }
0x1d1: {  	[spmem:s28] =	stream.indirect.scatter.add.f32 [tilespmem:s9], [sflag:$0xB], $0x80, s3, s23, $0xb8;
	[tilespmem:$0x1FF00] =	vst v63  }
0x1d2: {  	_ =	swait.ge [sflag:s25], $0x400  }
0x1d3: {  	[sflag:s25] =	ssyncset.done $0x0  }
0x1d4: {  	[sflag:s25] =	ssyncadd.s32 $0xFFFFFC00  }
0x1d5: {  	s2 =	stileid.u32;
	[bflag:$0x0] =	sbarrier.arrive $0xFFFF  }
0x1d6: {  	s0 =	sshll.u32 s2, $0x6;
	s8 =	rddreg [dreg:$0x9]  }
0x1d7: {  	s0 =	sor.u32 $0x1C0B, s0;
	s26 =	rddreg [dreg:$0x11];
	s3 =	sshrl.u32 s8, $0x3  }
0x1d8: {  	[hbm:s26], [sflag:s0] =	dma.local [spmem:s3], $0x2780  }
0x1d9: {  	_ =	swait.ge [sflag:s25], $0x2780  }
0x1da: {  	s3 =	rddreg [dreg:$0x15]  }
0x1db: {  	s26 =	rddreg [dreg:$0x12];
	s2 =	sadd.s32 $0x1, s3  }
0x1dc: {  	p0 =	sne.s32 s2, s26  }
.Ltmp4:
0x1dd: {  	_ = 	snop;
	(pc) =	sbr.rel @p0 .LBB2_1-.Ltmp4, $3  }
0x1de: {  	_ =	sdelay $0x1  }
0x1df: {  	[sflag:s25] =	ssyncset.done $0x0  }
0x1e0: {  	[sflag:s25] =	ssyncadd.s32 $0xFFFFD880  }
0x1e1: {  	_ =	sfence.sel $0x180000  }
0x1e2: {  	[bflag:$0x0] =	sbarrier.arrive $0xFFFF  }
0x1e3: {  	_ =	strace $0x9000004A  }
0x1e4: {  	s0 =	stileid.u32;
	[bflag:$0x2] =	sbarrier.arrive $0xFFFF  }
0x1e5: {  	p0 =	sne.s32 s0, $0x0;
	s0 =	rddreg [dreg:$0x3]  }
0x1e6: {  	s0 =	sadd.s32 @!p0 $0x100000, s0  }
0x1e7: {  	[sflag:s0] =	ssyncadd.tile.s32 @!p0 $0x1;
	_ =	shalt  }
.Lfunc_end2:
_tile_overlayer_lowered:
.L_overlay_start_2:
0x1e8: {  	(tag) =	ssettag $0x2  }
0x1e9: {  	s0 =	rddreg [dreg:$0x0];
	s2 =	stileid.u32  }
0x1ea: {  	s1 =	rddreg [dreg:$0x1];
	p0 =	sne.s32 s2, $0x0  }
0x1eb: {  	s3 =	rddreg [dreg:$0x2];
	[bflag:$0x3] =	sbarrier.arrive $0xFFFF;
	s2 =	simm.s32 @!p0 $0x1C0B  }
0x1ec: {  	[timem:s3], [sflag:s2] =	dma.local @!p0 [hbm:s0], s1  }
0x1ed: {  	s0 =	simm.s32 @!p0 $0xB  }
0x1ee: {  	_ =	swait.ge @!p0 [sflag:s0], s1  }
0x1ef: {  	s1 =	ssub.s32 @!p0 $0x0, s1;
	[sflag:s0] =	ssyncset.done @!p0 $0x0  }
0x1f0: {  	[sflag:s0] =	ssyncadd.s32 @!p0 s1  }
0x1f1: {  	[bflag:$0x3] =	sbarrier.arrive $0xFFFF  }
0x1f2: {  	_ =	shalt  }

</sc_bundles>
